<compile_context>
chip_gen: v7x
topology: tpu7x:2x2x1
jax: 0.10.2.dev20260603
libtpu: 0.0.44.dev20260713+nightly
codegen_flags: <defaults>
</compile_context>

<pallas_src>
import jax
import jax.numpy as jnp
from jax import lax
from jax.experimental import pallas as pl
from jax.experimental.pallas import tpu as pltpu
from jax.experimental.pallas import tpu_sc as plsc

N = 10000
E = 320000
DIN = 128
H = 4
HD = 32
FEAT = H * HD
ROW = FEAT + 16

NC = 2
NS = 16
NW = NC * NS
EPW = E // NW
C = 80
NCHUNK = EPW // C
N_ACC = 10240
RPS = N_ACC // NS

M_BLK = 400
GRID1 = N // M_BLK


def _tc_pre_body(x_ref, wt_ref, b_ref, p_ref, hx_ref, s2_ref, m_ref, mx):
    i = pl.program_id(0)
    h = lax.dot_general(x_ref[...], wt_ref[...], (((1,), (1,)), ((), ())),
                        preferred_element_type=jnp.float32)
    h = h + b_ref[...]
    s = jnp.dot(h, p_ref[...], preferred_element_type=jnp.float32)
    hx_ref[:, 0:FEAT] = h
    hx_ref[:, FEAT:ROW] = s[:, 0:16]
    s2_ref[...] = s[:, 16:32]
    bm = jnp.max(s, axis=0, keepdims=True)

    @pl.when(i == 0)
    def _():
        mx[...] = bm

    @pl.when(i > 0)
    def _():
        mx[...] = jnp.maximum(mx[...], bm)

    t = mx[:, 0:16] + mx[:, 16:32]
    t = jnp.where(t > 0.0, t, 0.2 * t)
    lane = lax.broadcasted_iota(jnp.int32, (1, 16), 1)
    m_ref[...] = jnp.where(lane < H, t, 1e30)


def _tc_pre(x, wt, b, p):
    return pl.pallas_call(
        _tc_pre_body,
        grid=(GRID1,),
        in_specs=[
            pl.BlockSpec((M_BLK, DIN), lambda i: (i, 0)),
            pl.BlockSpec((DIN, FEAT), lambda i: (0, 0)),
            pl.BlockSpec((1, FEAT), lambda i: (0, 0)),
            pl.BlockSpec((DIN, 32), lambda i: (0, 0)),
        ],
        out_specs=[
            pl.BlockSpec((M_BLK, ROW), lambda i: (i, 0)),
            pl.BlockSpec((M_BLK, 16), lambda i: (i, 0)),
            pl.BlockSpec((1, 16), lambda i: (0, 0)),
        ],
        out_shape=[
            jax.ShapeDtypeStruct((N, ROW), jnp.float32),
            jax.ShapeDtypeStruct((N, 16), jnp.float32),
            jax.ShapeDtypeStruct((1, 16), jnp.float32),
        ],
        scratch_shapes=[pltpu.VMEM((1, 32), jnp.float32)],
    )(x, wt, b, p)


NBUF = 3
PRE = NCHUNK % NBUF + NBUF


def _sc_body(hx_hbm, s2_hbm, m_hbm, ei_hbm, out_hbm,
             idx2, hxr, s2r, m_v, acc, gx, gs, ss):
    cid = lax.axis_index("c")
    sid = lax.axis_index("s")
    wid = sid * NC + cid

    zeros16 = jnp.zeros((16,), jnp.float32)

    @pl.loop(0, C)
    def _(r):
        for g in range(ROW // 16):
            hxr[0][r, pl.ds(g * 16, 16)] = zeros16

    r0 = sid * RPS
    for t in range(RPS // C):
        pltpu.sync_copy(hxr[0], acc.at[pl.ds(r0 + t * C, C)])
    plsc.subcore_barrier()

    pltpu.sync_copy(m_hbm, m_v)
    cbase = wid * NCHUNK
    mvec = m_v[...]
    gdn = lax.GatherDimensionNumbers(
        offset_dims=(), collapsed_slice_dims=(0,), start_index_map=(0,))
    bidx = [jnp.full((16, 1), head, jnp.int32) for head in range(H)]

    def issue(k, b):
        pltpu.sync_copy(ei_hbm.at[cbase + k], idx2[b])
        pltpu.async_copy(hx_hbm.at[idx2[b].at[0]], hxr[b], gx[b])
        pltpu.async_copy(s2_hbm.at[idx2[b].at[1]], s2r[b], gs[b])

    def wait_gathers(b):
        pltpu.make_async_copy(hx_hbm.at[idx2[b].at[0]], hxr[b], gx[b]).wait()
        pltpu.make_async_copy(s2_hbm.at[idx2[b].at[1]], s2r[b], gs[b]).wait()

    def compute(b):
        @plsc.parallel_loop(0, C, unroll=4)
        def _(c):
            e = hxr[b][c, pl.ds(FEAT, 16)] + s2r[b][c, pl.ds(0, 16)]
            e = jnp.where(e > 0.0, e, 0.2 * e)
            p = jnp.exp(e - mvec)
            hxr[b][c, pl.ds(FEAT, 16)] = p
            for head in range(H):
                w = lax.gather(
                    p, bidx[head], dimension_numbers=gdn, slice_sizes=(1,),
                    mode=lax.GatherScatterMode.PROMISE_IN_BOUNDS)
                for g in range(HD // 16):
                    off = head * HD + g * 16
                    hxr[b][c, pl.ds(off, 16)] = hxr[b][c, pl.ds(off, 16)] * w

    def start_scatter(k, b):
        pltpu.async_copy(hxr[b], acc.at[idx2[b].at[1]], ss[b], add=True)

    def wait_scatter(b):
        pltpu.make_async_copy(hxr[b], acc.at[idx2[b].at[1]], ss[b]).wait()

    for q in range(PRE):
        issue(q, 2)
        wait_gathers(2)
        compute(2)
        start_scatter(q, 2)
        if q < PRE - 1:
            wait_scatter(2)
    issue(PRE, 0)
    issue(PRE + 1, 1)

    @pl.loop(0, (NCHUNK - PRE) // NBUF)
    def _(t):
        for p in range(NBUF):
            k = PRE + t * NBUF + p
            brefill = (p + 2) % NBUF
            wait_gathers(p)
            compute(p)
            start_scatter(k, p)
            wait_scatter(brefill)
            krefill = k + 2

            @pl.when(krefill < NCHUNK)
            def _():
                issue(krefill, brefill)

    wait_scatter(2)
    plsc.subcore_barrier()
    pltpu.sync_copy(acc.at[pl.ds(r0, RPS)], out_hbm.at[cid, pl.ds(r0, RPS)])


def _sc_edge_pass(hx, s2, m, ei3):
    mesh = plsc.VectorSubcoreMesh(core_axis_name="c", subcore_axis_name="s",
                                  num_cores=NC, num_subcores=NS)
    fn = pl.kernel(
        _sc_body,
        out_type=jax.ShapeDtypeStruct((NC, N_ACC, ROW), jnp.float32),
        mesh=mesh,
        scratch_types=[
            [pltpu.VMEM((2, C), jnp.int32)] * NBUF,
            [pltpu.VMEM((C, ROW), jnp.float32)] * NBUF,
            [pltpu.VMEM((C, 16), jnp.float32)] * NBUF,
            pltpu.VMEM((16,), jnp.float32),
            pltpu.VMEM_SHARED((N_ACC, ROW), jnp.float32),
            [pltpu.SemaphoreType.DMA] * NBUF,
            [pltpu.SemaphoreType.DMA] * NBUF,
            [pltpu.SemaphoreType.DMA] * NBUF,
        ],
        compiler_params=pltpu.CompilerParams(use_tc_tiling_on_sc=False,
                                             needs_layout_passes=False),
    )
    return fn(hx, s2, m, ei3)


def _tc_post_body(part_ref, b_ref, out_ref):
    s = part_ref[0] + part_ref[1]
    num = s[:, 0:FEAT]
    den = jnp.dot(s[:, FEAT:ROW], b_ref[...],
                  preferred_element_type=jnp.float32)
    out_ref[...] = num / jnp.maximum(den, 1e-16)


def _tc_post(part, bmat):
    return pl.pallas_call(
        _tc_post_body,
        grid=(GRID1,),
        in_specs=[
            pl.BlockSpec((NC, M_BLK, ROW), lambda i: (0, i, 0)),
            pl.BlockSpec((16, FEAT), lambda i: (0, 0)),
        ],
        out_specs=pl.BlockSpec((M_BLK, FEAT), lambda i: (i, 0)),
        out_shape=jax.ShapeDtypeStruct((N, FEAT), jnp.float32),
    )(part, bmat)


def kernel(x, edge_index, W_w, W_b, attention):
    a1 = attention[:HD].reshape(HD, 1)
    a2 = attention[HD:].reshape(HD, 1)
    eye = jnp.eye(H, dtype=jnp.float32)
    p1 = jnp.pad(jnp.kron(eye, a1), ((0, 0), (0, 16 - H)))
    p2 = jnp.pad(jnp.kron(eye, a2), ((0, 0), (0, 16 - H)))
    pmat = jnp.concatenate([p1, p2], axis=1)
    bmat = jnp.pad(jnp.kron(eye, jnp.ones((1, HD), jnp.float32)),
                   ((0, 16 - H), (0, 0)))

    hx, s2, m = _tc_pre(x, W_w, W_b.reshape(1, FEAT), pmat)
    ei3 = jnp.stack([edge_index[0].reshape(E // C, C),
                     edge_index[1].reshape(E // C, C)], axis=1)
    part = _sc_edge_pass(hx, s2, m.reshape(16), ei3)
    return _tc_post(part, bmat)

# --- scband reference (transcript-rebuilt; emitter-appended) ---
"""Pipeline reference for scband-graph-attention-layer-15685220565556 (READ-ONLY COPY).

The authoritative reference and input builder live on the scoring server;
editing this copy changes nothing except your own understanding.
"""

import jax, jax.numpy as jnp
import numpy as np

N = 10000
E = 320000
DIN = 128
H = 4
HD = 32


def setup_inputs(seed: int = 0) -> dict:
    key = jax.random.key(seed)
    k1, k2, k3, k4, k5 = jax.random.split(key, 5)
    x = jax.random.normal(k1, (N, DIN), dtype=jnp.float32)
    edge_index = jax.random.randint(k2, (2, E), 0, N, dtype=jnp.int32)
    # xavier_uniform with relu gain for W (shape [out, in] like torch Linear)
    gain = float(np.sqrt(2.0))
    limit_w = gain * float(np.sqrt(6.0 / (DIN + H * HD)))
    W_w = jax.random.uniform(k3, (H * HD, DIN), minval=-limit_w, maxval=limit_w, dtype=jnp.float32)
    W_b = jax.random.uniform(k4, (H * HD,), minval=-0.05, maxval=0.05, dtype=jnp.float32)
    limit_a = gain * float(np.sqrt(6.0 / (1 + 2 * HD)))
    attention = jax.random.uniform(k5, (2 * HD,), minval=-limit_a, maxval=limit_a, dtype=jnp.float32)
    return {"x": x, "edge_index": edge_index, "W_w": W_w, "W_b": W_b, "attention": attention}


def reference(x, edge_index, W_w, W_b, attention):
    n = x.shape[0]
    h = x @ W_w.T + W_b                      # [N, H*HD]
    h = h.reshape(n, H, HD)                  # [N, H, HD]
    src = edge_index[0]
    dst = edge_index[1]
    h_i = h[src]                             # [E, H, HD] (source features)
    h_j = h[dst]                             # [E, H, HD] (target features)
    h_cat = jnp.concatenate([h_i, h_j], axis=-1)   # [E, H, 2*HD]
    e = jnp.einsum('ehd,d->eh', h_cat, attention)  # [E, H]
    e = jnp.where(e > 0, e, 0.2 * e)               # LeakyReLU(0.2)
    # segment softmax over edges grouped by target node (per head)
    m = jax.ops.segment_max(e, dst, num_segments=n)        # [N, H]
    m = jnp.where(jnp.isfinite(m), m, 0.0)
    m = jax.lax.stop_gradient(m)
    e_exp = jnp.exp(e - m[dst])                             # [E, H]
    denom = jax.ops.segment_sum(e_exp, dst, num_segments=n) # [N, H]
    alpha = e_exp / jnp.maximum(denom[dst], 1e-16)          # [E, H]
    # dropout p=0.0 -> identity
    weighted = h_i * alpha[..., None]                       # [E, H, HD]
    out = jax.ops.segment_sum(weighted, dst, num_segments=n)  # [N, H, HD]
    return out.reshape(n, H * HD)

if __name__ == "__main__":
    import jax
    _d = setup_inputs()
    print(jax.jit(kernel)(*tuple(_d.values())))

</pallas_src>

<mosaic_0001>
#map = affine_map<(d0, d1) -> (0, 0)>
#map1 = affine_map<(d0, d1) -> (0)>
#map2 = affine_map<(d0, d1) -> (0, 0, 0)>
module attributes {stable_mosaic.version = 14 : i64} {
  func.func @_sc_body(%arg0: i32, %arg1: i32, %arg2: memref<10000x144xf32, #tpu.memory_space<hbm>>, %arg3: memref<10000x16xf32, #tpu.memory_space<hbm>>, %arg4: memref<16xf32, #tpu.memory_space<hbm>>, %arg5: memref<4000x2x80xi32, #tpu.memory_space<hbm>>, %arg6: memref<2x10240x144xf32, #tpu.memory_space<hbm>>, %arg7: memref<2x80xi32, #tpu.memory_space<vmem>>, %arg8: memref<2x80xi32, #tpu.memory_space<vmem>>, %arg9: memref<2x80xi32, #tpu.memory_space<vmem>>, %arg10: memref<80x144xf32, #tpu.memory_space<vmem>>, %arg11: memref<80x144xf32, #tpu.memory_space<vmem>>, %arg12: memref<80x144xf32, #tpu.memory_space<vmem>>, %arg13: memref<80x16xf32, #tpu.memory_space<vmem>>, %arg14: memref<80x16xf32, #tpu.memory_space<vmem>>, %arg15: memref<80x16xf32, #tpu.memory_space<vmem>>, %arg16: memref<16xf32, #tpu.memory_space<vmem>>, %arg17: memref<10240x144xf32, #tpu.memory_space<vmem_shared>>, %arg18: memref<!tpu.dma_semaphore, #tpu.memory_space<semaphore_mem>>, %arg19: memref<!tpu.dma_semaphore, #tpu.memory_space<semaphore_mem>>, %arg20: memref<!tpu.dma_semaphore, #tpu.memory_space<semaphore_mem>>, %arg21: memref<!tpu.dma_semaphore, #tpu.memory_space<semaphore_mem>>, %arg22: memref<!tpu.dma_semaphore, #tpu.memory_space<semaphore_mem>>, %arg23: memref<!tpu.dma_semaphore, #tpu.memory_space<semaphore_mem>>, %arg24: memref<!tpu.dma_semaphore, #tpu.memory_space<semaphore_mem>>, %arg25: memref<!tpu.dma_semaphore, #tpu.memory_space<semaphore_mem>>, %arg26: memref<!tpu.dma_semaphore, #tpu.memory_space<semaphore_mem>>) attributes {dimension_semantics = [#tpu.dimension_semantics<core_parallel>, #tpu.dimension_semantics<subcore_parallel>], iteration_bounds = array<i64: 2, 16>, scalar_prefetch = 0 : i64, scratch_operands = 20 : i64, tpu.core_type = #tpu.core_type<sc_vector_subcore>, window_params = [{transform_indices = #map}, {transform_indices = #map}, {transform_indices = #map1}, {transform_indices = #map2}, {transform_indices = #map2}]} {
    %mul3A = arith.constant 2 : i32
    %mul3A_0 = arith.muli %arg1, %mul3A : i32
    %add3A = arith.addi %mul3A_0, %arg0 : i32
    %broadcast_in_dim3A = arith.constant 0.000000e+00 : f32
    %broadcast_in_dim3A_1 = vector.broadcast %broadcast_in_dim3A : f32 to vector<16xf32>
    %scan3A = arith.constant 0 : i32
    %scan3A_2 = arith.constant 80 : i32
    %scan3A_3 = arith.addi %scan3A, %scan3A_2 : i32
    %scan3A_4 = arith.constant 1 : i32
    scf.for %scan3A_305 = %scan3A to %scan3A_3 step %scan3A_4  : i32 {
      %mul3A_306 = arith.constant 1 : i32
      %mul3A_307 = arith.muli %scan3A_305, %mul3A_306 : i32
      %add3A_308 = arith.constant 0 : i32
      %add3A_309 = arith.addi %add3A_308, %mul3A_307 : i32
      %swap3A = arith.index_cast %add3A_309 : i32 to index
      %swap3A_310 = arith.constant 0 : index
      %swap3A_311 = tpu.vector_load %arg10[%swap3A, %swap3A_310] {strides = array<i32>} : memref<80x144xf32, #tpu.memory_space<vmem>>, vector<16xf32>,
      tpu.vector_store %arg10[%swap3A, %swap3A_310], %broadcast_in_dim3A_1 {strides = array<i32>} : memref<80x144xf32, #tpu.memory_space<vmem>>, vector<16xf32>,
      %swap3A_312 = arith.index_cast %add3A_309 : i32 to index
      %swap3A_313 = arith.constant 16 : index
      %swap3A_314 = tpu.vector_load %arg10[%swap3A_312, %swap3A_313] {strides = array<i32>} : memref<80x144xf32, #tpu.memory_space<vmem>>, vector<16xf32>,
      tpu.vector_store %arg10[%swap3A_312, %swap3A_313], %broadcast_in_dim3A_1 {strides = array<i32>} : memref<80x144xf32, #tpu.memory_space<vmem>>, vector<16xf32>,
      %swap3A_315 = arith.index_cast %add3A_309 : i32 to index
      %swap3A_316 = arith.constant 32 : index
      %swap3A_317 = tpu.vector_load %arg10[%swap3A_315, %swap3A_316] {strides = array<i32>} : memref<80x144xf32, #tpu.memory_space<vmem>>, vector<16xf32>,
      tpu.vector_store %arg10[%swap3A_315, %swap3A_316], %broadcast_in_dim3A_1 {strides = array<i32>} : memref<80x144xf32, #tpu.memory_space<vmem>>, vector<16xf32>,
      %swap3A_318 = arith.index_cast %add3A_309 : i32 to index
      %swap3A_319 = arith.constant 48 : index
      %swap3A_320 = tpu.vector_load %arg10[%swap3A_318, %swap3A_319] {strides = array<i32>} : memref<80x144xf32, #tpu.memory_space<vmem>>, vector<16xf32>,
      tpu.vector_store %arg10[%swap3A_318, %swap3A_319], %broadcast_in_dim3A_1 {strides = array<i32>} : memref<80x144xf32, #tpu.memory_space<vmem>>, vector<16xf32>,
      %swap3A_321 = arith.index_cast %add3A_309 : i32 to index
      %swap3A_322 = arith.constant 64 : index
      %swap3A_323 = tpu.vector_load %arg10[%swap3A_321, %swap3A_322] {strides = array<i32>} : memref<80x144xf32, #tpu.memory_space<vmem>>, vector<16xf32>,
      tpu.vector_store %arg10[%swap3A_321, %swap3A_322], %broadcast_in_dim3A_1 {strides = array<i32>} : memref<80x144xf32, #tpu.memory_space<vmem>>, vector<16xf32>,
      %swap3A_324 = arith.index_cast %add3A_309 : i32 to index
      %swap3A_325 = arith.constant 80 : index
      %swap3A_326 = tpu.vector_load %arg10[%swap3A_324, %swap3A_325] {strides = array<i32>} : memref<80x144xf32, #tpu.memory_space<vmem>>, vector<16xf32>,
      tpu.vector_store %arg10[%swap3A_324, %swap3A_325], %broadcast_in_dim3A_1 {strides = array<i32>} : memref<80x144xf32, #tpu.memory_space<vmem>>, vector<16xf32>,
      %swap3A_327 = arith.index_cast %add3A_309 : i32 to index
      %swap3A_328 = arith.constant 96 : index
      %swap3A_329 = tpu.vector_load %arg10[%swap3A_327, %swap3A_328] {strides = array<i32>} : memref<80x144xf32, #tpu.memory_space<vmem>>, vector<16xf32>,
      tpu.vector_store %arg10[%swap3A_327, %swap3A_328], %broadcast_in_dim3A_1 {strides = array<i32>} : memref<80x144xf32, #tpu.memory_space<vmem>>, vector<16xf32>,
      %swap3A_330 = arith.index_cast %add3A_309 : i32 to index
      %swap3A_331 = arith.constant 112 : index
      %swap3A_332 = tpu.vector_load %arg10[%swap3A_330, %swap3A_331] {strides = array<i32>} : memref<80x144xf32, #tpu.memory_space<vmem>>, vector<16xf32>,
      tpu.vector_store %arg10[%swap3A_330, %swap3A_331], %broadcast_in_dim3A_1 {strides = array<i32>} : memref<80x144xf32, #tpu.memory_space<vmem>>, vector<16xf32>,
      %swap3A_333 = arith.index_cast %add3A_309 : i32 to index
      %swap3A_334 = arith.constant 128 : index
      %swap3A_335 = tpu.vector_load %arg10[%swap3A_333, %swap3A_334] {strides = array<i32>} : memref<80x144xf32, #tpu.memory_space<vmem>>, vector<16xf32>,
      tpu.vector_store %arg10[%swap3A_333, %swap3A_334], %broadcast_in_dim3A_1 {strides = array<i32>} : memref<80x144xf32, #tpu.memory_space<vmem>>, vector<16xf32>,
    }
    %scan3A_5 = arith.constant 80 : i32
    %mul3A_6 = arith.constant 640 : i32
    %mul3A_7 = arith.muli %arg1, %mul3A_6 : i32
    %add3A_8 = arith.constant 0 : i32
    %add3A_9 = arith.addi %mul3A_7, %add3A_8 : i32
    "tpu.region"() ({
      %run_scoped3A = tpu.sem_alloc : memref<!tpu.dma_semaphore, #tpu.memory_space<semaphore_mem>>
      %dma_start3A_305 = arith.constant 0 : i32
      %dma_start3A_306 = tpu.memref_slice %arg17[%add3A_9, %dma_start3A_305] : memref<10240x144xf32, #tpu.memory_space<vmem_shared>> -> memref<80x144xf32, #tpu.memory_space<vmem_shared>>
      %dma_start3A_307 = arith.constant 0 : i32
      %dma_start3A_308 = tpu.memref_slice %arg17[%add3A_9, %dma_start3A_307] : memref<10240x144xf32, #tpu.memory_space<vmem_shared>> -> memref<80x144xf32, #tpu.memory_space<vmem_shared>>
      tpu.enqueue_dma source(%arg10 : memref<80x144xf32, #tpu.memory_space<vmem>>) target(%dma_start3A_308 : memref<80x144xf32, #tpu.memory_space<vmem_shared>>) target_semaphore(%run_scoped3A : memref<!tpu.dma_semaphore, #tpu.memory_space<semaphore_mem>>)
      %dma_wait3A_309 = arith.constant 0 : i32
      %dma_wait3A_310 = tpu.memref_slice %arg17[%add3A_9, %dma_wait3A_309] : memref<10240x144xf32, #tpu.memory_space<vmem_shared>> -> memref<80x144xf32, #tpu.memory_space<vmem_shared>>
      %dma_wait3A_311 = arith.constant 0 : i32
      %dma_wait3A_312 = tpu.memref_slice %arg17[%add3A_9, %dma_wait3A_311] : memref<10240x144xf32, #tpu.memory_space<vmem_shared>> -> memref<80x144xf32, #tpu.memory_space<vmem_shared>>
      tpu.wait_dma2 semaphore(%run_scoped3A : memref<!tpu.dma_semaphore, #tpu.memory_space<semaphore_mem>>) src(%arg10 : memref<80x144xf32, #tpu.memory_space<vmem>>) dst(%dma_wait3A_312 : memref<80x144xf32, #tpu.memory_space<vmem_shared>>)
      tpu.yield
    }) : () -> ()
    %add3A_10 = arith.constant 80 : i32
    %add3A_11 = arith.addi %mul3A_7, %add3A_10 : i32
    "tpu.region"() ({
      %run_scoped3A = tpu.sem_alloc : memref<!tpu.dma_semaphore, #tpu.memory_space<semaphore_mem>>
      %dma_start3A_305 = arith.constant 0 : i32
      %dma_start3A_306 = tpu.memref_slice %arg17[%add3A_11, %dma_start3A_305] : memref<10240x144xf32, #tpu.memory_space<vmem_shared>> -> memref<80x144xf32, #tpu.memory_space<vmem_shared>>
      %dma_start3A_307 = arith.constant 0 : i32
      %dma_start3A_308 = tpu.memref_slice %arg17[%add3A_11, %dma_start3A_307] : memref<10240x144xf32, #tpu.memory_space<vmem_shared>> -> memref<80x144xf32, #tpu.memory_space<vmem_shared>>
      tpu.enqueue_dma source(%arg10 : memref<80x144xf32, #tpu.memory_space<vmem>>) target(%dma_start3A_308 : memref<80x144xf32, #tpu.memory_space<vmem_shared>>) target_semaphore(%run_scoped3A : memref<!tpu.dma_semaphore, #tpu.memory_space<semaphore_mem>>)
      %dma_wait3A_309 = arith.constant 0 : i32
      %dma_wait3A_310 = tpu.memref_slice %arg17[%add3A_11, %dma_wait3A_309] : memref<10240x144xf32, #tpu.memory_space<vmem_shared>> -> memref<80x144xf32, #tpu.memory_space<vmem_shared>>
      %dma_wait3A_311 = arith.constant 0 : i32
      %dma_wait3A_312 = tpu.memref_slice %arg17[%add3A_11, %dma_wait3A_311] : memref<10240x144xf32, #tpu.memory_space<vmem_shared>> -> memref<80x144xf32, #tpu.memory_space<vmem_shared>>
      tpu.wait_dma2 semaphore(%run_scoped3A : memref<!tpu.dma_semaphore, #tpu.memory_space<semaphore_mem>>) src(%arg10 : memref<80x144xf32, #tpu.memory_space<vmem>>) dst(%dma_wait3A_312 : memref<80x144xf32, #tpu.memory_space<vmem_shared>>)
      tpu.yield
    }) : () -> ()
    %add3A_12 = arith.constant 160 : i32
    %add3A_13 = arith.addi %mul3A_7, %add3A_12 : i32
    "tpu.region"() ({
      %run_scoped3A = tpu.sem_alloc : memref<!tpu.dma_semaphore, #tpu.memory_space<semaphore_mem>>
      %dma_start3A_305 = arith.constant 0 : i32
      %dma_start3A_306 = tpu.memref_slice %arg17[%add3A_13, %dma_start3A_305] : memref<10240x144xf32, #tpu.memory_space<vmem_shared>> -> memref<80x144xf32, #tpu.memory_space<vmem_shared>>
      %dma_start3A_307 = arith.constant 0 : i32
      %dma_start3A_308 = tpu.memref_slice %arg17[%add3A_13, %dma_start3A_307] : memref<10240x144xf32, #tpu.memory_space<vmem_shared>> -> memref<80x144xf32, #tpu.memory_space<vmem_shared>>
      tpu.enqueue_dma source(%arg10 : memref<80x144xf32, #tpu.memory_space<vmem>>) target(%dma_start3A_308 : memref<80x144xf32, #tpu.memory_space<vmem_shared>>) target_semaphore(%run_scoped3A : memref<!tpu.dma_semaphore, #tpu.memory_space<semaphore_mem>>)
      %dma_wait3A_309 = arith.constant 0 : i32
      %dma_wait3A_310 = tpu.memref_slice %arg17[%add3A_13, %dma_wait3A_309] : memref<10240x144xf32, #tpu.memory_space<vmem_shared>> -> memref<80x144xf32, #tpu.memory_space<vmem_shared>>
      %dma_wait3A_311 = arith.constant 0 : i32
      %dma_wait3A_312 = tpu.memref_slice %arg17[%add3A_13, %dma_wait3A_311] : memref<10240x144xf32, #tpu.memory_space<vmem_shared>> -> memref<80x144xf32, #tpu.memory_space<vmem_shared>>
      tpu.wait_dma2 semaphore(%run_scoped3A : memref<!tpu.dma_semaphore, #tpu.memory_space<semaphore_mem>>) src(%arg10 : memref<80x144xf32, #tpu.memory_space<vmem>>) dst(%dma_wait3A_312 : memref<80x144xf32, #tpu.memory_space<vmem_shared>>)
      tpu.yield
    }) : () -> ()
    %add3A_14 = arith.constant 240 : i32
    %add3A_15 = arith.addi %mul3A_7, %add3A_14 : i32
    "tpu.region"() ({
      %run_scoped3A = tpu.sem_alloc : memref<!tpu.dma_semaphore, #tpu.memory_space<semaphore_mem>>
      %dma_start3A_305 = arith.constant 0 : i32
      %dma_start3A_306 = tpu.memref_slice %arg17[%add3A_15, %dma_start3A_305] : memref<10240x144xf32, #tpu.memory_space<vmem_shared>> -> memref<80x144xf32, #tpu.memory_space<vmem_shared>>
      %dma_start3A_307 = arith.constant 0 : i32
      %dma_start3A_308 = tpu.memref_slice %arg17[%add3A_15, %dma_start3A_307] : memref<10240x144xf32, #tpu.memory_space<vmem_shared>> -> memref<80x144xf32, #tpu.memory_space<vmem_shared>>
      tpu.enqueue_dma source(%arg10 : memref<80x144xf32, #tpu.memory_space<vmem>>) target(%dma_start3A_308 : memref<80x144xf32, #tpu.memory_space<vmem_shared>>) target_semaphore(%run_scoped3A : memref<!tpu.dma_semaphore, #tpu.memory_space<semaphore_mem>>)
      %dma_wait3A_309 = arith.constant 0 : i32
      %dma_wait3A_310 = tpu.memref_slice %arg17[%add3A_15, %dma_wait3A_309] : memref<10240x144xf32, #tpu.memory_space<vmem_shared>> -> memref<80x144xf32, #tpu.memory_space<vmem_shared>>
      %dma_wait3A_311 = arith.constant 0 : i32
      %dma_wait3A_312 = tpu.memref_slice %arg17[%add3A_15, %dma_wait3A_311] : memref<10240x144xf32, #tpu.memory_space<vmem_shared>> -> memref<80x144xf32, #tpu.memory_space<vmem_shared>>
      tpu.wait_dma2 semaphore(%run_scoped3A : memref<!tpu.dma_semaphore, #tpu.memory_space<semaphore_mem>>) src(%arg10 : memref<80x144xf32, #tpu.memory_space<vmem>>) dst(%dma_wait3A_312 : memref<80x144xf32, #tpu.memory_space<vmem_shared>>)
      tpu.yield
    }) : () -> ()
    %add3A_16 = arith.constant 320 : i32
    %add3A_17 = arith.addi %mul3A_7, %add3A_16 : i32
    "tpu.region"() ({
      %run_scoped3A = tpu.sem_alloc : memref<!tpu.dma_semaphore, #tpu.memory_space<semaphore_mem>>
      %dma_start3A_305 = arith.constant 0 : i32
      %dma_start3A_306 = tpu.memref_slice %arg17[%add3A_17, %dma_start3A_305] : memref<10240x144xf32, #tpu.memory_space<vmem_shared>> -> memref<80x144xf32, #tpu.memory_space<vmem_shared>>
      %dma_start3A_307 = arith.constant 0 : i32
      %dma_start3A_308 = tpu.memref_slice %arg17[%add3A_17, %dma_start3A_307] : memref<10240x144xf32, #tpu.memory_space<vmem_shared>> -> memref<80x144xf32, #tpu.memory_space<vmem_shared>>
      tpu.enqueue_dma source(%arg10 : memref<80x144xf32, #tpu.memory_space<vmem>>) target(%dma_start3A_308 : memref<80x144xf32, #tpu.memory_space<vmem_shared>>) target_semaphore(%run_scoped3A : memref<!tpu.dma_semaphore, #tpu.memory_space<semaphore_mem>>)
      %dma_wait3A_309 = arith.constant 0 : i32
      %dma_wait3A_310 = tpu.memref_slice %arg17[%add3A_17, %dma_wait3A_309] : memref<10240x144xf32, #tpu.memory_space<vmem_shared>> -> memref<80x144xf32, #tpu.memory_space<vmem_shared>>
      %dma_wait3A_311 = arith.constant 0 : i32
      %dma_wait3A_312 = tpu.memref_slice %arg17[%add3A_17, %dma_wait3A_311] : memref<10240x144xf32, #tpu.memory_space<vmem_shared>> -> memref<80x144xf32, #tpu.memory_space<vmem_shared>>
      tpu.wait_dma2 semaphore(%run_scoped3A : memref<!tpu.dma_semaphore, #tpu.memory_space<semaphore_mem>>) src(%arg10 : memref<80x144xf32, #tpu.memory_space<vmem>>) dst(%dma_wait3A_312 : memref<80x144xf32, #tpu.memory_space<vmem_shared>>)
      tpu.yield
    }) : () -> ()
    %add3A_18 = arith.constant 400 : i32
    %add3A_19 = arith.addi %mul3A_7, %add3A_18 : i32
    "tpu.region"() ({
      %run_scoped3A = tpu.sem_alloc : memref<!tpu.dma_semaphore, #tpu.memory_space<semaphore_mem>>
      %dma_start3A_305 = arith.constant 0 : i32
      %dma_start3A_306 = tpu.memref_slice %arg17[%add3A_19, %dma_start3A_305] : memref<10240x144xf32, #tpu.memory_space<vmem_shared>> -> memref<80x144xf32, #tpu.memory_space<vmem_shared>>
      %dma_start3A_307 = arith.constant 0 : i32
      %dma_start3A_308 = tpu.memref_slice %arg17[%add3A_19, %dma_start3A_307] : memref<10240x144xf32, #tpu.memory_space<vmem_shared>> -> memref<80x144xf32, #tpu.memory_space<vmem_shared>>
      tpu.enqueue_dma source(%arg10 : memref<80x144xf32, #tpu.memory_space<vmem>>) target(%dma_start3A_308 : memref<80x144xf32, #tpu.memory_space<vmem_shared>>) target_semaphore(%run_scoped3A : memref<!tpu.dma_semaphore, #tpu.memory_space<semaphore_mem>>)
      %dma_wait3A_309 = arith.constant 0 : i32
      %dma_wait3A_310 = tpu.memref_slice %arg17[%add3A_19, %dma_wait3A_309] : memref<10240x144xf32, #tpu.memory_space<vmem_shared>> -> memref<80x144xf32, #tpu.memory_space<vmem_shared>>
      %dma_wait3A_311 = arith.constant 0 : i32
      %dma_wait3A_312 = tpu.memref_slice %arg17[%add3A_19, %dma_wait3A_311] : memref<10240x144xf32, #tpu.memory_space<vmem_shared>> -> memref<80x144xf32, #tpu.memory_space<vmem_shared>>
      tpu.wait_dma2 semaphore(%run_scoped3A : memref<!tpu.dma_semaphore, #tpu.memory_space<semaphore_mem>>) src(%arg10 : memref<80x144xf32, #tpu.memory_space<vmem>>) dst(%dma_wait3A_312 : memref<80x144xf32, #tpu.memory_space<vmem_shared>>)
      tpu.yield
    }) : () -> ()
    %add3A_20 = arith.constant 480 : i32
    %add3A_21 = arith.addi %mul3A_7, %add3A_20 : i32
    "tpu.region"() ({
      %run_scoped3A = tpu.sem_alloc : memref<!tpu.dma_semaphore, #tpu.memory_space<semaphore_mem>>
      %dma_start3A_305 = arith.constant 0 : i32
      %dma_start3A_306 = tpu.memref_slice %arg17[%add3A_21, %dma_start3A_305] : memref<10240x144xf32, #tpu.memory_space<vmem_shared>> -> memref<80x144xf32, #tpu.memory_space<vmem_shared>>
      %dma_start3A_307 = arith.constant 0 : i32
      %dma_start3A_308 = tpu.memref_slice %arg17[%add3A_21, %dma_start3A_307] : memref<10240x144xf32, #tpu.memory_space<vmem_shared>> -> memref<80x144xf32, #tpu.memory_space<vmem_shared>>
      tpu.enqueue_dma source(%arg10 : memref<80x144xf32, #tpu.memory_space<vmem>>) target(%dma_start3A_308 : memref<80x144xf32, #tpu.memory_space<vmem_shared>>) target_semaphore(%run_scoped3A : memref<!tpu.dma_semaphore, #tpu.memory_space<semaphore_mem>>)
      %dma_wait3A_309 = arith.constant 0 : i32
      %dma_wait3A_310 = tpu.memref_slice %arg17[%add3A_21, %dma_wait3A_309] : memref<10240x144xf32, #tpu.memory_space<vmem_shared>> -> memref<80x144xf32, #tpu.memory_space<vmem_shared>>
      %dma_wait3A_311 = arith.constant 0 : i32
      %dma_wait3A_312 = tpu.memref_slice %arg17[%add3A_21, %dma_wait3A_311] : memref<10240x144xf32, #tpu.memory_space<vmem_shared>> -> memref<80x144xf32, #tpu.memory_space<vmem_shared>>
      tpu.wait_dma2 semaphore(%run_scoped3A : memref<!tpu.dma_semaphore, #tpu.memory_space<semaphore_mem>>) src(%arg10 : memref<80x144xf32, #tpu.memory_space<vmem>>) dst(%dma_wait3A_312 : memref<80x144xf32, #tpu.memory_space<vmem_shared>>)
      tpu.yield
    }) : () -> ()
    %add3A_22 = arith.constant 560 : i32
    %add3A_23 = arith.addi %mul3A_7, %add3A_22 : i32
    "tpu.region"() ({
      %run_scoped3A = tpu.sem_alloc : memref<!tpu.dma_semaphore, #tpu.memory_space<semaphore_mem>>
      %dma_start3A_305 = arith.constant 0 : i32
      %dma_start3A_306 = tpu.memref_slice %arg17[%add3A_23, %dma_start3A_305] : memref<10240x144xf32, #tpu.memory_space<vmem_shared>> -> memref<80x144xf32, #tpu.memory_space<vmem_shared>>
      %dma_start3A_307 = arith.constant 0 : i32
      %dma_start3A_308 = tpu.memref_slice %arg17[%add3A_23, %dma_start3A_307] : memref<10240x144xf32, #tpu.memory_space<vmem_shared>> -> memref<80x144xf32, #tpu.memory_space<vmem_shared>>
      tpu.enqueue_dma source(%arg10 : memref<80x144xf32, #tpu.memory_space<vmem>>) target(%dma_start3A_308 : memref<80x144xf32, #tpu.memory_space<vmem_shared>>) target_semaphore(%run_scoped3A : memref<!tpu.dma_semaphore, #tpu.memory_space<semaphore_mem>>)
      %dma_wait3A_309 = arith.constant 0 : i32
      %dma_wait3A_310 = tpu.memref_slice %arg17[%add3A_23, %dma_wait3A_309] : memref<10240x144xf32, #tpu.memory_space<vmem_shared>> -> memref<80x144xf32, #tpu.memory_space<vmem_shared>>
      %dma_wait3A_311 = arith.constant 0 : i32
      %dma_wait3A_312 = tpu.memref_slice %arg17[%add3A_23, %dma_wait3A_311] : memref<10240x144xf32, #tpu.memory_space<vmem_shared>> -> memref<80x144xf32, #tpu.memory_space<vmem_shared>>
      tpu.wait_dma2 semaphore(%run_scoped3A : memref<!tpu.dma_semaphore, #tpu.memory_space<semaphore_mem>>) src(%arg10 : memref<80x144xf32, #tpu.memory_space<vmem>>) dst(%dma_wait3A_312 : memref<80x144xf32, #tpu.memory_space<vmem_shared>>)
      tpu.yield
    }) : () -> ()
    %barrier3A = arith.constant 0 : index
    tpu.barrier barrier_id(%barrier3A)
    "tpu.region"() ({
      %run_scoped3A = tpu.sem_alloc : memref<!tpu.dma_semaphore, #tpu.memory_space<semaphore_mem>>
      tpu.enqueue_dma source(%arg4 : memref<16xf32, #tpu.memory_space<hbm>>) target(%arg16 : memref<16xf32, #tpu.memory_space<vmem>>) target_semaphore(%run_scoped3A : memref<!tpu.dma_semaphore, #tpu.memory_space<semaphore_mem>>)
      tpu.wait_dma2 semaphore(%run_scoped3A : memref<!tpu.dma_semaphore, #tpu.memory_space<semaphore_mem>>) src(%arg4 : memref<16xf32, #tpu.memory_space<hbm>>) dst(%arg16 : memref<16xf32, #tpu.memory_space<vmem>>)
      tpu.yield
    }) : () -> ()
    %mul3A_24 = arith.constant 125 : i32
    %mul3A_25 = arith.muli %add3A, %mul3A_24 : i32
    %get3A = arith.constant 0 : index
    %get3A_26 = tpu.vector_load %arg16[%get3A] {strides = array<i32>} : memref<16xf32, #tpu.memory_space<vmem>>, vector<16xf32>,
    %broadcast_in_dim3A_27 = arith.constant 0 : i32
    %broadcast_in_dim3A_28 = vector.broadcast %broadcast_in_dim3A_27 : i32 to vector<16x1xi32>
    %broadcast_in_dim3A_29 = arith.constant 1 : i32
    %broadcast_in_dim3A_30 = vector.broadcast %broadcast_in_dim3A_29 : i32 to vector<16x1xi32>
    %broadcast_in_dim3A_31 = arith.constant 2 : i32
    %broadcast_in_dim3A_32 = vector.broadcast %broadcast_in_dim3A_31 : i32 to vector<16x1xi32>
    %broadcast_in_dim3A_33 = arith.constant 3 : i32
    %broadcast_in_dim3A_34 = vector.broadcast %broadcast_in_dim3A_33 : i32 to vector<16x1xi32>
    %add3A_35 = arith.constant 0 : i32
    %add3A_36 = arith.addi %mul3A_25, %add3A_35 : i32
    "tpu.region"() ({
      %run_scoped3A = tpu.sem_alloc : memref<!tpu.dma_semaphore, #tpu.memory_space<semaphore_mem>>
      %dma_start3A_305 = arith.constant 0 : i32
      %dma_start3A_306 = arith.constant 0 : i32
      %dma_start3A_307 = tpu.memref_slice %arg5[%add3A_36, %dma_start3A_305, %dma_start3A_306] : memref<4000x2x80xi32, #tpu.memory_space<hbm>> -> memref<1x2x80xi32, #tpu.memory_space<hbm>>
      %dma_start3A_308 = tpu.memref_squeeze %dma_start3A_307 : memref<1x2x80xi32, #tpu.memory_space<hbm>> -> memref<2x80xi32, #tpu.memory_space<hbm>>
      %dma_start3A_309 = arith.constant 0 : i32
      %dma_start3A_310 = arith.constant 0 : i32
      %dma_start3A_311 = tpu.memref_slice %arg5[%add3A_36, %dma_start3A_309, %dma_start3A_310] : memref<4000x2x80xi32, #tpu.memory_space<hbm>> -> memref<1x2x80xi32, #tpu.memory_space<hbm>>
      %dma_start3A_312 = tpu.memref_squeeze %dma_start3A_311 : memref<1x2x80xi32, #tpu.memory_space<hbm>> -> memref<2x80xi32, #tpu.memory_space<hbm>>
      tpu.enqueue_dma source(%dma_start3A_312 : memref<2x80xi32, #tpu.memory_space<hbm>>) target(%arg9 : memref<2x80xi32, #tpu.memory_space<vmem>>) target_semaphore(%run_scoped3A : memref<!tpu.dma_semaphore, #tpu.memory_space<semaphore_mem>>)
      %dma_wait3A_313 = arith.constant 0 : i32
      %dma_wait3A_314 = arith.constant 0 : i32
      %dma_wait3A_315 = tpu.memref_slice %arg5[%add3A_36, %dma_wait3A_313, %dma_wait3A_314] : memref<4000x2x80xi32, #tpu.memory_space<hbm>> -> memref<1x2x80xi32, #tpu.memory_space<hbm>>
      %dma_wait3A_316 = tpu.memref_squeeze %dma_wait3A_315 : memref<1x2x80xi32, #tpu.memory_space<hbm>> -> memref<2x80xi32, #tpu.memory_space<hbm>>
      %dma_wait3A_317 = arith.constant 0 : i32
      %dma_wait3A_318 = arith.constant 0 : i32
      %dma_wait3A_319 = tpu.memref_slice %arg5[%add3A_36, %dma_wait3A_317, %dma_wait3A_318] : memref<4000x2x80xi32, #tpu.memory_space<hbm>> -> memref<1x2x80xi32, #tpu.memory_space<hbm>>
      %dma_wait3A_320 = tpu.memref_squeeze %dma_wait3A_319 : memref<1x2x80xi32, #tpu.memory_space<hbm>> -> memref<2x80xi32, #tpu.memory_space<hbm>>
      tpu.wait_dma2 semaphore(%run_scoped3A : memref<!tpu.dma_semaphore, #tpu.memory_space<semaphore_mem>>) src(%dma_wait3A_320 : memref<2x80xi32, #tpu.memory_space<hbm>>) dst(%arg9 : memref<2x80xi32, #tpu.memory_space<vmem>>)
      tpu.yield
    }) : () -> ()
    %dma_start3A = arith.constant 0 : i32
    %dma_start3A_37 = arith.constant 0 : i32
    %dma_start3A_38 = tpu.memref_slice %arg9[%dma_start3A, %dma_start3A_37] : memref<2x80xi32, #tpu.memory_space<vmem>> -> memref<1x80xi32, #tpu.memory_space<vmem>>
    %dma_start3A_39 = tpu.memref_squeeze %dma_start3A_38 : memref<1x80xi32, #tpu.memory_space<vmem>> -> memref<80xi32, #tpu.memory_space<vmem>>
    %dma_start3A_40 = arith.constant 0 : i32
    %dma_start3A_41 = arith.constant 0 : i32
    %dma_start3A_42 = tpu.memref_slice %arg2[%dma_start3A_40, %dma_start3A_41] : memref<10000x144xf32, #tpu.memory_space<hbm>> -> memref<10000x144xf32, #tpu.memory_space<hbm>>
    tpu.enqueue_indirect_dma source(%dma_start3A_42 : memref<10000x144xf32, #tpu.memory_space<hbm>>) target(%arg12 : memref<80x144xf32, #tpu.memory_space<vmem>>) offsets(%dma_start3A_39 : memref<80xi32, #tpu.memory_space<vmem>>) semaphore(%arg20 : memref<!tpu.dma_semaphore, #tpu.memory_space<semaphore_mem>>)
    %dma_start3A_43 = arith.constant 1 : i32
    %dma_start3A_44 = arith.constant 0 : i32
    %dma_start3A_45 = tpu.memref_slice %arg9[%dma_start3A_43, %dma_start3A_44] : memref<2x80xi32, #tpu.memory_space<vmem>> -> memref<1x80xi32, #tpu.memory_space<vmem>>
    %dma_start3A_46 = tpu.memref_squeeze %dma_start3A_45 : memref<1x80xi32, #tpu.memory_space<vmem>> -> memref<80xi32, #tpu.memory_space<vmem>>
    %dma_start3A_47 = arith.constant 0 : i32
    %dma_start3A_48 = arith.constant 0 : i32
    %dma_start3A_49 = tpu.memref_slice %arg3[%dma_start3A_47, %dma_start3A_48] : memref<10000x16xf32, #tpu.memory_space<hbm>> -> memref<10000x16xf32, #tpu.memory_space<hbm>>
    tpu.enqueue_indirect_dma source(%dma_start3A_49 : memref<10000x16xf32, #tpu.memory_space<hbm>>) target(%arg15 : memref<80x16xf32, #tpu.memory_space<vmem>>) offsets(%dma_start3A_46 : memref<80xi32, #tpu.memory_space<vmem>>) semaphore(%arg23 : memref<!tpu.dma_semaphore, #tpu.memory_space<semaphore_mem>>)
    %dma_wait3A = arith.constant 0 : i32
    %dma_wait3A_50 = arith.constant 0 : i32
    %dma_wait3A_51 = tpu.memref_slice %arg9[%dma_wait3A, %dma_wait3A_50] : memref<2x80xi32, #tpu.memory_space<vmem>> -> memref<1x80xi32, #tpu.memory_space<vmem>>
    %dma_wait3A_52 = tpu.memref_squeeze %dma_wait3A_51 : memref<1x80xi32, #tpu.memory_space<vmem>> -> memref<80xi32, #tpu.memory_space<vmem>>
    %dma_wait3A_53 = arith.constant 0 : i32
    %dma_wait3A_54 = arith.constant 0 : i32
    %dma_wait3A_55 = tpu.memref_slice %arg2[%dma_wait3A_53, %dma_wait3A_54] : memref<10000x144xf32, #tpu.memory_space<hbm>> -> memref<10000x144xf32, #tpu.memory_space<hbm>>
    tpu.wait_indirect_dma semaphore(%arg20 : memref<!tpu.dma_semaphore, #tpu.memory_space<semaphore_mem>>) src(%dma_wait3A_55 : memref<10000x144xf32, #tpu.memory_space<hbm>>) dst(%arg12 : memref<80x144xf32, #tpu.memory_space<vmem>>)
    %dma_wait3A_56 = arith.constant 1 : i32
    %dma_wait3A_57 = arith.constant 0 : i32
    %dma_wait3A_58 = tpu.memref_slice %arg9[%dma_wait3A_56, %dma_wait3A_57] : memref<2x80xi32, #tpu.memory_space<vmem>> -> memref<1x80xi32, #tpu.memory_space<vmem>>
    %dma_wait3A_59 = tpu.memref_squeeze %dma_wait3A_58 : memref<1x80xi32, #tpu.memory_space<vmem>> -> memref<80xi32, #tpu.memory_space<vmem>>
    %dma_wait3A_60 = arith.constant 0 : i32
    %dma_wait3A_61 = arith.constant 0 : i32
    %dma_wait3A_62 = tpu.memref_slice %arg3[%dma_wait3A_60, %dma_wait3A_61] : memref<10000x16xf32, #tpu.memory_space<hbm>> -> memref<10000x16xf32, #tpu.memory_space<hbm>>
    tpu.wait_indirect_dma semaphore(%arg23 : memref<!tpu.dma_semaphore, #tpu.memory_space<semaphore_mem>>) src(%dma_wait3A_62 : memref<10000x16xf32, #tpu.memory_space<hbm>>) dst(%arg15 : memref<80x16xf32, #tpu.memory_space<vmem>>)
    %parallel_loop3A = arith.constant 0 : i32
    %parallel_loop3A_63 = arith.constant 80 : i32
    %parallel_loop3A_64 = arith.constant 1 : i32
    scf.for %parallel_loop3A_305 = %parallel_loop3A to %parallel_loop3A_63 step %parallel_loop3A_64  : i32 {
      %parallel_loop3A_306 = arith.index_cast %parallel_loop3A_305 : i32 to index
      %parallel_loop3A_307 = arith.constant 128 : index
      %parallel_loop3A_308 = tpu.vector_load %arg12[%parallel_loop3A_306, %parallel_loop3A_307] {strides = array<i32>} : memref<80x144xf32, #tpu.memory_space<vmem>>, vector<16xf32>,
      %parallel_loop3A_309 = arith.index_cast %parallel_loop3A_305 : i32 to index
      %parallel_loop3A_310 = arith.constant 0 : index
      %parallel_loop3A_311 = tpu.vector_load %arg15[%parallel_loop3A_309, %parallel_loop3A_310] {strides = array<i32>} : memref<80x16xf32, #tpu.memory_space<vmem>>, vector<16xf32>,
      %parallel_loop3A_312 = arith.addf %parallel_loop3A_308, %parallel_loop3A_311 : vector<16xf32>
      %parallel_loop3A_313 = arith.constant 0.000000e+00 : f32
      %parallel_loop3A_314 = vector.broadcast %parallel_loop3A_313 : f32 to vector<16xf32>
      %parallel_loop3A_315 = arith.cmpf ogt, %parallel_loop3A_312, %parallel_loop3A_314 : vector<16xf32>
      %parallel_loop3A_316 = arith.constant 2.000000e-01 : f32
      %parallel_loop3A_317 = vector.broadcast %parallel_loop3A_316 : f32 to vector<16xf32>
      %parallel_loop3A_318 = arith.mulf %parallel_loop3A_317, %parallel_loop3A_312 : vector<16xf32>
      %parallel_loop3A_319 = arith.select %parallel_loop3A_315, %parallel_loop3A_312, %parallel_loop3A_318 : vector<16xi1>, vector<16xf32>
      %parallel_loop3A_320 = arith.subf %parallel_loop3A_319, %get3A_26 : vector<16xf32>
      %parallel_loop3A_321 = math.exp %parallel_loop3A_320 : vector<16xf32>
      %parallel_loop3A_322 = arith.index_cast %parallel_loop3A_305 : i32 to index
      %parallel_loop3A_323 = arith.constant 128 : index
      %parallel_loop3A_324 = tpu.vector_load %arg12[%parallel_loop3A_322, %parallel_loop3A_323] {strides = array<i32>} : memref<80x144xf32, #tpu.memory_space<vmem>>, vector<16xf32>,
      tpu.vector_store %arg12[%parallel_loop3A_322, %parallel_loop3A_323], %parallel_loop3A_321 {strides = array<i32>} : memref<80x144xf32, #tpu.memory_space<vmem>>, vector<16xf32>,
      %parallel_loop3A_325 = vector.shape_cast %broadcast_in_dim3A_28 : vector<16x1xi32> to vector<16xi32>
      %parallel_loop3A_326 = tpu.dynamic_gather %parallel_loop3A_321[%parallel_loop3A_325] in [0] : vector<16xf32>, vector<16xi32> -> vector<16xf32>
      %parallel_loop3A_327 = arith.index_cast %parallel_loop3A_305 : i32 to index
      %parallel_loop3A_328 = arith.constant 0 : index
      %parallel_loop3A_329 = tpu.vector_load %arg12[%parallel_loop3A_327, %parallel_loop3A_328] {strides = array<i32>} : memref<80x144xf32, #tpu.memory_space<vmem>>, vector<16xf32>,
      %parallel_loop3A_330 = arith.mulf %parallel_loop3A_329, %parallel_loop3A_326 : vector<16xf32>
      %parallel_loop3A_331 = arith.index_cast %parallel_loop3A_305 : i32 to index
      %parallel_loop3A_332 = arith.constant 0 : index
      %parallel_loop3A_333 = tpu.vector_load %arg12[%parallel_loop3A_331, %parallel_loop3A_332] {strides = array<i32>} : memref<80x144xf32, #tpu.memory_space<vmem>>, vector<16xf32>,
      tpu.vector_store %arg12[%parallel_loop3A_331, %parallel_loop3A_332], %parallel_loop3A_330 {strides = array<i32>} : memref<80x144xf32, #tpu.memory_space<vmem>>, vector<16xf32>,
      %parallel_loop3A_334 = arith.index_cast %parallel_loop3A_305 : i32 to index
      %parallel_loop3A_335 = arith.constant 16 : index
      %parallel_loop3A_336 = tpu.vector_load %arg12[%parallel_loop3A_334, %parallel_loop3A_335] {strides = array<i32>} : memref<80x144xf32, #tpu.memory_space<vmem>>, vector<16xf32>,
      %parallel_loop3A_337 = arith.mulf %parallel_loop3A_336, %parallel_loop3A_326 : vector<16xf32>
      %parallel_loop3A_338 = arith.index_cast %parallel_loop3A_305 : i32 to index
      %parallel_loop3A_339 = arith.constant 16 : index
      %parallel_loop3A_340 = tpu.vector_load %arg12[%parallel_loop3A_338, %parallel_loop3A_339] {strides = array<i32>} : memref<80x144xf32, #tpu.memory_space<vmem>>, vector<16xf32>,
      tpu.vector_store %arg12[%parallel_loop3A_338, %parallel_loop3A_339], %parallel_loop3A_337 {strides = array<i32>} : memref<80x144xf32, #tpu.memory_space<vmem>>, vector<16xf32>,
      %parallel_loop3A_341 = vector.shape_cast %broadcast_in_dim3A_30 : vector<16x1xi32> to vector<16xi32>
      %parallel_loop3A_342 = tpu.dynamic_gather %parallel_loop3A_321[%parallel_loop3A_341] in [0] : vector<16xf32>, vector<16xi32> -> vector<16xf32>
      %parallel_loop3A_343 = arith.index_cast %parallel_loop3A_305 : i32 to index
      %parallel_loop3A_344 = arith.constant 32 : index
      %parallel_loop3A_345 = tpu.vector_load %arg12[%parallel_loop3A_343, %parallel_loop3A_344] {strides = array<i32>} : memref<80x144xf32, #tpu.memory_space<vmem>>, vector<16xf32>,
      %parallel_loop3A_346 = arith.mulf %parallel_loop3A_345, %parallel_loop3A_342 : vector<16xf32>
      %parallel_loop3A_347 = arith.index_cast %parallel_loop3A_305 : i32 to index
      %parallel_loop3A_348 = arith.constant 32 : index
      %parallel_loop3A_349 = tpu.vector_load %arg12[%parallel_loop3A_347, %parallel_loop3A_348] {strides = array<i32>} : memref<80x144xf32, #tpu.memory_space<vmem>>, vector<16xf32>,
      tpu.vector_store %arg12[%parallel_loop3A_347, %parallel_loop3A_348], %parallel_loop3A_346 {strides = array<i32>} : memref<80x144xf32, #tpu.memory_space<vmem>>, vector<16xf32>,
      %parallel_loop3A_350 = arith.index_cast %parallel_loop3A_305 : i32 to index
      %parallel_loop3A_351 = arith.constant 48 : index
      %parallel_loop3A_352 = tpu.vector_load %arg12[%parallel_loop3A_350, %parallel_loop3A_351] {strides = array<i32>} : memref<80x144xf32, #tpu.memory_space<vmem>>, vector<16xf32>,
      %parallel_loop3A_353 = arith.mulf %parallel_loop3A_352, %parallel_loop3A_342 : vector<16xf32>
      %parallel_loop3A_354 = arith.index_cast %parallel_loop3A_305 : i32 to index
      %parallel_loop3A_355 = arith.constant 48 : index
      %parallel_loop3A_356 = tpu.vector_load %arg12[%parallel_loop3A_354, %parallel_loop3A_355] {strides = array<i32>} : memref<80x144xf32, #tpu.memory_space<vmem>>, vector<16xf32>,
      tpu.vector_store %arg12[%parallel_loop3A_354, %parallel_loop3A_355], %parallel_loop3A_353 {strides = array<i32>} : memref<80x144xf32, #tpu.memory_space<vmem>>, vector<16xf32>,
      %parallel_loop3A_357 = vector.shape_cast %broadcast_in_dim3A_32 : vector<16x1xi32> to vector<16xi32>
      %parallel_loop3A_358 = tpu.dynamic_gather %parallel_loop3A_321[%parallel_loop3A_357] in [0] : vector<16xf32>, vector<16xi32> -> vector<16xf32>
      %parallel_loop3A_359 = arith.index_cast %parallel_loop3A_305 : i32 to index
      %parallel_loop3A_360 = arith.constant 64 : index
      %parallel_loop3A_361 = tpu.vector_load %arg12[%parallel_loop3A_359, %parallel_loop3A_360] {strides = array<i32>} : memref<80x144xf32, #tpu.memory_space<vmem>>, vector<16xf32>,
      %parallel_loop3A_362 = arith.mulf %parallel_loop3A_361, %parallel_loop3A_358 : vector<16xf32>
      %parallel_loop3A_363 = arith.index_cast %parallel_loop3A_305 : i32 to index
      %parallel_loop3A_364 = arith.constant 64 : index
      %parallel_loop3A_365 = tpu.vector_load %arg12[%parallel_loop3A_363, %parallel_loop3A_364] {strides = array<i32>} : memref<80x144xf32, #tpu.memory_space<vmem>>, vector<16xf32>,
      tpu.vector_store %arg12[%parallel_loop3A_363, %parallel_loop3A_364], %parallel_loop3A_362 {strides = array<i32>} : memref<80x144xf32, #tpu.memory_space<vmem>>, vector<16xf32>,
      %parallel_loop3A_366 = arith.index_cast %parallel_loop3A_305 : i32 to index
      %parallel_loop3A_367 = arith.constant 80 : index
      %parallel_loop3A_368 = tpu.vector_load %arg12[%parallel_loop3A_366, %parallel_loop3A_367] {strides = array<i32>} : memref<80x144xf32, #tpu.memory_space<vmem>>, vector<16xf32>,
      %parallel_loop3A_369 = arith.mulf %parallel_loop3A_368, %parallel_loop3A_358 : vector<16xf32>
      %parallel_loop3A_370 = arith.index_cast %parallel_loop3A_305 : i32 to index
      %parallel_loop3A_371 = arith.constant 80 : index
      %parallel_loop3A_372 = tpu.vector_load %arg12[%parallel_loop3A_370, %parallel_loop3A_371] {strides = array<i32>} : memref<80x144xf32, #tpu.memory_space<vmem>>, vector<16xf32>,
      tpu.vector_store %arg12[%parallel_loop3A_370, %parallel_loop3A_371], %parallel_loop3A_369 {strides = array<i32>} : memref<80x144xf32, #tpu.memory_space<vmem>>, vector<16xf32>,
      %parallel_loop3A_373 = vector.shape_cast %broadcast_in_dim3A_34 : vector<16x1xi32> to vector<16xi32>
      %parallel_loop3A_374 = tpu.dynamic_gather %parallel_loop3A_321[%parallel_loop3A_373] in [0] : vector<16xf32>, vector<16xi32> -> vector<16xf32>
      %parallel_loop3A_375 = arith.index_cast %parallel_loop3A_305 : i32 to index
      %parallel_loop3A_376 = arith.constant 96 : index
      %parallel_loop3A_377 = tpu.vector_load %arg12[%parallel_loop3A_375, %parallel_loop3A_376] {strides = array<i32>} : memref<80x144xf32, #tpu.memory_space<vmem>>, vector<16xf32>,
      %parallel_loop3A_378 = arith.mulf %parallel_loop3A_377, %parallel_loop3A_374 : vector<16xf32>
      %parallel_loop3A_379 = arith.index_cast %parallel_loop3A_305 : i32 to index
      %parallel_loop3A_380 = arith.constant 96 : index
      %parallel_loop3A_381 = tpu.vector_load %arg12[%parallel_loop3A_379, %parallel_loop3A_380] {strides = array<i32>} : memref<80x144xf32, #tpu.memory_space<vmem>>, vector<16xf32>,
      tpu.vector_store %arg12[%parallel_loop3A_379, %parallel_loop3A_380], %parallel_loop3A_378 {strides = array<i32>} : memref<80x144xf32, #tpu.memory_space<vmem>>, vector<16xf32>,
      %parallel_loop3A_382 = arith.index_cast %parallel_loop3A_305 : i32 to index
      %parallel_loop3A_383 = arith.constant 112 : index
      %parallel_loop3A_384 = tpu.vector_load %arg12[%parallel_loop3A_382, %parallel_loop3A_383] {strides = array<i32>} : memref<80x144xf32, #tpu.memory_space<vmem>>, vector<16xf32>,
      %parallel_loop3A_385 = arith.mulf %parallel_loop3A_384, %parallel_loop3A_374 : vector<16xf32>
      %parallel_loop3A_386 = arith.index_cast %parallel_loop3A_305 : i32 to index
      %parallel_loop3A_387 = arith.constant 112 : index
      %parallel_loop3A_388 = tpu.vector_load %arg12[%parallel_loop3A_386, %parallel_loop3A_387] {strides = array<i32>} : memref<80x144xf32, #tpu.memory_space<vmem>>, vector<16xf32>,
      tpu.vector_store %arg12[%parallel_loop3A_386, %parallel_loop3A_387], %parallel_loop3A_385 {strides = array<i32>} : memref<80x144xf32, #tpu.memory_space<vmem>>, vector<16xf32>,
    } {sc.loop_unroll_factor = 4 : i64, sc.parallel_access}
    %dma_start3A_65 = arith.constant 1 : i32
    %dma_start3A_66 = arith.constant 0 : i32
    %dma_start3A_67 = tpu.memref_slice %arg9[%dma_start3A_65, %dma_start3A_66] : memref<2x80xi32, #tpu.memory_space<vmem>> -> memref<1x80xi32, #tpu.memory_space<vmem>>
    %dma_start3A_68 = tpu.memref_squeeze %dma_start3A_67 : memref<1x80xi32, #tpu.memory_space<vmem>> -> memref<80xi32, #tpu.memory_space<vmem>>
    %dma_start3A_69 = arith.constant 0 : i32
    %dma_start3A_70 = arith.constant 0 : i32
    %dma_start3A_71 = tpu.memref_slice %arg17[%dma_start3A_69, %dma_start3A_70] : memref<10240x144xf32, #tpu.memory_space<vmem_shared>> -> memref<10240x144xf32, #tpu.memory_space<vmem_shared>>
    tpu.enqueue_indirect_dma source(%arg12 : memref<80x144xf32, #tpu.memory_space<vmem>>) target(%dma_start3A_71 : memref<10240x144xf32, #tpu.memory_space<vmem_shared>>) offsets(%dma_start3A_68 : memref<80xi32, #tpu.memory_space<vmem>>) semaphore(%arg26 : memref<!tpu.dma_semaphore, #tpu.memory_space<semaphore_mem>>) {add = true}
    %dma_wait3A_72 = arith.constant 1 : i32
    %dma_wait3A_73 = arith.constant 0 : i32
    %dma_wait3A_74 = tpu.memref_slice %arg9[%dma_wait3A_72, %dma_wait3A_73] : memref<2x80xi32, #tpu.memory_space<vmem>> -> memref<1x80xi32, #tpu.memory_space<vmem>>
    %dma_wait3A_75 = tpu.memref_squeeze %dma_wait3A_74 : memref<1x80xi32, #tpu.memory_space<vmem>> -> memref<80xi32, #tpu.memory_space<vmem>>
    %dma_wait3A_76 = arith.constant 0 : i32
    %dma_wait3A_77 = arith.constant 0 : i32
    %dma_wait3A_78 = tpu.memref_slice %arg17[%dma_wait3A_76, %dma_wait3A_77] : memref<10240x144xf32, #tpu.memory_space<vmem_shared>> -> memref<10240x144xf32, #tpu.memory_space<vmem_shared>>
    tpu.wait_indirect_dma semaphore(%arg26 : memref<!tpu.dma_semaphore, #tpu.memory_space<semaphore_mem>>) src(%arg12 : memref<80x144xf32, #tpu.memory_space<vmem>>) dst(%dma_wait3A_78 : memref<10240x144xf32, #tpu.memory_space<vmem_shared>>)
    %add3A_79 = arith.constant 1 : i32
    %add3A_80 = arith.addi %mul3A_25, %add3A_79 : i32
    "tpu.region"() ({
      %run_scoped3A = tpu.sem_alloc : memref<!tpu.dma_semaphore, #tpu.memory_space<semaphore_mem>>
      %dma_start3A_305 = arith.constant 0 : i32
      %dma_start3A_306 = arith.constant 0 : i32
      %dma_start3A_307 = tpu.memref_slice %arg5[%add3A_80, %dma_start3A_305, %dma_start3A_306] : memref<4000x2x80xi32, #tpu.memory_space<hbm>> -> memref<1x2x80xi32, #tpu.memory_space<hbm>>
      %dma_start3A_308 = tpu.memref_squeeze %dma_start3A_307 : memref<1x2x80xi32, #tpu.memory_space<hbm>> -> memref<2x80xi32, #tpu.memory_space<hbm>>
      %dma_start3A_309 = arith.constant 0 : i32
      %dma_start3A_310 = arith.constant 0 : i32
      %dma_start3A_311 = tpu.memref_slice %arg5[%add3A_80, %dma_start3A_309, %dma_start3A_310] : memref<4000x2x80xi32, #tpu.memory_space<hbm>> -> memref<1x2x80xi32, #tpu.memory_space<hbm>>
      %dma_start3A_312 = tpu.memref_squeeze %dma_start3A_311 : memref<1x2x80xi32, #tpu.memory_space<hbm>> -> memref<2x80xi32, #tpu.memory_space<hbm>>
      tpu.enqueue_dma source(%dma_start3A_312 : memref<2x80xi32, #tpu.memory_space<hbm>>) target(%arg9 : memref<2x80xi32, #tpu.memory_space<vmem>>) target_semaphore(%run_scoped3A : memref<!tpu.dma_semaphore, #tpu.memory_space<semaphore_mem>>)
      %dma_wait3A_313 = arith.constant 0 : i32
      %dma_wait3A_314 = arith.constant 0 : i32
      %dma_wait3A_315 = tpu.memref_slice %arg5[%add3A_80, %dma_wait3A_313, %dma_wait3A_314] : memref<4000x2x80xi32, #tpu.memory_space<hbm>> -> memref<1x2x80xi32, #tpu.memory_space<hbm>>
      %dma_wait3A_316 = tpu.memref_squeeze %dma_wait3A_315 : memref<1x2x80xi32, #tpu.memory_space<hbm>> -> memref<2x80xi32, #tpu.memory_space<hbm>>
      %dma_wait3A_317 = arith.constant 0 : i32
      %dma_wait3A_318 = arith.constant 0 : i32
      %dma_wait3A_319 = tpu.memref_slice %arg5[%add3A_80, %dma_wait3A_317, %dma_wait3A_318] : memref<4000x2x80xi32, #tpu.memory_space<hbm>> -> memref<1x2x80xi32, #tpu.memory_space<hbm>>
      %dma_wait3A_320 = tpu.memref_squeeze %dma_wait3A_319 : memref<1x2x80xi32, #tpu.memory_space<hbm>> -> memref<2x80xi32, #tpu.memory_space<hbm>>
      tpu.wait_dma2 semaphore(%run_scoped3A : memref<!tpu.dma_semaphore, #tpu.memory_space<semaphore_mem>>) src(%dma_wait3A_320 : memref<2x80xi32, #tpu.memory_space<hbm>>) dst(%arg9 : memref<2x80xi32, #tpu.memory_space<vmem>>)
      tpu.yield
    }) : () -> ()
    %dma_start3A_81 = arith.constant 0 : i32
    %dma_start3A_82 = arith.constant 0 : i32
    %dma_start3A_83 = tpu.memref_slice %arg9[%dma_start3A_81, %dma_start3A_82] : memref<2x80xi32, #tpu.memory_space<vmem>> -> memref<1x80xi32, #tpu.memory_space<vmem>>
    %dma_start3A_84 = tpu.memref_squeeze %dma_start3A_83 : memref<1x80xi32, #tpu.memory_space<vmem>> -> memref<80xi32, #tpu.memory_space<vmem>>
    %dma_start3A_85 = arith.constant 0 : i32
    %dma_start3A_86 = arith.constant 0 : i32
    %dma_start3A_87 = tpu.memref_slice %arg2[%dma_start3A_85, %dma_start3A_86] : memref<10000x144xf32, #tpu.memory_space<hbm>> -> memref<10000x144xf32, #tpu.memory_space<hbm>>
    tpu.enqueue_indirect_dma source(%dma_start3A_87 : memref<10000x144xf32, #tpu.memory_space<hbm>>) target(%arg12 : memref<80x144xf32, #tpu.memory_space<vmem>>) offsets(%dma_start3A_84 : memref<80xi32, #tpu.memory_space<vmem>>) semaphore(%arg20 : memref<!tpu.dma_semaphore, #tpu.memory_space<semaphore_mem>>)
    %dma_start3A_88 = arith.constant 1 : i32
    %dma_start3A_89 = arith.constant 0 : i32
    %dma_start3A_90 = tpu.memref_slice %arg9[%dma_start3A_88, %dma_start3A_89] : memref<2x80xi32, #tpu.memory_space<vmem>> -> memref<1x80xi32, #tpu.memory_space<vmem>>
    %dma_start3A_91 = tpu.memref_squeeze %dma_start3A_90 : memref<1x80xi32, #tpu.memory_space<vmem>> -> memref<80xi32, #tpu.memory_space<vmem>>
    %dma_start3A_92 = arith.constant 0 : i32
    %dma_start3A_93 = arith.constant 0 : i32
    %dma_start3A_94 = tpu.memref_slice %arg3[%dma_start3A_92, %dma_start3A_93] : memref<10000x16xf32, #tpu.memory_space<hbm>> -> memref<10000x16xf32, #tpu.memory_space<hbm>>
    tpu.enqueue_indirect_dma source(%dma_start3A_94 : memref<10000x16xf32, #tpu.memory_space<hbm>>) target(%arg15 : memref<80x16xf32, #tpu.memory_space<vmem>>) offsets(%dma_start3A_91 : memref<80xi32, #tpu.memory_space<vmem>>) semaphore(%arg23 : memref<!tpu.dma_semaphore, #tpu.memory_space<semaphore_mem>>)
    %dma_wait3A_95 = arith.constant 0 : i32
    %dma_wait3A_96 = arith.constant 0 : i32
    %dma_wait3A_97 = tpu.memref_slice %arg9[%dma_wait3A_95, %dma_wait3A_96] : memref<2x80xi32, #tpu.memory_space<vmem>> -> memref<1x80xi32, #tpu.memory_space<vmem>>
    %dma_wait3A_98 = tpu.memref_squeeze %dma_wait3A_97 : memref<1x80xi32, #tpu.memory_space<vmem>> -> memref<80xi32, #tpu.memory_space<vmem>>
    %dma_wait3A_99 = arith.constant 0 : i32
    %dma_wait3A_100 = arith.constant 0 : i32
    %dma_wait3A_101 = tpu.memref_slice %arg2[%dma_wait3A_99, %dma_wait3A_100] : memref<10000x144xf32, #tpu.memory_space<hbm>> -> memref<10000x144xf32, #tpu.memory_space<hbm>>
    tpu.wait_indirect_dma semaphore(%arg20 : memref<!tpu.dma_semaphore, #tpu.memory_space<semaphore_mem>>) src(%dma_wait3A_101 : memref<10000x144xf32, #tpu.memory_space<hbm>>) dst(%arg12 : memref<80x144xf32, #tpu.memory_space<vmem>>)
    %dma_wait3A_102 = arith.constant 1 : i32
    %dma_wait3A_103 = arith.constant 0 : i32
    %dma_wait3A_104 = tpu.memref_slice %arg9[%dma_wait3A_102, %dma_wait3A_103] : memref<2x80xi32, #tpu.memory_space<vmem>> -> memref<1x80xi32, #tpu.memory_space<vmem>>
    %dma_wait3A_105 = tpu.memref_squeeze %dma_wait3A_104 : memref<1x80xi32, #tpu.memory_space<vmem>> -> memref<80xi32, #tpu.memory_space<vmem>>
    %dma_wait3A_106 = arith.constant 0 : i32
    %dma_wait3A_107 = arith.constant 0 : i32
    %dma_wait3A_108 = tpu.memref_slice %arg3[%dma_wait3A_106, %dma_wait3A_107] : memref<10000x16xf32, #tpu.memory_space<hbm>> -> memref<10000x16xf32, #tpu.memory_space<hbm>>
    tpu.wait_indirect_dma semaphore(%arg23 : memref<!tpu.dma_semaphore, #tpu.memory_space<semaphore_mem>>) src(%dma_wait3A_108 : memref<10000x16xf32, #tpu.memory_space<hbm>>) dst(%arg15 : memref<80x16xf32, #tpu.memory_space<vmem>>)
    %parallel_loop3A_109 = arith.constant 0 : i32
    %parallel_loop3A_110 = arith.constant 80 : i32
    %parallel_loop3A_111 = arith.constant 1 : i32
    scf.for %parallel_loop3A_305 = %parallel_loop3A_109 to %parallel_loop3A_110 step %parallel_loop3A_111  : i32 {
      %parallel_loop3A_306 = arith.index_cast %parallel_loop3A_305 : i32 to index
      %parallel_loop3A_307 = arith.constant 128 : index
      %parallel_loop3A_308 = tpu.vector_load %arg12[%parallel_loop3A_306, %parallel_loop3A_307] {strides = array<i32>} : memref<80x144xf32, #tpu.memory_space<vmem>>, vector<16xf32>,
      %parallel_loop3A_309 = arith.index_cast %parallel_loop3A_305 : i32 to index
      %parallel_loop3A_310 = arith.constant 0 : index
      %parallel_loop3A_311 = tpu.vector_load %arg15[%parallel_loop3A_309, %parallel_loop3A_310] {strides = array<i32>} : memref<80x16xf32, #tpu.memory_space<vmem>>, vector<16xf32>,
      %parallel_loop3A_312 = arith.addf %parallel_loop3A_308, %parallel_loop3A_311 : vector<16xf32>
      %parallel_loop3A_313 = arith.constant 0.000000e+00 : f32
      %parallel_loop3A_314 = vector.broadcast %parallel_loop3A_313 : f32 to vector<16xf32>
      %parallel_loop3A_315 = arith.cmpf ogt, %parallel_loop3A_312, %parallel_loop3A_314 : vector<16xf32>
      %parallel_loop3A_316 = arith.constant 2.000000e-01 : f32
      %parallel_loop3A_317 = vector.broadcast %parallel_loop3A_316 : f32 to vector<16xf32>
      %parallel_loop3A_318 = arith.mulf %parallel_loop3A_317, %parallel_loop3A_312 : vector<16xf32>
      %parallel_loop3A_319 = arith.select %parallel_loop3A_315, %parallel_loop3A_312, %parallel_loop3A_318 : vector<16xi1>, vector<16xf32>
      %parallel_loop3A_320 = arith.subf %parallel_loop3A_319, %get3A_26 : vector<16xf32>
      %parallel_loop3A_321 = math.exp %parallel_loop3A_320 : vector<16xf32>
      %parallel_loop3A_322 = arith.index_cast %parallel_loop3A_305 : i32 to index
      %parallel_loop3A_323 = arith.constant 128 : index
      %parallel_loop3A_324 = tpu.vector_load %arg12[%parallel_loop3A_322, %parallel_loop3A_323] {strides = array<i32>} : memref<80x144xf32, #tpu.memory_space<vmem>>, vector<16xf32>,
      tpu.vector_store %arg12[%parallel_loop3A_322, %parallel_loop3A_323], %parallel_loop3A_321 {strides = array<i32>} : memref<80x144xf32, #tpu.memory_space<vmem>>, vector<16xf32>,
      %parallel_loop3A_325 = vector.shape_cast %broadcast_in_dim3A_28 : vector<16x1xi32> to vector<16xi32>
      %parallel_loop3A_326 = tpu.dynamic_gather %parallel_loop3A_321[%parallel_loop3A_325] in [0] : vector<16xf32>, vector<16xi32> -> vector<16xf32>
      %parallel_loop3A_327 = arith.index_cast %parallel_loop3A_305 : i32 to index
      %parallel_loop3A_328 = arith.constant 0 : index
      %parallel_loop3A_329 = tpu.vector_load %arg12[%parallel_loop3A_327, %parallel_loop3A_328] {strides = array<i32>} : memref<80x144xf32, #tpu.memory_space<vmem>>, vector<16xf32>,
      %parallel_loop3A_330 = arith.mulf %parallel_loop3A_329, %parallel_loop3A_326 : vector<16xf32>
      %parallel_loop3A_331 = arith.index_cast %parallel_loop3A_305 : i32 to index
      %parallel_loop3A_332 = arith.constant 0 : index
      %parallel_loop3A_333 = tpu.vector_load %arg12[%parallel_loop3A_331, %parallel_loop3A_332] {strides = array<i32>} : memref<80x144xf32, #tpu.memory_space<vmem>>, vector<16xf32>,
      tpu.vector_store %arg12[%parallel_loop3A_331, %parallel_loop3A_332], %parallel_loop3A_330 {strides = array<i32>} : memref<80x144xf32, #tpu.memory_space<vmem>>, vector<16xf32>,
      %parallel_loop3A_334 = arith.index_cast %parallel_loop3A_305 : i32 to index
      %parallel_loop3A_335 = arith.constant 16 : index
      %parallel_loop3A_336 = tpu.vector_load %arg12[%parallel_loop3A_334, %parallel_loop3A_335] {strides = array<i32>} : memref<80x144xf32, #tpu.memory_space<vmem>>, vector<16xf32>,
      %parallel_loop3A_337 = arith.mulf %parallel_loop3A_336, %parallel_loop3A_326 : vector<16xf32>
      %parallel_loop3A_338 = arith.index_cast %parallel_loop3A_305 : i32 to index
      %parallel_loop3A_339 = arith.constant 16 : index
      %parallel_loop3A_340 = tpu.vector_load %arg12[%parallel_loop3A_338, %parallel_loop3A_339] {strides = array<i32>} : memref<80x144xf32, #tpu.memory_space<vmem>>, vector<16xf32>,
      tpu.vector_store %arg12[%parallel_loop3A_338, %parallel_loop3A_339], %parallel_loop3A_337 {strides = array<i32>} : memref<80x144xf32, #tpu.memory_space<vmem>>, vector<16xf32>,
      %parallel_loop3A_341 = vector.shape_cast %broadcast_in_dim3A_30 : vector<16x1xi32> to vector<16xi32>
      %parallel_loop3A_342 = tpu.dynamic_gather %parallel_loop3A_321[%parallel_loop3A_341] in [0] : vector<16xf32>, vector<16xi32> -> vector<16xf32>
      %parallel_loop3A_343 = arith.index_cast %parallel_loop3A_305 : i32 to index
      %parallel_loop3A_344 = arith.constant 32 : index
      %parallel_loop3A_345 = tpu.vector_load %arg12[%parallel_loop3A_343, %parallel_loop3A_344] {strides = array<i32>} : memref<80x144xf32, #tpu.memory_space<vmem>>, vector<16xf32>,
      %parallel_loop3A_346 = arith.mulf %parallel_loop3A_345, %parallel_loop3A_342 : vector<16xf32>
      %parallel_loop3A_347 = arith.index_cast %parallel_loop3A_305 : i32 to index
      %parallel_loop3A_348 = arith.constant 32 : index
      %parallel_loop3A_349 = tpu.vector_load %arg12[%parallel_loop3A_347, %parallel_loop3A_348] {strides = array<i32>} : memref<80x144xf32, #tpu.memory_space<vmem>>, vector<16xf32>,
      tpu.vector_store %arg12[%parallel_loop3A_347, %parallel_loop3A_348], %parallel_loop3A_346 {strides = array<i32>} : memref<80x144xf32, #tpu.memory_space<vmem>>, vector<16xf32>,
      %parallel_loop3A_350 = arith.index_cast %parallel_loop3A_305 : i32 to index
      %parallel_loop3A_351 = arith.constant 48 : index
      %parallel_loop3A_352 = tpu.vector_load %arg12[%parallel_loop3A_350, %parallel_loop3A_351] {strides = array<i32>} : memref<80x144xf32, #tpu.memory_space<vmem>>, vector<16xf32>,
      %parallel_loop3A_353 = arith.mulf %parallel_loop3A_352, %parallel_loop3A_342 : vector<16xf32>
      %parallel_loop3A_354 = arith.index_cast %parallel_loop3A_305 : i32 to index
      %parallel_loop3A_355 = arith.constant 48 : index
      %parallel_loop3A_356 = tpu.vector_load %arg12[%parallel_loop3A_354, %parallel_loop3A_355] {strides = array<i32>} : memref<80x144xf32, #tpu.memory_space<vmem>>, vector<16xf32>,
      tpu.vector_store %arg12[%parallel_loop3A_354, %parallel_loop3A_355], %parallel_loop3A_353 {strides = array<i32>} : memref<80x144xf32, #tpu.memory_space<vmem>>, vector<16xf32>,
      %parallel_loop3A_357 = vector.shape_cast %broadcast_in_dim3A_32 : vector<16x1xi32> to vector<16xi32>
      %parallel_loop3A_358 = tpu.dynamic_gather %parallel_loop3A_321[%parallel_loop3A_357] in [0] : vector<16xf32>, vector<16xi32> -> vector<16xf32>
      %parallel_loop3A_359 = arith.index_cast %parallel_loop3A_305 : i32 to index
      %parallel_loop3A_360 = arith.constant 64 : index
      %parallel_loop3A_361 = tpu.vector_load %arg12[%parallel_loop3A_359, %parallel_loop3A_360] {strides = array<i32>} : memref<80x144xf32, #tpu.memory_space<vmem>>, vector<16xf32>,
      %parallel_loop3A_362 = arith.mulf %parallel_loop3A_361, %parallel_loop3A_358 : vector<16xf32>
      %parallel_loop3A_363 = arith.index_cast %parallel_loop3A_305 : i32 to index
      %parallel_loop3A_364 = arith.constant 64 : index
      %parallel_loop3A_365 = tpu.vector_load %arg12[%parallel_loop3A_363, %parallel_loop3A_364] {strides = array<i32>} : memref<80x144xf32, #tpu.memory_space<vmem>>, vector<16xf32>,
      tpu.vector_store %arg12[%parallel_loop3A_363, %parallel_loop3A_364], %parallel_loop3A_362 {strides = array<i32>} : memref<80x144xf32, #tpu.memory_space<vmem>>, vector<16xf32>,
      %parallel_loop3A_366 = arith.index_cast %parallel_loop3A_305 : i32 to index
      %parallel_loop3A_367 = arith.constant 80 : index
      %parallel_loop3A_368 = tpu.vector_load %arg12[%parallel_loop3A_366, %parallel_loop3A_367] {strides = array<i32>} : memref<80x144xf32, #tpu.memory_space<vmem>>, vector<16xf32>,
      %parallel_loop3A_369 = arith.mulf %parallel_loop3A_368, %parallel_loop3A_358 : vector<16xf32>
      %parallel_loop3A_370 = arith.index_cast %parallel_loop3A_305 : i32 to index
      %parallel_loop3A_371 = arith.constant 80 : index
      %parallel_loop3A_372 = tpu.vector_load %arg12[%parallel_loop3A_370, %parallel_loop3A_371] {strides = array<i32>} : memref<80x144xf32, #tpu.memory_space<vmem>>, vector<16xf32>,
      tpu.vector_store %arg12[%parallel_loop3A_370, %parallel_loop3A_371], %parallel_loop3A_369 {strides = array<i32>} : memref<80x144xf32, #tpu.memory_space<vmem>>, vector<16xf32>,
      %parallel_loop3A_373 = vector.shape_cast %broadcast_in_dim3A_34 : vector<16x1xi32> to vector<16xi32>
      %parallel_loop3A_374 = tpu.dynamic_gather %parallel_loop3A_321[%parallel_loop3A_373] in [0] : vector<16xf32>, vector<16xi32> -> vector<16xf32>
      %parallel_loop3A_375 = arith.index_cast %parallel_loop3A_305 : i32 to index
      %parallel_loop3A_376 = arith.constant 96 : index
      %parallel_loop3A_377 = tpu.vector_load %arg12[%parallel_loop3A_375, %parallel_loop3A_376] {strides = array<i32>} : memref<80x144xf32, #tpu.memory_space<vmem>>, vector<16xf32>,
      %parallel_loop3A_378 = arith.mulf %parallel_loop3A_377, %parallel_loop3A_374 : vector<16xf32>
      %parallel_loop3A_379 = arith.index_cast %parallel_loop3A_305 : i32 to index
      %parallel_loop3A_380 = arith.constant 96 : index
      %parallel_loop3A_381 = tpu.vector_load %arg12[%parallel_loop3A_379, %parallel_loop3A_380] {strides = array<i32>} : memref<80x144xf32, #tpu.memory_space<vmem>>, vector<16xf32>,
      tpu.vector_store %arg12[%parallel_loop3A_379, %parallel_loop3A_380], %parallel_loop3A_378 {strides = array<i32>} : memref<80x144xf32, #tpu.memory_space<vmem>>, vector<16xf32>,
      %parallel_loop3A_382 = arith.index_cast %parallel_loop3A_305 : i32 to index
      %parallel_loop3A_383 = arith.constant 112 : index
      %parallel_loop3A_384 = tpu.vector_load %arg12[%parallel_loop3A_382, %parallel_loop3A_383] {strides = array<i32>} : memref<80x144xf32, #tpu.memory_space<vmem>>, vector<16xf32>,
      %parallel_loop3A_385 = arith.mulf %parallel_loop3A_384, %parallel_loop3A_374 : vector<16xf32>
      %parallel_loop3A_386 = arith.index_cast %parallel_loop3A_305 : i32 to index
      %parallel_loop3A_387 = arith.constant 112 : index
      %parallel_loop3A_388 = tpu.vector_load %arg12[%parallel_loop3A_386, %parallel_loop3A_387] {strides = array<i32>} : memref<80x144xf32, #tpu.memory_space<vmem>>, vector<16xf32>,
      tpu.vector_store %arg12[%parallel_loop3A_386, %parallel_loop3A_387], %parallel_loop3A_385 {strides = array<i32>} : memref<80x144xf32, #tpu.memory_space<vmem>>, vector<16xf32>,
    } {sc.loop_unroll_factor = 4 : i64, sc.parallel_access}
    %dma_start3A_112 = arith.constant 1 : i32
    %dma_start3A_113 = arith.constant 0 : i32
    %dma_start3A_114 = tpu.memref_slice %arg9[%dma_start3A_112, %dma_start3A_113] : memref<2x80xi32, #tpu.memory_space<vmem>> -> memref<1x80xi32, #tpu.memory_space<vmem>>
    %dma_start3A_115 = tpu.memref_squeeze %dma_start3A_114 : memref<1x80xi32, #tpu.memory_space<vmem>> -> memref<80xi32, #tpu.memory_space<vmem>>
    %dma_start3A_116 = arith.constant 0 : i32
    %dma_start3A_117 = arith.constant 0 : i32
    %dma_start3A_118 = tpu.memref_slice %arg17[%dma_start3A_116, %dma_start3A_117] : memref<10240x144xf32, #tpu.memory_space<vmem_shared>> -> memref<10240x144xf32, #tpu.memory_space<vmem_shared>>
    tpu.enqueue_indirect_dma source(%arg12 : memref<80x144xf32, #tpu.memory_space<vmem>>) target(%dma_start3A_118 : memref<10240x144xf32, #tpu.memory_space<vmem_shared>>) offsets(%dma_start3A_115 : memref<80xi32, #tpu.memory_space<vmem>>) semaphore(%arg26 : memref<!tpu.dma_semaphore, #tpu.memory_space<semaphore_mem>>) {add = true}
    %dma_wait3A_119 = arith.constant 1 : i32
    %dma_wait3A_120 = arith.constant 0 : i32
    %dma_wait3A_121 = tpu.memref_slice %arg9[%dma_wait3A_119, %dma_wait3A_120] : memref<2x80xi32, #tpu.memory_space<vmem>> -> memref<1x80xi32, #tpu.memory_space<vmem>>
    %dma_wait3A_122 = tpu.memref_squeeze %dma_wait3A_121 : memref<1x80xi32, #tpu.memory_space<vmem>> -> memref<80xi32, #tpu.memory_space<vmem>>
    %dma_wait3A_123 = arith.constant 0 : i32
    %dma_wait3A_124 = arith.constant 0 : i32
    %dma_wait3A_125 = tpu.memref_slice %arg17[%dma_wait3A_123, %dma_wait3A_124] : memref<10240x144xf32, #tpu.memory_space<vmem_shared>> -> memref<10240x144xf32, #tpu.memory_space<vmem_shared>>
    tpu.wait_indirect_dma semaphore(%arg26 : memref<!tpu.dma_semaphore, #tpu.memory_space<semaphore_mem>>) src(%arg12 : memref<80x144xf32, #tpu.memory_space<vmem>>) dst(%dma_wait3A_125 : memref<10240x144xf32, #tpu.memory_space<vmem_shared>>)
    %add3A_126 = arith.constant 2 : i32
    %add3A_127 = arith.addi %mul3A_25, %add3A_126 : i32
    "tpu.region"() ({
      %run_scoped3A = tpu.sem_alloc : memref<!tpu.dma_semaphore, #tpu.memory_space<semaphore_mem>>
      %dma_start3A_305 = arith.constant 0 : i32
      %dma_start3A_306 = arith.constant 0 : i32
      %dma_start3A_307 = tpu.memref_slice %arg5[%add3A_127, %dma_start3A_305, %dma_start3A_306] : memref<4000x2x80xi32, #tpu.memory_space<hbm>> -> memref<1x2x80xi32, #tpu.memory_space<hbm>>
      %dma_start3A_308 = tpu.memref_squeeze %dma_start3A_307 : memref<1x2x80xi32, #tpu.memory_space<hbm>> -> memref<2x80xi32, #tpu.memory_space<hbm>>
      %dma_start3A_309 = arith.constant 0 : i32
      %dma_start3A_310 = arith.constant 0 : i32
      %dma_start3A_311 = tpu.memref_slice %arg5[%add3A_127, %dma_start3A_309, %dma_start3A_310] : memref<4000x2x80xi32, #tpu.memory_space<hbm>> -> memref<1x2x80xi32, #tpu.memory_space<hbm>>
      %dma_start3A_312 = tpu.memref_squeeze %dma_start3A_311 : memref<1x2x80xi32, #tpu.memory_space<hbm>> -> memref<2x80xi32, #tpu.memory_space<hbm>>
      tpu.enqueue_dma source(%dma_start3A_312 : memref<2x80xi32, #tpu.memory_space<hbm>>) target(%arg9 : memref<2x80xi32, #tpu.memory_space<vmem>>) target_semaphore(%run_scoped3A : memref<!tpu.dma_semaphore, #tpu.memory_space<semaphore_mem>>)
      %dma_wait3A_313 = arith.constant 0 : i32
      %dma_wait3A_314 = arith.constant 0 : i32
      %dma_wait3A_315 = tpu.memref_slice %arg5[%add3A_127, %dma_wait3A_313, %dma_wait3A_314] : memref<4000x2x80xi32, #tpu.memory_space<hbm>> -> memref<1x2x80xi32, #tpu.memory_space<hbm>>
      %dma_wait3A_316 = tpu.memref_squeeze %dma_wait3A_315 : memref<1x2x80xi32, #tpu.memory_space<hbm>> -> memref<2x80xi32, #tpu.memory_space<hbm>>
      %dma_wait3A_317 = arith.constant 0 : i32
      %dma_wait3A_318 = arith.constant 0 : i32
      %dma_wait3A_319 = tpu.memref_slice %arg5[%add3A_127, %dma_wait3A_317, %dma_wait3A_318] : memref<4000x2x80xi32, #tpu.memory_space<hbm>> -> memref<1x2x80xi32, #tpu.memory_space<hbm>>
      %dma_wait3A_320 = tpu.memref_squeeze %dma_wait3A_319 : memref<1x2x80xi32, #tpu.memory_space<hbm>> -> memref<2x80xi32, #tpu.memory_space<hbm>>
      tpu.wait_dma2 semaphore(%run_scoped3A : memref<!tpu.dma_semaphore, #tpu.memory_space<semaphore_mem>>) src(%dma_wait3A_320 : memref<2x80xi32, #tpu.memory_space<hbm>>) dst(%arg9 : memref<2x80xi32, #tpu.memory_space<vmem>>)
      tpu.yield
    }) : () -> ()
    %dma_start3A_128 = arith.constant 0 : i32
    %dma_start3A_129 = arith.constant 0 : i32
    %dma_start3A_130 = tpu.memref_slice %arg9[%dma_start3A_128, %dma_start3A_129] : memref<2x80xi32, #tpu.memory_space<vmem>> -> memref<1x80xi32, #tpu.memory_space<vmem>>
    %dma_start3A_131 = tpu.memref_squeeze %dma_start3A_130 : memref<1x80xi32, #tpu.memory_space<vmem>> -> memref<80xi32, #tpu.memory_space<vmem>>
    %dma_start3A_132 = arith.constant 0 : i32
    %dma_start3A_133 = arith.constant 0 : i32
    %dma_start3A_134 = tpu.memref_slice %arg2[%dma_start3A_132, %dma_start3A_133] : memref<10000x144xf32, #tpu.memory_space<hbm>> -> memref<10000x144xf32, #tpu.memory_space<hbm>>
    tpu.enqueue_indirect_dma source(%dma_start3A_134 : memref<10000x144xf32, #tpu.memory_space<hbm>>) target(%arg12 : memref<80x144xf32, #tpu.memory_space<vmem>>) offsets(%dma_start3A_131 : memref<80xi32, #tpu.memory_space<vmem>>) semaphore(%arg20 : memref<!tpu.dma_semaphore, #tpu.memory_space<semaphore_mem>>)
    %dma_start3A_135 = arith.constant 1 : i32
    %dma_start3A_136 = arith.constant 0 : i32
    %dma_start3A_137 = tpu.memref_slice %arg9[%dma_start3A_135, %dma_start3A_136] : memref<2x80xi32, #tpu.memory_space<vmem>> -> memref<1x80xi32, #tpu.memory_space<vmem>>
    %dma_start3A_138 = tpu.memref_squeeze %dma_start3A_137 : memref<1x80xi32, #tpu.memory_space<vmem>> -> memref<80xi32, #tpu.memory_space<vmem>>
    %dma_start3A_139 = arith.constant 0 : i32
    %dma_start3A_140 = arith.constant 0 : i32
    %dma_start3A_141 = tpu.memref_slice %arg3[%dma_start3A_139, %dma_start3A_140] : memref<10000x16xf32, #tpu.memory_space<hbm>> -> memref<10000x16xf32, #tpu.memory_space<hbm>>
    tpu.enqueue_indirect_dma source(%dma_start3A_141 : memref<10000x16xf32, #tpu.memory_space<hbm>>) target(%arg15 : memref<80x16xf32, #tpu.memory_space<vmem>>) offsets(%dma_start3A_138 : memref<80xi32, #tpu.memory_space<vmem>>) semaphore(%arg23 : memref<!tpu.dma_semaphore, #tpu.memory_space<semaphore_mem>>)
    %dma_wait3A_142 = arith.constant 0 : i32
    %dma_wait3A_143 = arith.constant 0 : i32
    %dma_wait3A_144 = tpu.memref_slice %arg9[%dma_wait3A_142, %dma_wait3A_143] : memref<2x80xi32, #tpu.memory_space<vmem>> -> memref<1x80xi32, #tpu.memory_space<vmem>>
    %dma_wait3A_145 = tpu.memref_squeeze %dma_wait3A_144 : memref<1x80xi32, #tpu.memory_space<vmem>> -> memref<80xi32, #tpu.memory_space<vmem>>
    %dma_wait3A_146 = arith.constant 0 : i32
    %dma_wait3A_147 = arith.constant 0 : i32
    %dma_wait3A_148 = tpu.memref_slice %arg2[%dma_wait3A_146, %dma_wait3A_147] : memref<10000x144xf32, #tpu.memory_space<hbm>> -> memref<10000x144xf32, #tpu.memory_space<hbm>>
    tpu.wait_indirect_dma semaphore(%arg20 : memref<!tpu.dma_semaphore, #tpu.memory_space<semaphore_mem>>) src(%dma_wait3A_148 : memref<10000x144xf32, #tpu.memory_space<hbm>>) dst(%arg12 : memref<80x144xf32, #tpu.memory_space<vmem>>)
    %dma_wait3A_149 = arith.constant 1 : i32
    %dma_wait3A_150 = arith.constant 0 : i32
    %dma_wait3A_151 = tpu.memref_slice %arg9[%dma_wait3A_149, %dma_wait3A_150] : memref<2x80xi32, #tpu.memory_space<vmem>> -> memref<1x80xi32, #tpu.memory_space<vmem>>
    %dma_wait3A_152 = tpu.memref_squeeze %dma_wait3A_151 : memref<1x80xi32, #tpu.memory_space<vmem>> -> memref<80xi32, #tpu.memory_space<vmem>>
    %dma_wait3A_153 = arith.constant 0 : i32
    %dma_wait3A_154 = arith.constant 0 : i32
    %dma_wait3A_155 = tpu.memref_slice %arg3[%dma_wait3A_153, %dma_wait3A_154] : memref<10000x16xf32, #tpu.memory_space<hbm>> -> memref<10000x16xf32, #tpu.memory_space<hbm>>
    tpu.wait_indirect_dma semaphore(%arg23 : memref<!tpu.dma_semaphore, #tpu.memory_space<semaphore_mem>>) src(%dma_wait3A_155 : memref<10000x16xf32, #tpu.memory_space<hbm>>) dst(%arg15 : memref<80x16xf32, #tpu.memory_space<vmem>>)
    %parallel_loop3A_156 = arith.constant 0 : i32
    %parallel_loop3A_157 = arith.constant 80 : i32
    %parallel_loop3A_158 = arith.constant 1 : i32
    scf.for %parallel_loop3A_305 = %parallel_loop3A_156 to %parallel_loop3A_157 step %parallel_loop3A_158  : i32 {
      %parallel_loop3A_306 = arith.index_cast %parallel_loop3A_305 : i32 to index
      %parallel_loop3A_307 = arith.constant 128 : index
      %parallel_loop3A_308 = tpu.vector_load %arg12[%parallel_loop3A_306, %parallel_loop3A_307] {strides = array<i32>} : memref<80x144xf32, #tpu.memory_space<vmem>>, vector<16xf32>,
      %parallel_loop3A_309 = arith.index_cast %parallel_loop3A_305 : i32 to index
      %parallel_loop3A_310 = arith.constant 0 : index
      %parallel_loop3A_311 = tpu.vector_load %arg15[%parallel_loop3A_309, %parallel_loop3A_310] {strides = array<i32>} : memref<80x16xf32, #tpu.memory_space<vmem>>, vector<16xf32>,
      %parallel_loop3A_312 = arith.addf %parallel_loop3A_308, %parallel_loop3A_311 : vector<16xf32>
      %parallel_loop3A_313 = arith.constant 0.000000e+00 : f32
      %parallel_loop3A_314 = vector.broadcast %parallel_loop3A_313 : f32 to vector<16xf32>
      %parallel_loop3A_315 = arith.cmpf ogt, %parallel_loop3A_312, %parallel_loop3A_314 : vector<16xf32>
      %parallel_loop3A_316 = arith.constant 2.000000e-01 : f32
      %parallel_loop3A_317 = vector.broadcast %parallel_loop3A_316 : f32 to vector<16xf32>
      %parallel_loop3A_318 = arith.mulf %parallel_loop3A_317, %parallel_loop3A_312 : vector<16xf32>
      %parallel_loop3A_319 = arith.select %parallel_loop3A_315, %parallel_loop3A_312, %parallel_loop3A_318 : vector<16xi1>, vector<16xf32>
      %parallel_loop3A_320 = arith.subf %parallel_loop3A_319, %get3A_26 : vector<16xf32>
      %parallel_loop3A_321 = math.exp %parallel_loop3A_320 : vector<16xf32>
      %parallel_loop3A_322 = arith.index_cast %parallel_loop3A_305 : i32 to index
      %parallel_loop3A_323 = arith.constant 128 : index
      %parallel_loop3A_324 = tpu.vector_load %arg12[%parallel_loop3A_322, %parallel_loop3A_323] {strides = array<i32>} : memref<80x144xf32, #tpu.memory_space<vmem>>, vector<16xf32>,
      tpu.vector_store %arg12[%parallel_loop3A_322, %parallel_loop3A_323], %parallel_loop3A_321 {strides = array<i32>} : memref<80x144xf32, #tpu.memory_space<vmem>>, vector<16xf32>,
      %parallel_loop3A_325 = vector.shape_cast %broadcast_in_dim3A_28 : vector<16x1xi32> to vector<16xi32>
      %parallel_loop3A_326 = tpu.dynamic_gather %parallel_loop3A_321[%parallel_loop3A_325] in [0] : vector<16xf32>, vector<16xi32> -> vector<16xf32>
      %parallel_loop3A_327 = arith.index_cast %parallel_loop3A_305 : i32 to index
      %parallel_loop3A_328 = arith.constant 0 : index
      %parallel_loop3A_329 = tpu.vector_load %arg12[%parallel_loop3A_327, %parallel_loop3A_328] {strides = array<i32>} : memref<80x144xf32, #tpu.memory_space<vmem>>, vector<16xf32>,
      %parallel_loop3A_330 = arith.mulf %parallel_loop3A_329, %parallel_loop3A_326 : vector<16xf32>
      %parallel_loop3A_331 = arith.index_cast %parallel_loop3A_305 : i32 to index
      %parallel_loop3A_332 = arith.constant 0 : index
      %parallel_loop3A_333 = tpu.vector_load %arg12[%parallel_loop3A_331, %parallel_loop3A_332] {strides = array<i32>} : memref<80x144xf32, #tpu.memory_space<vmem>>, vector<16xf32>,
      tpu.vector_store %arg12[%parallel_loop3A_331, %parallel_loop3A_332], %parallel_loop3A_330 {strides = array<i32>} : memref<80x144xf32, #tpu.memory_space<vmem>>, vector<16xf32>,
      %parallel_loop3A_334 = arith.index_cast %parallel_loop3A_305 : i32 to index
      %parallel_loop3A_335 = arith.constant 16 : index
      %parallel_loop3A_336 = tpu.vector_load %arg12[%parallel_loop3A_334, %parallel_loop3A_335] {strides = array<i32>} : memref<80x144xf32, #tpu.memory_space<vmem>>, vector<16xf32>,
      %parallel_loop3A_337 = arith.mulf %parallel_loop3A_336, %parallel_loop3A_326 : vector<16xf32>
      %parallel_loop3A_338 = arith.index_cast %parallel_loop3A_305 : i32 to index
      %parallel_loop3A_339 = arith.constant 16 : index
      %parallel_loop3A_340 = tpu.vector_load %arg12[%parallel_loop3A_338, %parallel_loop3A_339] {strides = array<i32>} : memref<80x144xf32, #tpu.memory_space<vmem>>, vector<16xf32>,
      tpu.vector_store %arg12[%parallel_loop3A_338, %parallel_loop3A_339], %parallel_loop3A_337 {strides = array<i32>} : memref<80x144xf32, #tpu.memory_space<vmem>>, vector<16xf32>,
      %parallel_loop3A_341 = vector.shape_cast %broadcast_in_dim3A_30 : vector<16x1xi32> to vector<16xi32>
      %parallel_loop3A_342 = tpu.dynamic_gather %parallel_loop3A_321[%parallel_loop3A_341] in [0] : vector<16xf32>, vector<16xi32> -> vector<16xf32>
      %parallel_loop3A_343 = arith.index_cast %parallel_loop3A_305 : i32 to index
      %parallel_loop3A_344 = arith.constant 32 : index
      %parallel_loop3A_345 = tpu.vector_load %arg12[%parallel_loop3A_343, %parallel_loop3A_344] {strides = array<i32>} : memref<80x144xf32, #tpu.memory_space<vmem>>, vector<16xf32>,
      %parallel_loop3A_346 = arith.mulf %parallel_loop3A_345, %parallel_loop3A_342 : vector<16xf32>
      %parallel_loop3A_347 = arith.index_cast %parallel_loop3A_305 : i32 to index
      %parallel_loop3A_348 = arith.constant 32 : index
      %parallel_loop3A_349 = tpu.vector_load %arg12[%parallel_loop3A_347, %parallel_loop3A_348] {strides = array<i32>} : memref<80x144xf32, #tpu.memory_space<vmem>>, vector<16xf32>,
      tpu.vector_store %arg12[%parallel_loop3A_347, %parallel_loop3A_348], %parallel_loop3A_346 {strides = array<i32>} : memref<80x144xf32, #tpu.memory_space<vmem>>, vector<16xf32>,
      %parallel_loop3A_350 = arith.index_cast %parallel_loop3A_305 : i32 to index
      %parallel_loop3A_351 = arith.constant 48 : index
      %parallel_loop3A_352 = tpu.vector_load %arg12[%parallel_loop3A_350, %parallel_loop3A_351] {strides = array<i32>} : memref<80x144xf32, #tpu.memory_space<vmem>>, vector<16xf32>,
      %parallel_loop3A_353 = arith.mulf %parallel_loop3A_352, %parallel_loop3A_342 : vector<16xf32>
      %parallel_loop3A_354 = arith.index_cast %parallel_loop3A_305 : i32 to index
      %parallel_loop3A_355 = arith.constant 48 : index
      %parallel_loop3A_356 = tpu.vector_load %arg12[%parallel_loop3A_354, %parallel_loop3A_355] {strides = array<i32>} : memref<80x144xf32, #tpu.memory_space<vmem>>, vector<16xf32>,
      tpu.vector_store %arg12[%parallel_loop3A_354, %parallel_loop3A_355], %parallel_loop3A_353 {strides = array<i32>} : memref<80x144xf32, #tpu.memory_space<vmem>>, vector<16xf32>,
      %parallel_loop3A_357 = vector.shape_cast %broadcast_in_dim3A_32 : vector<16x1xi32> to vector<16xi32>
      %parallel_loop3A_358 = tpu.dynamic_gather %parallel_loop3A_321[%parallel_loop3A_357] in [0] : vector<16xf32>, vector<16xi32> -> vector<16xf32>
      %parallel_loop3A_359 = arith.index_cast %parallel_loop3A_305 : i32 to index
      %parallel_loop3A_360 = arith.constant 64 : index
      %parallel_loop3A_361 = tpu.vector_load %arg12[%parallel_loop3A_359, %parallel_loop3A_360] {strides = array<i32>} : memref<80x144xf32, #tpu.memory_space<vmem>>, vector<16xf32>,
      %parallel_loop3A_362 = arith.mulf %parallel_loop3A_361, %parallel_loop3A_358 : vector<16xf32>
      %parallel_loop3A_363 = arith.index_cast %parallel_loop3A_305 : i32 to index
      %parallel_loop3A_364 = arith.constant 64 : index
      %parallel_loop3A_365 = tpu.vector_load %arg12[%parallel_loop3A_363, %parallel_loop3A_364] {strides = array<i32>} : memref<80x144xf32, #tpu.memory_space<vmem>>, vector<16xf32>,
      tpu.vector_store %arg12[%parallel_loop3A_363, %parallel_loop3A_364], %parallel_loop3A_362 {strides = array<i32>} : memref<80x144xf32, #tpu.memory_space<vmem>>, vector<16xf32>,
      %parallel_loop3A_366 = arith.index_cast %parallel_loop3A_305 : i32 to index
      %parallel_loop3A_367 = arith.constant 80 : index
      %parallel_loop3A_368 = tpu.vector_load %arg12[%parallel_loop3A_366, %parallel_loop3A_367] {strides = array<i32>} : memref<80x144xf32, #tpu.memory_space<vmem>>, vector<16xf32>,
      %parallel_loop3A_369 = arith.mulf %parallel_loop3A_368, %parallel_loop3A_358 : vector<16xf32>
      %parallel_loop3A_370 = arith.index_cast %parallel_loop3A_305 : i32 to index
      %parallel_loop3A_371 = arith.constant 80 : index
      %parallel_loop3A_372 = tpu.vector_load %arg12[%parallel_loop3A_370, %parallel_loop3A_371] {strides = array<i32>} : memref<80x144xf32, #tpu.memory_space<vmem>>, vector<16xf32>,
      tpu.vector_store %arg12[%parallel_loop3A_370, %parallel_loop3A_371], %parallel_loop3A_369 {strides = array<i32>} : memref<80x144xf32, #tpu.memory_space<vmem>>, vector<16xf32>,
      %parallel_loop3A_373 = vector.shape_cast %broadcast_in_dim3A_34 : vector<16x1xi32> to vector<16xi32>
      %parallel_loop3A_374 = tpu.dynamic_gather %parallel_loop3A_321[%parallel_loop3A_373] in [0] : vector<16xf32>, vector<16xi32> -> vector<16xf32>
      %parallel_loop3A_375 = arith.index_cast %parallel_loop3A_305 : i32 to index
      %parallel_loop3A_376 = arith.constant 96 : index
      %parallel_loop3A_377 = tpu.vector_load %arg12[%parallel_loop3A_375, %parallel_loop3A_376] {strides = array<i32>} : memref<80x144xf32, #tpu.memory_space<vmem>>, vector<16xf32>,
      %parallel_loop3A_378 = arith.mulf %parallel_loop3A_377, %parallel_loop3A_374 : vector<16xf32>
      %parallel_loop3A_379 = arith.index_cast %parallel_loop3A_305 : i32 to index
      %parallel_loop3A_380 = arith.constant 96 : index
      %parallel_loop3A_381 = tpu.vector_load %arg12[%parallel_loop3A_379, %parallel_loop3A_380] {strides = array<i32>} : memref<80x144xf32, #tpu.memory_space<vmem>>, vector<16xf32>,
      tpu.vector_store %arg12[%parallel_loop3A_379, %parallel_loop3A_380], %parallel_loop3A_378 {strides = array<i32>} : memref<80x144xf32, #tpu.memory_space<vmem>>, vector<16xf32>,
      %parallel_loop3A_382 = arith.index_cast %parallel_loop3A_305 : i32 to index
      %parallel_loop3A_383 = arith.constant 112 : index
      %parallel_loop3A_384 = tpu.vector_load %arg12[%parallel_loop3A_382, %parallel_loop3A_383] {strides = array<i32>} : memref<80x144xf32, #tpu.memory_space<vmem>>, vector<16xf32>,
      %parallel_loop3A_385 = arith.mulf %parallel_loop3A_384, %parallel_loop3A_374 : vector<16xf32>
      %parallel_loop3A_386 = arith.index_cast %parallel_loop3A_305 : i32 to index
      %parallel_loop3A_387 = arith.constant 112 : index
      %parallel_loop3A_388 = tpu.vector_load %arg12[%parallel_loop3A_386, %parallel_loop3A_387] {strides = array<i32>} : memref<80x144xf32, #tpu.memory_space<vmem>>, vector<16xf32>,
      tpu.vector_store %arg12[%parallel_loop3A_386, %parallel_loop3A_387], %parallel_loop3A_385 {strides = array<i32>} : memref<80x144xf32, #tpu.memory_space<vmem>>, vector<16xf32>,
    } {sc.loop_unroll_factor = 4 : i64, sc.parallel_access}
    %dma_start3A_159 = arith.constant 1 : i32
    %dma_start3A_160 = arith.constant 0 : i32
    %dma_start3A_161 = tpu.memref_slice %arg9[%dma_start3A_159, %dma_start3A_160] : memref<2x80xi32, #tpu.memory_space<vmem>> -> memref<1x80xi32, #tpu.memory_space<vmem>>
    %dma_start3A_162 = tpu.memref_squeeze %dma_start3A_161 : memref<1x80xi32, #tpu.memory_space<vmem>> -> memref<80xi32, #tpu.memory_space<vmem>>
    %dma_start3A_163 = arith.constant 0 : i32
    %dma_start3A_164 = arith.constant 0 : i32
    %dma_start3A_165 = tpu.memref_slice %arg17[%dma_start3A_163, %dma_start3A_164] : memref<10240x144xf32, #tpu.memory_space<vmem_shared>> -> memref<10240x144xf32, #tpu.memory_space<vmem_shared>>
    tpu.enqueue_indirect_dma source(%arg12 : memref<80x144xf32, #tpu.memory_space<vmem>>) target(%dma_start3A_165 : memref<10240x144xf32, #tpu.memory_space<vmem_shared>>) offsets(%dma_start3A_162 : memref<80xi32, #tpu.memory_space<vmem>>) semaphore(%arg26 : memref<!tpu.dma_semaphore, #tpu.memory_space<semaphore_mem>>) {add = true}
    %dma_wait3A_166 = arith.constant 1 : i32
    %dma_wait3A_167 = arith.constant 0 : i32
    %dma_wait3A_168 = tpu.memref_slice %arg9[%dma_wait3A_166, %dma_wait3A_167] : memref<2x80xi32, #tpu.memory_space<vmem>> -> memref<1x80xi32, #tpu.memory_space<vmem>>
    %dma_wait3A_169 = tpu.memref_squeeze %dma_wait3A_168 : memref<1x80xi32, #tpu.memory_space<vmem>> -> memref<80xi32, #tpu.memory_space<vmem>>
    %dma_wait3A_170 = arith.constant 0 : i32
    %dma_wait3A_171 = arith.constant 0 : i32
    %dma_wait3A_172 = tpu.memref_slice %arg17[%dma_wait3A_170, %dma_wait3A_171] : memref<10240x144xf32, #tpu.memory_space<vmem_shared>> -> memref<10240x144xf32, #tpu.memory_space<vmem_shared>>
    tpu.wait_indirect_dma semaphore(%arg26 : memref<!tpu.dma_semaphore, #tpu.memory_space<semaphore_mem>>) src(%arg12 : memref<80x144xf32, #tpu.memory_space<vmem>>) dst(%dma_wait3A_172 : memref<10240x144xf32, #tpu.memory_space<vmem_shared>>)
    %add3A_173 = arith.constant 3 : i32
    %add3A_174 = arith.addi %mul3A_25, %add3A_173 : i32
    "tpu.region"() ({
      %run_scoped3A = tpu.sem_alloc : memref<!tpu.dma_semaphore, #tpu.memory_space<semaphore_mem>>
      %dma_start3A_305 = arith.constant 0 : i32
      %dma_start3A_306 = arith.constant 0 : i32
      %dma_start3A_307 = tpu.memref_slice %arg5[%add3A_174, %dma_start3A_305, %dma_start3A_306] : memref<4000x2x80xi32, #tpu.memory_space<hbm>> -> memref<1x2x80xi32, #tpu.memory_space<hbm>>
      %dma_start3A_308 = tpu.memref_squeeze %dma_start3A_307 : memref<1x2x80xi32, #tpu.memory_space<hbm>> -> memref<2x80xi32, #tpu.memory_space<hbm>>
      %dma_start3A_309 = arith.constant 0 : i32
      %dma_start3A_310 = arith.constant 0 : i32
      %dma_start3A_311 = tpu.memref_slice %arg5[%add3A_174, %dma_start3A_309, %dma_start3A_310] : memref<4000x2x80xi32, #tpu.memory_space<hbm>> -> memref<1x2x80xi32, #tpu.memory_space<hbm>>
      %dma_start3A_312 = tpu.memref_squeeze %dma_start3A_311 : memref<1x2x80xi32, #tpu.memory_space<hbm>> -> memref<2x80xi32, #tpu.memory_space<hbm>>
      tpu.enqueue_dma source(%dma_start3A_312 : memref<2x80xi32, #tpu.memory_space<hbm>>) target(%arg9 : memref<2x80xi32, #tpu.memory_space<vmem>>) target_semaphore(%run_scoped3A : memref<!tpu.dma_semaphore, #tpu.memory_space<semaphore_mem>>)
      %dma_wait3A_313 = arith.constant 0 : i32
      %dma_wait3A_314 = arith.constant 0 : i32
      %dma_wait3A_315 = tpu.memref_slice %arg5[%add3A_174, %dma_wait3A_313, %dma_wait3A_314] : memref<4000x2x80xi32, #tpu.memory_space<hbm>> -> memref<1x2x80xi32, #tpu.memory_space<hbm>>
      %dma_wait3A_316 = tpu.memref_squeeze %dma_wait3A_315 : memref<1x2x80xi32, #tpu.memory_space<hbm>> -> memref<2x80xi32, #tpu.memory_space<hbm>>
      %dma_wait3A_317 = arith.constant 0 : i32
      %dma_wait3A_318 = arith.constant 0 : i32
      %dma_wait3A_319 = tpu.memref_slice %arg5[%add3A_174, %dma_wait3A_317, %dma_wait3A_318] : memref<4000x2x80xi32, #tpu.memory_space<hbm>> -> memref<1x2x80xi32, #tpu.memory_space<hbm>>
      %dma_wait3A_320 = tpu.memref_squeeze %dma_wait3A_319 : memref<1x2x80xi32, #tpu.memory_space<hbm>> -> memref<2x80xi32, #tpu.memory_space<hbm>>
      tpu.wait_dma2 semaphore(%run_scoped3A : memref<!tpu.dma_semaphore, #tpu.memory_space<semaphore_mem>>) src(%dma_wait3A_320 : memref<2x80xi32, #tpu.memory_space<hbm>>) dst(%arg9 : memref<2x80xi32, #tpu.memory_space<vmem>>)
      tpu.yield
    }) : () -> ()
    %dma_start3A_175 = arith.constant 0 : i32
    %dma_start3A_176 = arith.constant 0 : i32
    %dma_start3A_177 = tpu.memref_slice %arg9[%dma_start3A_175, %dma_start3A_176] : memref<2x80xi32, #tpu.memory_space<vmem>> -> memref<1x80xi32, #tpu.memory_space<vmem>>
    %dma_start3A_178 = tpu.memref_squeeze %dma_start3A_177 : memref<1x80xi32, #tpu.memory_space<vmem>> -> memref<80xi32, #tpu.memory_space<vmem>>
    %dma_start3A_179 = arith.constant 0 : i32
    %dma_start3A_180 = arith.constant 0 : i32
    %dma_start3A_181 = tpu.memref_slice %arg2[%dma_start3A_179, %dma_start3A_180] : memref<10000x144xf32, #tpu.memory_space<hbm>> -> memref<10000x144xf32, #tpu.memory_space<hbm>>
    tpu.enqueue_indirect_dma source(%dma_start3A_181 : memref<10000x144xf32, #tpu.memory_space<hbm>>) target(%arg12 : memref<80x144xf32, #tpu.memory_space<vmem>>) offsets(%dma_start3A_178 : memref<80xi32, #tpu.memory_space<vmem>>) semaphore(%arg20 : memref<!tpu.dma_semaphore, #tpu.memory_space<semaphore_mem>>)
    %dma_start3A_182 = arith.constant 1 : i32
    %dma_start3A_183 = arith.constant 0 : i32
    %dma_start3A_184 = tpu.memref_slice %arg9[%dma_start3A_182, %dma_start3A_183] : memref<2x80xi32, #tpu.memory_space<vmem>> -> memref<1x80xi32, #tpu.memory_space<vmem>>
    %dma_start3A_185 = tpu.memref_squeeze %dma_start3A_184 : memref<1x80xi32, #tpu.memory_space<vmem>> -> memref<80xi32, #tpu.memory_space<vmem>>
    %dma_start3A_186 = arith.constant 0 : i32
    %dma_start3A_187 = arith.constant 0 : i32
    %dma_start3A_188 = tpu.memref_slice %arg3[%dma_start3A_186, %dma_start3A_187] : memref<10000x16xf32, #tpu.memory_space<hbm>> -> memref<10000x16xf32, #tpu.memory_space<hbm>>
    tpu.enqueue_indirect_dma source(%dma_start3A_188 : memref<10000x16xf32, #tpu.memory_space<hbm>>) target(%arg15 : memref<80x16xf32, #tpu.memory_space<vmem>>) offsets(%dma_start3A_185 : memref<80xi32, #tpu.memory_space<vmem>>) semaphore(%arg23 : memref<!tpu.dma_semaphore, #tpu.memory_space<semaphore_mem>>)
    %dma_wait3A_189 = arith.constant 0 : i32
    %dma_wait3A_190 = arith.constant 0 : i32
    %dma_wait3A_191 = tpu.memref_slice %arg9[%dma_wait3A_189, %dma_wait3A_190] : memref<2x80xi32, #tpu.memory_space<vmem>> -> memref<1x80xi32, #tpu.memory_space<vmem>>
    %dma_wait3A_192 = tpu.memref_squeeze %dma_wait3A_191 : memref<1x80xi32, #tpu.memory_space<vmem>> -> memref<80xi32, #tpu.memory_space<vmem>>
    %dma_wait3A_193 = arith.constant 0 : i32
    %dma_wait3A_194 = arith.constant 0 : i32
    %dma_wait3A_195 = tpu.memref_slice %arg2[%dma_wait3A_193, %dma_wait3A_194] : memref<10000x144xf32, #tpu.memory_space<hbm>> -> memref<10000x144xf32, #tpu.memory_space<hbm>>
    tpu.wait_indirect_dma semaphore(%arg20 : memref<!tpu.dma_semaphore, #tpu.memory_space<semaphore_mem>>) src(%dma_wait3A_195 : memref<10000x144xf32, #tpu.memory_space<hbm>>) dst(%arg12 : memref<80x144xf32, #tpu.memory_space<vmem>>)
    %dma_wait3A_196 = arith.constant 1 : i32
    %dma_wait3A_197 = arith.constant 0 : i32
    %dma_wait3A_198 = tpu.memref_slice %arg9[%dma_wait3A_196, %dma_wait3A_197] : memref<2x80xi32, #tpu.memory_space<vmem>> -> memref<1x80xi32, #tpu.memory_space<vmem>>
    %dma_wait3A_199 = tpu.memref_squeeze %dma_wait3A_198 : memref<1x80xi32, #tpu.memory_space<vmem>> -> memref<80xi32, #tpu.memory_space<vmem>>
    %dma_wait3A_200 = arith.constant 0 : i32
    %dma_wait3A_201 = arith.constant 0 : i32
    %dma_wait3A_202 = tpu.memref_slice %arg3[%dma_wait3A_200, %dma_wait3A_201] : memref<10000x16xf32, #tpu.memory_space<hbm>> -> memref<10000x16xf32, #tpu.memory_space<hbm>>
    tpu.wait_indirect_dma semaphore(%arg23 : memref<!tpu.dma_semaphore, #tpu.memory_space<semaphore_mem>>) src(%dma_wait3A_202 : memref<10000x16xf32, #tpu.memory_space<hbm>>) dst(%arg15 : memref<80x16xf32, #tpu.memory_space<vmem>>)
    %parallel_loop3A_203 = arith.constant 0 : i32
    %parallel_loop3A_204 = arith.constant 80 : i32
    %parallel_loop3A_205 = arith.constant 1 : i32
    scf.for %parallel_loop3A_305 = %parallel_loop3A_203 to %parallel_loop3A_204 step %parallel_loop3A_205  : i32 {
      %parallel_loop3A_306 = arith.index_cast %parallel_loop3A_305 : i32 to index
      %parallel_loop3A_307 = arith.constant 128 : index
      %parallel_loop3A_308 = tpu.vector_load %arg12[%parallel_loop3A_306, %parallel_loop3A_307] {strides = array<i32>} : memref<80x144xf32, #tpu.memory_space<vmem>>, vector<16xf32>,
      %parallel_loop3A_309 = arith.index_cast %parallel_loop3A_305 : i32 to index
      %parallel_loop3A_310 = arith.constant 0 : index
      %parallel_loop3A_311 = tpu.vector_load %arg15[%parallel_loop3A_309, %parallel_loop3A_310] {strides = array<i32>} : memref<80x16xf32, #tpu.memory_space<vmem>>, vector<16xf32>,
      %parallel_loop3A_312 = arith.addf %parallel_loop3A_308, %parallel_loop3A_311 : vector<16xf32>
      %parallel_loop3A_313 = arith.constant 0.000000e+00 : f32
      %parallel_loop3A_314 = vector.broadcast %parallel_loop3A_313 : f32 to vector<16xf32>
      %parallel_loop3A_315 = arith.cmpf ogt, %parallel_loop3A_312, %parallel_loop3A_314 : vector<16xf32>
      %parallel_loop3A_316 = arith.constant 2.000000e-01 : f32
      %parallel_loop3A_317 = vector.broadcast %parallel_loop3A_316 : f32 to vector<16xf32>
      %parallel_loop3A_318 = arith.mulf %parallel_loop3A_317, %parallel_loop3A_312 : vector<16xf32>
      %parallel_loop3A_319 = arith.select %parallel_loop3A_315, %parallel_loop3A_312, %parallel_loop3A_318 : vector<16xi1>, vector<16xf32>
      %parallel_loop3A_320 = arith.subf %parallel_loop3A_319, %get3A_26 : vector<16xf32>
      %parallel_loop3A_321 = math.exp %parallel_loop3A_320 : vector<16xf32>
      %parallel_loop3A_322 = arith.index_cast %parallel_loop3A_305 : i32 to index
      %parallel_loop3A_323 = arith.constant 128 : index
      %parallel_loop3A_324 = tpu.vector_load %arg12[%parallel_loop3A_322, %parallel_loop3A_323] {strides = array<i32>} : memref<80x144xf32, #tpu.memory_space<vmem>>, vector<16xf32>,
      tpu.vector_store %arg12[%parallel_loop3A_322, %parallel_loop3A_323], %parallel_loop3A_321 {strides = array<i32>} : memref<80x144xf32, #tpu.memory_space<vmem>>, vector<16xf32>,
      %parallel_loop3A_325 = vector.shape_cast %broadcast_in_dim3A_28 : vector<16x1xi32> to vector<16xi32>
      %parallel_loop3A_326 = tpu.dynamic_gather %parallel_loop3A_321[%parallel_loop3A_325] in [0] : vector<16xf32>, vector<16xi32> -> vector<16xf32>
      %parallel_loop3A_327 = arith.index_cast %parallel_loop3A_305 : i32 to index
      %parallel_loop3A_328 = arith.constant 0 : index
      %parallel_loop3A_329 = tpu.vector_load %arg12[%parallel_loop3A_327, %parallel_loop3A_328] {strides = array<i32>} : memref<80x144xf32, #tpu.memory_space<vmem>>, vector<16xf32>,
      %parallel_loop3A_330 = arith.mulf %parallel_loop3A_329, %parallel_loop3A_326 : vector<16xf32>
      %parallel_loop3A_331 = arith.index_cast %parallel_loop3A_305 : i32 to index
      %parallel_loop3A_332 = arith.constant 0 : index
      %parallel_loop3A_333 = tpu.vector_load %arg12[%parallel_loop3A_331, %parallel_loop3A_332] {strides = array<i32>} : memref<80x144xf32, #tpu.memory_space<vmem>>, vector<16xf32>,
      tpu.vector_store %arg12[%parallel_loop3A_331, %parallel_loop3A_332], %parallel_loop3A_330 {strides = array<i32>} : memref<80x144xf32, #tpu.memory_space<vmem>>, vector<16xf32>,
      %parallel_loop3A_334 = arith.index_cast %parallel_loop3A_305 : i32 to index
      %parallel_loop3A_335 = arith.constant 16 : index
      %parallel_loop3A_336 = tpu.vector_load %arg12[%parallel_loop3A_334, %parallel_loop3A_335] {strides = array<i32>} : memref<80x144xf32, #tpu.memory_space<vmem>>, vector<16xf32>,
      %parallel_loop3A_337 = arith.mulf %parallel_loop3A_336, %parallel_loop3A_326 : vector<16xf32>
      %parallel_loop3A_338 = arith.index_cast %parallel_loop3A_305 : i32 to index
      %parallel_loop3A_339 = arith.constant 16 : index
      %parallel_loop3A_340 = tpu.vector_load %arg12[%parallel_loop3A_338, %parallel_loop3A_339] {strides = array<i32>} : memref<80x144xf32, #tpu.memory_space<vmem>>, vector<16xf32>,
      tpu.vector_store %arg12[%parallel_loop3A_338, %parallel_loop3A_339], %parallel_loop3A_337 {strides = array<i32>} : memref<80x144xf32, #tpu.memory_space<vmem>>, vector<16xf32>,
      %parallel_loop3A_341 = vector.shape_cast %broadcast_in_dim3A_30 : vector<16x1xi32> to vector<16xi32>
      %parallel_loop3A_342 = tpu.dynamic_gather %parallel_loop3A_321[%parallel_loop3A_341] in [0] : vector<16xf32>, vector<16xi32> -> vector<16xf32>
      %parallel_loop3A_343 = arith.index_cast %parallel_loop3A_305 : i32 to index
      %parallel_loop3A_344 = arith.constant 32 : index
      %parallel_loop3A_345 = tpu.vector_load %arg12[%parallel_loop3A_343, %parallel_loop3A_344] {strides = array<i32>} : memref<80x144xf32, #tpu.memory_space<vmem>>, vector<16xf32>,
      %parallel_loop3A_346 = arith.mulf %parallel_loop3A_345, %parallel_loop3A_342 : vector<16xf32>
      %parallel_loop3A_347 = arith.index_cast %parallel_loop3A_305 : i32 to index
      %parallel_loop3A_348 = arith.constant 32 : index
      %parallel_loop3A_349 = tpu.vector_load %arg12[%parallel_loop3A_347, %parallel_loop3A_348] {strides = array<i32>} : memref<80x144xf32, #tpu.memory_space<vmem>>, vector<16xf32>,
      tpu.vector_store %arg12[%parallel_loop3A_347, %parallel_loop3A_348], %parallel_loop3A_346 {strides = array<i32>} : memref<80x144xf32, #tpu.memory_space<vmem>>, vector<16xf32>,
      %parallel_loop3A_350 = arith.index_cast %parallel_loop3A_305 : i32 to index
      %parallel_loop3A_351 = arith.constant 48 : index
      %parallel_loop3A_352 = tpu.vector_load %arg12[%parallel_loop3A_350, %parallel_loop3A_351] {strides = array<i32>} : memref<80x144xf32, #tpu.memory_space<vmem>>, vector<16xf32>,
      %parallel_loop3A_353 = arith.mulf %parallel_loop3A_352, %parallel_loop3A_342 : vector<16xf32>
      %parallel_loop3A_354 = arith.index_cast %parallel_loop3A_305 : i32 to index
      %parallel_loop3A_355 = arith.constant 48 : index
      %parallel_loop3A_356 = tpu.vector_load %arg12[%parallel_loop3A_354, %parallel_loop3A_355] {strides = array<i32>} : memref<80x144xf32, #tpu.memory_space<vmem>>, vector<16xf32>,
      tpu.vector_store %arg12[%parallel_loop3A_354, %parallel_loop3A_355], %parallel_loop3A_353 {strides = array<i32>} : memref<80x144xf32, #tpu.memory_space<vmem>>, vector<16xf32>,
      %parallel_loop3A_357 = vector.shape_cast %broadcast_in_dim3A_32 : vector<16x1xi32> to vector<16xi32>
      %parallel_loop3A_358 = tpu.dynamic_gather %parallel_loop3A_321[%parallel_loop3A_357] in [0] : vector<16xf32>, vector<16xi32> -> vector<16xf32>
      %parallel_loop3A_359 = arith.index_cast %parallel_loop3A_305 : i32 to index
      %parallel_loop3A_360 = arith.constant 64 : index
      %parallel_loop3A_361 = tpu.vector_load %arg12[%parallel_loop3A_359, %parallel_loop3A_360] {strides = array<i32>} : memref<80x144xf32, #tpu.memory_space<vmem>>, vector<16xf32>,
      %parallel_loop3A_362 = arith.mulf %parallel_loop3A_361, %parallel_loop3A_358 : vector<16xf32>
      %parallel_loop3A_363 = arith.index_cast %parallel_loop3A_305 : i32 to index
      %parallel_loop3A_364 = arith.constant 64 : index
      %parallel_loop3A_365 = tpu.vector_load %arg12[%parallel_loop3A_363, %parallel_loop3A_364] {strides = array<i32>} : memref<80x144xf32, #tpu.memory_space<vmem>>, vector<16xf32>,
      tpu.vector_store %arg12[%parallel_loop3A_363, %parallel_loop3A_364], %parallel_loop3A_362 {strides = array<i32>} : memref<80x144xf32, #tpu.memory_space<vmem>>, vector<16xf32>,
      %parallel_loop3A_366 = arith.index_cast %parallel_loop3A_305 : i32 to index
      %parallel_loop3A_367 = arith.constant 80 : index
      %parallel_loop3A_368 = tpu.vector_load %arg12[%parallel_loop3A_366, %parallel_loop3A_367] {strides = array<i32>} : memref<80x144xf32, #tpu.memory_space<vmem>>, vector<16xf32>,
      %parallel_loop3A_369 = arith.mulf %parallel_loop3A_368, %parallel_loop3A_358 : vector<16xf32>
      %parallel_loop3A_370 = arith.index_cast %parallel_loop3A_305 : i32 to index
      %parallel_loop3A_371 = arith.constant 80 : index
      %parallel_loop3A_372 = tpu.vector_load %arg12[%parallel_loop3A_370, %parallel_loop3A_371] {strides = array<i32>} : memref<80x144xf32, #tpu.memory_space<vmem>>, vector<16xf32>,
      tpu.vector_store %arg12[%parallel_loop3A_370, %parallel_loop3A_371], %parallel_loop3A_369 {strides = array<i32>} : memref<80x144xf32, #tpu.memory_space<vmem>>, vector<16xf32>,
      %parallel_loop3A_373 = vector.shape_cast %broadcast_in_dim3A_34 : vector<16x1xi32> to vector<16xi32>
      %parallel_loop3A_374 = tpu.dynamic_gather %parallel_loop3A_321[%parallel_loop3A_373] in [0] : vector<16xf32>, vector<16xi32> -> vector<16xf32>
      %parallel_loop3A_375 = arith.index_cast %parallel_loop3A_305 : i32 to index
      %parallel_loop3A_376 = arith.constant 96 : index
      %parallel_loop3A_377 = tpu.vector_load %arg12[%parallel_loop3A_375, %parallel_loop3A_376] {strides = array<i32>} : memref<80x144xf32, #tpu.memory_space<vmem>>, vector<16xf32>,
      %parallel_loop3A_378 = arith.mulf %parallel_loop3A_377, %parallel_loop3A_374 : vector<16xf32>
      %parallel_loop3A_379 = arith.index_cast %parallel_loop3A_305 : i32 to index
      %parallel_loop3A_380 = arith.constant 96 : index
      %parallel_loop3A_381 = tpu.vector_load %arg12[%parallel_loop3A_379, %parallel_loop3A_380] {strides = array<i32>} : memref<80x144xf32, #tpu.memory_space<vmem>>, vector<16xf32>,
      tpu.vector_store %arg12[%parallel_loop3A_379, %parallel_loop3A_380], %parallel_loop3A_378 {strides = array<i32>} : memref<80x144xf32, #tpu.memory_space<vmem>>, vector<16xf32>,
      %parallel_loop3A_382 = arith.index_cast %parallel_loop3A_305 : i32 to index
      %parallel_loop3A_383 = arith.constant 112 : index
      %parallel_loop3A_384 = tpu.vector_load %arg12[%parallel_loop3A_382, %parallel_loop3A_383] {strides = array<i32>} : memref<80x144xf32, #tpu.memory_space<vmem>>, vector<16xf32>,
      %parallel_loop3A_385 = arith.mulf %parallel_loop3A_384, %parallel_loop3A_374 : vector<16xf32>
      %parallel_loop3A_386 = arith.index_cast %parallel_loop3A_305 : i32 to index
      %parallel_loop3A_387 = arith.constant 112 : index
      %parallel_loop3A_388 = tpu.vector_load %arg12[%parallel_loop3A_386, %parallel_loop3A_387] {strides = array<i32>} : memref<80x144xf32, #tpu.memory_space<vmem>>, vector<16xf32>,
      tpu.vector_store %arg12[%parallel_loop3A_386, %parallel_loop3A_387], %parallel_loop3A_385 {strides = array<i32>} : memref<80x144xf32, #tpu.memory_space<vmem>>, vector<16xf32>,
    } {sc.loop_unroll_factor = 4 : i64, sc.parallel_access}
    %dma_start3A_206 = arith.constant 1 : i32
    %dma_start3A_207 = arith.constant 0 : i32
    %dma_start3A_208 = tpu.memref_slice %arg9[%dma_start3A_206, %dma_start3A_207] : memref<2x80xi32, #tpu.memory_space<vmem>> -> memref<1x80xi32, #tpu.memory_space<vmem>>
    %dma_start3A_209 = tpu.memref_squeeze %dma_start3A_208 : memref<1x80xi32, #tpu.memory_space<vmem>> -> memref<80xi32, #tpu.memory_space<vmem>>
    %dma_start3A_210 = arith.constant 0 : i32
    %dma_start3A_211 = arith.constant 0 : i32
    %dma_start3A_212 = tpu.memref_slice %arg17[%dma_start3A_210, %dma_start3A_211] : memref<10240x144xf32, #tpu.memory_space<vmem_shared>> -> memref<10240x144xf32, #tpu.memory_space<vmem_shared>>
    tpu.enqueue_indirect_dma source(%arg12 : memref<80x144xf32, #tpu.memory_space<vmem>>) target(%dma_start3A_212 : memref<10240x144xf32, #tpu.memory_space<vmem_shared>>) offsets(%dma_start3A_209 : memref<80xi32, #tpu.memory_space<vmem>>) semaphore(%arg26 : memref<!tpu.dma_semaphore, #tpu.memory_space<semaphore_mem>>) {add = true}
    %dma_wait3A_213 = arith.constant 1 : i32
    %dma_wait3A_214 = arith.constant 0 : i32
    %dma_wait3A_215 = tpu.memref_slice %arg9[%dma_wait3A_213, %dma_wait3A_214] : memref<2x80xi32, #tpu.memory_space<vmem>> -> memref<1x80xi32, #tpu.memory_space<vmem>>
    %dma_wait3A_216 = tpu.memref_squeeze %dma_wait3A_215 : memref<1x80xi32, #tpu.memory_space<vmem>> -> memref<80xi32, #tpu.memory_space<vmem>>
    %dma_wait3A_217 = arith.constant 0 : i32
    %dma_wait3A_218 = arith.constant 0 : i32
    %dma_wait3A_219 = tpu.memref_slice %arg17[%dma_wait3A_217, %dma_wait3A_218] : memref<10240x144xf32, #tpu.memory_space<vmem_shared>> -> memref<10240x144xf32, #tpu.memory_space<vmem_shared>>
    tpu.wait_indirect_dma semaphore(%arg26 : memref<!tpu.dma_semaphore, #tpu.memory_space<semaphore_mem>>) src(%arg12 : memref<80x144xf32, #tpu.memory_space<vmem>>) dst(%dma_wait3A_219 : memref<10240x144xf32, #tpu.memory_space<vmem_shared>>)
    %add3A_220 = arith.constant 4 : i32
    %add3A_221 = arith.addi %mul3A_25, %add3A_220 : i32
    "tpu.region"() ({
      %run_scoped3A = tpu.sem_alloc : memref<!tpu.dma_semaphore, #tpu.memory_space<semaphore_mem>>
      %dma_start3A_305 = arith.constant 0 : i32
      %dma_start3A_306 = arith.constant 0 : i32
      %dma_start3A_307 = tpu.memref_slice %arg5[%add3A_221, %dma_start3A_305, %dma_start3A_306] : memref<4000x2x80xi32, #tpu.memory_space<hbm>> -> memref<1x2x80xi32, #tpu.memory_space<hbm>>
      %dma_start3A_308 = tpu.memref_squeeze %dma_start3A_307 : memref<1x2x80xi32, #tpu.memory_space<hbm>> -> memref<2x80xi32, #tpu.memory_space<hbm>>
      %dma_start3A_309 = arith.constant 0 : i32
      %dma_start3A_310 = arith.constant 0 : i32
      %dma_start3A_311 = tpu.memref_slice %arg5[%add3A_221, %dma_start3A_309, %dma_start3A_310] : memref<4000x2x80xi32, #tpu.memory_space<hbm>> -> memref<1x2x80xi32, #tpu.memory_space<hbm>>
      %dma_start3A_312 = tpu.memref_squeeze %dma_start3A_311 : memref<1x2x80xi32, #tpu.memory_space<hbm>> -> memref<2x80xi32, #tpu.memory_space<hbm>>
      tpu.enqueue_dma source(%dma_start3A_312 : memref<2x80xi32, #tpu.memory_space<hbm>>) target(%arg9 : memref<2x80xi32, #tpu.memory_space<vmem>>) target_semaphore(%run_scoped3A : memref<!tpu.dma_semaphore, #tpu.memory_space<semaphore_mem>>)
      %dma_wait3A_313 = arith.constant 0 : i32
      %dma_wait3A_314 = arith.constant 0 : i32
      %dma_wait3A_315 = tpu.memref_slice %arg5[%add3A_221, %dma_wait3A_313, %dma_wait3A_314] : memref<4000x2x80xi32, #tpu.memory_space<hbm>> -> memref<1x2x80xi32, #tpu.memory_space<hbm>>
      %dma_wait3A_316 = tpu.memref_squeeze %dma_wait3A_315 : memref<1x2x80xi32, #tpu.memory_space<hbm>> -> memref<2x80xi32, #tpu.memory_space<hbm>>
      %dma_wait3A_317 = arith.constant 0 : i32
      %dma_wait3A_318 = arith.constant 0 : i32
      %dma_wait3A_319 = tpu.memref_slice %arg5[%add3A_221, %dma_wait3A_317, %dma_wait3A_318] : memref<4000x2x80xi32, #tpu.memory_space<hbm>> -> memref<1x2x80xi32, #tpu.memory_space<hbm>>
      %dma_wait3A_320 = tpu.memref_squeeze %dma_wait3A_319 : memref<1x2x80xi32, #tpu.memory_space<hbm>> -> memref<2x80xi32, #tpu.memory_space<hbm>>
      tpu.wait_dma2 semaphore(%run_scoped3A : memref<!tpu.dma_semaphore, #tpu.memory_space<semaphore_mem>>) src(%dma_wait3A_320 : memref<2x80xi32, #tpu.memory_space<hbm>>) dst(%arg9 : memref<2x80xi32, #tpu.memory_space<vmem>>)
      tpu.yield
    }) : () -> ()
    %dma_start3A_222 = arith.constant 0 : i32
    %dma_start3A_223 = arith.constant 0 : i32
    %dma_start3A_224 = tpu.memref_slice %arg9[%dma_start3A_222, %dma_start3A_223] : memref<2x80xi32, #tpu.memory_space<vmem>> -> memref<1x80xi32, #tpu.memory_space<vmem>>
    %dma_start3A_225 = tpu.memref_squeeze %dma_start3A_224 : memref<1x80xi32, #tpu.memory_space<vmem>> -> memref<80xi32, #tpu.memory_space<vmem>>
    %dma_start3A_226 = arith.constant 0 : i32
    %dma_start3A_227 = arith.constant 0 : i32
    %dma_start3A_228 = tpu.memref_slice %arg2[%dma_start3A_226, %dma_start3A_227] : memref<10000x144xf32, #tpu.memory_space<hbm>> -> memref<10000x144xf32, #tpu.memory_space<hbm>>
    tpu.enqueue_indirect_dma source(%dma_start3A_228 : memref<10000x144xf32, #tpu.memory_space<hbm>>) target(%arg12 : memref<80x144xf32, #tpu.memory_space<vmem>>) offsets(%dma_start3A_225 : memref<80xi32, #tpu.memory_space<vmem>>) semaphore(%arg20 : memref<!tpu.dma_semaphore, #tpu.memory_space<semaphore_mem>>)
    %dma_start3A_229 = arith.constant 1 : i32
    %dma_start3A_230 = arith.constant 0 : i32
    %dma_start3A_231 = tpu.memref_slice %arg9[%dma_start3A_229, %dma_start3A_230] : memref<2x80xi32, #tpu.memory_space<vmem>> -> memref<1x80xi32, #tpu.memory_space<vmem>>
    %dma_start3A_232 = tpu.memref_squeeze %dma_start3A_231 : memref<1x80xi32, #tpu.memory_space<vmem>> -> memref<80xi32, #tpu.memory_space<vmem>>
    %dma_start3A_233 = arith.constant 0 : i32
    %dma_start3A_234 = arith.constant 0 : i32
    %dma_start3A_235 = tpu.memref_slice %arg3[%dma_start3A_233, %dma_start3A_234] : memref<10000x16xf32, #tpu.memory_space<hbm>> -> memref<10000x16xf32, #tpu.memory_space<hbm>>
    tpu.enqueue_indirect_dma source(%dma_start3A_235 : memref<10000x16xf32, #tpu.memory_space<hbm>>) target(%arg15 : memref<80x16xf32, #tpu.memory_space<vmem>>) offsets(%dma_start3A_232 : memref<80xi32, #tpu.memory_space<vmem>>) semaphore(%arg23 : memref<!tpu.dma_semaphore, #tpu.memory_space<semaphore_mem>>)
    %dma_wait3A_236 = arith.constant 0 : i32
    %dma_wait3A_237 = arith.constant 0 : i32
    %dma_wait3A_238 = tpu.memref_slice %arg9[%dma_wait3A_236, %dma_wait3A_237] : memref<2x80xi32, #tpu.memory_space<vmem>> -> memref<1x80xi32, #tpu.memory_space<vmem>>
    %dma_wait3A_239 = tpu.memref_squeeze %dma_wait3A_238 : memref<1x80xi32, #tpu.memory_space<vmem>> -> memref<80xi32, #tpu.memory_space<vmem>>
    %dma_wait3A_240 = arith.constant 0 : i32
    %dma_wait3A_241 = arith.constant 0 : i32
    %dma_wait3A_242 = tpu.memref_slice %arg2[%dma_wait3A_240, %dma_wait3A_241] : memref<10000x144xf32, #tpu.memory_space<hbm>> -> memref<10000x144xf32, #tpu.memory_space<hbm>>
    tpu.wait_indirect_dma semaphore(%arg20 : memref<!tpu.dma_semaphore, #tpu.memory_space<semaphore_mem>>) src(%dma_wait3A_242 : memref<10000x144xf32, #tpu.memory_space<hbm>>) dst(%arg12 : memref<80x144xf32, #tpu.memory_space<vmem>>)
    %dma_wait3A_243 = arith.constant 1 : i32
    %dma_wait3A_244 = arith.constant 0 : i32
    %dma_wait3A_245 = tpu.memref_slice %arg9[%dma_wait3A_243, %dma_wait3A_244] : memref<2x80xi32, #tpu.memory_space<vmem>> -> memref<1x80xi32, #tpu.memory_space<vmem>>
    %dma_wait3A_246 = tpu.memref_squeeze %dma_wait3A_245 : memref<1x80xi32, #tpu.memory_space<vmem>> -> memref<80xi32, #tpu.memory_space<vmem>>
    %dma_wait3A_247 = arith.constant 0 : i32
    %dma_wait3A_248 = arith.constant 0 : i32
    %dma_wait3A_249 = tpu.memref_slice %arg3[%dma_wait3A_247, %dma_wait3A_248] : memref<10000x16xf32, #tpu.memory_space<hbm>> -> memref<10000x16xf32, #tpu.memory_space<hbm>>
    tpu.wait_indirect_dma semaphore(%arg23 : memref<!tpu.dma_semaphore, #tpu.memory_space<semaphore_mem>>) src(%dma_wait3A_249 : memref<10000x16xf32, #tpu.memory_space<hbm>>) dst(%arg15 : memref<80x16xf32, #tpu.memory_space<vmem>>)
    %parallel_loop3A_250 = arith.constant 0 : i32
    %parallel_loop3A_251 = arith.constant 80 : i32
    %parallel_loop3A_252 = arith.constant 1 : i32
    scf.for %parallel_loop3A_305 = %parallel_loop3A_250 to %parallel_loop3A_251 step %parallel_loop3A_252  : i32 {
      %parallel_loop3A_306 = arith.index_cast %parallel_loop3A_305 : i32 to index
      %parallel_loop3A_307 = arith.constant 128 : index
      %parallel_loop3A_308 = tpu.vector_load %arg12[%parallel_loop3A_306, %parallel_loop3A_307] {strides = array<i32>} : memref<80x144xf32, #tpu.memory_space<vmem>>, vector<16xf32>,
      %parallel_loop3A_309 = arith.index_cast %parallel_loop3A_305 : i32 to index
      %parallel_loop3A_310 = arith.constant 0 : index
      %parallel_loop3A_311 = tpu.vector_load %arg15[%parallel_loop3A_309, %parallel_loop3A_310] {strides = array<i32>} : memref<80x16xf32, #tpu.memory_space<vmem>>, vector<16xf32>,
      %parallel_loop3A_312 = arith.addf %parallel_loop3A_308, %parallel_loop3A_311 : vector<16xf32>
      %parallel_loop3A_313 = arith.constant 0.000000e+00 : f32
      %parallel_loop3A_314 = vector.broadcast %parallel_loop3A_313 : f32 to vector<16xf32>
      %parallel_loop3A_315 = arith.cmpf ogt, %parallel_loop3A_312, %parallel_loop3A_314 : vector<16xf32>
      %parallel_loop3A_316 = arith.constant 2.000000e-01 : f32
      %parallel_loop3A_317 = vector.broadcast %parallel_loop3A_316 : f32 to vector<16xf32>
      %parallel_loop3A_318 = arith.mulf %parallel_loop3A_317, %parallel_loop3A_312 : vector<16xf32>
      %parallel_loop3A_319 = arith.select %parallel_loop3A_315, %parallel_loop3A_312, %parallel_loop3A_318 : vector<16xi1>, vector<16xf32>
      %parallel_loop3A_320 = arith.subf %parallel_loop3A_319, %get3A_26 : vector<16xf32>
      %parallel_loop3A_321 = math.exp %parallel_loop3A_320 : vector<16xf32>
      %parallel_loop3A_322 = arith.index_cast %parallel_loop3A_305 : i32 to index
      %parallel_loop3A_323 = arith.constant 128 : index
      %parallel_loop3A_324 = tpu.vector_load %arg12[%parallel_loop3A_322, %parallel_loop3A_323] {strides = array<i32>} : memref<80x144xf32, #tpu.memory_space<vmem>>, vector<16xf32>,
      tpu.vector_store %arg12[%parallel_loop3A_322, %parallel_loop3A_323], %parallel_loop3A_321 {strides = array<i32>} : memref<80x144xf32, #tpu.memory_space<vmem>>, vector<16xf32>,
      %parallel_loop3A_325 = vector.shape_cast %broadcast_in_dim3A_28 : vector<16x1xi32> to vector<16xi32>
      %parallel_loop3A_326 = tpu.dynamic_gather %parallel_loop3A_321[%parallel_loop3A_325] in [0] : vector<16xf32>, vector<16xi32> -> vector<16xf32>
      %parallel_loop3A_327 = arith.index_cast %parallel_loop3A_305 : i32 to index
      %parallel_loop3A_328 = arith.constant 0 : index
      %parallel_loop3A_329 = tpu.vector_load %arg12[%parallel_loop3A_327, %parallel_loop3A_328] {strides = array<i32>} : memref<80x144xf32, #tpu.memory_space<vmem>>, vector<16xf32>,
      %parallel_loop3A_330 = arith.mulf %parallel_loop3A_329, %parallel_loop3A_326 : vector<16xf32>
      %parallel_loop3A_331 = arith.index_cast %parallel_loop3A_305 : i32 to index
      %parallel_loop3A_332 = arith.constant 0 : index
      %parallel_loop3A_333 = tpu.vector_load %arg12[%parallel_loop3A_331, %parallel_loop3A_332] {strides = array<i32>} : memref<80x144xf32, #tpu.memory_space<vmem>>, vector<16xf32>,
      tpu.vector_store %arg12[%parallel_loop3A_331, %parallel_loop3A_332], %parallel_loop3A_330 {strides = array<i32>} : memref<80x144xf32, #tpu.memory_space<vmem>>, vector<16xf32>,
      %parallel_loop3A_334 = arith.index_cast %parallel_loop3A_305 : i32 to index
      %parallel_loop3A_335 = arith.constant 16 : index
      %parallel_loop3A_336 = tpu.vector_load %arg12[%parallel_loop3A_334, %parallel_loop3A_335] {strides = array<i32>} : memref<80x144xf32, #tpu.memory_space<vmem>>, vector<16xf32>,
      %parallel_loop3A_337 = arith.mulf %parallel_loop3A_336, %parallel_loop3A_326 : vector<16xf32>
      %parallel_loop3A_338 = arith.index_cast %parallel_loop3A_305 : i32 to index
      %parallel_loop3A_339 = arith.constant 16 : index
      %parallel_loop3A_340 = tpu.vector_load %arg12[%parallel_loop3A_338, %parallel_loop3A_339] {strides = array<i32>} : memref<80x144xf32, #tpu.memory_space<vmem>>, vector<16xf32>,
      tpu.vector_store %arg12[%parallel_loop3A_338, %parallel_loop3A_339], %parallel_loop3A_337 {strides = array<i32>} : memref<80x144xf32, #tpu.memory_space<vmem>>, vector<16xf32>,
      %parallel_loop3A_341 = vector.shape_cast %broadcast_in_dim3A_30 : vector<16x1xi32> to vector<16xi32>
      %parallel_loop3A_342 = tpu.dynamic_gather %parallel_loop3A_321[%parallel_loop3A_341] in [0] : vector<16xf32>, vector<16xi32> -> vector<16xf32>
      %parallel_loop3A_343 = arith.index_cast %parallel_loop3A_305 : i32 to index
      %parallel_loop3A_344 = arith.constant 32 : index
      %parallel_loop3A_345 = tpu.vector_load %arg12[%parallel_loop3A_343, %parallel_loop3A_344] {strides = array<i32>} : memref<80x144xf32, #tpu.memory_space<vmem>>, vector<16xf32>,
      %parallel_loop3A_346 = arith.mulf %parallel_loop3A_345, %parallel_loop3A_342 : vector<16xf32>
      %parallel_loop3A_347 = arith.index_cast %parallel_loop3A_305 : i32 to index
      %parallel_loop3A_348 = arith.constant 32 : index
      %parallel_loop3A_349 = tpu.vector_load %arg12[%parallel_loop3A_347, %parallel_loop3A_348] {strides = array<i32>} : memref<80x144xf32, #tpu.memory_space<vmem>>, vector<16xf32>,
      tpu.vector_store %arg12[%parallel_loop3A_347, %parallel_loop3A_348], %parallel_loop3A_346 {strides = array<i32>} : memref<80x144xf32, #tpu.memory_space<vmem>>, vector<16xf32>,
      %parallel_loop3A_350 = arith.index_cast %parallel_loop3A_305 : i32 to index
      %parallel_loop3A_351 = arith.constant 48 : index
      %parallel_loop3A_352 = tpu.vector_load %arg12[%parallel_loop3A_350, %parallel_loop3A_351] {strides = array<i32>} : memref<80x144xf32, #tpu.memory_space<vmem>>, vector<16xf32>,
      %parallel_loop3A_353 = arith.mulf %parallel_loop3A_352, %parallel_loop3A_342 : vector<16xf32>
      %parallel_loop3A_354 = arith.index_cast %parallel_loop3A_305 : i32 to index
      %parallel_loop3A_355 = arith.constant 48 : index
      %parallel_loop3A_356 = tpu.vector_load %arg12[%parallel_loop3A_354, %parallel_loop3A_355] {strides = array<i32>} : memref<80x144xf32, #tpu.memory_space<vmem>>, vector<16xf32>,
      tpu.vector_store %arg12[%parallel_loop3A_354, %parallel_loop3A_355], %parallel_loop3A_353 {strides = array<i32>} : memref<80x144xf32, #tpu.memory_space<vmem>>, vector<16xf32>,
      %parallel_loop3A_357 = vector.shape_cast %broadcast_in_dim3A_32 : vector<16x1xi32> to vector<16xi32>
      %parallel_loop3A_358 = tpu.dynamic_gather %parallel_loop3A_321[%parallel_loop3A_357] in [0] : vector<16xf32>, vector<16xi32> -> vector<16xf32>
      %parallel_loop3A_359 = arith.index_cast %parallel_loop3A_305 : i32 to index
      %parallel_loop3A_360 = arith.constant 64 : index
      %parallel_loop3A_361 = tpu.vector_load %arg12[%parallel_loop3A_359, %parallel_loop3A_360] {strides = array<i32>} : memref<80x144xf32, #tpu.memory_space<vmem>>, vector<16xf32>,
      %parallel_loop3A_362 = arith.mulf %parallel_loop3A_361, %parallel_loop3A_358 : vector<16xf32>
      %parallel_loop3A_363 = arith.index_cast %parallel_loop3A_305 : i32 to index
      %parallel_loop3A_364 = arith.constant 64 : index
      %parallel_loop3A_365 = tpu.vector_load %arg12[%parallel_loop3A_363, %parallel_loop3A_364] {strides = array<i32>} : memref<80x144xf32, #tpu.memory_space<vmem>>, vector<16xf32>,
      tpu.vector_store %arg12[%parallel_loop3A_363, %parallel_loop3A_364], %parallel_loop3A_362 {strides = array<i32>} : memref<80x144xf32, #tpu.memory_space<vmem>>, vector<16xf32>,
      %parallel_loop3A_366 = arith.index_cast %parallel_loop3A_305 : i32 to index
      %parallel_loop3A_367 = arith.constant 80 : index
      %parallel_loop3A_368 = tpu.vector_load %arg12[%parallel_loop3A_366, %parallel_loop3A_367] {strides = array<i32>} : memref<80x144xf32, #tpu.memory_space<vmem>>, vector<16xf32>,
      %parallel_loop3A_369 = arith.mulf %parallel_loop3A_368, %parallel_loop3A_358 : vector<16xf32>
      %parallel_loop3A_370 = arith.index_cast %parallel_loop3A_305 : i32 to index
      %parallel_loop3A_371 = arith.constant 80 : index
      %parallel_loop3A_372 = tpu.vector_load %arg12[%parallel_loop3A_370, %parallel_loop3A_371] {strides = array<i32>} : memref<80x144xf32, #tpu.memory_space<vmem>>, vector<16xf32>,
      tpu.vector_store %arg12[%parallel_loop3A_370, %parallel_loop3A_371], %parallel_loop3A_369 {strides = array<i32>} : memref<80x144xf32, #tpu.memory_space<vmem>>, vector<16xf32>,
      %parallel_loop3A_373 = vector.shape_cast %broadcast_in_dim3A_34 : vector<16x1xi32> to vector<16xi32>
      %parallel_loop3A_374 = tpu.dynamic_gather %parallel_loop3A_321[%parallel_loop3A_373] in [0] : vector<16xf32>, vector<16xi32> -> vector<16xf32>
      %parallel_loop3A_375 = arith.index_cast %parallel_loop3A_305 : i32 to index
      %parallel_loop3A_376 = arith.constant 96 : index
      %parallel_loop3A_377 = tpu.vector_load %arg12[%parallel_loop3A_375, %parallel_loop3A_376] {strides = array<i32>} : memref<80x144xf32, #tpu.memory_space<vmem>>, vector<16xf32>,
      %parallel_loop3A_378 = arith.mulf %parallel_loop3A_377, %parallel_loop3A_374 : vector<16xf32>
      %parallel_loop3A_379 = arith.index_cast %parallel_loop3A_305 : i32 to index
      %parallel_loop3A_380 = arith.constant 96 : index
      %parallel_loop3A_381 = tpu.vector_load %arg12[%parallel_loop3A_379, %parallel_loop3A_380] {strides = array<i32>} : memref<80x144xf32, #tpu.memory_space<vmem>>, vector<16xf32>,
      tpu.vector_store %arg12[%parallel_loop3A_379, %parallel_loop3A_380], %parallel_loop3A_378 {strides = array<i32>} : memref<80x144xf32, #tpu.memory_space<vmem>>, vector<16xf32>,
      %parallel_loop3A_382 = arith.index_cast %parallel_loop3A_305 : i32 to index
      %parallel_loop3A_383 = arith.constant 112 : index
      %parallel_loop3A_384 = tpu.vector_load %arg12[%parallel_loop3A_382, %parallel_loop3A_383] {strides = array<i32>} : memref<80x144xf32, #tpu.memory_space<vmem>>, vector<16xf32>,
      %parallel_loop3A_385 = arith.mulf %parallel_loop3A_384, %parallel_loop3A_374 : vector<16xf32>
      %parallel_loop3A_386 = arith.index_cast %parallel_loop3A_305 : i32 to index
      %parallel_loop3A_387 = arith.constant 112 : index
      %parallel_loop3A_388 = tpu.vector_load %arg12[%parallel_loop3A_386, %parallel_loop3A_387] {strides = array<i32>} : memref<80x144xf32, #tpu.memory_space<vmem>>, vector<16xf32>,
      tpu.vector_store %arg12[%parallel_loop3A_386, %parallel_loop3A_387], %parallel_loop3A_385 {strides = array<i32>} : memref<80x144xf32, #tpu.memory_space<vmem>>, vector<16xf32>,
    } {sc.loop_unroll_factor = 4 : i64, sc.parallel_access}
    %dma_start3A_253 = arith.constant 1 : i32
    %dma_start3A_254 = arith.constant 0 : i32
    %dma_start3A_255 = tpu.memref_slice %arg9[%dma_start3A_253, %dma_start3A_254] : memref<2x80xi32, #tpu.memory_space<vmem>> -> memref<1x80xi32, #tpu.memory_space<vmem>>
    %dma_start3A_256 = tpu.memref_squeeze %dma_start3A_255 : memref<1x80xi32, #tpu.memory_space<vmem>> -> memref<80xi32, #tpu.memory_space<vmem>>
    %dma_start3A_257 = arith.constant 0 : i32
    %dma_start3A_258 = arith.constant 0 : i32
    %dma_start3A_259 = tpu.memref_slice %arg17[%dma_start3A_257, %dma_start3A_258] : memref<10240x144xf32, #tpu.memory_space<vmem_shared>> -> memref<10240x144xf32, #tpu.memory_space<vmem_shared>>
    tpu.enqueue_indirect_dma source(%arg12 : memref<80x144xf32, #tpu.memory_space<vmem>>) target(%dma_start3A_259 : memref<10240x144xf32, #tpu.memory_space<vmem_shared>>) offsets(%dma_start3A_256 : memref<80xi32, #tpu.memory_space<vmem>>) semaphore(%arg26 : memref<!tpu.dma_semaphore, #tpu.memory_space<semaphore_mem>>) {add = true}
    %add3A_260 = arith.constant 5 : i32
    %add3A_261 = arith.addi %mul3A_25, %add3A_260 : i32
    "tpu.region"() ({
      %run_scoped3A = tpu.sem_alloc : memref<!tpu.dma_semaphore, #tpu.memory_space<semaphore_mem>>
      %dma_start3A_305 = arith.constant 0 : i32
      %dma_start3A_306 = arith.constant 0 : i32
      %dma_start3A_307 = tpu.memref_slice %arg5[%add3A_261, %dma_start3A_305, %dma_start3A_306] : memref<4000x2x80xi32, #tpu.memory_space<hbm>> -> memref<1x2x80xi32, #tpu.memory_space<hbm>>
      %dma_start3A_308 = tpu.memref_squeeze %dma_start3A_307 : memref<1x2x80xi32, #tpu.memory_space<hbm>> -> memref<2x80xi32, #tpu.memory_space<hbm>>
      %dma_start3A_309 = arith.constant 0 : i32
      %dma_start3A_310 = arith.constant 0 : i32
      %dma_start3A_311 = tpu.memref_slice %arg5[%add3A_261, %dma_start3A_309, %dma_start3A_310] : memref<4000x2x80xi32, #tpu.memory_space<hbm>> -> memref<1x2x80xi32, #tpu.memory_space<hbm>>
      %dma_start3A_312 = tpu.memref_squeeze %dma_start3A_311 : memref<1x2x80xi32, #tpu.memory_space<hbm>> -> memref<2x80xi32, #tpu.memory_space<hbm>>
      tpu.enqueue_dma source(%dma_start3A_312 : memref<2x80xi32, #tpu.memory_space<hbm>>) target(%arg7 : memref<2x80xi32, #tpu.memory_space<vmem>>) target_semaphore(%run_scoped3A : memref<!tpu.dma_semaphore, #tpu.memory_space<semaphore_mem>>)
      %dma_wait3A_313 = arith.constant 0 : i32
      %dma_wait3A_314 = arith.constant 0 : i32
      %dma_wait3A_315 = tpu.memref_slice %arg5[%add3A_261, %dma_wait3A_313, %dma_wait3A_314] : memref<4000x2x80xi32, #tpu.memory_space<hbm>> -> memref<1x2x80xi32, #tpu.memory_space<hbm>>
      %dma_wait3A_316 = tpu.memref_squeeze %dma_wait3A_315 : memref<1x2x80xi32, #tpu.memory_space<hbm>> -> memref<2x80xi32, #tpu.memory_space<hbm>>
      %dma_wait3A_317 = arith.constant 0 : i32
      %dma_wait3A_318 = arith.constant 0 : i32
      %dma_wait3A_319 = tpu.memref_slice %arg5[%add3A_261, %dma_wait3A_317, %dma_wait3A_318] : memref<4000x2x80xi32, #tpu.memory_space<hbm>> -> memref<1x2x80xi32, #tpu.memory_space<hbm>>
      %dma_wait3A_320 = tpu.memref_squeeze %dma_wait3A_319 : memref<1x2x80xi32, #tpu.memory_space<hbm>> -> memref<2x80xi32, #tpu.memory_space<hbm>>
      tpu.wait_dma2 semaphore(%run_scoped3A : memref<!tpu.dma_semaphore, #tpu.memory_space<semaphore_mem>>) src(%dma_wait3A_320 : memref<2x80xi32, #tpu.memory_space<hbm>>) dst(%arg7 : memref<2x80xi32, #tpu.memory_space<vmem>>)
      tpu.yield
    }) : () -> ()
    %dma_start3A_262 = arith.constant 0 : i32
    %dma_start3A_263 = arith.constant 0 : i32
    %dma_start3A_264 = tpu.memref_slice %arg7[%dma_start3A_262, %dma_start3A_263] : memref<2x80xi32, #tpu.memory_space<vmem>> -> memref<1x80xi32, #tpu.memory_space<vmem>>
    %dma_start3A_265 = tpu.memref_squeeze %dma_start3A_264 : memref<1x80xi32, #tpu.memory_space<vmem>> -> memref<80xi32, #tpu.memory_space<vmem>>
    %dma_start3A_266 = arith.constant 0 : i32
    %dma_start3A_267 = arith.constant 0 : i32
    %dma_start3A_268 = tpu.memref_slice %arg2[%dma_start3A_266, %dma_start3A_267] : memref<10000x144xf32, #tpu.memory_space<hbm>> -> memref<10000x144xf32, #tpu.memory_space<hbm>>
    tpu.enqueue_indirect_dma source(%dma_start3A_268 : memref<10000x144xf32, #tpu.memory_space<hbm>>) target(%arg10 : memref<80x144xf32, #tpu.memory_space<vmem>>) offsets(%dma_start3A_265 : memref<80xi32, #tpu.memory_space<vmem>>) semaphore(%arg18 : memref<!tpu.dma_semaphore, #tpu.memory_space<semaphore_mem>>)
    %dma_start3A_269 = arith.constant 1 : i32
    %dma_start3A_270 = arith.constant 0 : i32
    %dma_start3A_271 = tpu.memref_slice %arg7[%dma_start3A_269, %dma_start3A_270] : memref<2x80xi32, #tpu.memory_space<vmem>> -> memref<1x80xi32, #tpu.memory_space<vmem>>
    %dma_start3A_272 = tpu.memref_squeeze %dma_start3A_271 : memref<1x80xi32, #tpu.memory_space<vmem>> -> memref<80xi32, #tpu.memory_space<vmem>>
    %dma_start3A_273 = arith.constant 0 : i32
    %dma_start3A_274 = arith.constant 0 : i32
    %dma_start3A_275 = tpu.memref_slice %arg3[%dma_start3A_273, %dma_start3A_274] : memref<10000x16xf32, #tpu.memory_space<hbm>> -> memref<10000x16xf32, #tpu.memory_space<hbm>>
    tpu.enqueue_indirect_dma source(%dma_start3A_275 : memref<10000x16xf32, #tpu.memory_space<hbm>>) target(%arg13 : memref<80x16xf32, #tpu.memory_space<vmem>>) offsets(%dma_start3A_272 : memref<80xi32, #tpu.memory_space<vmem>>) semaphore(%arg21 : memref<!tpu.dma_semaphore, #tpu.memory_space<semaphore_mem>>)
    %add3A_276 = arith.constant 6 : i32
    %add3A_277 = arith.addi %mul3A_25, %add3A_276 : i32
    "tpu.region"() ({
      %run_scoped3A = tpu.sem_alloc : memref<!tpu.dma_semaphore, #tpu.memory_space<semaphore_mem>>
      %dma_start3A_305 = arith.constant 0 : i32
      %dma_start3A_306 = arith.constant 0 : i32
      %dma_start3A_307 = tpu.memref_slice %arg5[%add3A_277, %dma_start3A_305, %dma_start3A_306] : memref<4000x2x80xi32, #tpu.memory_space<hbm>> -> memref<1x2x80xi32, #tpu.memory_space<hbm>>
      %dma_start3A_308 = tpu.memref_squeeze %dma_start3A_307 : memref<1x2x80xi32, #tpu.memory_space<hbm>> -> memref<2x80xi32, #tpu.memory_space<hbm>>
      %dma_start3A_309 = arith.constant 0 : i32
      %dma_start3A_310 = arith.constant 0 : i32
      %dma_start3A_311 = tpu.memref_slice %arg5[%add3A_277, %dma_start3A_309, %dma_start3A_310] : memref<4000x2x80xi32, #tpu.memory_space<hbm>> -> memref<1x2x80xi32, #tpu.memory_space<hbm>>
      %dma_start3A_312 = tpu.memref_squeeze %dma_start3A_311 : memref<1x2x80xi32, #tpu.memory_space<hbm>> -> memref<2x80xi32, #tpu.memory_space<hbm>>
      tpu.enqueue_dma source(%dma_start3A_312 : memref<2x80xi32, #tpu.memory_space<hbm>>) target(%arg8 : memref<2x80xi32, #tpu.memory_space<vmem>>) target_semaphore(%run_scoped3A : memref<!tpu.dma_semaphore, #tpu.memory_space<semaphore_mem>>)
      %dma_wait3A_313 = arith.constant 0 : i32
      %dma_wait3A_314 = arith.constant 0 : i32
      %dma_wait3A_315 = tpu.memref_slice %arg5[%add3A_277, %dma_wait3A_313, %dma_wait3A_314] : memref<4000x2x80xi32, #tpu.memory_space<hbm>> -> memref<1x2x80xi32, #tpu.memory_space<hbm>>
      %dma_wait3A_316 = tpu.memref_squeeze %dma_wait3A_315 : memref<1x2x80xi32, #tpu.memory_space<hbm>> -> memref<2x80xi32, #tpu.memory_space<hbm>>
      %dma_wait3A_317 = arith.constant 0 : i32
      %dma_wait3A_318 = arith.constant 0 : i32
      %dma_wait3A_319 = tpu.memref_slice %arg5[%add3A_277, %dma_wait3A_317, %dma_wait3A_318] : memref<4000x2x80xi32, #tpu.memory_space<hbm>> -> memref<1x2x80xi32, #tpu.memory_space<hbm>>
      %dma_wait3A_320 = tpu.memref_squeeze %dma_wait3A_319 : memref<1x2x80xi32, #tpu.memory_space<hbm>> -> memref<2x80xi32, #tpu.memory_space<hbm>>
      tpu.wait_dma2 semaphore(%run_scoped3A : memref<!tpu.dma_semaphore, #tpu.memory_space<semaphore_mem>>) src(%dma_wait3A_320 : memref<2x80xi32, #tpu.memory_space<hbm>>) dst(%arg8 : memref<2x80xi32, #tpu.memory_space<vmem>>)
      tpu.yield
    }) : () -> ()
    %dma_start3A_278 = arith.constant 0 : i32
    %dma_start3A_279 = arith.constant 0 : i32
    %dma_start3A_280 = tpu.memref_slice %arg8[%dma_start3A_278, %dma_start3A_279] : memref<2x80xi32, #tpu.memory_space<vmem>> -> memref<1x80xi32, #tpu.memory_space<vmem>>
    %dma_start3A_281 = tpu.memref_squeeze %dma_start3A_280 : memref<1x80xi32, #tpu.memory_space<vmem>> -> memref<80xi32, #tpu.memory_space<vmem>>
    %dma_start3A_282 = arith.constant 0 : i32
    %dma_start3A_283 = arith.constant 0 : i32
    %dma_start3A_284 = tpu.memref_slice %arg2[%dma_start3A_282, %dma_start3A_283] : memref<10000x144xf32, #tpu.memory_space<hbm>> -> memref<10000x144xf32, #tpu.memory_space<hbm>>
    tpu.enqueue_indirect_dma source(%dma_start3A_284 : memref<10000x144xf32, #tpu.memory_space<hbm>>) target(%arg11 : memref<80x144xf32, #tpu.memory_space<vmem>>) offsets(%dma_start3A_281 : memref<80xi32, #tpu.memory_space<vmem>>) semaphore(%arg19 : memref<!tpu.dma_semaphore, #tpu.memory_space<semaphore_mem>>)
    %dma_start3A_285 = arith.constant 1 : i32
    %dma_start3A_286 = arith.constant 0 : i32
    %dma_start3A_287 = tpu.memref_slice %arg8[%dma_start3A_285, %dma_start3A_286] : memref<2x80xi32, #tpu.memory_space<vmem>> -> memref<1x80xi32, #tpu.memory_space<vmem>>
    %dma_start3A_288 = tpu.memref_squeeze %dma_start3A_287 : memref<1x80xi32, #tpu.memory_space<vmem>> -> memref<80xi32, #tpu.memory_space<vmem>>
    %dma_start3A_289 = arith.constant 0 : i32
    %dma_start3A_290 = arith.constant 0 : i32
    %dma_start3A_291 = tpu.memref_slice %arg3[%dma_start3A_289, %dma_start3A_290] : memref<10000x16xf32, #tpu.memory_space<hbm>> -> memref<10000x16xf32, #tpu.memory_space<hbm>>
    tpu.enqueue_indirect_dma source(%dma_start3A_291 : memref<10000x16xf32, #tpu.memory_space<hbm>>) target(%arg14 : memref<80x16xf32, #tpu.memory_space<vmem>>) offsets(%dma_start3A_288 : memref<80xi32, #tpu.memory_space<vmem>>) semaphore(%arg22 : memref<!tpu.dma_semaphore, #tpu.memory_space<semaphore_mem>>)
    %scan3A_292 = arith.constant 0 : i32
    %scan3A_293 = arith.constant 40 : i32
    %scan3A_294 = arith.addi %scan3A_292, %scan3A_293 : i32
    %scan3A_295 = arith.constant 1 : i32
    scf.for %scan3A_305 = %scan3A_292 to %scan3A_294 step %scan3A_295  : i32 {
      %mul3A_306 = arith.constant 1 : i32
      %mul3A_307 = arith.muli %scan3A_305, %mul3A_306 : i32
      %add3A_308 = arith.constant 0 : i32
      %add3A_309 = arith.addi %add3A_308, %mul3A_307 : i32
      %mul3A_310 = arith.constant 3 : i32
      %mul3A_311 = arith.muli %add3A_309, %mul3A_310 : i32
      %add3A_312 = arith.constant 5 : i32
      %add3A_313 = arith.addi %add3A_312, %mul3A_311 : i32
      %add3A_314 = arith.constant 0 : i32
      %add3A_315 = arith.addi %add3A_313, %add3A_314 : i32
      %dma_wait3A_316 = arith.constant 0 : i32
      %dma_wait3A_317 = arith.constant 0 : i32
      %dma_wait3A_318 = tpu.memref_slice %arg7[%dma_wait3A_316, %dma_wait3A_317] : memref<2x80xi32, #tpu.memory_space<vmem>> -> memref<1x80xi32, #tpu.memory_space<vmem>>
      %dma_wait3A_319 = tpu.memref_squeeze %dma_wait3A_318 : memref<1x80xi32, #tpu.memory_space<vmem>> -> memref<80xi32, #tpu.memory_space<vmem>>
      %dma_wait3A_320 = arith.constant 0 : i32
      %dma_wait3A_321 = arith.constant 0 : i32
      %dma_wait3A_322 = tpu.memref_slice %arg2[%dma_wait3A_320, %dma_wait3A_321] : memref<10000x144xf32, #tpu.memory_space<hbm>> -> memref<10000x144xf32, #tpu.memory_space<hbm>>
      tpu.wait_indirect_dma semaphore(%arg18 : memref<!tpu.dma_semaphore, #tpu.memory_space<semaphore_mem>>) src(%dma_wait3A_322 : memref<10000x144xf32, #tpu.memory_space<hbm>>) dst(%arg10 : memref<80x144xf32, #tpu.memory_space<vmem>>)
      %dma_wait3A_323 = arith.constant 1 : i32
      %dma_wait3A_324 = arith.constant 0 : i32
      %dma_wait3A_325 = tpu.memref_slice %arg7[%dma_wait3A_323, %dma_wait3A_324] : memref<2x80xi32, #tpu.memory_space<vmem>> -> memref<1x80xi32, #tpu.memory_space<vmem>>
      %dma_wait3A_326 = tpu.memref_squeeze %dma_wait3A_325 : memref<1x80xi32, #tpu.memory_space<vmem>> -> memref<80xi32, #tpu.memory_space<vmem>>
      %dma_wait3A_327 = arith.constant 0 : i32
      %dma_wait3A_328 = arith.constant 0 : i32
      %dma_wait3A_329 = tpu.memref_slice %arg3[%dma_wait3A_327, %dma_wait3A_328] : memref<10000x16xf32, #tpu.memory_space<hbm>> -> memref<10000x16xf32, #tpu.memory_space<hbm>>
      tpu.wait_indirect_dma semaphore(%arg21 : memref<!tpu.dma_semaphore, #tpu.memory_space<semaphore_mem>>) src(%dma_wait3A_329 : memref<10000x16xf32, #tpu.memory_space<hbm>>) dst(%arg13 : memref<80x16xf32, #tpu.memory_space<vmem>>)
      %parallel_loop3A_330 = arith.constant 0 : i32
      %parallel_loop3A_331 = arith.constant 80 : i32
      %parallel_loop3A_332 = arith.constant 1 : i32
      scf.for %parallel_loop3A_439 = %parallel_loop3A_330 to %parallel_loop3A_331 step %parallel_loop3A_332  : i32 {
        %parallel_loop3A_440 = arith.index_cast %parallel_loop3A_439 : i32 to index
        %parallel_loop3A_441 = arith.constant 128 : index
        %parallel_loop3A_442 = tpu.vector_load %arg10[%parallel_loop3A_440, %parallel_loop3A_441] {strides = array<i32>} : memref<80x144xf32, #tpu.memory_space<vmem>>, vector<16xf32>,
        %parallel_loop3A_443 = arith.index_cast %parallel_loop3A_439 : i32 to index
        %parallel_loop3A_444 = arith.constant 0 : index
        %parallel_loop3A_445 = tpu.vector_load %arg13[%parallel_loop3A_443, %parallel_loop3A_444] {strides = array<i32>} : memref<80x16xf32, #tpu.memory_space<vmem>>, vector<16xf32>,
        %parallel_loop3A_446 = arith.addf %parallel_loop3A_442, %parallel_loop3A_445 : vector<16xf32>
        %parallel_loop3A_447 = arith.constant 0.000000e+00 : f32
        %parallel_loop3A_448 = vector.broadcast %parallel_loop3A_447 : f32 to vector<16xf32>
        %parallel_loop3A_449 = arith.cmpf ogt, %parallel_loop3A_446, %parallel_loop3A_448 : vector<16xf32>
        %parallel_loop3A_450 = arith.constant 2.000000e-01 : f32
        %parallel_loop3A_451 = vector.broadcast %parallel_loop3A_450 : f32 to vector<16xf32>
        %parallel_loop3A_452 = arith.mulf %parallel_loop3A_451, %parallel_loop3A_446 : vector<16xf32>
        %parallel_loop3A_453 = arith.select %parallel_loop3A_449, %parallel_loop3A_446, %parallel_loop3A_452 : vector<16xi1>, vector<16xf32>
        %parallel_loop3A_454 = arith.subf %parallel_loop3A_453, %get3A_26 : vector<16xf32>
        %parallel_loop3A_455 = math.exp %parallel_loop3A_454 : vector<16xf32>
        %parallel_loop3A_456 = arith.index_cast %parallel_loop3A_439 : i32 to index
        %parallel_loop3A_457 = arith.constant 128 : index
        %parallel_loop3A_458 = tpu.vector_load %arg10[%parallel_loop3A_456, %parallel_loop3A_457] {strides = array<i32>} : memref<80x144xf32, #tpu.memory_space<vmem>>, vector<16xf32>,
        tpu.vector_store %arg10[%parallel_loop3A_456, %parallel_loop3A_457], %parallel_loop3A_455 {strides = array<i32>} : memref<80x144xf32, #tpu.memory_space<vmem>>, vector<16xf32>,
        %parallel_loop3A_459 = vector.shape_cast %broadcast_in_dim3A_28 : vector<16x1xi32> to vector<16xi32>
        %parallel_loop3A_460 = tpu.dynamic_gather %parallel_loop3A_455[%parallel_loop3A_459] in [0] : vector<16xf32>, vector<16xi32> -> vector<16xf32>
        %parallel_loop3A_461 = arith.index_cast %parallel_loop3A_439 : i32 to index
        %parallel_loop3A_462 = arith.constant 0 : index
        %parallel_loop3A_463 = tpu.vector_load %arg10[%parallel_loop3A_461, %parallel_loop3A_462] {strides = array<i32>} : memref<80x144xf32, #tpu.memory_space<vmem>>, vector<16xf32>,
        %parallel_loop3A_464 = arith.mulf %parallel_loop3A_463, %parallel_loop3A_460 : vector<16xf32>
        %parallel_loop3A_465 = arith.index_cast %parallel_loop3A_439 : i32 to index
        %parallel_loop3A_466 = arith.constant 0 : index
        %parallel_loop3A_467 = tpu.vector_load %arg10[%parallel_loop3A_465, %parallel_loop3A_466] {strides = array<i32>} : memref<80x144xf32, #tpu.memory_space<vmem>>, vector<16xf32>,
        tpu.vector_store %arg10[%parallel_loop3A_465, %parallel_loop3A_466], %parallel_loop3A_464 {strides = array<i32>} : memref<80x144xf32, #tpu.memory_space<vmem>>, vector<16xf32>,
        %parallel_loop3A_468 = arith.index_cast %parallel_loop3A_439 : i32 to index
        %parallel_loop3A_469 = arith.constant 16 : index
        %parallel_loop3A_470 = tpu.vector_load %arg10[%parallel_loop3A_468, %parallel_loop3A_469] {strides = array<i32>} : memref<80x144xf32, #tpu.memory_space<vmem>>, vector<16xf32>,
        %parallel_loop3A_471 = arith.mulf %parallel_loop3A_470, %parallel_loop3A_460 : vector<16xf32>
        %parallel_loop3A_472 = arith.index_cast %parallel_loop3A_439 : i32 to index
        %parallel_loop3A_473 = arith.constant 16 : index
        %parallel_loop3A_474 = tpu.vector_load %arg10[%parallel_loop3A_472, %parallel_loop3A_473] {strides = array<i32>} : memref<80x144xf32, #tpu.memory_space<vmem>>, vector<16xf32>,
        tpu.vector_store %arg10[%parallel_loop3A_472, %parallel_loop3A_473], %parallel_loop3A_471 {strides = array<i32>} : memref<80x144xf32, #tpu.memory_space<vmem>>, vector<16xf32>,
        %parallel_loop3A_475 = vector.shape_cast %broadcast_in_dim3A_30 : vector<16x1xi32> to vector<16xi32>
        %parallel_loop3A_476 = tpu.dynamic_gather %parallel_loop3A_455[%parallel_loop3A_475] in [0] : vector<16xf32>, vector<16xi32> -> vector<16xf32>
        %parallel_loop3A_477 = arith.index_cast %parallel_loop3A_439 : i32 to index
        %parallel_loop3A_478 = arith.constant 32 : index
        %parallel_loop3A_479 = tpu.vector_load %arg10[%parallel_loop3A_477, %parallel_loop3A_478] {strides = array<i32>} : memref<80x144xf32, #tpu.memory_space<vmem>>, vector<16xf32>,
        %parallel_loop3A_480 = arith.mulf %parallel_loop3A_479, %parallel_loop3A_476 : vector<16xf32>
        %parallel_loop3A_481 = arith.index_cast %parallel_loop3A_439 : i32 to index
        %parallel_loop3A_482 = arith.constant 32 : index
        %parallel_loop3A_483 = tpu.vector_load %arg10[%parallel_loop3A_481, %parallel_loop3A_482] {strides = array<i32>} : memref<80x144xf32, #tpu.memory_space<vmem>>, vector<16xf32>,
        tpu.vector_store %arg10[%parallel_loop3A_481, %parallel_loop3A_482], %parallel_loop3A_480 {strides = array<i32>} : memref<80x144xf32, #tpu.memory_space<vmem>>, vector<16xf32>,
        %parallel_loop3A_484 = arith.index_cast %parallel_loop3A_439 : i32 to index
        %parallel_loop3A_485 = arith.constant 48 : index
        %parallel_loop3A_486 = tpu.vector_load %arg10[%parallel_loop3A_484, %parallel_loop3A_485] {strides = array<i32>} : memref<80x144xf32, #tpu.memory_space<vmem>>, vector<16xf32>,
        %parallel_loop3A_487 = arith.mulf %parallel_loop3A_486, %parallel_loop3A_476 : vector<16xf32>
        %parallel_loop3A_488 = arith.index_cast %parallel_loop3A_439 : i32 to index
        %parallel_loop3A_489 = arith.constant 48 : index
        %parallel_loop3A_490 = tpu.vector_load %arg10[%parallel_loop3A_488, %parallel_loop3A_489] {strides = array<i32>} : memref<80x144xf32, #tpu.memory_space<vmem>>, vector<16xf32>,
        tpu.vector_store %arg10[%parallel_loop3A_488, %parallel_loop3A_489], %parallel_loop3A_487 {strides = array<i32>} : memref<80x144xf32, #tpu.memory_space<vmem>>, vector<16xf32>,
        %parallel_loop3A_491 = vector.shape_cast %broadcast_in_dim3A_32 : vector<16x1xi32> to vector<16xi32>
        %parallel_loop3A_492 = tpu.dynamic_gather %parallel_loop3A_455[%parallel_loop3A_491] in [0] : vector<16xf32>, vector<16xi32> -> vector<16xf32>
        %parallel_loop3A_493 = arith.index_cast %parallel_loop3A_439 : i32 to index
        %parallel_loop3A_494 = arith.constant 64 : index
        %parallel_loop3A_495 = tpu.vector_load %arg10[%parallel_loop3A_493, %parallel_loop3A_494] {strides = array<i32>} : memref<80x144xf32, #tpu.memory_space<vmem>>, vector<16xf32>,
        %parallel_loop3A_496 = arith.mulf %parallel_loop3A_495, %parallel_loop3A_492 : vector<16xf32>
        %parallel_loop3A_497 = arith.index_cast %parallel_loop3A_439 : i32 to index
        %parallel_loop3A_498 = arith.constant 64 : index
        %parallel_loop3A_499 = tpu.vector_load %arg10[%parallel_loop3A_497, %parallel_loop3A_498] {strides = array<i32>} : memref<80x144xf32, #tpu.memory_space<vmem>>, vector<16xf32>,
        tpu.vector_store %arg10[%parallel_loop3A_497, %parallel_loop3A_498], %parallel_loop3A_496 {strides = array<i32>} : memref<80x144xf32, #tpu.memory_space<vmem>>, vector<16xf32>,
        %parallel_loop3A_500 = arith.index_cast %parallel_loop3A_439 : i32 to index
        %parallel_loop3A_501 = arith.constant 80 : index
        %parallel_loop3A_502 = tpu.vector_load %arg10[%parallel_loop3A_500, %parallel_loop3A_501] {strides = array<i32>} : memref<80x144xf32, #tpu.memory_space<vmem>>, vector<16xf32>,
        %parallel_loop3A_503 = arith.mulf %parallel_loop3A_502, %parallel_loop3A_492 : vector<16xf32>
        %parallel_loop3A_504 = arith.index_cast %parallel_loop3A_439 : i32 to index
        %parallel_loop3A_505 = arith.constant 80 : index
        %parallel_loop3A_506 = tpu.vector_load %arg10[%parallel_loop3A_504, %parallel_loop3A_505] {strides = array<i32>} : memref<80x144xf32, #tpu.memory_space<vmem>>, vector<16xf32>,
        tpu.vector_store %arg10[%parallel_loop3A_504, %parallel_loop3A_505], %parallel_loop3A_503 {strides = array<i32>} : memref<80x144xf32, #tpu.memory_space<vmem>>, vector<16xf32>,
        %parallel_loop3A_507 = vector.shape_cast %broadcast_in_dim3A_34 : vector<16x1xi32> to vector<16xi32>
        %parallel_loop3A_508 = tpu.dynamic_gather %parallel_loop3A_455[%parallel_loop3A_507] in [0] : vector<16xf32>, vector<16xi32> -> vector<16xf32>
        %parallel_loop3A_509 = arith.index_cast %parallel_loop3A_439 : i32 to index
        %parallel_loop3A_510 = arith.constant 96 : index
        %parallel_loop3A_511 = tpu.vector_load %arg10[%parallel_loop3A_509, %parallel_loop3A_510] {strides = array<i32>} : memref<80x144xf32, #tpu.memory_space<vmem>>, vector<16xf32>,
        %parallel_loop3A_512 = arith.mulf %parallel_loop3A_511, %parallel_loop3A_508 : vector<16xf32>
        %parallel_loop3A_513 = arith.index_cast %parallel_loop3A_439 : i32 to index
        %parallel_loop3A_514 = arith.constant 96 : index
        %parallel_loop3A_515 = tpu.vector_load %arg10[%parallel_loop3A_513, %parallel_loop3A_514] {strides = array<i32>} : memref<80x144xf32, #tpu.memory_space<vmem>>, vector<16xf32>,
        tpu.vector_store %arg10[%parallel_loop3A_513, %parallel_loop3A_514], %parallel_loop3A_512 {strides = array<i32>} : memref<80x144xf32, #tpu.memory_space<vmem>>, vector<16xf32>,
        %parallel_loop3A_516 = arith.index_cast %parallel_loop3A_439 : i32 to index
        %parallel_loop3A_517 = arith.constant 112 : index
        %parallel_loop3A_518 = tpu.vector_load %arg10[%parallel_loop3A_516, %parallel_loop3A_517] {strides = array<i32>} : memref<80x144xf32, #tpu.memory_space<vmem>>, vector<16xf32>,
        %parallel_loop3A_519 = arith.mulf %parallel_loop3A_518, %parallel_loop3A_508 : vector<16xf32>
        %parallel_loop3A_520 = arith.index_cast %parallel_loop3A_439 : i32 to index
        %parallel_loop3A_521 = arith.constant 112 : index
        %parallel_loop3A_522 = tpu.vector_load %arg10[%parallel_loop3A_520, %parallel_loop3A_521] {strides = array<i32>} : memref<80x144xf32, #tpu.memory_space<vmem>>, vector<16xf32>,
        tpu.vector_store %arg10[%parallel_loop3A_520, %parallel_loop3A_521], %parallel_loop3A_519 {strides = array<i32>} : memref<80x144xf32, #tpu.memory_space<vmem>>, vector<16xf32>,
      } {sc.loop_unroll_factor = 4 : i64, sc.parallel_access}
      %dma_start3A_333 = arith.constant 1 : i32
      %dma_start3A_334 = arith.constant 0 : i32
      %dma_start3A_335 = tpu.memref_slice %arg7[%dma_start3A_333, %dma_start3A_334] : memref<2x80xi32, #tpu.memory_space<vmem>> -> memref<1x80xi32, #tpu.memory_space<vmem>>
      %dma_start3A_336 = tpu.memref_squeeze %dma_start3A_335 : memref<1x80xi32, #tpu.memory_space<vmem>> -> memref<80xi32, #tpu.memory_space<vmem>>
      %dma_start3A_337 = arith.constant 0 : i32
      %dma_start3A_338 = arith.constant 0 : i32
      %dma_start3A_339 = tpu.memref_slice %arg17[%dma_start3A_337, %dma_start3A_338] : memref<10240x144xf32, #tpu.memory_space<vmem_shared>> -> memref<10240x144xf32, #tpu.memory_space<vmem_shared>>
      tpu.enqueue_indirect_dma source(%arg10 : memref<80x144xf32, #tpu.memory_space<vmem>>) target(%dma_start3A_339 : memref<10240x144xf32, #tpu.memory_space<vmem_shared>>) offsets(%dma_start3A_336 : memref<80xi32, #tpu.memory_space<vmem>>) semaphore(%arg24 : memref<!tpu.dma_semaphore, #tpu.memory_space<semaphore_mem>>) {add = true}
      %dma_wait3A_340 = arith.constant 1 : i32
      %dma_wait3A_341 = arith.constant 0 : i32
      %dma_wait3A_342 = tpu.memref_slice %arg9[%dma_wait3A_340, %dma_wait3A_341] : memref<2x80xi32, #tpu.memory_space<vmem>> -> memref<1x80xi32, #tpu.memory_space<vmem>>
      %dma_wait3A_343 = tpu.memref_squeeze %dma_wait3A_342 : memref<1x80xi32, #tpu.memory_space<vmem>> -> memref<80xi32, #tpu.memory_space<vmem>>
      %dma_wait3A_344 = arith.constant 0 : i32
      %dma_wait3A_345 = arith.constant 0 : i32
      %dma_wait3A_346 = tpu.memref_slice %arg17[%dma_wait3A_344, %dma_wait3A_345] : memref<10240x144xf32, #tpu.memory_space<vmem_shared>> -> memref<10240x144xf32, #tpu.memory_space<vmem_shared>>
      tpu.wait_indirect_dma semaphore(%arg26 : memref<!tpu.dma_semaphore, #tpu.memory_space<semaphore_mem>>) src(%arg12 : memref<80x144xf32, #tpu.memory_space<vmem>>) dst(%dma_wait3A_346 : memref<10240x144xf32, #tpu.memory_space<vmem_shared>>)
      %add3A_347 = arith.constant 2 : i32
      %add3A_348 = arith.addi %add3A_315, %add3A_347 : i32
      %lt3A = arith.constant 125 : i32
      %lt3A_349 = arith.cmpi slt, %add3A_348, %lt3A : i32
      %convert_element_type3A = arith.extui %lt3A_349 : i1 to i32
      %cond3A = arith.constant 0 : i32
      %cond3A_350 = arith.cmpi ne, %convert_element_type3A, %cond3A : i32
      scf.if %cond3A_350 {
        %add3A_439 = arith.addi %mul3A_25, %add3A_348 : i32
        "tpu.region"() ({
          %run_scoped3A = tpu.sem_alloc : memref<!tpu.dma_semaphore, #tpu.memory_space<semaphore_mem>>
          %dma_start3A_454 = arith.constant 0 : i32
          %dma_start3A_455 = arith.constant 0 : i32
          %dma_start3A_456 = tpu.memref_slice %arg5[%add3A_439, %dma_start3A_454, %dma_start3A_455] : memref<4000x2x80xi32, #tpu.memory_space<hbm>> -> memref<1x2x80xi32, #tpu.memory_space<hbm>>
          %dma_start3A_457 = tpu.memref_squeeze %dma_start3A_456 : memref<1x2x80xi32, #tpu.memory_space<hbm>> -> memref<2x80xi32, #tpu.memory_space<hbm>>
          %dma_start3A_458 = arith.constant 0 : i32
          %dma_start3A_459 = arith.constant 0 : i32
          %dma_start3A_460 = tpu.memref_slice %arg5[%add3A_439, %dma_start3A_458, %dma_start3A_459] : memref<4000x2x80xi32, #tpu.memory_space<hbm>> -> memref<1x2x80xi32, #tpu.memory_space<hbm>>
          %dma_start3A_461 = tpu.memref_squeeze %dma_start3A_460 : memref<1x2x80xi32, #tpu.memory_space<hbm>> -> memref<2x80xi32, #tpu.memory_space<hbm>>
          tpu.enqueue_dma source(%dma_start3A_461 : memref<2x80xi32, #tpu.memory_space<hbm>>) target(%arg9 : memref<2x80xi32, #tpu.memory_space<vmem>>) target_semaphore(%run_scoped3A : memref<!tpu.dma_semaphore, #tpu.memory_space<semaphore_mem>>)
          %dma_wait3A_462 = arith.constant 0 : i32
          %dma_wait3A_463 = arith.constant 0 : i32
          %dma_wait3A_464 = tpu.memref_slice %arg5[%add3A_439, %dma_wait3A_462, %dma_wait3A_463] : memref<4000x2x80xi32, #tpu.memory_space<hbm>> -> memref<1x2x80xi32, #tpu.memory_space<hbm>>
          %dma_wait3A_465 = tpu.memref_squeeze %dma_wait3A_464 : memref<1x2x80xi32, #tpu.memory_space<hbm>> -> memref<2x80xi32, #tpu.memory_space<hbm>>
          %dma_wait3A_466 = arith.constant 0 : i32
          %dma_wait3A_467 = arith.constant 0 : i32
          %dma_wait3A_468 = tpu.memref_slice %arg5[%add3A_439, %dma_wait3A_466, %dma_wait3A_467] : memref<4000x2x80xi32, #tpu.memory_space<hbm>> -> memref<1x2x80xi32, #tpu.memory_space<hbm>>
          %dma_wait3A_469 = tpu.memref_squeeze %dma_wait3A_468 : memref<1x2x80xi32, #tpu.memory_space<hbm>> -> memref<2x80xi32, #tpu.memory_space<hbm>>
          tpu.wait_dma2 semaphore(%run_scoped3A : memref<!tpu.dma_semaphore, #tpu.memory_space<semaphore_mem>>) src(%dma_wait3A_469 : memref<2x80xi32, #tpu.memory_space<hbm>>) dst(%arg9 : memref<2x80xi32, #tpu.memory_space<vmem>>)
          tpu.yield
        }) : () -> ()
        %dma_start3A_440 = arith.constant 0 : i32
        %dma_start3A_441 = arith.constant 0 : i32
        %dma_start3A_442 = tpu.memref_slice %arg9[%dma_start3A_440, %dma_start3A_441] : memref<2x80xi32, #tpu.memory_space<vmem>> -> memref<1x80xi32, #tpu.memory_space<vmem>>
        %dma_start3A_443 = tpu.memref_squeeze %dma_start3A_442 : memref<1x80xi32, #tpu.memory_space<vmem>> -> memref<80xi32, #tpu.memory_space<vmem>>
        %dma_start3A_444 = arith.constant 0 : i32
        %dma_start3A_445 = arith.constant 0 : i32
        %dma_start3A_446 = tpu.memref_slice %arg2[%dma_start3A_444, %dma_start3A_445] : memref<10000x144xf32, #tpu.memory_space<hbm>> -> memref<10000x144xf32, #tpu.memory_space<hbm>>
        tpu.enqueue_indirect_dma source(%dma_start3A_446 : memref<10000x144xf32, #tpu.memory_space<hbm>>) target(%arg12 : memref<80x144xf32, #tpu.memory_space<vmem>>) offsets(%dma_start3A_443 : memref<80xi32, #tpu.memory_space<vmem>>) semaphore(%arg20 : memref<!tpu.dma_semaphore, #tpu.memory_space<semaphore_mem>>)
        %dma_start3A_447 = arith.constant 1 : i32
        %dma_start3A_448 = arith.constant 0 : i32
        %dma_start3A_449 = tpu.memref_slice %arg9[%dma_start3A_447, %dma_start3A_448] : memref<2x80xi32, #tpu.memory_space<vmem>> -> memref<1x80xi32, #tpu.memory_space<vmem>>
        %dma_start3A_450 = tpu.memref_squeeze %dma_start3A_449 : memref<1x80xi32, #tpu.memory_space<vmem>> -> memref<80xi32, #tpu.memory_space<vmem>>
        %dma_start3A_451 = arith.constant 0 : i32
        %dma_start3A_452 = arith.constant 0 : i32
        %dma_start3A_453 = tpu.memref_slice %arg3[%dma_start3A_451, %dma_start3A_452] : memref<10000x16xf32, #tpu.memory_space<hbm>> -> memref<10000x16xf32, #tpu.memory_space<hbm>>
        tpu.enqueue_indirect_dma source(%dma_start3A_453 : memref<10000x16xf32, #tpu.memory_space<hbm>>) target(%arg15 : memref<80x16xf32, #tpu.memory_space<vmem>>) offsets(%dma_start3A_450 : memref<80xi32, #tpu.memory_space<vmem>>) semaphore(%arg23 : memref<!tpu.dma_semaphore, #tpu.memory_space<semaphore_mem>>)
      } else {
      }
      %mul3A_351 = arith.constant 3 : i32
      %mul3A_352 = arith.muli %add3A_309, %mul3A_351 : i32
      %add3A_353 = arith.constant 5 : i32
      %add3A_354 = arith.addi %add3A_353, %mul3A_352 : i32
      %add3A_355 = arith.constant 1 : i32
      %add3A_356 = arith.addi %add3A_354, %add3A_355 : i32
      %dma_wait3A_357 = arith.constant 0 : i32
      %dma_wait3A_358 = arith.constant 0 : i32
      %dma_wait3A_359 = tpu.memref_slice %arg8[%dma_wait3A_357, %dma_wait3A_358] : memref<2x80xi32, #tpu.memory_space<vmem>> -> memref<1x80xi32, #tpu.memory_space<vmem>>
      %dma_wait3A_360 = tpu.memref_squeeze %dma_wait3A_359 : memref<1x80xi32, #tpu.memory_space<vmem>> -> memref<80xi32, #tpu.memory_space<vmem>>
      %dma_wait3A_361 = arith.constant 0 : i32
      %dma_wait3A_362 = arith.constant 0 : i32
      %dma_wait3A_363 = tpu.memref_slice %arg2[%dma_wait3A_361, %dma_wait3A_362] : memref<10000x144xf32, #tpu.memory_space<hbm>> -> memref<10000x144xf32, #tpu.memory_space<hbm>>
      tpu.wait_indirect_dma semaphore(%arg19 : memref<!tpu.dma_semaphore, #tpu.memory_space<semaphore_mem>>) src(%dma_wait3A_363 : memref<10000x144xf32, #tpu.memory_space<hbm>>) dst(%arg11 : memref<80x144xf32, #tpu.memory_space<vmem>>)
      %dma_wait3A_364 = arith.constant 1 : i32
      %dma_wait3A_365 = arith.constant 0 : i32
      %dma_wait3A_366 = tpu.memref_slice %arg8[%dma_wait3A_364, %dma_wait3A_365] : memref<2x80xi32, #tpu.memory_space<vmem>> -> memref<1x80xi32, #tpu.memory_space<vmem>>
      %dma_wait3A_367 = tpu.memref_squeeze %dma_wait3A_366 : memref<1x80xi32, #tpu.memory_space<vmem>> -> memref<80xi32, #tpu.memory_space<vmem>>
      %dma_wait3A_368 = arith.constant 0 : i32
      %dma_wait3A_369 = arith.constant 0 : i32
      %dma_wait3A_370 = tpu.memref_slice %arg3[%dma_wait3A_368, %dma_wait3A_369] : memref<10000x16xf32, #tpu.memory_space<hbm>> -> memref<10000x16xf32, #tpu.memory_space<hbm>>
      tpu.wait_indirect_dma semaphore(%arg22 : memref<!tpu.dma_semaphore, #tpu.memory_space<semaphore_mem>>) src(%dma_wait3A_370 : memref<10000x16xf32, #tpu.memory_space<hbm>>) dst(%arg14 : memref<80x16xf32, #tpu.memory_space<vmem>>)
      %parallel_loop3A_371 = arith.constant 0 : i32
      %parallel_loop3A_372 = arith.constant 80 : i32
      %parallel_loop3A_373 = arith.constant 1 : i32
      scf.for %parallel_loop3A_439 = %parallel_loop3A_371 to %parallel_loop3A_372 step %parallel_loop3A_373  : i32 {
        %parallel_loop3A_440 = arith.index_cast %parallel_loop3A_439 : i32 to index
        %parallel_loop3A_441 = arith.constant 128 : index
        %parallel_loop3A_442 = tpu.vector_load %arg11[%parallel_loop3A_440, %parallel_loop3A_441] {strides = array<i32>} : memref<80x144xf32, #tpu.memory_space<vmem>>, vector<16xf32>,
        %parallel_loop3A_443 = arith.index_cast %parallel_loop3A_439 : i32 to index
        %parallel_loop3A_444 = arith.constant 0 : index
        %parallel_loop3A_445 = tpu.vector_load %arg14[%parallel_loop3A_443, %parallel_loop3A_444] {strides = array<i32>} : memref<80x16xf32, #tpu.memory_space<vmem>>, vector<16xf32>,
        %parallel_loop3A_446 = arith.addf %parallel_loop3A_442, %parallel_loop3A_445 : vector<16xf32>
        %parallel_loop3A_447 = arith.constant 0.000000e+00 : f32
        %parallel_loop3A_448 = vector.broadcast %parallel_loop3A_447 : f32 to vector<16xf32>
        %parallel_loop3A_449 = arith.cmpf ogt, %parallel_loop3A_446, %parallel_loop3A_448 : vector<16xf32>
        %parallel_loop3A_450 = arith.constant 2.000000e-01 : f32
        %parallel_loop3A_451 = vector.broadcast %parallel_loop3A_450 : f32 to vector<16xf32>
        %parallel_loop3A_452 = arith.mulf %parallel_loop3A_451, %parallel_loop3A_446 : vector<16xf32>
        %parallel_loop3A_453 = arith.select %parallel_loop3A_449, %parallel_loop3A_446, %parallel_loop3A_452 : vector<16xi1>, vector<16xf32>
        %parallel_loop3A_454 = arith.subf %parallel_loop3A_453, %get3A_26 : vector<16xf32>
        %parallel_loop3A_455 = math.exp %parallel_loop3A_454 : vector<16xf32>
        %parallel_loop3A_456 = arith.index_cast %parallel_loop3A_439 : i32 to index
        %parallel_loop3A_457 = arith.constant 128 : index
        %parallel_loop3A_458 = tpu.vector_load %arg11[%parallel_loop3A_456, %parallel_loop3A_457] {strides = array<i32>} : memref<80x144xf32, #tpu.memory_space<vmem>>, vector<16xf32>,
        tpu.vector_store %arg11[%parallel_loop3A_456, %parallel_loop3A_457], %parallel_loop3A_455 {strides = array<i32>} : memref<80x144xf32, #tpu.memory_space<vmem>>, vector<16xf32>,
        %parallel_loop3A_459 = vector.shape_cast %broadcast_in_dim3A_28 : vector<16x1xi32> to vector<16xi32>
        %parallel_loop3A_460 = tpu.dynamic_gather %parallel_loop3A_455[%parallel_loop3A_459] in [0] : vector<16xf32>, vector<16xi32> -> vector<16xf32>
        %parallel_loop3A_461 = arith.index_cast %parallel_loop3A_439 : i32 to index
        %parallel_loop3A_462 = arith.constant 0 : index
        %parallel_loop3A_463 = tpu.vector_load %arg11[%parallel_loop3A_461, %parallel_loop3A_462] {strides = array<i32>} : memref<80x144xf32, #tpu.memory_space<vmem>>, vector<16xf32>,
        %parallel_loop3A_464 = arith.mulf %parallel_loop3A_463, %parallel_loop3A_460 : vector<16xf32>
        %parallel_loop3A_465 = arith.index_cast %parallel_loop3A_439 : i32 to index
        %parallel_loop3A_466 = arith.constant 0 : index
        %parallel_loop3A_467 = tpu.vector_load %arg11[%parallel_loop3A_465, %parallel_loop3A_466] {strides = array<i32>} : memref<80x144xf32, #tpu.memory_space<vmem>>, vector<16xf32>,
        tpu.vector_store %arg11[%parallel_loop3A_465, %parallel_loop3A_466], %parallel_loop3A_464 {strides = array<i32>} : memref<80x144xf32, #tpu.memory_space<vmem>>, vector<16xf32>,
        %parallel_loop3A_468 = arith.index_cast %parallel_loop3A_439 : i32 to index
        %parallel_loop3A_469 = arith.constant 16 : index
        %parallel_loop3A_470 = tpu.vector_load %arg11[%parallel_loop3A_468, %parallel_loop3A_469] {strides = array<i32>} : memref<80x144xf32, #tpu.memory_space<vmem>>, vector<16xf32>,
        %parallel_loop3A_471 = arith.mulf %parallel_loop3A_470, %parallel_loop3A_460 : vector<16xf32>
        %parallel_loop3A_472 = arith.index_cast %parallel_loop3A_439 : i32 to index
        %parallel_loop3A_473 = arith.constant 16 : index
        %parallel_loop3A_474 = tpu.vector_load %arg11[%parallel_loop3A_472, %parallel_loop3A_473] {strides = array<i32>} : memref<80x144xf32, #tpu.memory_space<vmem>>, vector<16xf32>,
        tpu.vector_store %arg11[%parallel_loop3A_472, %parallel_loop3A_473], %parallel_loop3A_471 {strides = array<i32>} : memref<80x144xf32, #tpu.memory_space<vmem>>, vector<16xf32>,
        %parallel_loop3A_475 = vector.shape_cast %broadcast_in_dim3A_30 : vector<16x1xi32> to vector<16xi32>
        %parallel_loop3A_476 = tpu.dynamic_gather %parallel_loop3A_455[%parallel_loop3A_475] in [0] : vector<16xf32>, vector<16xi32> -> vector<16xf32>
        %parallel_loop3A_477 = arith.index_cast %parallel_loop3A_439 : i32 to index
        %parallel_loop3A_478 = arith.constant 32 : index
        %parallel_loop3A_479 = tpu.vector_load %arg11[%parallel_loop3A_477, %parallel_loop3A_478] {strides = array<i32>} : memref<80x144xf32, #tpu.memory_space<vmem>>, vector<16xf32>,
        %parallel_loop3A_480 = arith.mulf %parallel_loop3A_479, %parallel_loop3A_476 : vector<16xf32>
        %parallel_loop3A_481 = arith.index_cast %parallel_loop3A_439 : i32 to index
        %parallel_loop3A_482 = arith.constant 32 : index
        %parallel_loop3A_483 = tpu.vector_load %arg11[%parallel_loop3A_481, %parallel_loop3A_482] {strides = array<i32>} : memref<80x144xf32, #tpu.memory_space<vmem>>, vector<16xf32>,
        tpu.vector_store %arg11[%parallel_loop3A_481, %parallel_loop3A_482], %parallel_loop3A_480 {strides = array<i32>} : memref<80x144xf32, #tpu.memory_space<vmem>>, vector<16xf32>,
        %parallel_loop3A_484 = arith.index_cast %parallel_loop3A_439 : i32 to index
        %parallel_loop3A_485 = arith.constant 48 : index
        %parallel_loop3A_486 = tpu.vector_load %arg11[%parallel_loop3A_484, %parallel_loop3A_485] {strides = array<i32>} : memref<80x144xf32, #tpu.memory_space<vmem>>, vector<16xf32>,
        %parallel_loop3A_487 = arith.mulf %parallel_loop3A_486, %parallel_loop3A_476 : vector<16xf32>
        %parallel_loop3A_488 = arith.index_cast %parallel_loop3A_439 : i32 to index
        %parallel_loop3A_489 = arith.constant 48 : index
        %parallel_loop3A_490 = tpu.vector_load %arg11[%parallel_loop3A_488, %parallel_loop3A_489] {strides = array<i32>} : memref<80x144xf32, #tpu.memory_space<vmem>>, vector<16xf32>,
        tpu.vector_store %arg11[%parallel_loop3A_488, %parallel_loop3A_489], %parallel_loop3A_487 {strides = array<i32>} : memref<80x144xf32, #tpu.memory_space<vmem>>, vector<16xf32>,
        %parallel_loop3A_491 = vector.shape_cast %broadcast_in_dim3A_32 : vector<16x1xi32> to vector<16xi32>
        %parallel_loop3A_492 = tpu.dynamic_gather %parallel_loop3A_455[%parallel_loop3A_491] in [0] : vector<16xf32>, vector<16xi32> -> vector<16xf32>
        %parallel_loop3A_493 = arith.index_cast %parallel_loop3A_439 : i32 to index
        %parallel_loop3A_494 = arith.constant 64 : index
        %parallel_loop3A_495 = tpu.vector_load %arg11[%parallel_loop3A_493, %parallel_loop3A_494] {strides = array<i32>} : memref<80x144xf32, #tpu.memory_space<vmem>>, vector<16xf32>,
        %parallel_loop3A_496 = arith.mulf %parallel_loop3A_495, %parallel_loop3A_492 : vector<16xf32>
        %parallel_loop3A_497 = arith.index_cast %parallel_loop3A_439 : i32 to index
        %parallel_loop3A_498 = arith.constant 64 : index
        %parallel_loop3A_499 = tpu.vector_load %arg11[%parallel_loop3A_497, %parallel_loop3A_498] {strides = array<i32>} : memref<80x144xf32, #tpu.memory_space<vmem>>, vector<16xf32>,
        tpu.vector_store %arg11[%parallel_loop3A_497, %parallel_loop3A_498], %parallel_loop3A_496 {strides = array<i32>} : memref<80x144xf32, #tpu.memory_space<vmem>>, vector<16xf32>,
        %parallel_loop3A_500 = arith.index_cast %parallel_loop3A_439 : i32 to index
        %parallel_loop3A_501 = arith.constant 80 : index
        %parallel_loop3A_502 = tpu.vector_load %arg11[%parallel_loop3A_500, %parallel_loop3A_501] {strides = array<i32>} : memref<80x144xf32, #tpu.memory_space<vmem>>, vector<16xf32>,
        %parallel_loop3A_503 = arith.mulf %parallel_loop3A_502, %parallel_loop3A_492 : vector<16xf32>
        %parallel_loop3A_504 = arith.index_cast %parallel_loop3A_439 : i32 to index
        %parallel_loop3A_505 = arith.constant 80 : index
        %parallel_loop3A_506 = tpu.vector_load %arg11[%parallel_loop3A_504, %parallel_loop3A_505] {strides = array<i32>} : memref<80x144xf32, #tpu.memory_space<vmem>>, vector<16xf32>,
        tpu.vector_store %arg11[%parallel_loop3A_504, %parallel_loop3A_505], %parallel_loop3A_503 {strides = array<i32>} : memref<80x144xf32, #tpu.memory_space<vmem>>, vector<16xf32>,
        %parallel_loop3A_507 = vector.shape_cast %broadcast_in_dim3A_34 : vector<16x1xi32> to vector<16xi32>
        %parallel_loop3A_508 = tpu.dynamic_gather %parallel_loop3A_455[%parallel_loop3A_507] in [0] : vector<16xf32>, vector<16xi32> -> vector<16xf32>
        %parallel_loop3A_509 = arith.index_cast %parallel_loop3A_439 : i32 to index
        %parallel_loop3A_510 = arith.constant 96 : index
        %parallel_loop3A_511 = tpu.vector_load %arg11[%parallel_loop3A_509, %parallel_loop3A_510] {strides = array<i32>} : memref<80x144xf32, #tpu.memory_space<vmem>>, vector<16xf32>,
        %parallel_loop3A_512 = arith.mulf %parallel_loop3A_511, %parallel_loop3A_508 : vector<16xf32>
        %parallel_loop3A_513 = arith.index_cast %parallel_loop3A_439 : i32 to index
        %parallel_loop3A_514 = arith.constant 96 : index
        %parallel_loop3A_515 = tpu.vector_load %arg11[%parallel_loop3A_513, %parallel_loop3A_514] {strides = array<i32>} : memref<80x144xf32, #tpu.memory_space<vmem>>, vector<16xf32>,
        tpu.vector_store %arg11[%parallel_loop3A_513, %parallel_loop3A_514], %parallel_loop3A_512 {strides = array<i32>} : memref<80x144xf32, #tpu.memory_space<vmem>>, vector<16xf32>,
        %parallel_loop3A_516 = arith.index_cast %parallel_loop3A_439 : i32 to index
        %parallel_loop3A_517 = arith.constant 112 : index
        %parallel_loop3A_518 = tpu.vector_load %arg11[%parallel_loop3A_516, %parallel_loop3A_517] {strides = array<i32>} : memref<80x144xf32, #tpu.memory_space<vmem>>, vector<16xf32>,
        %parallel_loop3A_519 = arith.mulf %parallel_loop3A_518, %parallel_loop3A_508 : vector<16xf32>
        %parallel_loop3A_520 = arith.index_cast %parallel_loop3A_439 : i32 to index
        %parallel_loop3A_521 = arith.constant 112 : index
        %parallel_loop3A_522 = tpu.vector_load %arg11[%parallel_loop3A_520, %parallel_loop3A_521] {strides = array<i32>} : memref<80x144xf32, #tpu.memory_space<vmem>>, vector<16xf32>,
        tpu.vector_store %arg11[%parallel_loop3A_520, %parallel_loop3A_521], %parallel_loop3A_519 {strides = array<i32>} : memref<80x144xf32, #tpu.memory_space<vmem>>, vector<16xf32>,
      } {sc.loop_unroll_factor = 4 : i64, sc.parallel_access}
      %dma_start3A_374 = arith.constant 1 : i32
      %dma_start3A_375 = arith.constant 0 : i32
      %dma_start3A_376 = tpu.memref_slice %arg8[%dma_start3A_374, %dma_start3A_375] : memref<2x80xi32, #tpu.memory_space<vmem>> -> memref<1x80xi32, #tpu.memory_space<vmem>>
      %dma_start3A_377 = tpu.memref_squeeze %dma_start3A_376 : memref<1x80xi32, #tpu.memory_space<vmem>> -> memref<80xi32, #tpu.memory_space<vmem>>
      %dma_start3A_378 = arith.constant 0 : i32
      %dma_start3A_379 = arith.constant 0 : i32
      %dma_start3A_380 = tpu.memref_slice %arg17[%dma_start3A_378, %dma_start3A_379] : memref<10240x144xf32, #tpu.memory_space<vmem_shared>> -> memref<10240x144xf32, #tpu.memory_space<vmem_shared>>
      tpu.enqueue_indirect_dma source(%arg11 : memref<80x144xf32, #tpu.memory_space<vmem>>) target(%dma_start3A_380 : memref<10240x144xf32, #tpu.memory_space<vmem_shared>>) offsets(%dma_start3A_377 : memref<80xi32, #tpu.memory_space<vmem>>) semaphore(%arg25 : memref<!tpu.dma_semaphore, #tpu.memory_space<semaphore_mem>>) {add = true}
      %dma_wait3A_381 = arith.constant 1 : i32
      %dma_wait3A_382 = arith.constant 0 : i32
      %dma_wait3A_383 = tpu.memref_slice %arg7[%dma_wait3A_381, %dma_wait3A_382] : memref<2x80xi32, #tpu.memory_space<vmem>> -> memref<1x80xi32, #tpu.memory_space<vmem>>
      %dma_wait3A_384 = tpu.memref_squeeze %dma_wait3A_383 : memref<1x80xi32, #tpu.memory_space<vmem>> -> memref<80xi32, #tpu.memory_space<vmem>>
      %dma_wait3A_385 = arith.constant 0 : i32
      %dma_wait3A_386 = arith.constant 0 : i32
      %dma_wait3A_387 = tpu.memref_slice %arg17[%dma_wait3A_385, %dma_wait3A_386] : memref<10240x144xf32, #tpu.memory_space<vmem_shared>> -> memref<10240x144xf32, #tpu.memory_space<vmem_shared>>
      tpu.wait_indirect_dma semaphore(%arg24 : memref<!tpu.dma_semaphore, #tpu.memory_space<semaphore_mem>>) src(%arg10 : memref<80x144xf32, #tpu.memory_space<vmem>>) dst(%dma_wait3A_387 : memref<10240x144xf32, #tpu.memory_space<vmem_shared>>)
      %add3A_388 = arith.constant 2 : i32
      %add3A_389 = arith.addi %add3A_356, %add3A_388 : i32
      %lt3A_390 = arith.constant 125 : i32
      %lt3A_391 = arith.cmpi slt, %add3A_389, %lt3A_390 : i32
      %convert_element_type3A_392 = arith.extui %lt3A_391 : i1 to i32
      %cond3A_393 = arith.constant 0 : i32
      %cond3A_394 = arith.cmpi ne, %convert_element_type3A_392, %cond3A_393 : i32
      scf.if %cond3A_394 {
        %add3A_439 = arith.addi %mul3A_25, %add3A_389 : i32
        "tpu.region"() ({
          %run_scoped3A = tpu.sem_alloc : memref<!tpu.dma_semaphore, #tpu.memory_space<semaphore_mem>>
          %dma_start3A_454 = arith.constant 0 : i32
          %dma_start3A_455 = arith.constant 0 : i32
          %dma_start3A_456 = tpu.memref_slice %arg5[%add3A_439, %dma_start3A_454, %dma_start3A_455] : memref<4000x2x80xi32, #tpu.memory_space<hbm>> -> memref<1x2x80xi32, #tpu.memory_space<hbm>>
          %dma_start3A_457 = tpu.memref_squeeze %dma_start3A_456 : memref<1x2x80xi32, #tpu.memory_space<hbm>> -> memref<2x80xi32, #tpu.memory_space<hbm>>
          %dma_start3A_458 = arith.constant 0 : i32
          %dma_start3A_459 = arith.constant 0 : i32
          %dma_start3A_460 = tpu.memref_slice %arg5[%add3A_439, %dma_start3A_458, %dma_start3A_459] : memref<4000x2x80xi32, #tpu.memory_space<hbm>> -> memref<1x2x80xi32, #tpu.memory_space<hbm>>
          %dma_start3A_461 = tpu.memref_squeeze %dma_start3A_460 : memref<1x2x80xi32, #tpu.memory_space<hbm>> -> memref<2x80xi32, #tpu.memory_space<hbm>>
          tpu.enqueue_dma source(%dma_start3A_461 : memref<2x80xi32, #tpu.memory_space<hbm>>) target(%arg7 : memref<2x80xi32, #tpu.memory_space<vmem>>) target_semaphore(%run_scoped3A : memref<!tpu.dma_semaphore, #tpu.memory_space<semaphore_mem>>)
          %dma_wait3A_462 = arith.constant 0 : i32
          %dma_wait3A_463 = arith.constant 0 : i32
          %dma_wait3A_464 = tpu.memref_slice %arg5[%add3A_439, %dma_wait3A_462, %dma_wait3A_463] : memref<4000x2x80xi32, #tpu.memory_space<hbm>> -> memref<1x2x80xi32, #tpu.memory_space<hbm>>
          %dma_wait3A_465 = tpu.memref_squeeze %dma_wait3A_464 : memref<1x2x80xi32, #tpu.memory_space<hbm>> -> memref<2x80xi32, #tpu.memory_space<hbm>>
          %dma_wait3A_466 = arith.constant 0 : i32
          %dma_wait3A_467 = arith.constant 0 : i32
          %dma_wait3A_468 = tpu.memref_slice %arg5[%add3A_439, %dma_wait3A_466, %dma_wait3A_467] : memref<4000x2x80xi32, #tpu.memory_space<hbm>> -> memref<1x2x80xi32, #tpu.memory_space<hbm>>
          %dma_wait3A_469 = tpu.memref_squeeze %dma_wait3A_468 : memref<1x2x80xi32, #tpu.memory_space<hbm>> -> memref<2x80xi32, #tpu.memory_space<hbm>>
          tpu.wait_dma2 semaphore(%run_scoped3A : memref<!tpu.dma_semaphore, #tpu.memory_space<semaphore_mem>>) src(%dma_wait3A_469 : memref<2x80xi32, #tpu.memory_space<hbm>>) dst(%arg7 : memref<2x80xi32, #tpu.memory_space<vmem>>)
          tpu.yield
        }) : () -> ()
        %dma_start3A_440 = arith.constant 0 : i32
        %dma_start3A_441 = arith.constant 0 : i32
        %dma_start3A_442 = tpu.memref_slice %arg7[%dma_start3A_440, %dma_start3A_441] : memref<2x80xi32, #tpu.memory_space<vmem>> -> memref<1x80xi32, #tpu.memory_space<vmem>>
        %dma_start3A_443 = tpu.memref_squeeze %dma_start3A_442 : memref<1x80xi32, #tpu.memory_space<vmem>> -> memref<80xi32, #tpu.memory_space<vmem>>
        %dma_start3A_444 = arith.constant 0 : i32
        %dma_start3A_445 = arith.constant 0 : i32
        %dma_start3A_446 = tpu.memref_slice %arg2[%dma_start3A_444, %dma_start3A_445] : memref<10000x144xf32, #tpu.memory_space<hbm>> -> memref<10000x144xf32, #tpu.memory_space<hbm>>
        tpu.enqueue_indirect_dma source(%dma_start3A_446 : memref<10000x144xf32, #tpu.memory_space<hbm>>) target(%arg10 : memref<80x144xf32, #tpu.memory_space<vmem>>) offsets(%dma_start3A_443 : memref<80xi32, #tpu.memory_space<vmem>>) semaphore(%arg18 : memref<!tpu.dma_semaphore, #tpu.memory_space<semaphore_mem>>)
        %dma_start3A_447 = arith.constant 1 : i32
        %dma_start3A_448 = arith.constant 0 : i32
        %dma_start3A_449 = tpu.memref_slice %arg7[%dma_start3A_447, %dma_start3A_448] : memref<2x80xi32, #tpu.memory_space<vmem>> -> memref<1x80xi32, #tpu.memory_space<vmem>>
        %dma_start3A_450 = tpu.memref_squeeze %dma_start3A_449 : memref<1x80xi32, #tpu.memory_space<vmem>> -> memref<80xi32, #tpu.memory_space<vmem>>
        %dma_start3A_451 = arith.constant 0 : i32
        %dma_start3A_452 = arith.constant 0 : i32
        %dma_start3A_453 = tpu.memref_slice %arg3[%dma_start3A_451, %dma_start3A_452] : memref<10000x16xf32, #tpu.memory_space<hbm>> -> memref<10000x16xf32, #tpu.memory_space<hbm>>
        tpu.enqueue_indirect_dma source(%dma_start3A_453 : memref<10000x16xf32, #tpu.memory_space<hbm>>) target(%arg13 : memref<80x16xf32, #tpu.memory_space<vmem>>) offsets(%dma_start3A_450 : memref<80xi32, #tpu.memory_space<vmem>>) semaphore(%arg21 : memref<!tpu.dma_semaphore, #tpu.memory_space<semaphore_mem>>)
      } else {
      }
      %mul3A_395 = arith.constant 3 : i32
      %mul3A_396 = arith.muli %add3A_309, %mul3A_395 : i32
      %add3A_397 = arith.constant 5 : i32
      %add3A_398 = arith.addi %add3A_397, %mul3A_396 : i32
      %add3A_399 = arith.constant 2 : i32
      %add3A_400 = arith.addi %add3A_398, %add3A_399 : i32
      %dma_wait3A_401 = arith.constant 0 : i32
      %dma_wait3A_402 = arith.constant 0 : i32
      %dma_wait3A_403 = tpu.memref_slice %arg9[%dma_wait3A_401, %dma_wait3A_402] : memref<2x80xi32, #tpu.memory_space<vmem>> -> memref<1x80xi32, #tpu.memory_space<vmem>>
      %dma_wait3A_404 = tpu.memref_squeeze %dma_wait3A_403 : memref<1x80xi32, #tpu.memory_space<vmem>> -> memref<80xi32, #tpu.memory_space<vmem>>
      %dma_wait3A_405 = arith.constant 0 : i32
      %dma_wait3A_406 = arith.constant 0 : i32
      %dma_wait3A_407 = tpu.memref_slice %arg2[%dma_wait3A_405, %dma_wait3A_406] : memref<10000x144xf32, #tpu.memory_space<hbm>> -> memref<10000x144xf32, #tpu.memory_space<hbm>>
      tpu.wait_indirect_dma semaphore(%arg20 : memref<!tpu.dma_semaphore, #tpu.memory_space<semaphore_mem>>) src(%dma_wait3A_407 : memref<10000x144xf32, #tpu.memory_space<hbm>>) dst(%arg12 : memref<80x144xf32, #tpu.memory_space<vmem>>)
      %dma_wait3A_408 = arith.constant 1 : i32
      %dma_wait3A_409 = arith.constant 0 : i32
      %dma_wait3A_410 = tpu.memref_slice %arg9[%dma_wait3A_408, %dma_wait3A_409] : memref<2x80xi32, #tpu.memory_space<vmem>> -> memref<1x80xi32, #tpu.memory_space<vmem>>
      %dma_wait3A_411 = tpu.memref_squeeze %dma_wait3A_410 : memref<1x80xi32, #tpu.memory_space<vmem>> -> memref<80xi32, #tpu.memory_space<vmem>>
      %dma_wait3A_412 = arith.constant 0 : i32
      %dma_wait3A_413 = arith.constant 0 : i32
      %dma_wait3A_414 = tpu.memref_slice %arg3[%dma_wait3A_412, %dma_wait3A_413] : memref<10000x16xf32, #tpu.memory_space<hbm>> -> memref<10000x16xf32, #tpu.memory_space<hbm>>
      tpu.wait_indirect_dma semaphore(%arg23 : memref<!tpu.dma_semaphore, #tpu.memory_space<semaphore_mem>>) src(%dma_wait3A_414 : memref<10000x16xf32, #tpu.memory_space<hbm>>) dst(%arg15 : memref<80x16xf32, #tpu.memory_space<vmem>>)
      %parallel_loop3A_415 = arith.constant 0 : i32
      %parallel_loop3A_416 = arith.constant 80 : i32
      %parallel_loop3A_417 = arith.constant 1 : i32
      scf.for %parallel_loop3A_439 = %parallel_loop3A_415 to %parallel_loop3A_416 step %parallel_loop3A_417  : i32 {
        %parallel_loop3A_440 = arith.index_cast %parallel_loop3A_439 : i32 to index
        %parallel_loop3A_441 = arith.constant 128 : index
        %parallel_loop3A_442 = tpu.vector_load %arg12[%parallel_loop3A_440, %parallel_loop3A_441] {strides = array<i32>} : memref<80x144xf32, #tpu.memory_space<vmem>>, vector<16xf32>,
        %parallel_loop3A_443 = arith.index_cast %parallel_loop3A_439 : i32 to index
        %parallel_loop3A_444 = arith.constant 0 : index
        %parallel_loop3A_445 = tpu.vector_load %arg15[%parallel_loop3A_443, %parallel_loop3A_444] {strides = array<i32>} : memref<80x16xf32, #tpu.memory_space<vmem>>, vector<16xf32>,
        %parallel_loop3A_446 = arith.addf %parallel_loop3A_442, %parallel_loop3A_445 : vector<16xf32>
        %parallel_loop3A_447 = arith.constant 0.000000e+00 : f32
        %parallel_loop3A_448 = vector.broadcast %parallel_loop3A_447 : f32 to vector<16xf32>
        %parallel_loop3A_449 = arith.cmpf ogt, %parallel_loop3A_446, %parallel_loop3A_448 : vector<16xf32>
        %parallel_loop3A_450 = arith.constant 2.000000e-01 : f32
        %parallel_loop3A_451 = vector.broadcast %parallel_loop3A_450 : f32 to vector<16xf32>
        %parallel_loop3A_452 = arith.mulf %parallel_loop3A_451, %parallel_loop3A_446 : vector<16xf32>
        %parallel_loop3A_453 = arith.select %parallel_loop3A_449, %parallel_loop3A_446, %parallel_loop3A_452 : vector<16xi1>, vector<16xf32>
        %parallel_loop3A_454 = arith.subf %parallel_loop3A_453, %get3A_26 : vector<16xf32>
        %parallel_loop3A_455 = math.exp %parallel_loop3A_454 : vector<16xf32>
        %parallel_loop3A_456 = arith.index_cast %parallel_loop3A_439 : i32 to index
        %parallel_loop3A_457 = arith.constant 128 : index
        %parallel_loop3A_458 = tpu.vector_load %arg12[%parallel_loop3A_456, %parallel_loop3A_457] {strides = array<i32>} : memref<80x144xf32, #tpu.memory_space<vmem>>, vector<16xf32>,
        tpu.vector_store %arg12[%parallel_loop3A_456, %parallel_loop3A_457], %parallel_loop3A_455 {strides = array<i32>} : memref<80x144xf32, #tpu.memory_space<vmem>>, vector<16xf32>,
        %parallel_loop3A_459 = vector.shape_cast %broadcast_in_dim3A_28 : vector<16x1xi32> to vector<16xi32>
        %parallel_loop3A_460 = tpu.dynamic_gather %parallel_loop3A_455[%parallel_loop3A_459] in [0] : vector<16xf32>, vector<16xi32> -> vector<16xf32>
        %parallel_loop3A_461 = arith.index_cast %parallel_loop3A_439 : i32 to index
        %parallel_loop3A_462 = arith.constant 0 : index
        %parallel_loop3A_463 = tpu.vector_load %arg12[%parallel_loop3A_461, %parallel_loop3A_462] {strides = array<i32>} : memref<80x144xf32, #tpu.memory_space<vmem>>, vector<16xf32>,
        %parallel_loop3A_464 = arith.mulf %parallel_loop3A_463, %parallel_loop3A_460 : vector<16xf32>
        %parallel_loop3A_465 = arith.index_cast %parallel_loop3A_439 : i32 to index
        %parallel_loop3A_466 = arith.constant 0 : index
        %parallel_loop3A_467 = tpu.vector_load %arg12[%parallel_loop3A_465, %parallel_loop3A_466] {strides = array<i32>} : memref<80x144xf32, #tpu.memory_space<vmem>>, vector<16xf32>,
        tpu.vector_store %arg12[%parallel_loop3A_465, %parallel_loop3A_466], %parallel_loop3A_464 {strides = array<i32>} : memref<80x144xf32, #tpu.memory_space<vmem>>, vector<16xf32>,
        %parallel_loop3A_468 = arith.index_cast %parallel_loop3A_439 : i32 to index
        %parallel_loop3A_469 = arith.constant 16 : index
        %parallel_loop3A_470 = tpu.vector_load %arg12[%parallel_loop3A_468, %parallel_loop3A_469] {strides = array<i32>} : memref<80x144xf32, #tpu.memory_space<vmem>>, vector<16xf32>,
        %parallel_loop3A_471 = arith.mulf %parallel_loop3A_470, %parallel_loop3A_460 : vector<16xf32>
        %parallel_loop3A_472 = arith.index_cast %parallel_loop3A_439 : i32 to index
        %parallel_loop3A_473 = arith.constant 16 : index
        %parallel_loop3A_474 = tpu.vector_load %arg12[%parallel_loop3A_472, %parallel_loop3A_473] {strides = array<i32>} : memref<80x144xf32, #tpu.memory_space<vmem>>, vector<16xf32>,
        tpu.vector_store %arg12[%parallel_loop3A_472, %parallel_loop3A_473], %parallel_loop3A_471 {strides = array<i32>} : memref<80x144xf32, #tpu.memory_space<vmem>>, vector<16xf32>,
        %parallel_loop3A_475 = vector.shape_cast %broadcast_in_dim3A_30 : vector<16x1xi32> to vector<16xi32>
        %parallel_loop3A_476 = tpu.dynamic_gather %parallel_loop3A_455[%parallel_loop3A_475] in [0] : vector<16xf32>, vector<16xi32> -> vector<16xf32>
        %parallel_loop3A_477 = arith.index_cast %parallel_loop3A_439 : i32 to index
        %parallel_loop3A_478 = arith.constant 32 : index
        %parallel_loop3A_479 = tpu.vector_load %arg12[%parallel_loop3A_477, %parallel_loop3A_478] {strides = array<i32>} : memref<80x144xf32, #tpu.memory_space<vmem>>, vector<16xf32>,
        %parallel_loop3A_480 = arith.mulf %parallel_loop3A_479, %parallel_loop3A_476 : vector<16xf32>
        %parallel_loop3A_481 = arith.index_cast %parallel_loop3A_439 : i32 to index
        %parallel_loop3A_482 = arith.constant 32 : index
        %parallel_loop3A_483 = tpu.vector_load %arg12[%parallel_loop3A_481, %parallel_loop3A_482] {strides = array<i32>} : memref<80x144xf32, #tpu.memory_space<vmem>>, vector<16xf32>,
        tpu.vector_store %arg12[%parallel_loop3A_481, %parallel_loop3A_482], %parallel_loop3A_480 {strides = array<i32>} : memref<80x144xf32, #tpu.memory_space<vmem>>, vector<16xf32>,
        %parallel_loop3A_484 = arith.index_cast %parallel_loop3A_439 : i32 to index
        %parallel_loop3A_485 = arith.constant 48 : index
        %parallel_loop3A_486 = tpu.vector_load %arg12[%parallel_loop3A_484, %parallel_loop3A_485] {strides = array<i32>} : memref<80x144xf32, #tpu.memory_space<vmem>>, vector<16xf32>,
        %parallel_loop3A_487 = arith.mulf %parallel_loop3A_486, %parallel_loop3A_476 : vector<16xf32>
        %parallel_loop3A_488 = arith.index_cast %parallel_loop3A_439 : i32 to index
        %parallel_loop3A_489 = arith.constant 48 : index
        %parallel_loop3A_490 = tpu.vector_load %arg12[%parallel_loop3A_488, %parallel_loop3A_489] {strides = array<i32>} : memref<80x144xf32, #tpu.memory_space<vmem>>, vector<16xf32>,
        tpu.vector_store %arg12[%parallel_loop3A_488, %parallel_loop3A_489], %parallel_loop3A_487 {strides = array<i32>} : memref<80x144xf32, #tpu.memory_space<vmem>>, vector<16xf32>,
        %parallel_loop3A_491 = vector.shape_cast %broadcast_in_dim3A_32 : vector<16x1xi32> to vector<16xi32>
        %parallel_loop3A_492 = tpu.dynamic_gather %parallel_loop3A_455[%parallel_loop3A_491] in [0] : vector<16xf32>, vector<16xi32> -> vector<16xf32>
        %parallel_loop3A_493 = arith.index_cast %parallel_loop3A_439 : i32 to index
        %parallel_loop3A_494 = arith.constant 64 : index
        %parallel_loop3A_495 = tpu.vector_load %arg12[%parallel_loop3A_493, %parallel_loop3A_494] {strides = array<i32>} : memref<80x144xf32, #tpu.memory_space<vmem>>, vector<16xf32>,
        %parallel_loop3A_496 = arith.mulf %parallel_loop3A_495, %parallel_loop3A_492 : vector<16xf32>
        %parallel_loop3A_497 = arith.index_cast %parallel_loop3A_439 : i32 to index
        %parallel_loop3A_498 = arith.constant 64 : index
        %parallel_loop3A_499 = tpu.vector_load %arg12[%parallel_loop3A_497, %parallel_loop3A_498] {strides = array<i32>} : memref<80x144xf32, #tpu.memory_space<vmem>>, vector<16xf32>,
        tpu.vector_store %arg12[%parallel_loop3A_497, %parallel_loop3A_498], %parallel_loop3A_496 {strides = array<i32>} : memref<80x144xf32, #tpu.memory_space<vmem>>, vector<16xf32>,
        %parallel_loop3A_500 = arith.index_cast %parallel_loop3A_439 : i32 to index
        %parallel_loop3A_501 = arith.constant 80 : index
        %parallel_loop3A_502 = tpu.vector_load %arg12[%parallel_loop3A_500, %parallel_loop3A_501] {strides = array<i32>} : memref<80x144xf32, #tpu.memory_space<vmem>>, vector<16xf32>,
        %parallel_loop3A_503 = arith.mulf %parallel_loop3A_502, %parallel_loop3A_492 : vector<16xf32>
        %parallel_loop3A_504 = arith.index_cast %parallel_loop3A_439 : i32 to index
        %parallel_loop3A_505 = arith.constant 80 : index
        %parallel_loop3A_506 = tpu.vector_load %arg12[%parallel_loop3A_504, %parallel_loop3A_505] {strides = array<i32>} : memref<80x144xf32, #tpu.memory_space<vmem>>, vector<16xf32>,
        tpu.vector_store %arg12[%parallel_loop3A_504, %parallel_loop3A_505], %parallel_loop3A_503 {strides = array<i32>} : memref<80x144xf32, #tpu.memory_space<vmem>>, vector<16xf32>,
        %parallel_loop3A_507 = vector.shape_cast %broadcast_in_dim3A_34 : vector<16x1xi32> to vector<16xi32>
        %parallel_loop3A_508 = tpu.dynamic_gather %parallel_loop3A_455[%parallel_loop3A_507] in [0] : vector<16xf32>, vector<16xi32> -> vector<16xf32>
        %parallel_loop3A_509 = arith.index_cast %parallel_loop3A_439 : i32 to index
        %parallel_loop3A_510 = arith.constant 96 : index
        %parallel_loop3A_511 = tpu.vector_load %arg12[%parallel_loop3A_509, %parallel_loop3A_510] {strides = array<i32>} : memref<80x144xf32, #tpu.memory_space<vmem>>, vector<16xf32>,
        %parallel_loop3A_512 = arith.mulf %parallel_loop3A_511, %parallel_loop3A_508 : vector<16xf32>
        %parallel_loop3A_513 = arith.index_cast %parallel_loop3A_439 : i32 to index
        %parallel_loop3A_514 = arith.constant 96 : index
        %parallel_loop3A_515 = tpu.vector_load %arg12[%parallel_loop3A_513, %parallel_loop3A_514] {strides = array<i32>} : memref<80x144xf32, #tpu.memory_space<vmem>>, vector<16xf32>,
        tpu.vector_store %arg12[%parallel_loop3A_513, %parallel_loop3A_514], %parallel_loop3A_512 {strides = array<i32>} : memref<80x144xf32, #tpu.memory_space<vmem>>, vector<16xf32>,
        %parallel_loop3A_516 = arith.index_cast %parallel_loop3A_439 : i32 to index
        %parallel_loop3A_517 = arith.constant 112 : index
        %parallel_loop3A_518 = tpu.vector_load %arg12[%parallel_loop3A_516, %parallel_loop3A_517] {strides = array<i32>} : memref<80x144xf32, #tpu.memory_space<vmem>>, vector<16xf32>,
        %parallel_loop3A_519 = arith.mulf %parallel_loop3A_518, %parallel_loop3A_508 : vector<16xf32>
        %parallel_loop3A_520 = arith.index_cast %parallel_loop3A_439 : i32 to index
        %parallel_loop3A_521 = arith.constant 112 : index
        %parallel_loop3A_522 = tpu.vector_load %arg12[%parallel_loop3A_520, %parallel_loop3A_521] {strides = array<i32>} : memref<80x144xf32, #tpu.memory_space<vmem>>, vector<16xf32>,
        tpu.vector_store %arg12[%parallel_loop3A_520, %parallel_loop3A_521], %parallel_loop3A_519 {strides = array<i32>} : memref<80x144xf32, #tpu.memory_space<vmem>>, vector<16xf32>,
      } {sc.loop_unroll_factor = 4 : i64, sc.parallel_access}
      %dma_start3A_418 = arith.constant 1 : i32
      %dma_start3A_419 = arith.constant 0 : i32
      %dma_start3A_420 = tpu.memref_slice %arg9[%dma_start3A_418, %dma_start3A_419] : memref<2x80xi32, #tpu.memory_space<vmem>> -> memref<1x80xi32, #tpu.memory_space<vmem>>
      %dma_start3A_421 = tpu.memref_squeeze %dma_start3A_420 : memref<1x80xi32, #tpu.memory_space<vmem>> -> memref<80xi32, #tpu.memory_space<vmem>>
      %dma_start3A_422 = arith.constant 0 : i32
      %dma_start3A_423 = arith.constant 0 : i32
      %dma_start3A_424 = tpu.memref_slice %arg17[%dma_start3A_422, %dma_start3A_423] : memref<10240x144xf32, #tpu.memory_space<vmem_shared>> -> memref<10240x144xf32, #tpu.memory_space<vmem_shared>>
      tpu.enqueue_indirect_dma source(%arg12 : memref<80x144xf32, #tpu.memory_space<vmem>>) target(%dma_start3A_424 : memref<10240x144xf32, #tpu.memory_space<vmem_shared>>) offsets(%dma_start3A_421 : memref<80xi32, #tpu.memory_space<vmem>>) semaphore(%arg26 : memref<!tpu.dma_semaphore, #tpu.memory_space<semaphore_mem>>) {add = true}
      %dma_wait3A_425 = arith.constant 1 : i32
      %dma_wait3A_426 = arith.constant 0 : i32
      %dma_wait3A_427 = tpu.memref_slice %arg8[%dma_wait3A_425, %dma_wait3A_426] : memref<2x80xi32, #tpu.memory_space<vmem>> -> memref<1x80xi32, #tpu.memory_space<vmem>>
      %dma_wait3A_428 = tpu.memref_squeeze %dma_wait3A_427 : memref<1x80xi32, #tpu.memory_space<vmem>> -> memref<80xi32, #tpu.memory_space<vmem>>
      %dma_wait3A_429 = arith.constant 0 : i32
      %dma_wait3A_430 = arith.constant 0 : i32
      %dma_wait3A_431 = tpu.memref_slice %arg17[%dma_wait3A_429, %dma_wait3A_430] : memref<10240x144xf32, #tpu.memory_space<vmem_shared>> -> memref<10240x144xf32, #tpu.memory_space<vmem_shared>>
      tpu.wait_indirect_dma semaphore(%arg25 : memref<!tpu.dma_semaphore, #tpu.memory_space<semaphore_mem>>) src(%arg11 : memref<80x144xf32, #tpu.memory_space<vmem>>) dst(%dma_wait3A_431 : memref<10240x144xf32, #tpu.memory_space<vmem_shared>>)
      %add3A_432 = arith.constant 2 : i32
      %add3A_433 = arith.addi %add3A_400, %add3A_432 : i32
      %lt3A_434 = arith.constant 125 : i32
      %lt3A_435 = arith.cmpi slt, %add3A_433, %lt3A_434 : i32
      %convert_element_type3A_436 = arith.extui %lt3A_435 : i1 to i32
      %cond3A_437 = arith.constant 0 : i32
      %cond3A_438 = arith.cmpi ne, %convert_element_type3A_436, %cond3A_437 : i32
      scf.if %cond3A_438 {
        %add3A_439 = arith.addi %mul3A_25, %add3A_433 : i32
        "tpu.region"() ({
          %run_scoped3A = tpu.sem_alloc : memref<!tpu.dma_semaphore, #tpu.memory_space<semaphore_mem>>
          %dma_start3A_454 = arith.constant 0 : i32
          %dma_start3A_455 = arith.constant 0 : i32
          %dma_start3A_456 = tpu.memref_slice %arg5[%add3A_439, %dma_start3A_454, %dma_start3A_455] : memref<4000x2x80xi32, #tpu.memory_space<hbm>> -> memref<1x2x80xi32, #tpu.memory_space<hbm>>
          %dma_start3A_457 = tpu.memref_squeeze %dma_start3A_456 : memref<1x2x80xi32, #tpu.memory_space<hbm>> -> memref<2x80xi32, #tpu.memory_space<hbm>>
          %dma_start3A_458 = arith.constant 0 : i32
          %dma_start3A_459 = arith.constant 0 : i32
          %dma_start3A_460 = tpu.memref_slice %arg5[%add3A_439, %dma_start3A_458, %dma_start3A_459] : memref<4000x2x80xi32, #tpu.memory_space<hbm>> -> memref<1x2x80xi32, #tpu.memory_space<hbm>>
          %dma_start3A_461 = tpu.memref_squeeze %dma_start3A_460 : memref<1x2x80xi32, #tpu.memory_space<hbm>> -> memref<2x80xi32, #tpu.memory_space<hbm>>
          tpu.enqueue_dma source(%dma_start3A_461 : memref<2x80xi32, #tpu.memory_space<hbm>>) target(%arg8 : memref<2x80xi32, #tpu.memory_space<vmem>>) target_semaphore(%run_scoped3A : memref<!tpu.dma_semaphore, #tpu.memory_space<semaphore_mem>>)
          %dma_wait3A_462 = arith.constant 0 : i32
          %dma_wait3A_463 = arith.constant 0 : i32
          %dma_wait3A_464 = tpu.memref_slice %arg5[%add3A_439, %dma_wait3A_462, %dma_wait3A_463] : memref<4000x2x80xi32, #tpu.memory_space<hbm>> -> memref<1x2x80xi32, #tpu.memory_space<hbm>>
          %dma_wait3A_465 = tpu.memref_squeeze %dma_wait3A_464 : memref<1x2x80xi32, #tpu.memory_space<hbm>> -> memref<2x80xi32, #tpu.memory_space<hbm>>
          %dma_wait3A_466 = arith.constant 0 : i32
          %dma_wait3A_467 = arith.constant 0 : i32
          %dma_wait3A_468 = tpu.memref_slice %arg5[%add3A_439, %dma_wait3A_466, %dma_wait3A_467] : memref<4000x2x80xi32, #tpu.memory_space<hbm>> -> memref<1x2x80xi32, #tpu.memory_space<hbm>>
          %dma_wait3A_469 = tpu.memref_squeeze %dma_wait3A_468 : memref<1x2x80xi32, #tpu.memory_space<hbm>> -> memref<2x80xi32, #tpu.memory_space<hbm>>
          tpu.wait_dma2 semaphore(%run_scoped3A : memref<!tpu.dma_semaphore, #tpu.memory_space<semaphore_mem>>) src(%dma_wait3A_469 : memref<2x80xi32, #tpu.memory_space<hbm>>) dst(%arg8 : memref<2x80xi32, #tpu.memory_space<vmem>>)
          tpu.yield
        }) : () -> ()
        %dma_start3A_440 = arith.constant 0 : i32
        %dma_start3A_441 = arith.constant 0 : i32
        %dma_start3A_442 = tpu.memref_slice %arg8[%dma_start3A_440, %dma_start3A_441] : memref<2x80xi32, #tpu.memory_space<vmem>> -> memref<1x80xi32, #tpu.memory_space<vmem>>
        %dma_start3A_443 = tpu.memref_squeeze %dma_start3A_442 : memref<1x80xi32, #tpu.memory_space<vmem>> -> memref<80xi32, #tpu.memory_space<vmem>>
        %dma_start3A_444 = arith.constant 0 : i32
        %dma_start3A_445 = arith.constant 0 : i32
        %dma_start3A_446 = tpu.memref_slice %arg2[%dma_start3A_444, %dma_start3A_445] : memref<10000x144xf32, #tpu.memory_space<hbm>> -> memref<10000x144xf32, #tpu.memory_space<hbm>>
        tpu.enqueue_indirect_dma source(%dma_start3A_446 : memref<10000x144xf32, #tpu.memory_space<hbm>>) target(%arg11 : memref<80x144xf32, #tpu.memory_space<vmem>>) offsets(%dma_start3A_443 : memref<80xi32, #tpu.memory_space<vmem>>) semaphore(%arg19 : memref<!tpu.dma_semaphore, #tpu.memory_space<semaphore_mem>>)
        %dma_start3A_447 = arith.constant 1 : i32
        %dma_start3A_448 = arith.constant 0 : i32
        %dma_start3A_449 = tpu.memref_slice %arg8[%dma_start3A_447, %dma_start3A_448] : memref<2x80xi32, #tpu.memory_space<vmem>> -> memref<1x80xi32, #tpu.memory_space<vmem>>
        %dma_start3A_450 = tpu.memref_squeeze %dma_start3A_449 : memref<1x80xi32, #tpu.memory_space<vmem>> -> memref<80xi32, #tpu.memory_space<vmem>>
        %dma_start3A_451 = arith.constant 0 : i32
        %dma_start3A_452 = arith.constant 0 : i32
        %dma_start3A_453 = tpu.memref_slice %arg3[%dma_start3A_451, %dma_start3A_452] : memref<10000x16xf32, #tpu.memory_space<hbm>> -> memref<10000x16xf32, #tpu.memory_space<hbm>>
        tpu.enqueue_indirect_dma source(%dma_start3A_453 : memref<10000x16xf32, #tpu.memory_space<hbm>>) target(%arg14 : memref<80x16xf32, #tpu.memory_space<vmem>>) offsets(%dma_start3A_450 : memref<80xi32, #tpu.memory_space<vmem>>) semaphore(%arg22 : memref<!tpu.dma_semaphore, #tpu.memory_space<semaphore_mem>>)
      } else {
      }
    }
    %scan3A_296 = arith.constant 40 : i32
    %dma_wait3A_297 = arith.constant 1 : i32
    %dma_wait3A_298 = arith.constant 0 : i32
    %dma_wait3A_299 = tpu.memref_slice %arg9[%dma_wait3A_297, %dma_wait3A_298] : memref<2x80xi32, #tpu.memory_space<vmem>> -> memref<1x80xi32, #tpu.memory_space<vmem>>
    %dma_wait3A_300 = tpu.memref_squeeze %dma_wait3A_299 : memref<1x80xi32, #tpu.memory_space<vmem>> -> memref<80xi32, #tpu.memory_space<vmem>>
    %dma_wait3A_301 = arith.constant 0 : i32
    %dma_wait3A_302 = arith.constant 0 : i32
    %dma_wait3A_303 = tpu.memref_slice %arg17[%dma_wait3A_301, %dma_wait3A_302] : memref<10240x144xf32, #tpu.memory_space<vmem_shared>> -> memref<10240x144xf32, #tpu.memory_space<vmem_shared>>
    tpu.wait_indirect_dma semaphore(%arg26 : memref<!tpu.dma_semaphore, #tpu.memory_space<semaphore_mem>>) src(%arg12 : memref<80x144xf32, #tpu.memory_space<vmem>>) dst(%dma_wait3A_303 : memref<10240x144xf32, #tpu.memory_space<vmem_shared>>)
    %barrier3A_304 = arith.constant 0 : index
    tpu.barrier barrier_id(%barrier3A_304)
    "tpu.region"() ({
      %run_scoped3A = tpu.sem_alloc : memref<!tpu.dma_semaphore, #tpu.memory_space<semaphore_mem>>
      %dma_start3A_305 = arith.constant 0 : i32
      %dma_start3A_306 = tpu.memref_slice %arg6[%arg0, %mul3A_7, %dma_start3A_305] : memref<2x10240x144xf32, #tpu.memory_space<hbm>> -> memref<1x640x144xf32, #tpu.memory_space<hbm>>
      %dma_start3A_307 = tpu.memref_squeeze %dma_start3A_306 : memref<1x640x144xf32, #tpu.memory_space<hbm>> -> memref<640x144xf32, #tpu.memory_space<hbm>>
      %dma_start3A_308 = arith.constant 0 : i32
      %dma_start3A_309 = tpu.memref_slice %arg17[%mul3A_7, %dma_start3A_308] : memref<10240x144xf32, #tpu.memory_space<vmem_shared>> -> memref<640x144xf32, #tpu.memory_space<vmem_shared>>
      tpu.enqueue_dma source(%dma_start3A_309 : memref<640x144xf32, #tpu.memory_space<vmem_shared>>) target(%dma_start3A_307 : memref<640x144xf32, #tpu.memory_space<hbm>>) target_semaphore(%run_scoped3A : memref<!tpu.dma_semaphore, #tpu.memory_space<semaphore_mem>>)
      %dma_wait3A_310 = arith.constant 0 : i32
      %dma_wait3A_311 = tpu.memref_slice %arg6[%arg0, %mul3A_7, %dma_wait3A_310] : memref<2x10240x144xf32, #tpu.memory_space<hbm>> -> memref<1x640x144xf32, #tpu.memory_space<hbm>>
      %dma_wait3A_312 = tpu.memref_squeeze %dma_wait3A_311 : memref<1x640x144xf32, #tpu.memory_space<hbm>> -> memref<640x144xf32, #tpu.memory_space<hbm>>
      %dma_wait3A_313 = arith.constant 0 : i32
      %dma_wait3A_314 = tpu.memref_slice %arg17[%mul3A_7, %dma_wait3A_313] : memref<10240x144xf32, #tpu.memory_space<vmem_shared>> -> memref<640x144xf32, #tpu.memory_space<vmem_shared>>
      tpu.wait_dma2 semaphore(%run_scoped3A : memref<!tpu.dma_semaphore, #tpu.memory_space<semaphore_mem>>) src(%dma_wait3A_314 : memref<640x144xf32, #tpu.memory_space<vmem_shared>>) dst(%dma_wait3A_312 : memref<640x144xf32, #tpu.memory_space<hbm>>)
      tpu.yield
    }) : () -> ()
    return
  }
}

module attributes {stable_mosaic.version = 14 : i64} {
  func.func @_tc_pre_body(%arg0: i32, %arg1: memref<400x128xf32, #tpu.memory_space<vmem>>, %arg2: memref<128x128xf32, #tpu.memory_space<vmem>>, %arg3: memref<1x128xf32, #tpu.memory_space<vmem>>, %arg4: memref<128x32xf32, #tpu.memory_space<vmem>>, %arg5: memref<400x144xf32, #tpu.memory_space<vmem>>, %arg6: memref<400x16xf32, #tpu.memory_space<vmem>>, %arg7: memref<1x16xf32, #tpu.memory_space<vmem>>, %arg8: memref<1x32xf32, #tpu.memory_space<vmem>>) attributes {dimension_semantics = [#tpu.dimension_semantics<arbitrary>], iteration_bounds = array<i64: 25>, scalar_prefetch = 0 : i64, scratch_operands = 1 : i64, tpu.core_type = #tpu.core_type<tc>, window_params = [{transform_indices = @transform_0, window_bounds = array<i64: 400, 128>}, {pipeline_mode = #tpu.pipeline_mode<synchronous>, transform_indices = @transform_1, window_bounds = array<i64: 128, 128>}, {pipeline_mode = #tpu.pipeline_mode<synchronous>, transform_indices = @transform_2, window_bounds = array<i64: 1, 128>}, {pipeline_mode = #tpu.pipeline_mode<synchronous>, transform_indices = @transform_3, window_bounds = array<i64: 128, 32>}, {transform_indices = @transform_4, window_bounds = array<i64: 400, 144>}, {transform_indices = @transform_5, window_bounds = array<i64: 400, 16>}, {pipeline_mode = #tpu.pipeline_mode<synchronous>, transform_indices = @transform_6, window_bounds = array<i64: 1, 16>}]} {
    %get3A = arith.constant 0 : index
    %get3A_0 = arith.constant 0 : index
    %get3A_1 = vector.load %arg1[%get3A, %get3A_0] : memref<400x128xf32, #tpu.memory_space<vmem>>, vector<400x128xf32>
    %get3A_2 = arith.constant 0 : index
    %get3A_3 = arith.constant 0 : index
    %get3A_4 = vector.load %arg2[%get3A_2, %get3A_3] : memref<128x128xf32, #tpu.memory_space<vmem>>, vector<128x128xf32>
    %dot_general3A = arith.constant dense<0.000000e+00> : vector<400x128xf32>
    %dot_general3A_5 = tpu.matmul %get3A_1, %get3A_4, %dot_general3A {dimension_numbers = #tpu.dot_dimension_numbers<[1], [1], [0], [0], [0, 0, 1, 0], [], []>, transpose_lhs_hint = false} : vector<400x128xf32>, vector<128x128xf32>, vector<400x128xf32> -> vector<400x128xf32>
    %get3A_6 = arith.constant 0 : index
    %get3A_7 = arith.constant 0 : index
    %get3A_8 = vector.load %arg3[%get3A_6, %get3A_7] : memref<1x128xf32, #tpu.memory_space<vmem>>, vector<1x128xf32>
    %add3A = vector.broadcast %get3A_8 : vector<1x128xf32> to vector<400x128xf32>
    %add3A_9 = arith.addf %dot_general3A_5, %add3A : vector<400x128xf32>
    %get3A_10 = arith.constant 0 : index
    %get3A_11 = arith.constant 0 : index
    %get3A_12 = vector.load %arg4[%get3A_10, %get3A_11] : memref<128x32xf32, #tpu.memory_space<vmem>>, vector<128x32xf32>
    %dot_general3A_13 = arith.constant dense<0.000000e+00> : vector<400x32xf32>
    %dot_general3A_14 = tpu.matmul %add3A_9, %get3A_12, %dot_general3A_13 {dimension_numbers = #tpu.dot_dimension_numbers<[1], [0], [0], [1], [0, 0, 1, 1], [], []>, transpose_lhs_hint = false} : vector<400x128xf32>, vector<128x32xf32>, vector<400x32xf32> -> vector<400x32xf32>
    %swap3A = arith.constant 0 : index
    %swap3A_15 = arith.constant 0 : index
    %swap3A_16 = vector.load %arg5[%swap3A, %swap3A_15] : memref<400x144xf32, #tpu.memory_space<vmem>>, vector<400x128xf32>
    tpu.vector_store %arg5[%swap3A, %swap3A_15], %add3A_9 {strides = array<i32>} : memref<400x144xf32, #tpu.memory_space<vmem>>, vector<400x128xf32>,
    %slice3A = vector.extract_strided_slice %dot_general3A_14 {offsets = [0, 0], sizes = [400, 16], strides = [1, 1]} : vector<400x32xf32> to vector<400x16xf32>
    %swap3A_17 = arith.constant 0 : index
    %swap3A_18 = arith.constant 128 : index
    %swap3A_19 = vector.load %arg5[%swap3A_17, %swap3A_18] : memref<400x144xf32, #tpu.memory_space<vmem>>, vector<400x16xf32>
    tpu.vector_store %arg5[%swap3A_17, %swap3A_18], %slice3A {strides = array<i32>} : memref<400x144xf32, #tpu.memory_space<vmem>>, vector<400x16xf32>,
    %slice3A_20 = vector.extract_strided_slice %dot_general3A_14 {offsets = [0, 16], sizes = [400, 16], strides = [1, 1]} : vector<400x32xf32> to vector<400x16xf32>
    %swap3A_21 = arith.constant 0 : index
    %swap3A_22 = arith.constant 0 : index
    %swap3A_23 = vector.load %arg6[%swap3A_21, %swap3A_22] : memref<400x16xf32, #tpu.memory_space<vmem>>, vector<400x16xf32>
    tpu.vector_store %arg6[%swap3A_21, %swap3A_22], %slice3A_20 {strides = array<i32>} : memref<400x16xf32, #tpu.memory_space<vmem>>, vector<400x16xf32>,
    %reduce_max3A = arith.constant dense<0xFF800000> : vector<32xf32>
    %reduce_max3A_24 = vector.multi_reduction <maximumf>, %dot_general3A_14, %reduce_max3A [0] : vector<400x32xf32> to vector<32xf32>
    %broadcast_in_dim3A = vector.shape_cast %reduce_max3A_24 : vector<32xf32> to vector<1x32xf32>
    %eq3A = arith.constant 0 : i32
    %eq3A_25 = arith.cmpi eq, %arg0, %eq3A : i32
    %convert_element_type3A = arith.extui %eq3A_25 : i1 to i32
    %cond3A = arith.constant 0 : i32
    %cond3A_26 = arith.cmpi ne, %convert_element_type3A, %cond3A : i32
    scf.if %cond3A_26 {
      %swap3A_50 = arith.constant 0 : index
      %swap3A_51 = arith.constant 0 : index
      %swap3A_52 = vector.load %arg8[%swap3A_50, %swap3A_51] : memref<1x32xf32, #tpu.memory_space<vmem>>, vector<1x32xf32>
      tpu.vector_store %arg8[%swap3A_50, %swap3A_51], %broadcast_in_dim3A {strides = array<i32>} : memref<1x32xf32, #tpu.memory_space<vmem>>, vector<1x32xf32>,
    } else {
    }
    %gt3A = arith.constant 0 : i32
    %gt3A_27 = arith.cmpi sgt, %arg0, %gt3A : i32
    %convert_element_type3A_28 = arith.extui %gt3A_27 : i1 to i32
    %cond3A_29 = arith.constant 0 : i32
    %cond3A_30 = arith.cmpi ne, %convert_element_type3A_28, %cond3A_29 : i32
    scf.if %cond3A_30 {
      %get3A_50 = arith.constant 0 : index
      %get3A_51 = arith.constant 0 : index
      %get3A_52 = vector.load %arg8[%get3A_50, %get3A_51] : memref<1x32xf32, #tpu.memory_space<vmem>>, vector<1x32xf32>
      %max3A = arith.maximumf %get3A_52, %broadcast_in_dim3A : vector<1x32xf32>
      %swap3A_53 = arith.constant 0 : index
      %swap3A_54 = arith.constant 0 : index
      %swap3A_55 = vector.load %arg8[%swap3A_53, %swap3A_54] : memref<1x32xf32, #tpu.memory_space<vmem>>, vector<1x32xf32>
      tpu.vector_store %arg8[%swap3A_53, %swap3A_54], %max3A {strides = array<i32>} : memref<1x32xf32, #tpu.memory_space<vmem>>, vector<1x32xf32>,
    } else {
    }
    %get3A_31 = arith.constant 0 : index
    %get3A_32 = arith.constant 0 : index
    %get3A_33 = vector.load %arg8[%get3A_31, %get3A_32] : memref<1x32xf32, #tpu.memory_space<vmem>>, vector<1x16xf32>
    %get3A_34 = arith.constant 0 : index
    %get3A_35 = arith.constant 16 : index
    %get3A_36 = vector.load %arg8[%get3A_34, %get3A_35] : memref<1x32xf32, #tpu.memory_space<vmem>>, vector<1x16xf32>
    %add3A_37 = arith.addf %get3A_33, %get3A_36 : vector<1x16xf32>
    %gt3A_38 = arith.constant 0.000000e+00 : f32
    %gt3A_39 = vector.broadcast %gt3A_38 : f32 to vector<1x16xf32>
    %gt3A_40 = arith.cmpf ogt, %add3A_37, %gt3A_39 : vector<1x16xf32>
    %mul3A = arith.constant 2.000000e-01 : f32
    %mul3A_41 = vector.broadcast %mul3A : f32 to vector<1x16xf32>
    %mul3A_42 = arith.mulf %mul3A_41, %add3A_37 : vector<1x16xf32>
    %select_n3A = arith.select %gt3A_40, %add3A_37, %mul3A_42 : vector<1x16xi1>, vector<1x16xf32>
    %iota3A = tpu.iota {dimensions = array<i32: 1>} : vector<1x16xi32>
    %lt3A = arith.constant 4 : i32
    %lt3A_43 = vector.broadcast %lt3A : i32 to vector<1x16xi32>
    %lt3A_44 = arith.cmpi slt, %iota3A, %lt3A_43 : vector<1x16xi32>
    %jit3A = arith.constant 1.000000e+30 : f32
    %broadcast_in_dim3A_45 = vector.broadcast %jit3A : f32 to vector<1x16xf32>
    %select_n3A_46 = arith.select %lt3A_44, %select_n3A, %broadcast_in_dim3A_45 : vector<1x16xi1>, vector<1x16xf32>
    %swap3A_47 = arith.constant 0 : index
    %swap3A_48 = arith.constant 0 : index
    %swap3A_49 = vector.load %arg7[%swap3A_47, %swap3A_48] : memref<1x16xf32, #tpu.memory_space<vmem>>, vector<1x16xf32>
    tpu.vector_store %arg7[%swap3A_47, %swap3A_48], %select_n3A_46 {strides = array<i32>} : memref<1x16xf32, #tpu.memory_space<vmem>>, vector<1x16xf32>,
    return
  }
  func.func @transform_0(%arg0: i32) -> (i32, i32) {
    %c0_i32 = arith.constant 0 : i32
    %c0_i32_0 = arith.constant 0 : i32
    return %arg0, %c0_i32 : i32, i32
  }
  func.func @transform_1(%arg0: i32) -> (i32, i32) {
    %c0_i32 = arith.constant 0 : i32
    %c0_i32_0 = arith.constant 0 : i32
    %c0_i32_1 = arith.constant 0 : i32
    return %c0_i32, %c0_i32_0 : i32, i32
  }
  func.func @transform_2(%arg0: i32) -> (i32, i32) {
    %c0_i32 = arith.constant 0 : i32
    %c0_i32_0 = arith.constant 0 : i32
    %c0_i32_1 = arith.constant 0 : i32
    return %c0_i32, %c0_i32_0 : i32, i32
  }
  func.func @transform_3(%arg0: i32) -> (i32, i32) {
    %c0_i32 = arith.constant 0 : i32
    %c0_i32_0 = arith.constant 0 : i32
    %c0_i32_1 = arith.constant 0 : i32
    return %c0_i32, %c0_i32_0 : i32, i32
  }
  func.func @transform_4(%arg0: i32) -> (i32, i32) {
    %c0_i32 = arith.constant 0 : i32
    %c0_i32_0 = arith.constant 0 : i32
    return %arg0, %c0_i32 : i32, i32
  }
  func.func @transform_5(%arg0: i32) -> (i32, i32) {
    %c0_i32 = arith.constant 0 : i32
    %c0_i32_0 = arith.constant 0 : i32
    return %arg0, %c0_i32 : i32, i32
  }
  func.func @transform_6(%arg0: i32) -> (i32, i32) {
    %c0_i32 = arith.constant 0 : i32
    %c0_i32_0 = arith.constant 0 : i32
    %c0_i32_1 = arith.constant 0 : i32
    return %c0_i32, %c0_i32_0 : i32, i32
  }
}

module attributes {stable_mosaic.version = 14 : i64} {
  func.func @_tc_post_body(%arg0: i32, %arg1: memref<2x400x144xf32, #tpu.memory_space<vmem>>, %arg2: memref<16x128xf32, #tpu.memory_space<vmem>>, %arg3: memref<400x128xf32, #tpu.memory_space<vmem>>) attributes {dimension_semantics = [#tpu.dimension_semantics<arbitrary>], iteration_bounds = array<i64: 25>, scalar_prefetch = 0 : i64, scratch_operands = 0 : i64, tpu.core_type = #tpu.core_type<tc>, window_params = [{transform_indices = @transform_0, window_bounds = array<i64: 2, 400, 144>}, {pipeline_mode = #tpu.pipeline_mode<synchronous>, transform_indices = @transform_1, window_bounds = array<i64: 16, 128>}, {transform_indices = @transform_2, window_bounds = array<i64: 400, 128>}]} {
    %get3A = arith.constant 0 : index
    %get3A_0 = arith.constant 0 : index
    %get3A_1 = arith.constant 0 : index
    %get3A_2 = vector.load %arg1[%get3A, %get3A_0, %get3A_1] : memref<2x400x144xf32, #tpu.memory_space<vmem>>, vector<1x400x144xf32>
    %get3A_3 = vector.shape_cast %get3A_2 : vector<1x400x144xf32> to vector<400x144xf32>
    %get3A_4 = arith.constant 1 : index
    %get3A_5 = arith.constant 0 : index
    %get3A_6 = arith.constant 0 : index
    %get3A_7 = vector.load %arg1[%get3A_4, %get3A_5, %get3A_6] : memref<2x400x144xf32, #tpu.memory_space<vmem>>, vector<1x400x144xf32>
    %get3A_8 = vector.shape_cast %get3A_7 : vector<1x400x144xf32> to vector<400x144xf32>
    %add3A = arith.addf %get3A_3, %get3A_8 : vector<400x144xf32>
    %slice3A = vector.extract_strided_slice %add3A {offsets = [0, 0], sizes = [400, 128], strides = [1, 1]} : vector<400x144xf32> to vector<400x128xf32>
    %slice3A_9 = vector.extract_strided_slice %add3A {offsets = [0, 128], sizes = [400, 16], strides = [1, 1]} : vector<400x144xf32> to vector<400x16xf32>
    %get3A_10 = arith.constant 0 : index
    %get3A_11 = arith.constant 0 : index
    %get3A_12 = vector.load %arg2[%get3A_10, %get3A_11] : memref<16x128xf32, #tpu.memory_space<vmem>>, vector<16x128xf32>
    %dot_general3A = arith.constant dense<0.000000e+00> : vector<400x128xf32>
    %dot_general3A_13 = tpu.matmul %slice3A_9, %get3A_12, %dot_general3A {dimension_numbers = #tpu.dot_dimension_numbers<[1], [0], [0], [1], [0, 0, 1, 1], [], []>, transpose_lhs_hint = false} : vector<400x16xf32>, vector<16x128xf32>, vector<400x128xf32> -> vector<400x128xf32>
    %max3A = arith.constant 1.000000e-16 : f32
    %max3A_14 = vector.broadcast %max3A : f32 to vector<400x128xf32>
    %max3A_15 = arith.maximumf %dot_general3A_13, %max3A_14 : vector<400x128xf32>
    %div3A = arith.divf %slice3A, %max3A_15 : vector<400x128xf32>
    %swap3A = arith.constant 0 : index
    %swap3A_16 = arith.constant 0 : index
    %swap3A_17 = vector.load %arg3[%swap3A, %swap3A_16] : memref<400x128xf32, #tpu.memory_space<vmem>>, vector<400x128xf32>
    tpu.vector_store %arg3[%swap3A, %swap3A_16], %div3A {strides = array<i32>} : memref<400x128xf32, #tpu.memory_space<vmem>>, vector<400x128xf32>,
    return
  }
  func.func @transform_0(%arg0: i32) -> (i32, i32, i32) {
    %c0_i32 = arith.constant 0 : i32
    %c0_i32_0 = arith.constant 0 : i32
    %c0_i32_1 = arith.constant 0 : i32
    return %c0_i32, %arg0, %c0_i32_0 : i32, i32, i32
  }
  func.func @transform_1(%arg0: i32) -> (i32, i32) {
    %c0_i32 = arith.constant 0 : i32
    %c0_i32_0 = arith.constant 0 : i32
    %c0_i32_1 = arith.constant 0 : i32
    return %c0_i32, %c0_i32_0 : i32, i32
  }
  func.func @transform_2(%arg0: i32) -> (i32, i32) {
    %c0_i32 = arith.constant 0 : i32
    %c0_i32_0 = arith.constant 0 : i32
    return %arg0, %c0_i32 : i32, i32
  }
}

</mosaic_0001>

<sc_bundles>
// kernel: kernel.5.cloned.1.call-start
scs
__scs_entry_jumppad:
0x0: {  	(pc) =	sbr.rel $0x88, $3  }
0x1: {  	(tag) =	ssettag $0x0;
	lr =	simm.s32 $0x1  }
0x2: {  	[smem:$0x3F9C] =	sst lr;
	_ =	strace $0xD0000000  }
0x3: {  	_ = 	snop  }
0x4: {  	_ = 	snop  }
0x5: {  	_ = 	snop  }
0x6: {  	_ = 	snop  }
0x7: {  	_ = 	snop  }
__scs_overlays_trampoline_lowered:
0x8: {  	[smem:$0x3FAB] =	sst s0  }
0x9: {  	[smem:$0x3FAC] =	sst s1  }
0xa: {  	[smem:$0x3FAD] =	sst s2  }
0xb: {  	[smem:$0x3FAE] =	sst s3  }
0xc: {  	[smem:$0x3FAF] =	sst s4  }
0xd: {  	[smem:$0x3FB0] =	sst s5  }
0xe: {  	[smem:$0x3FB1] =	sst s6  }
0xf: {  	[smem:$0x3FB2] =	sst s7  }
0x10: {  	[smem:$0x3FB3] =	sst s8  }
0x11: {  	[smem:$0x3FB4] =	sst s9;
	s0 =	simm.s32 @!p0 $0x0  }
0x12: {  	s1 =	sld [smem:$0x3F9A];
	s0 =	simm.s32 @p0 $0x1  }
0x13: {  	[smem:$0x3FB5] =	sst s0;
	s0 =	simm.s32 @!p1 $0x0  }
0x14: {  	s2 =	sld [smem:$0x3F99];
	s0 =	simm.s32 @p1 $0x1  }
0x15: {  	[smem:$0x3FB6] =	sst s0;
	s0 =	simm.s32 @!p2 $0x0  }
0x16: {  	s3 =	sld [smem:$0x3FDB];
	s0 =	simm.s32 @p2 $0x1  }
0x17: {  	s4 =	simm.s32 $0x1BF5;
	[smem:$0x3FB8] =	sst s0  }
0x18: {  	s0 =	sld [smem:$0x3F9B];
	_ =	swait.ge [sflag:s4], $0x0  }
0x19: {  	s7 =	sld [smem:$0x3F9C]  }
0x1a: {  	s8 =	sadd.s32 $0xFFFFE003, lr  }
0x1b: {  	s9 =	sadd.s32 $0xFFFFFEF7, lr;
	s5 =	simm.s32 $0xFFFFFFFF;
	p2 =	slt.u32 s8, $0xFFFFF086  }
0x1c: {  	p1 =	slt.u32 s9, $0xF7A;
	s5 =	simm.s32 @!p2 $0x0  }
0x1d: {  	s5 =	simm.s32 @p1 $0x1;
	p0 =	seq.s32 s7, s2  }
0x1e: {  	s7 =	smul.u32 @!p0 $0xF7A, s2;
	p2 =	seq.s32 @!p0 s5, $0x0  }
0x1f: {  	s9 =	smul.u32 $0xF7A, s1;
	s8 =	simm.s32 @!p0 $0x1BF5;
	p2 =	por !p2, p0  }
0x20: {  	[sflag:s8] =	ssyncset.s32 @!p0 $0xFFFFF086;
	s6 =	sadd.s32 @!p0 s3, s7;
	s7 =	simm.s32 @!p0 $0x108  }
0x21: {  	s3 =	sadd.s32 s3, s9;
	s6 =	sadd.s32 @!p0 $0x88, s6;
	s7 =	simm.s32 @p2 $0x1082  }
0x22: {  	[simem:s7], [sflag:s8] =	dma.local @!p0 [hbm:s6], $0xF7A  }
0x23: {  	s9 =	sor.u32 $0xD0000000, s2;
	s6 =	simm.s32 $0x108;
	_ =	swait.ge @!p0 [sflag:s8], $0x0  }
0x24: {  	s3 =	sadd.s32 $0x88, s3;
	s6 =	simm.s32 @!p1 $0x1082;
	[sflag:s4] =	ssyncset.s32 $0xFFFFF086  }
0x25: {  	[simem:s6], [sflag:s4] =	dma.local [hbm:s3], $0xF7A  }
0x26: {  	[smem:$0x3F9C] =	sst s1;
	(tag) =	ssettag s2;
	_ =	strace s9  }
0x27: {  	s1 =	sld [smem:$0x3FAC]  }
0x28: {  	s2 =	sld [smem:$0x3FAD]  }
0x29: {  	s4 =	sld [smem:$0x3FAF]  }
0x2a: {  	p0 =	seq.s32 s5, $0x0;
	s5 =	sld [smem:$0x3FB0]  }
0x2b: {  	s6 =	sld [smem:$0x3FB1]  }
0x2c: {  	s7 =	sld [smem:$0x3FB2]  }
0x2d: {  	s3 =	simm.s32 $0x108;
	s8 =	sld [smem:$0x3FB3]  }
0x2e: {  	s3 =	simm.s32 @!p0 $0x1082;
	s9 =	sld [smem:$0x3FB4]  }
0x2f: {  	lr =	sadd.s32 s0, s3;
	s0 =	sld [smem:$0x3FAB]  }
0x30: {  	s3 =	sld [smem:$0x3FAE]  }
0x31: {  	[smem:$0x3FB7] =	sst s10  }
0x32: {  	s10 =	sld [smem:$0x3FB5];
	_ =	sdelay $0x3  }
0x33: {  	p0 =	seq.s32 s10, $0x1;
	s10 =	sld [smem:$0x3FB7];
	_ =	sdelay $0x3  }
0x34: {  	[smem:$0x3FB7] =	sst s10  }
0x35: {  	s10 =	sld [smem:$0x3FB6];
	_ =	sdelay $0x3  }
0x36: {  	p1 =	seq.s32 s10, $0x1;
	s10 =	sld [smem:$0x3FB7];
	_ =	sdelay $0x3  }
0x37: {  	[smem:$0x3FB7] =	sst s10  }
0x38: {  	s10 =	sld [smem:$0x3FB8]  }
0x39: {  	_ = 	snop;
	(pc) =	sbr.ind lr, $3  }
0x3a: {  	_ = 	snop  }
0x3b: {  	_ = 	snop  }
0x3c: {  	p2 =	seq.s32 s10, $0x1;
	s10 =	sld [smem:$0x3FB7]  }
0x3d: {  	_ =	shalt  }
0x3e: {  	_ =	shalt  }
0x3f: {  	_ =	shalt  }
0x40: {  	_ =	shalt  }
0x41: {  	_ =	shalt  }
0x42: {  	_ =	shalt  }
0x43: {  	_ =	shalt  }
0x44: {  	_ =	shalt  }
0x45: {  	_ =	shalt  }
0x46: {  	_ =	shalt  }
0x47: {  	_ =	shalt  }
0x48: {  	_ =	shalt  }
0x49: {  	_ =	shalt  }
0x4a: {  	_ =	shalt  }
0x4b: {  	_ =	shalt  }
0x4c: {  	_ =	shalt  }
0x4d: {  	_ =	shalt  }
0x4e: {  	_ =	shalt  }
0x4f: {  	_ =	shalt  }
0x50: {  	_ =	shalt  }
0x51: {  	_ =	shalt  }
0x52: {  	_ =	shalt  }
0x53: {  	_ =	shalt  }
0x54: {  	_ =	shalt  }
0x55: {  	_ =	shalt  }
0x56: {  	_ =	shalt  }
0x57: {  	_ =	shalt  }
0x58: {  	_ =	shalt  }
0x59: {  	_ =	shalt  }
0x5a: {  	_ =	shalt  }
0x5b: {  	_ =	shalt  }
0x5c: {  	_ =	shalt  }
0x5d: {  	_ =	shalt  }
0x5e: {  	_ =	shalt  }
0x5f: {  	_ =	shalt  }
0x60: {  	_ =	shalt  }
0x61: {  	_ =	shalt  }
0x62: {  	_ =	shalt  }
0x63: {  	_ =	shalt  }
0x64: {  	_ =	shalt  }
0x65: {  	_ =	shalt  }
0x66: {  	_ =	shalt  }
0x67: {  	_ =	shalt  }
0x68: {  	_ =	shalt  }
0x69: {  	_ =	shalt  }
0x6a: {  	_ =	shalt  }
0x6b: {  	_ =	shalt  }
0x6c: {  	_ =	shalt  }
0x6d: {  	_ =	shalt  }
0x6e: {  	_ =	shalt  }
0x6f: {  	_ =	shalt  }
0x70: {  	_ =	shalt  }
0x71: {  	_ =	shalt  }
0x72: {  	_ =	shalt  }
0x73: {  	_ =	shalt  }
0x74: {  	_ =	shalt  }
0x75: {  	_ =	shalt  }
0x76: {  	_ =	shalt  }
0x77: {  	_ =	shalt  }
0x78: {  	_ =	shalt  }
0x79: {  	_ =	shalt  }
0x7a: {  	_ =	shalt  }
0x7b: {  	_ =	shalt  }
0x7c: {  	_ =	shalt  }
0x7d: {  	_ =	shalt  }
0x7e: {  	_ =	shalt  }
0x7f: {  	_ =	shalt  }
0x80: {  	_ =	shalt  }
0x81: {  	_ =	shalt  }
0x82: {  	_ =	shalt  }
0x83: {  	_ =	shalt  }
0x84: {  	_ =	shalt  }
0x85: {  	_ =	shalt  }
0x86: {  	_ =	shalt  }
0x87: {  	_ =	shalt  }
.Lfunc_end0:
.L_simem_size_0:
called_computation_lowered:
.L_overlay_start_0:
0x88: {  	s2 =	sld [smem:$0x3FD9]  }
0x89: {  	s3 =	sld [smem:$0x3FFE];
	_ =	sdelay $0x1  }
0x8a: {  	s1 =	srdreg.scid  }
0x8b: {  	s0 =	sand.u32 $0x1, s1  }
0x8c: {  	s17 =	sshll.u32 s0, $0xA;
	s2 =	sadd.s32 s3, s2  }
0x8d: {  	s2 =	sadd.s32 s2, s17  }
0x8e: {  	[smem:$0x3FC3] =	sst s2  }
0x8f: {  	_ = 	snop  }
0x90: {  	s2 =	sld [smem:$0x3FD0];
	(tm) =	ssettm $0x1  }
0x91: {  	s18 =	sld [smem:$0x3FFB];
	_ =	sdelay $0x3  }
0x92: {  	_ =	strace s18  }
0x93: {  	s3 =	sld [smem:$0x3FFC];
	_ =	sdelay $0x3  }
0x94: {  	_ =	strace s3  }
0x95: {  	s3 =	sld [smem:$0x3FFD];
	_ =	sdelay $0x3  }
0x96: {  	_ =	strace s3  }
0x97: {  	_ =	strace $0x8FFFFFFF  }
0x98: {  	s19 =	sld [smem:$0x3FDB];
	_ =	sdelay $0x1  }
0x99: {  	s4 =	simm.s32 $_scs_section_size  }
0x9a: {  	s5 =	simm.s32 $_size__tile_overlayer_lowered;
	s6 =	simm.s32 $_tile_overlayer_lowered  }
0x9b: {  	s22 =	simm.s32 $0x1BFF;
	s21 =	sshll.u32 s6, $0x1;
	s3 =	sadd.s32 s4, s19  }
0x9c: {  	s7 =	simm.s32 $0x0;
	s20 =	sshll.u32 s5, $0x1;
	s5 =	sadd.s32 s21, s3  }
0x9d: {  	[timem:s7], [sflag:s22] =	dma.local [hbm:s5], s20  }
0x9e: {  	_ =	swait.ge [sflag:s22], s20  }
0x9f: {  	s4 =	ssub.s32 $0x0, s20;
	[sflag:s22] =	ssyncset.done $0x0  }
0xa0: {  	[sflag:s22] =	ssyncadd.s32 s4;
	_ =	sdelay $0x1  }
0xa1: {  	s23 =	simm.s32 $0x1B8B  }
0xa2: {  	_ =	swait.ge [sflag:s23], $0x1  }
0xa3: {  	[sflag:s23] =	ssyncset.done $0x0  }
0xa4: {  	s25 =	simm.s32 $0x1B8E;
	s24 =	sld [smem:$0x3FFE];
	[sflag:s23] =	ssyncadd.s32 $0xFFFFFFFF  }
0xa5: {  	s26 =	simm.s32 $execute0_lowered;
	[smem:$0x3FD2] =	sst s25  }
0xa6: {  	s5 =	sshll.u32 s26, $0x1;
	_ =	strace $0x80000046;
	[dreg:$0x1] =	wrdreg $0xFFFFFFFF  }
0xa7: {  	s28 =	simm.s32 $_size_execute0_lowered;
	s3 =	sadd.s32 s3, s5;
	[dreg:$0x0] =	wrdreg $0x0  }
0xa8: {  	s5 =	sshll.u32 s28, $0x1;
	[dreg:$0x2] =	wrdreg s3  }
0xa9: {  	[dreg:$0x3] =	wrdreg s5  }
0xaa: {  	[dreg:$0x4] =	wrdreg $0xC0  }
0xab: {  	_ =	task [dreg:s7], $0x5FFFF  }
0xac: {  	[dreg:$0x1] =	wrdreg $0xFFFFFFFF  }
0xad: {  	[dreg:$0x0] =	wrdreg $0x60  }
0xae: {  	[dreg:$0x2] =	wrdreg s24  }
0xaf: {  	[dreg:$0x3] =	wrdreg s2  }
0xb0: {  	[dreg:$0x4] =	wrdreg $0x97F00  }
0xb1: {  	[dreg:$0x5] =	wrdreg $0x9  }
0xb2: {  	_ =	task.clear_ibuf [dreg:s7], $0x6FFFF;
	_ =	strace $0x90000046  }
0xb3: {  	s29 =	simm.s32 $0x9;
	_ =	strace $0x80000048  }
0xb4: {  	_ =	swait.ge [sflag:s29], $0x1  }
0xb5: {  	[sflag:s29] =	ssyncadd.s32 $0xFFFFFFFF  }
0xb6: {  	_ =	strace $0x90000048  }
0xb7: {  	_ =	sfence  }
0xb8: {  	s30 =	sld [smem:$0x0];
	_ =	sdelay $0x2  }
0xb9: {  	s31 =	sshll.u32 s1, $0xD;
	s1 =	sshrl.u32 s1, $0x2  }
0xba: {  	s3 =	sand.u32 $0x4000, s31;
	s1 =	sadd.s32 s1, s30  }
0xbb: {  	s0 =	sor.u32 s3, s0;
	s1 =	sshll.u32 s1, $0x11  }
0xbc: {  	s0 =	sor.u32 s1, s0  }
0xbd: {  	s0 =	sadd.s32 $0x8F2B, s0  }
0xbe: {  	[sflag:s0] =	ssyncadd.remote.s32 $0x1  }
0xbf: {  	_ =	sfence.sel $0xFFFF  }
0xc0: {  	[dreg:$0x0] =	wrdreg $0xFFFFFFFF;
	(pc) =	sbr.abs _section_cstart, $3  }
0xc1: {  	[dreg:$0x1] =	wrdreg $0xFFFFFFFF  }
0xc2: {  	_ =	task.clear_ibuf [dreg:s7], $0x2FFFF;
	_ =	strace $0x9FFFFFFF  }
0xc3: {  	(tm) =	ssettm $0x7FFFFFFF  }
tec
execute0_lowered:
.L_overlay_start_1:
0x0: {  	(tag) =	ssettag $0x1  }
0x1: {  	s0 =	rddreg [dreg:$0x0]  }
0x2: {  	s2 =	rddreg [dreg:$0x1];
	s1 =	srdreg.scid  }
0x3: {  	s11 =	stileid.u32;
	s3 =	rddreg [dreg:$0x2];
	s4 =	simm.s32 $0x0  }
0x4: {  	s30 =	simm.s32 $0xA;
	s31 =	simm.s32 $0x50;
	s1 =	sand.u32 $0x1, s1  }
0x5: {  	s7 =	smul.u32 $0x16800, s11;
	[smem:$0x7FF] =	sst s4;
	s5 =	sadd.s32 $0xE00, s0  }
0x6: {  	s9 =	smul.u32 $0x5A000, s11;
	s10 =	sadd.s32 $0xC00, s0;
	s11 =	sshll.u32 s11, $0x1  }
0x7: {  	s6 =	smul.u32 $0x168000, s1;
	_ =	strace $0x80000047;
	[dreg:$0x4] =	wrdreg s10  }
0x8: {  	s10 =	ssub.s32 $0x2, s1;
	s1 =	sor.u32 s1, s11;
	s11 =	simm.s32 $0x6  }
0x9: {  	s12 =	sshrl.u32 s10, $0x1;
	s9 =	sshrl.u32 s9, $0x2;
	s14 =	smul.u32 $0x4E20, s1  }
0xa: {  	s16 =	sadd.s32 s7, s3;
	s20 =	smul.u32 $0x9C4, s1;
	s9 =	sadd.s32 s9, s3  }
0xb: {  	s1 =	smul.u32 $0x7D, s1;
	[dreg:$0x5] =	wrdreg s16;
	s13 =	sadd.s32 $0x2D00, s9  }
0xc: {  	s8 =	sadd.s32 s7, s6;
	s15 =	sadd.s32 $0x5A00, s9;
	[dreg:$0x6] =	wrdreg s13  }
0xd: {  	s6 =	sadd.s32 $0x2CE00, s0;
	s17 =	sadd.s32 $0x8700, s9;
	[dreg:$0x7] =	wrdreg s15  }
0xe: {  	s8 =	sshrl.u32 s8, $0x3;
	s18 =	sadd.s32 $0xB400, s9;
	[dreg:$0x8] =	wrdreg s17  }
0xf: {  	s19 =	sadd.s32 $0xE100, s9;
	s7 =	sshrl.u32 s14, $0x3;
	[dreg:$0x9] =	wrdreg s18  }
0x10: {  	s21 =	sadd.s32 $0x10E00, s9;
	s9 =	sadd.s32 $0x13B00, s9;
	[dreg:$0xa] =	wrdreg s19  }
0x11: {  	s22 =	sadd.s32 s2, s20;
	s14 =	simm.s32 $0x2EE0;
	[dreg:$0xb] =	wrdreg s21  }
0x12: {  	s20 =	simm.s32 $0x5;
	s0 =	sadd.s32 s8, s0;
	[dreg:$0xc] =	wrdreg s9  }
0x13: {  	s8 =	ssub.s32 s10, s12;
	s7 =	sadd.s32 s2, s7;
	[dreg:$0xd] =	wrdreg s22  }
0x14: {  	s10 =	simm.s32 $0x3;
	s12 =	simm.s32 $0x9;
	s13 =	simm.s32 $0xA0  }
0x15: {  	s15 =	simm.s32 $0xF0;
	s17 =	simm.s32 $0x1;
	s23 =	sadd.s32 $0x14, s7  }
0x16: {  	s18 =	simm.s32 $0x4;
	s24 =	sadd.s32 $0x28, s7;
	[dreg:$0xe] =	wrdreg s23  }
0x17: {  	s19 =	simm.s32 $0x2;
	s25 =	sadd.s32 $0x3C, s7;
	[dreg:$0xf] =	wrdreg s24  }
0x18: {  	s21 =	simm.s32 $0x7;
	s26 =	sadd.s32 $0x50, s7;
	[dreg:$0x10] =	wrdreg s25  }
0x19: {  	s22 =	simm.s32 $0x8;
	s28 =	sadd.s32 $0x64, s7;
	[dreg:$0x11] =	wrdreg s26  }
.Ltmp0:
0x1a: {  	s7 =	sadd.s32 $0x78, s7;
	[dreg:$0x12] =	wrdreg s28;
	(pc) =	sbr.rel .LBB2_1-.Ltmp0, $4  }
0x1b: {  	s9 =	simm.s32 $0x0;
	s0 =	sadd.s32 $0x31E00, s0;
	[dreg:$0x13] =	wrdreg s7  }
0x1c: {  	s29 =	smax.u32 s8, $0x1;
	s23 =	sadd.s32 $0x7, s1;
	[dreg:$0x14] =	wrdreg s0  }
0x1d: {  	v0 =	vimm.f32 $0.0e+00;
	v1 =	vimm.s32 $0x0;
	s24 =	sadd.s32 $0x8, s1;
	s25 =	sadd.s32 $0x9, s1;
	[dreg:$0x15] =	wrdreg s29  }
0x1e: {  	v2 =	vimm.s32 $0x1;
	v3 =	vimm.s32 $0x2;
	v4 =	vimm.s32 $0x3;
	s1 =	simm.s32 $0x140;
	s0 =	simm.s32 $0x5BE0;
	s7 =	simm.s32 $0x190  }
.LBB2_22:
0x1f: {  	_ =	swait.ge [sflag:s12], $0x2D00  }
0x20: {  	[sflag:s12] =	ssyncset.done $0x0  }
0x21: {  	[sflag:s12] =	ssyncadd.s32 $0xFFFFD300  }
0x22: {  	s8 =	stileid.u32;
	[bflag:$0x0] =	sbarrier.arrive $0xFFFF  }
0x23: {  	s8 =	sshll.u32 s8, $0x6;
	s16 =	rddreg [dreg:$0x5]  }
0x24: {  	s8 =	sor.u32 $0x1C0A, s8;
	s26 =	rddreg [dreg:$0x14];
	s9 =	sshrl.u32 s16, $0x3  }
0x25: {  	[hbm:s26], [sflag:s8] =	dma.local [spmem:s9], $0x2D00  }
0x26: {  	_ =	swait.ge [sflag:s30], $0x2D00  }
0x27: {  	s28 =	rddreg [dreg:$0x16]  }
0x28: {  	s29 =	rddreg [dreg:$0x15];
	s9 =	sadd.s32 $0x1, s28  }
0x29: {  	p0 =	sne.s32 s9, s29  }
.Ltmp1:
0x2a: {  	_ = 	snop;
	(pc) =	sbr.rel @!p0 .LBB2_23-.Ltmp1, $3  }
0x2b: {  	_ =	sdelay $0x1  }
0x2c: {  	[sflag:s30] =	ssyncset.done $0x0  }
0x2d: {  	[sflag:s30] =	ssyncadd.s32 $0xFFFFD300  }
.LBB2_1:
0x2e: {  	[dreg:$0x16] =	wrdreg s9;
	s8 =	simm.s32 $0x0;
	s9 =	simm.s32 $0x240  }
.LBB2_2:
0x2f: {  	p0 =	sne.s32 s9, $0xB1C0;
	[tilespmem:s8+$0x260] =	vst v0  }
0x30: {  	[tilespmem:s8+$0x1E0] =	vst v0  }
0x31: {  	[tilespmem:s8+$0x1F0] =	vst v0  }
0x32: {  	[tilespmem:s8+$0x200] =	vst v0  }
.Ltmp2:
0x33: {  	[tilespmem:s8+$0x210] =	vst v0;
	(pc) =	sbr.rel @p0 .LBB2_2-.Ltmp2, $4  }
0x34: {  	[tilespmem:s8+$0x220] =	vst v0  }
0x35: {  	[tilespmem:s8+$0x230] =	vst v0  }
0x36: {  	[tilespmem:s8+$0x240] =	vst v0  }
0x37: {  	[tilespmem:s8+$0x250] =	vst v0;
	s8 =	sshra.s32 s9, $0x2;
	s9 =	sadd.s32 $0x240, s9  }
0x38: {  	[tilespmem:s8+$0x260] =	vst v0  }
0x39: {  	[tilespmem:s8+$0x1E0] =	vst v0  }
0x3a: {  	[tilespmem:s8+$0x1F0] =	vst v0  }
0x3b: {  	[tilespmem:s8+$0x200] =	vst v0  }
0x3c: {  	[tilespmem:s8+$0x210] =	vst v0  }
0x3d: {  	[tilespmem:s8+$0x220] =	vst v0  }
0x3e: {  	[tilespmem:s8+$0x230] =	vst v0  }
0x3f: {  	[tilespmem:s8+$0x240] =	vst v0  }
0x40: {  	[tilespmem:s8+$0x250] =	vst v0;
	s9 =	simm.s32 $0x1E0  }
0x41: {  	[spmem:s16] =	stream.linear.scatter [tilespmem:s9], [sflag:$0xA], $0x2D00, $0x38;
	v63 =	vld [tilespmem:$0x0]  }
0x42: {  	_ =	swait.ge [sflag:s30], $0x2D00  }
0x43: {  	[sflag:s30] =	ssyncset.done $0x0  }
0x44: {  	s26 =	rddreg [dreg:$0x6];
	[sflag:s30] =	ssyncadd.s32 $0xFFFFD300  }
0x45: {  	[spmem:s26] =	stream.linear.scatter [tilespmem:s9], [sflag:$0xA], $0x2D00, $0x38;
	v63 =	vld [tilespmem:$0x0]  }
0x46: {  	_ =	swait.ge [sflag:s30], $0x2D00  }
0x47: {  	[sflag:s30] =	ssyncset.done $0x0  }
0x48: {  	s28 =	rddreg [dreg:$0x7];
	[sflag:s30] =	ssyncadd.s32 $0xFFFFD300  }
0x49: {  	[spmem:s28] =	stream.linear.scatter [tilespmem:s9], [sflag:$0xA], $0x2D00, $0x38;
	v63 =	vld [tilespmem:$0x0]  }
0x4a: {  	_ =	swait.ge [sflag:s30], $0x2D00  }
0x4b: {  	[sflag:s30] =	ssyncset.done $0x0  }
0x4c: {  	s29 =	rddreg [dreg:$0x8];
	[sflag:s30] =	ssyncadd.s32 $0xFFFFD300  }
0x4d: {  	[spmem:s29] =	stream.linear.scatter [tilespmem:s9], [sflag:$0xA], $0x2D00, $0x38;
	v63 =	vld [tilespmem:$0x0]  }
0x4e: {  	_ =	swait.ge [sflag:s30], $0x2D00  }
0x4f: {  	[sflag:s30] =	ssyncset.done $0x0  }
0x50: {  	s16 =	rddreg [dreg:$0x9];
	[sflag:s30] =	ssyncadd.s32 $0xFFFFD300  }
0x51: {  	[spmem:s16] =	stream.linear.scatter [tilespmem:s9], [sflag:$0xA], $0x2D00, $0x38;
	v63 =	vld [tilespmem:$0x0]  }
0x52: {  	_ =	swait.ge [sflag:s30], $0x2D00  }
0x53: {  	[sflag:s30] =	ssyncset.done $0x0  }
0x54: {  	s26 =	rddreg [dreg:$0xa];
	[sflag:s30] =	ssyncadd.s32 $0xFFFFD300  }
0x55: {  	[spmem:s26] =	stream.linear.scatter [tilespmem:s9], [sflag:$0xA], $0x2D00, $0x38;
	v63 =	vld [tilespmem:$0x0]  }
0x56: {  	_ =	swait.ge [sflag:s30], $0x2D00  }
0x57: {  	[sflag:s30] =	ssyncset.done $0x0  }
0x58: {  	s28 =	rddreg [dreg:$0xb];
	[sflag:s30] =	ssyncadd.s32 $0xFFFFD300  }
0x59: {  	[spmem:s28] =	stream.linear.scatter [tilespmem:s9], [sflag:$0xA], $0x2D00, $0x38;
	v63 =	vld [tilespmem:$0x0]  }
0x5a: {  	_ =	swait.ge [sflag:s30], $0x2D00  }
0x5b: {  	[sflag:s30] =	ssyncset.done $0x0  }
0x5c: {  	s29 =	rddreg [dreg:$0xc];
	[sflag:s30] =	ssyncadd.s32 $0xFFFFD300  }
0x5d: {  	[spmem:s29] =	stream.linear.scatter [tilespmem:s9], [sflag:$0xA], $0x2D00, $0x38;
	v63 =	vld [tilespmem:$0x0]  }
0x5e: {  	_ =	swait.ge [sflag:s30], $0x2D00  }
0x5f: {  	[sflag:s30] =	ssyncset.done $0x0  }
0x60: {  	[sflag:s30] =	ssyncadd.s32 $0xFFFFD300  }
0x61: {  	[bflag:$0x0] =	sbarrier.arrive $0xFFFF  }
0x62: {  	s26 =	simm.s32 $0x97E0;
	s16 =	rddreg [dreg:$0x4]  }
0x63: {  	[tilespmem:s26], [sflag:$0xA] =	stream.linear.gather [hbm4b:s16+s4], $0x10, $0x38;
	v63 =	vld [tilespmem:$0x0]  }
0x64: {  	_ =	swait.ge [sflag:s30], $0x10  }
0x65: {  	[sflag:s30] =	ssyncset.done $0x0  }
0x66: {  	s28 =	rddreg [dreg:$0xd];
	[sflag:s30] =	ssyncadd.s32 $0xFFFFFFF0  }
0x67: {  	v5 =	vld [tilespmem:$0x97E0];
	[tilespmem:s1], [sflag:$0xA] =	stream.linear.gather [hbm4b:s28+s4], $0xA0, $0x38  }
0x68: {  	_ =	swait.ge [sflag:s30], $0xA0  }
0x69: {  	[sflag:s30] =	ssyncset.done $0x0  }
0x6a: {  	[sflag:s30] =	ssyncadd.s32 $0xFFFFFF60  }
0x6b: {  	[tilespmem:s0], [sflag:$0x3] =	stream.indirect.gather [hbm4b:s5+s31], $0x90, s1, s31, $0xb8;
	v63 =	vld [tilespmem:$0x0]  }
0x6c: {  	s29 =	simm.s32 $0x92E0  }
0x6d: {  	[tilespmem:s29], [sflag:$0x6] =	stream.indirect.gather [hbm4b:s6+s31], $0x10, s7, s31, $0xb8;
	v63 =	vld [tilespmem:$0x0]  }
0x6e: {  	_ =	swait.ge [sflag:s10], $0x2D00  }
0x6f: {  	[sflag:s10] =	ssyncset.done $0x0  }
0x70: {  	[sflag:s10] =	ssyncadd.s32 $0xFFFFD300  }
0x71: {  	_ =	swait.ge [sflag:s11], $0x500  }
0x72: {  	[sflag:s11] =	ssyncset.done $0x0  }
0x73: {  	s8 =	simm.s32 $0x5D00;
	[sflag:s11] =	ssyncadd.s32 $0xFFFFFB00  }
0x74: {  	s26 =	simm.s32 $0x9300;
	v6 =	vld [tilespmem:s8+$0x110]  }
0x75: {  	v7 =	vld [tilespmem:s26+$0x10]  }
0x76: {  	v8 =	vld [tilespmem:s26+$0xFFFFFFE0]  }
0x77: {  	v9 =	vld [tilespmem:s8+$0xFFFFFFF0]  }
0x78: {  	v10 =	vld [tilespmem:s26+$0xFFFFFFF0]  }
0x79: {  	v11 =	vld [tilespmem:s8+$0x80]  }
0x7a: {  	v12 =	vld [tilespmem:s26+$0x0]  }
0x7b: {  	v25 =	vld [tilespmem:s8+$0xFFFFFEE0];
	v6 =	vadd.f32 v7, v6  }
0x7c: {  	v7 =	vld [tilespmem:s8+$0xFFFFFF60]  }
0x7d: {  	v27 =	vld [tilespmem:s8+$0xFFFFFEF0];
	v13 =	vmul.f32 $2.000000030e-01, v6  }
0x7e: {  	v28 =	vld [tilespmem:s8+$0xFFFFFF00];
	v9 =	vadd.f32 v10, v9;
	vm0 =	vgt.f32 v6, $0.0e+00  }
0x7f: {  	v29 =	vld [tilespmem:s8+$0xFFFFFF10];
	v6 =	vsel vm0, v6, v13  }
0x80: {  	v30 =	vld [tilespmem:s8+$0xFFFFFF20];
	v10 =	vadd.f32 v12, v11;
	v11 =	vmul.f32 $2.000000030e-01, v9;
	v6 =	vsub.f32 v6, v5  }
0x81: {  	v32 =	vld [tilespmem:s8+$0xFFFFFF30];
	vm14 =	vgt.f32 v9, $0.0e+00;
	v7 =	vadd.f32 v8, v7  }
0x82: {  	v39 =	vld [tilespmem:s8+$0xFFFFFF40];
	v9 =	vsel vm14, v9, v11;
	v8 =	vmul.f32 $2.000000030e-01, v10;
	v6 =	vmul.f32 $1.442695020e+00, v6  }
0x83: {  	v40 =	vld [tilespmem:s8+$0xFFFFFF50];
	vm1 =	vgt.f32 v10, $0.0e+00;
	v9 =	vsub.f32 v9, v5;
	v12 =	vmul.f32 $2.000000030e-01, v7  }
0x84: {  	v45 =	vld [tilespmem:s8+$0xFFFFFF70];
	vm15 =	vgt.f32 v7, $0.0e+00;
	v8 =	vsel vm1, v10, v8;
	(erf) = vpow2.f32 v6  }
0x85: {  	v46 =	vld [tilespmem:s8+$0xFFFFFF80];
	v6 =	vsel vm15, v7, v12;
	v7 =	vsub.f32 v8, v5;
	v8 =	vmul.f32 $1.442695020e+00, v9  }
0x86: {  	v19 =	vld [tilespmem:s8+$0x100]  }
0x87: {  	v15 =	vld [tilespmem:s8+$0xFFFFFFD0];
	v6 =	vsub.f32 v6, v5;
	v7 =	vmul.f32 $1.442695020e+00, v7;
	(erf) = vpow2.f32 v8  }
0x88: {  	v14 =	vld [tilespmem:s8+$0x0]  }
0x89: {  	v16 =	vld [tilespmem:s8+$0x10];
	v6 =	vmul.f32 $1.442695020e+00, v6;
	(erf) = vpow2.f32 v7  }
0x8a: {  	v17 =	vld [tilespmem:s8+$0x20]  }
0x8b: {  	v18 =	vld [tilespmem:s8+$0x30];
	(erf) = vpow2.f32 v6  }
0x8c: {  	v20 =	vld [tilespmem:s8+$0x50]  }
0x8d: {  	v22 =	vld [tilespmem:s8+$0x60];
	v21 =	vpop (erf)  }
0x8e: {  	v24 =	vld [tilespmem:s8+$0x90];
	v6 =	vperm.xlane v21, v4  }
0x8f: {  	v11 =	vld [tilespmem:s8+$0xFFFFFFB0];
	v9 =	vperm.xlane v21, v1;
	v8 =	vperm.xlane v21, v2  }
0x90: {  	v13 =	vld [tilespmem:s8+$0xFFFFFFC0];
	v7 =	vperm.xlane v21, v3;
	v41 =	vpop (erf);
	v23 =	vmul.f32 v19, v6  }
0x91: {  	v10 =	vld [tilespmem:s8+$0xFFFFFF90];
	v47 =	vperm.xlane v41, v1;
	v36 =	vperm.xlane v41, v2  }
0x92: {  	v12 =	vld [tilespmem:s8+$0xFFFFFFA0];
	v35 =	vperm.xlane v41, v3;
	v33 =	vperm.xlane v41, v4;
	v26 =	vpop (erf)  }
0x93: {  	[tilespmem:s8+$0x110] =	vst v21;
	v21 =	vld [tilespmem:s8+$0xFFFFFFE0];
	v38 =	vperm.xlane v26, v1;
	v37 =	vperm.xlane v26, v2  }
0x94: {  	v19 =	vld [tilespmem:s8+$0x40];
	v42 =	vpop (erf);
	v34 =	vperm.xlane v26, v3;
	v31 =	vperm.xlane v26, v4  }
0x95: {  	[tilespmem:s8+$0x100] =	vst v23;
	v23 =	vld [tilespmem:s8+$0x70];
	v43 =	vperm.xlane v42, v1;
	v44 =	vperm.xlane v42, v2  }
0x96: {  	[tilespmem:s8+$0x80] =	vst v26;
	v26 =	vld [tilespmem:s8+$0xA0];
	v48 =	vperm.xlane v42, v3;
	v49 =	vperm.xlane v42, v4  }
0x97: {  	[tilespmem:s8+$0xFFFFFFF0] =	vst v41;
	v25 =	vmul.f32 v25, v43;
	v50 =	vmul.f32 v27, v43;
	v27 =	vld [tilespmem:s8+$0xB0]  }
0x98: {  	[tilespmem:s8+$0xFFFFFF60] =	vst v42;
	v51 =	vmul.f32 v28, v44;
	v44 =	vmul.f32 v29, v44;
	v28 =	vld [tilespmem:s8+$0xC0]  }
0x99: {  	v43 =	vmul.f32 v30, v48;
	v41 =	vmul.f32 v32, v48;
	v29 =	vld [tilespmem:s8+$0xD0];
	[tilespmem:s8+$0xFFFFFEE0] =	vst v25  }
0x9a: {  	v42 =	vmul.f32 v39, v49;
	v39 =	vmul.f32 v40, v49;
	v32 =	vld [tilespmem:s8+$0xE0];
	[tilespmem:s8+$0xFFFFFEF0] =	vst v50  }
0x9b: {  	s9 =	simm.s32 $0x5F40;
	s16 =	simm.s32 $0x0;
	v40 =	vmul.f32 v45, v47;
	v30 =	vld [tilespmem:s8+$0xF0];
	[tilespmem:s8+$0xFFFFFF00] =	vst v51;
	v25 =	vmul.f32 v46, v47  }
.LBB2_4:
0x9c: {  	v45 =	vld [tilespmem:s9+$0x110];
	[tilespmem:s8+$0xFFFFFF10] =	vst v44;
	v10 =	vmul.f32 v10, v36;
	v12 =	vmul.f32 v12, v36;
	s26 =	sadd.s32 $0x40, s26  }
0x9d: {  	s16 =	sadd.s32 $0x4, s16;
	v11 =	vmul.f32 v11, v35;
	v13 =	vmul.f32 v13, v35;
	v36 =	vld [tilespmem:s26+$0x10];
	[tilespmem:s8+$0xFFFFFF20] =	vst v43  }
0x9e: {  	v15 =	vmul.f32 v15, v33;
	v21 =	vmul.f32 v21, v33;
	p0 =	slt.u32 s16, $0x4C;
	v35 =	vld [tilespmem:s26+$0xFFFFFFE0];
	[tilespmem:s8+$0xFFFFFF30] =	vst v41  }
0x9f: {  	v14 =	vmul.f32 v14, v38;
	v16 =	vmul.f32 v16, v38;
	v33 =	vld [tilespmem:s9+$0xFFFFFFF0];
	[tilespmem:s8+$0xFFFFFF40] =	vst v42  }
0xa0: {  	v17 =	vmul.f32 v17, v37;
	v18 =	vmul.f32 v18, v37;
	v38 =	vld [tilespmem:s26+$0xFFFFFFF0];
	[tilespmem:s8+$0xFFFFFF50] =	vst v39  }
0xa1: {  	v19 =	vmul.f32 v19, v34;
	v20 =	vmul.f32 v20, v34;
	v37 =	vld [tilespmem:s9+$0x80];
	[tilespmem:s8+$0xFFFFFF70] =	vst v40  }
0xa2: {  	v22 =	vmul.f32 v22, v31;
	v23 =	vmul.f32 v23, v31;
	v34 =	vld [tilespmem:s26+$0x0];
	v36 =	vadd.f32 v36, v45;
	[tilespmem:s8+$0xFFFFFF80] =	vst v25  }
0xa3: {  	v24 =	vmul.f32 v24, v9;
	v9 =	vmul.f32 v26, v9;
	v31 =	vld [tilespmem:s9+$0xFFFFFF60];
	[tilespmem:s8+$0xFFFFFF90] =	vst v10  }
0xa4: {  	v26 =	vmul.f32 v27, v8;
	v25 =	vld [tilespmem:s9+$0xFFFFFEE0];
	v10 =	vmul.f32 $2.000000030e-01, v36;
	[tilespmem:s8+$0xFFFFFFA0] =	vst v12  }
0xa5: {  	v8 =	vmul.f32 v28, v8;
	vm0 =	vgt.f32 v36, $0.0e+00;
	v27 =	vld [tilespmem:s9+$0xFFFFFEF0];
	v12 =	vadd.f32 v38, v33;
	[tilespmem:s8+$0xFFFFFFB0] =	vst v11  }
0xa6: {  	v29 =	vmul.f32 v29, v7;
	v32 =	vmul.f32 v32, v7;
	v28 =	vld [tilespmem:s9+$0xFFFFFF00];
	v10 =	vsel vm0, v36, v10;
	[tilespmem:s8+$0xFFFFFFC0] =	vst v13  }
0xa7: {  	v39 =	vld [tilespmem:s9+$0xFFFFFF10];
	v7 =	vmul.f32 $2.000000030e-01, v12;
	v11 =	vadd.f32 v34, v37;
	v10 =	vsub.f32 v10, v5;
	[tilespmem:s8+$0xFFFFFFD0] =	vst v15  }
0xa8: {  	v30 =	vmul.f32 v30, v6;
	vm0 =	vgt.f32 v12, $0.0e+00;
	v13 =	vadd.f32 v35, v31;
	v40 =	vld [tilespmem:s9+$0xFFFFFF20];
	[tilespmem:s8+$0xFFFFFFE0] =	vst v21  }
0xa9: {  	v41 =	vld [tilespmem:s9+$0xFFFFFF30];
	vm1 =	vgt.f32 v11, $0.0e+00;
	v6 =	vmul.f32 $2.000000030e-01, v11;
	v10 =	vmul.f32 $1.442695020e+00, v10;
	[tilespmem:s8+$0x0] =	vst v14  }
0xaa: {  	v7 =	vsel vm0, v12, v7;
	vm2 =	vgt.f32 v13, $0.0e+00;
	v14 =	vmul.f32 $2.000000030e-01, v13;
	v42 =	vld [tilespmem:s9+$0xFFFFFF40];
	[tilespmem:s8+$0x10] =	vst v16  }
0xab: {  	v7 =	vsub.f32 v7, v5;
	v45 =	vld [tilespmem:s9+$0xFFFFFF50];
	v6 =	vsel vm1, v11, v6;
	(erf) = vpow2.f32 v10;
	[tilespmem:s8+$0x20] =	vst v17  }
0xac: {  	v10 =	vsel vm2, v13, v14;
	v46 =	vld [tilespmem:s9+$0xFFFFFF70];
	v6 =	vsub.f32 v6, v5;
	[tilespmem:s8+$0x30] =	vst v18  }
0xad: {  	v7 =	vmul.f32 $1.442695020e+00, v7;
	v11 =	vsub.f32 v10, v5;
	v47 =	vld [tilespmem:s9+$0xFFFFFF80];
	[tilespmem:s8+$0x40] =	vst v19  }
0xae: {  	v10 =	vld [tilespmem:s9+$0xFFFFFF90];
	v6 =	vmul.f32 $1.442695020e+00, v6;
	[tilespmem:s8+$0x50] =	vst v20  }
0xaf: {  	v14 =	vmul.f32 $1.442695020e+00, v11;
	v12 =	vld [tilespmem:s9+$0xFFFFFFA0];
	(erf) = vpow2.f32 v7;
	[tilespmem:s8+$0x60] =	vst v22  }
0xb0: {  	v11 =	vld [tilespmem:s9+$0xFFFFFFB0];
	(erf) = vpow2.f32 v6;
	[tilespmem:s8+$0x70] =	vst v23  }
0xb1: {  	v13 =	vld [tilespmem:s9+$0xFFFFFFC0];
	(erf) = vpow2.f32 v14;
	[tilespmem:s8+$0x90] =	vst v24  }
0xb2: {  	v18 =	vld [tilespmem:s9+$0x100];
	[tilespmem:s8+$0xA0] =	vst v9  }
0xb3: {  	v15 =	vld [tilespmem:s9+$0xFFFFFFD0];
	[tilespmem:s8+$0xB0] =	vst v26  }
0xb4: {  	v21 =	vld [tilespmem:s9+$0xFFFFFFE0];
	v19 =	vpop (erf);
	[tilespmem:s8+$0xC0] =	vst v8  }
0xb5: {  	v14 =	vld [tilespmem:s9+$0x0];
	v9 =	vperm.xlane v19, v1;
	v6 =	vperm.xlane v19, v4;
	[tilespmem:s8+$0xD0] =	vst v29  }
0xb6: {  	v8 =	vperm.xlane v19, v2;
	v7 =	vperm.xlane v19, v3;
	v16 =	vld [tilespmem:s9+$0x10];
	[tilespmem:s8+$0xE0] =	vst v32  }
0xb7: {  	v17 =	vld [tilespmem:s9+$0x20];
	v20 =	vmul.f32 v18, v6;
	[tilespmem:s8+$0xF0] =	vst v30;
	s8 =	smov.u32 s9  }
0xb8: {  	v18 =	vld [tilespmem:s9+$0x30];
	[tilespmem:s9+$0x110] =	vst v19;
	v22 =	vpop (erf)  }
0xb9: {  	v30 =	vperm.xlane v22, v1;
	v36 =	vperm.xlane v22, v2;
	v19 =	vld [tilespmem:s9+$0x40];
	[tilespmem:s9+$0x100] =	vst v20;
	v26 =	vpop (erf)  }
0xba: {  	v35 =	vperm.xlane v22, v3;
	v33 =	vperm.xlane v22, v4;
	[tilespmem:s9+$0xFFFFFFF0] =	vst v22;
	v20 =	vld [tilespmem:s9+$0x50];
	v23 =	vpop (erf)  }
0xbb: {  	[tilespmem:s9+$0xFFFFFF60] =	vst v23;
	v29 =	vperm.xlane v23, v1;
	v32 =	vperm.xlane v23, v2;
	v22 =	vld [tilespmem:s9+$0x60]  }
0xbc: {  	v48 =	vperm.xlane v23, v3;
	v49 =	vperm.xlane v23, v4;
	[tilespmem:s9+$0x80] =	vst v26;
	v23 =	vld [tilespmem:s9+$0x70]  }
0xbd: {  	v38 =	vperm.xlane v26, v1;
	v37 =	vperm.xlane v26, v2;
	v24 =	vld [tilespmem:s9+$0x90]  }
0xbe: {  	v34 =	vperm.xlane v26, v3;
	v31 =	vperm.xlane v26, v4;
	v26 =	vld [tilespmem:s9+$0xA0]  }
.Ltmp3:
0xbf: {  	v25 =	vmul.f32 v25, v29;
	v50 =	vmul.f32 v27, v29;
	v27 =	vld [tilespmem:s9+$0xB0];
	(pc) =	sbr.rel @p0 .LBB2_4-.Ltmp3, $4  }
0xc0: {  	v51 =	vmul.f32 v28, v32;
	v44 =	vmul.f32 v39, v32;
	v28 =	vld [tilespmem:s9+$0xC0]  }
0xc1: {  	v43 =	vmul.f32 v40, v48;
	v41 =	vmul.f32 v41, v48;
	[tilespmem:s9+$0xFFFFFEE0] =	vst v25;
	v29 =	vld [tilespmem:s9+$0xD0]  }
0xc2: {  	v42 =	vmul.f32 v42, v49;
	v39 =	vmul.f32 v45, v49;
	[tilespmem:s9+$0xFFFFFEF0] =	vst v50;
	v32 =	vld [tilespmem:s9+$0xE0]  }
0xc3: {  	v40 =	vmul.f32 v46, v30;
	v25 =	vmul.f32 v47, v30;
	s9 =	sadd.s32 $0x240, s9;
	[tilespmem:s8+$0xFFFFFF00] =	vst v51;
	v30 =	vld [tilespmem:s8+$0xF0]  }
0xc4: {  	[tilespmem:s8+$0xFFFFFF10] =	vst v44  }
0xc5: {  	[tilespmem:s8+$0xFFFFFF20] =	vst v43  }
0xc6: {  	[tilespmem:s8+$0xFFFFFF30] =	vst v41  }
0xc7: {  	[tilespmem:s8+$0xFFFFFF40] =	vst v42  }
0xc8: {  	[tilespmem:s8+$0xFFFFFF50] =	vst v39  }
0xc9: {  	v10 =	vmul.f32 v10, v36;
	[tilespmem:s8+$0xFFFFFF70] =	vst v40  }
0xca: {  	v12 =	vmul.f32 v12, v36;
	[tilespmem:s8+$0xFFFFFF80] =	vst v25  }
0xcb: {  	v11 =	vmul.f32 v11, v35;
	[tilespmem:s8+$0xFFFFFF90] =	vst v10  }
0xcc: {  	v10 =	vmul.f32 v13, v35;
	[tilespmem:s8+$0xFFFFFFA0] =	vst v12  }
0xcd: {  	v12 =	vmul.f32 v15, v33;
	[tilespmem:s8+$0xFFFFFFB0] =	vst v11  }
0xce: {  	v11 =	vmul.f32 v21, v33;
	[tilespmem:s8+$0xFFFFFFC0] =	vst v10  }
0xcf: {  	v10 =	vmul.f32 v14, v38;
	[tilespmem:s8+$0xFFFFFFD0] =	vst v12  }
0xd0: {  	v12 =	vmul.f32 v16, v38;
	[tilespmem:s8+$0xFFFFFFE0] =	vst v11  }
0xd1: {  	v11 =	vmul.f32 v17, v37;
	[tilespmem:s8+$0x0] =	vst v10  }
0xd2: {  	v6 =	vmul.f32 v30, v6;
	[tilespmem:s8+$0x10] =	vst v12  }
0xd3: {  	v10 =	vmul.f32 v18, v37;
	[tilespmem:s8+$0x20] =	vst v11  }
0xd4: {  	v12 =	vmul.f32 v19, v34;
	[tilespmem:s8+$0xF0] =	vst v6  }
0xd5: {  	v11 =	vmul.f32 v20, v34;
	[tilespmem:s8+$0x30] =	vst v10  }
0xd6: {  	v10 =	vmul.f32 v22, v31;
	[tilespmem:s8+$0x40] =	vst v12  }
0xd7: {  	v12 =	vmul.f32 v23, v31;
	[tilespmem:s8+$0x50] =	vst v11  }
0xd8: {  	v11 =	vmul.f32 v24, v9;
	[tilespmem:s8+$0x60] =	vst v10  }
0xd9: {  	v9 =	vmul.f32 v26, v9;
	[tilespmem:s8+$0x70] =	vst v12  }
0xda: {  	v10 =	vmul.f32 v27, v8;
	[tilespmem:s8+$0x90] =	vst v11  }
0xdb: {  	v8 =	vmul.f32 v28, v8;
	[tilespmem:s8+$0xA0] =	vst v9  }
0xdc: {  	v9 =	vmul.f32 v29, v7;
	[tilespmem:s8+$0xB0] =	vst v10  }
0xdd: {  	v7 =	vmul.f32 v32, v7;
	[tilespmem:s8+$0xC0] =	vst v8  }
0xde: {  	[tilespmem:s8+$0xD0] =	vst v9  }
0xdf: {  	[tilespmem:s8+$0xE0] =	vst v7  }
0xe0: {  	[spmem:s3] =	stream.indirect.scatter.add.f32 [tilespmem:s0], [sflag:$0x9], $0x90, s7, s31, $0xb8;
	v63 =	vld [tilespmem:$0x0]  }
0xe1: {  	_ =	swait.ge [sflag:s12], $0x2D00  }
0xe2: {  	[sflag:s12] =	ssyncset.done $0x0  }
0xe3: {  	s28 =	rddreg [dreg:$0xe];
	[sflag:s12] =	ssyncadd.s32 $0xFFFFD300  }
0xe4: {  	[tilespmem:s1], [sflag:$0xA] =	stream.linear.gather [hbm4b:s28+s4], $0xA0, $0x38;
	v63 =	vld [tilespmem:$0x0]  }
0xe5: {  	_ =	swait.ge [sflag:s30], $0xA0  }
0xe6: {  	[sflag:s30] =	ssyncset.done $0x0  }
0xe7: {  	[sflag:s30] =	ssyncadd.s32 $0xFFFFFF60  }
0xe8: {  	[tilespmem:s0], [sflag:$0x3] =	stream.indirect.gather [hbm4b:s5+s31], $0x90, s1, s31, $0xb8;
	v63 =	vld [tilespmem:$0x0]  }
0xe9: {  	s29 =	simm.s32 $0x92E0  }
0xea: {  	[tilespmem:s29], [sflag:$0x6] =	stream.indirect.gather [hbm4b:s6+s31], $0x10, s7, s31, $0xb8;
	v63 =	vld [tilespmem:$0x0]  }
0xeb: {  	_ =	swait.ge [sflag:s10], $0x2D00  }
0xec: {  	[sflag:s10] =	ssyncset.done $0x0  }
0xed: {  	[sflag:s10] =	ssyncadd.s32 $0xFFFFD300  }
0xee: {  	_ =	swait.ge [sflag:s11], $0x500  }
0xef: {  	[sflag:s11] =	ssyncset.done $0x0  }
0xf0: {  	s8 =	simm.s32 $0x5D00;
	[sflag:s11] =	ssyncadd.s32 $0xFFFFFB00  }
0xf1: {  	s26 =	simm.s32 $0x9300;
	v6 =	vld [tilespmem:s8+$0x110]  }
0xf2: {  	v7 =	vld [tilespmem:s26+$0x10]  }
0xf3: {  	v8 =	vld [tilespmem:s26+$0xFFFFFFE0]  }
0xf4: {  	v9 =	vld [tilespmem:s8+$0xFFFFFFF0]  }
0xf5: {  	v10 =	vld [tilespmem:s26+$0xFFFFFFF0]  }
0xf6: {  	v11 =	vld [tilespmem:s8+$0x80]  }
0xf7: {  	v12 =	vld [tilespmem:s26+$0x0]  }
0xf8: {  	v25 =	vld [tilespmem:s8+$0xFFFFFEE0];
	v6 =	vadd.f32 v7, v6  }
0xf9: {  	v7 =	vld [tilespmem:s8+$0xFFFFFF60]  }
0xfa: {  	v27 =	vld [tilespmem:s8+$0xFFFFFEF0];
	v13 =	vmul.f32 $2.000000030e-01, v6  }
0xfb: {  	v28 =	vld [tilespmem:s8+$0xFFFFFF00];
	v9 =	vadd.f32 v10, v9;
	vm0 =	vgt.f32 v6, $0.0e+00  }
0xfc: {  	v29 =	vld [tilespmem:s8+$0xFFFFFF10];
	v6 =	vsel vm0, v6, v13  }
0xfd: {  	v30 =	vld [tilespmem:s8+$0xFFFFFF20];
	v10 =	vadd.f32 v12, v11;
	v11 =	vmul.f32 $2.000000030e-01, v9;
	v6 =	vsub.f32 v6, v5  }
0xfe: {  	v56 =	vld [tilespmem:s8+$0xFFFFFF30];
	vm14 =	vgt.f32 v9, $0.0e+00;
	v7 =	vadd.f32 v8, v7  }
0xff: {  	v57 =	vld [tilespmem:s8+$0xFFFFFF40];
	v9 =	vsel vm14, v9, v11;
	v8 =	vmul.f32 $2.000000030e-01, v10;
	v6 =	vmul.f32 $1.442695020e+00, v6  }
0x100: {  	v58 =	vld [tilespmem:s8+$0xFFFFFF50];
	vm1 =	vgt.f32 v10, $0.0e+00;
	v9 =	vsub.f32 v9, v5;
	v12 =	vmul.f32 $2.000000030e-01, v7  }
0x101: {  	v45 =	vld [tilespmem:s8+$0xFFFFFF70];
	vm15 =	vgt.f32 v7, $0.0e+00;
	v8 =	vsel vm1, v10, v8;
	(erf) = vpow2.f32 v6  }
0x102: {  	v46 =	vld [tilespmem:s8+$0xFFFFFF80];
	v6 =	vsel vm15, v7, v12;
	v7 =	vsub.f32 v8, v5;
	v8 =	vmul.f32 $1.442695020e+00, v9  }
0x103: {  	v19 =	vld [tilespmem:s8+$0x100]  }
0x104: {  	v15 =	vld [tilespmem:s8+$0xFFFFFFD0];
	v6 =	vsub.f32 v6, v5;
	v7 =	vmul.f32 $1.442695020e+00, v7;
	(erf) = vpow2.f32 v8  }
0x105: {  	v14 =	vld [tilespmem:s8+$0x0]  }
0x106: {  	v16 =	vld [tilespmem:s8+$0x10];
	v6 =	vmul.f32 $1.442695020e+00, v6;
	(erf) = vpow2.f32 v7  }
0x107: {  	v17 =	vld [tilespmem:s8+$0x20]  }
0x108: {  	v18 =	vld [tilespmem:s8+$0x30];
	(erf) = vpow2.f32 v6  }
0x109: {  	v20 =	vld [tilespmem:s8+$0x50]  }
0x10a: {  	v22 =	vld [tilespmem:s8+$0x60];
	v21 =	vpop (erf)  }
0x10b: {  	v24 =	vld [tilespmem:s8+$0x90];
	v6 =	vperm.xlane v21, v4  }
0x10c: {  	v32 =	vld [tilespmem:s8+$0xE0];
	v9 =	vperm.xlane v21, v1;
	v8 =	vperm.xlane v21, v2  }
0x10d: {  	v11 =	vld [tilespmem:s8+$0xFFFFFFB0];
	v7 =	vperm.xlane v21, v3;
	v59 =	vpop (erf);
	v23 =	vmul.f32 v19, v6  }
0x10e: {  	v13 =	vld [tilespmem:s8+$0xFFFFFFC0];
	v47 =	vperm.xlane v59, v1;
	v36 =	vperm.xlane v59, v2  }
0x10f: {  	v10 =	vld [tilespmem:s8+$0xFFFFFF90];
	v35 =	vperm.xlane v59, v3;
	v33 =	vperm.xlane v59, v4;
	v26 =	vpop (erf)  }
0x110: {  	v12 =	vld [tilespmem:s8+$0xFFFFFFA0];
	v38 =	vperm.xlane v26, v1;
	v37 =	vperm.xlane v26, v2  }
0x111: {  	[tilespmem:s8+$0x110] =	vst v21;
	v21 =	vld [tilespmem:s8+$0xFFFFFFE0];
	v60 =	vpop (erf);
	v34 =	vperm.xlane v26, v3;
	v31 =	vperm.xlane v26, v4  }
0x112: {  	v19 =	vld [tilespmem:s8+$0x40];
	[tilespmem:s8+$0xFFFFFFF0] =	vst v59;
	v40 =	vmul.f32 v45, v47;
	v61 =	vperm.xlane v60, v1  }
0x113: {  	[tilespmem:s8+$0x100] =	vst v23;
	v23 =	vld [tilespmem:s8+$0x70];
	v62 =	vperm.xlane v60, v2;
	v48 =	vperm.xlane v60, v3  }
0x114: {  	[tilespmem:s8+$0x80] =	vst v26;
	v26 =	vld [tilespmem:s8+$0xA0];
	v49 =	vperm.xlane v60, v4;
	v25 =	vmul.f32 v25, v61  }
0x115: {  	[tilespmem:s8+$0xFFFFFF60] =	vst v60;
	v50 =	vmul.f32 v27, v61;
	v27 =	vld [tilespmem:s8+$0xB0];
	v51 =	vmul.f32 v28, v62  }
0x116: {  	v44 =	vmul.f32 v29, v62;
	v28 =	vld [tilespmem:s8+$0xC0];
	v43 =	vmul.f32 v30, v48;
	[tilespmem:s8+$0xFFFFFEE0] =	vst v25  }
0x117: {  	v41 =	vmul.f32 v56, v48;
	v29 =	vld [tilespmem:s8+$0xD0];
	v42 =	vmul.f32 v57, v49;
	[tilespmem:s8+$0xFFFFFEF0] =	vst v50  }
0x118: {  	s16 =	simm.s32 $0x0;
	s9 =	simm.s32 $0x5F40;
	v39 =	vmul.f32 v58, v49;
	v30 =	vld [tilespmem:s8+$0xF0];
	[tilespmem:s8+$0xFFFFFF00] =	vst v51;
	v25 =	vmul.f32 v46, v47  }
.LBB2_6:
0x119: {  	v45 =	vld [tilespmem:s9+$0x110];
	[tilespmem:s8+$0xFFFFFF10] =	vst v44;
	v10 =	vmul.f32 v10, v36;
	v12 =	vmul.f32 v12, v36;
	s26 =	sadd.s32 $0x40, s26  }
0x11a: {  	s16 =	sadd.s32 $0x4, s16;
	v11 =	vmul.f32 v11, v35;
	v13 =	vmul.f32 v13, v35;
	v36 =	vld [tilespmem:s26+$0x10];
	[tilespmem:s8+$0xFFFFFF20] =	vst v43  }
0x11b: {  	v15 =	vmul.f32 v15, v33;
	v21 =	vmul.f32 v21, v33;
	p0 =	slt.u32 s16, $0x4C;
	v35 =	vld [tilespmem:s26+$0xFFFFFFE0];
	[tilespmem:s8+$0xFFFFFF30] =	vst v41  }
0x11c: {  	v14 =	vmul.f32 v14, v38;
	v16 =	vmul.f32 v16, v38;
	v33 =	vld [tilespmem:s9+$0xFFFFFFF0];
	[tilespmem:s8+$0xFFFFFF40] =	vst v42  }
0x11d: {  	v17 =	vmul.f32 v17, v37;
	v18 =	vmul.f32 v18, v37;
	v38 =	vld [tilespmem:s26+$0xFFFFFFF0];
	[tilespmem:s8+$0xFFFFFF50] =	vst v39  }
0x11e: {  	v19 =	vmul.f32 v19, v34;
	v20 =	vmul.f32 v20, v34;
	v37 =	vld [tilespmem:s9+$0x80];
	[tilespmem:s8+$0xFFFFFF70] =	vst v40  }
0x11f: {  	v22 =	vmul.f32 v22, v31;
	v23 =	vmul.f32 v23, v31;
	v34 =	vld [tilespmem:s26+$0x0];
	v36 =	vadd.f32 v36, v45;
	[tilespmem:s8+$0xFFFFFF80] =	vst v25  }
0x120: {  	v24 =	vmul.f32 v24, v9;
	v9 =	vmul.f32 v26, v9;
	v31 =	vld [tilespmem:s9+$0xFFFFFF60];
	[tilespmem:s8+$0xFFFFFF90] =	vst v10  }
0x121: {  	v26 =	vmul.f32 v27, v8;
	v25 =	vld [tilespmem:s9+$0xFFFFFEE0];
	v10 =	vmul.f32 $2.000000030e-01, v36;
	[tilespmem:s8+$0xFFFFFFA0] =	vst v12  }
0x122: {  	v8 =	vmul.f32 v28, v8;
	vm0 =	vgt.f32 v36, $0.0e+00;
	v27 =	vld [tilespmem:s9+$0xFFFFFEF0];
	v12 =	vadd.f32 v38, v33;
	[tilespmem:s8+$0xFFFFFFB0] =	vst v11  }
0x123: {  	v29 =	vmul.f32 v29, v7;
	v32 =	vmul.f32 v32, v7;
	v28 =	vld [tilespmem:s9+$0xFFFFFF00];
	v10 =	vsel vm0, v36, v10;
	[tilespmem:s8+$0xFFFFFFC0] =	vst v13  }
0x124: {  	v39 =	vld [tilespmem:s9+$0xFFFFFF10];
	v7 =	vmul.f32 $2.000000030e-01, v12;
	v11 =	vadd.f32 v34, v37;
	v10 =	vsub.f32 v10, v5;
	[tilespmem:s8+$0xFFFFFFD0] =	vst v15  }
0x125: {  	v30 =	vmul.f32 v30, v6;
	vm0 =	vgt.f32 v12, $0.0e+00;
	v13 =	vadd.f32 v35, v31;
	v40 =	vld [tilespmem:s9+$0xFFFFFF20];
	[tilespmem:s8+$0xFFFFFFE0] =	vst v21  }
0x126: {  	v41 =	vld [tilespmem:s9+$0xFFFFFF30];
	vm1 =	vgt.f32 v11, $0.0e+00;
	v6 =	vmul.f32 $2.000000030e-01, v11;
	v10 =	vmul.f32 $1.442695020e+00, v10;
	[tilespmem:s8+$0x0] =	vst v14  }
0x127: {  	v7 =	vsel vm0, v12, v7;
	vm2 =	vgt.f32 v13, $0.0e+00;
	v14 =	vmul.f32 $2.000000030e-01, v13;
	v42 =	vld [tilespmem:s9+$0xFFFFFF40];
	[tilespmem:s8+$0x10] =	vst v16  }
0x128: {  	v7 =	vsub.f32 v7, v5;
	v45 =	vld [tilespmem:s9+$0xFFFFFF50];
	v6 =	vsel vm1, v11, v6;
	(erf) = vpow2.f32 v10;
	[tilespmem:s8+$0x20] =	vst v17  }
0x129: {  	v10 =	vsel vm2, v13, v14;
	v46 =	vld [tilespmem:s9+$0xFFFFFF70];
	v6 =	vsub.f32 v6, v5;
	[tilespmem:s8+$0x30] =	vst v18  }
0x12a: {  	v7 =	vmul.f32 $1.442695020e+00, v7;
	v11 =	vsub.f32 v10, v5;
	v47 =	vld [tilespmem:s9+$0xFFFFFF80];
	[tilespmem:s8+$0x40] =	vst v19  }
0x12b: {  	v10 =	vld [tilespmem:s9+$0xFFFFFF90];
	v6 =	vmul.f32 $1.442695020e+00, v6;
	[tilespmem:s8+$0x50] =	vst v20  }
0x12c: {  	v14 =	vmul.f32 $1.442695020e+00, v11;
	v12 =	vld [tilespmem:s9+$0xFFFFFFA0];
	(erf) = vpow2.f32 v7;
	[tilespmem:s8+$0x60] =	vst v22  }
0x12d: {  	v11 =	vld [tilespmem:s9+$0xFFFFFFB0];
	(erf) = vpow2.f32 v6;
	[tilespmem:s8+$0x70] =	vst v23  }
0x12e: {  	v13 =	vld [tilespmem:s9+$0xFFFFFFC0];
	(erf) = vpow2.f32 v14;
	[tilespmem:s8+$0x90] =	vst v24  }
0x12f: {  	v18 =	vld [tilespmem:s9+$0x100];
	[tilespmem:s8+$0xA0] =	vst v9  }
0x130: {  	v15 =	vld [tilespmem:s9+$0xFFFFFFD0];
	[tilespmem:s8+$0xB0] =	vst v26  }
0x131: {  	v21 =	vld [tilespmem:s9+$0xFFFFFFE0];
	v19 =	vpop (erf);
	[tilespmem:s8+$0xC0] =	vst v8  }
0x132: {  	v14 =	vld [tilespmem:s9+$0x0];
	v9 =	vperm.xlane v19, v1;
	v6 =	vperm.xlane v19, v4;
	[tilespmem:s8+$0xD0] =	vst v29  }
0x133: {  	v8 =	vperm.xlane v19, v2;
	v7 =	vperm.xlane v19, v3;
	v16 =	vld [tilespmem:s9+$0x10];
	[tilespmem:s8+$0xE0] =	vst v32  }
0x134: {  	v17 =	vld [tilespmem:s9+$0x20];
	v20 =	vmul.f32 v18, v6;
	[tilespmem:s8+$0xF0] =	vst v30;
	s8 =	smov.u32 s9  }
0x135: {  	v18 =	vld [tilespmem:s9+$0x30];
	[tilespmem:s9+$0x110] =	vst v19;
	v22 =	vpop (erf)  }
0x136: {  	v30 =	vperm.xlane v22, v1;
	v36 =	vperm.xlane v22, v2;
	v19 =	vld [tilespmem:s9+$0x40];
	[tilespmem:s9+$0x100] =	vst v20;
	v26 =	vpop (erf)  }
0x137: {  	v35 =	vperm.xlane v22, v3;
	v33 =	vperm.xlane v22, v4;
	[tilespmem:s9+$0xFFFFFFF0] =	vst v22;
	v20 =	vld [tilespmem:s9+$0x50];
	v23 =	vpop (erf)  }
0x138: {  	[tilespmem:s9+$0xFFFFFF60] =	vst v23;
	v29 =	vperm.xlane v23, v1;
	v32 =	vperm.xlane v23, v2;
	v22 =	vld [tilespmem:s9+$0x60]  }
0x139: {  	v48 =	vperm.xlane v23, v3;
	v49 =	vperm.xlane v23, v4;
	[tilespmem:s9+$0x80] =	vst v26;
	v23 =	vld [tilespmem:s9+$0x70]  }
0x13a: {  	v38 =	vperm.xlane v26, v1;
	v37 =	vperm.xlane v26, v2;
	v24 =	vld [tilespmem:s9+$0x90]  }
0x13b: {  	v34 =	vperm.xlane v26, v3;
	v31 =	vperm.xlane v26, v4;
	v26 =	vld [tilespmem:s9+$0xA0]  }
.Ltmp4:
0x13c: {  	v25 =	vmul.f32 v25, v29;
	v50 =	vmul.f32 v27, v29;
	v27 =	vld [tilespmem:s9+$0xB0];
	(pc) =	sbr.rel @p0 .LBB2_6-.Ltmp4, $4  }
0x13d: {  	v51 =	vmul.f32 v28, v32;
	v44 =	vmul.f32 v39, v32;
	v28 =	vld [tilespmem:s9+$0xC0]  }
0x13e: {  	v43 =	vmul.f32 v40, v48;
	v41 =	vmul.f32 v41, v48;
	[tilespmem:s9+$0xFFFFFEE0] =	vst v25;
	v29 =	vld [tilespmem:s9+$0xD0]  }
0x13f: {  	v42 =	vmul.f32 v42, v49;
	v39 =	vmul.f32 v45, v49;
	[tilespmem:s9+$0xFFFFFEF0] =	vst v50;
	v32 =	vld [tilespmem:s9+$0xE0]  }
0x140: {  	v40 =	vmul.f32 v46, v30;
	v25 =	vmul.f32 v47, v30;
	s9 =	sadd.s32 $0x240, s9;
	[tilespmem:s8+$0xFFFFFF00] =	vst v51;
	v30 =	vld [tilespmem:s8+$0xF0]  }
0x141: {  	[tilespmem:s8+$0xFFFFFF10] =	vst v44  }
0x142: {  	[tilespmem:s8+$0xFFFFFF20] =	vst v43  }
0x143: {  	[tilespmem:s8+$0xFFFFFF30] =	vst v41  }
0x144: {  	[tilespmem:s8+$0xFFFFFF40] =	vst v42  }
0x145: {  	[tilespmem:s8+$0xFFFFFF50] =	vst v39  }
0x146: {  	v10 =	vmul.f32 v10, v36;
	[tilespmem:s8+$0xFFFFFF70] =	vst v40  }
0x147: {  	v12 =	vmul.f32 v12, v36;
	[tilespmem:s8+$0xFFFFFF80] =	vst v25  }
0x148: {  	v11 =	vmul.f32 v11, v35;
	[tilespmem:s8+$0xFFFFFF90] =	vst v10  }
0x149: {  	v10 =	vmul.f32 v13, v35;
	[tilespmem:s8+$0xFFFFFFA0] =	vst v12  }
0x14a: {  	v12 =	vmul.f32 v15, v33;
	[tilespmem:s8+$0xFFFFFFB0] =	vst v11  }
0x14b: {  	v11 =	vmul.f32 v21, v33;
	[tilespmem:s8+$0xFFFFFFC0] =	vst v10  }
0x14c: {  	v10 =	vmul.f32 v14, v38;
	[tilespmem:s8+$0xFFFFFFD0] =	vst v12  }
0x14d: {  	v12 =	vmul.f32 v16, v38;
	[tilespmem:s8+$0xFFFFFFE0] =	vst v11  }
0x14e: {  	v11 =	vmul.f32 v17, v37;
	[tilespmem:s8+$0x0] =	vst v10  }
0x14f: {  	v6 =	vmul.f32 v30, v6;
	[tilespmem:s8+$0x10] =	vst v12  }
0x150: {  	v10 =	vmul.f32 v18, v37;
	[tilespmem:s8+$0x20] =	vst v11  }
0x151: {  	v12 =	vmul.f32 v19, v34;
	[tilespmem:s8+$0xF0] =	vst v6  }
0x152: {  	v11 =	vmul.f32 v20, v34;
	[tilespmem:s8+$0x30] =	vst v10  }
0x153: {  	v10 =	vmul.f32 v22, v31;
	[tilespmem:s8+$0x40] =	vst v12  }
0x154: {  	v12 =	vmul.f32 v23, v31;
	[tilespmem:s8+$0x50] =	vst v11  }
0x155: {  	v11 =	vmul.f32 v24, v9;
	[tilespmem:s8+$0x60] =	vst v10  }
0x156: {  	v9 =	vmul.f32 v26, v9;
	[tilespmem:s8+$0x70] =	vst v12  }
0x157: {  	v10 =	vmul.f32 v27, v8;
	[tilespmem:s8+$0x90] =	vst v11  }
0x158: {  	v8 =	vmul.f32 v28, v8;
	[tilespmem:s8+$0xA0] =	vst v9  }
0x159: {  	v9 =	vmul.f32 v29, v7;
	[tilespmem:s8+$0xB0] =	vst v10  }
0x15a: {  	v7 =	vmul.f32 v32, v7;
	[tilespmem:s8+$0xC0] =	vst v8  }
0x15b: {  	[tilespmem:s8+$0xD0] =	vst v9  }
0x15c: {  	[tilespmem:s8+$0xE0] =	vst v7  }
0x15d: {  	[spmem:s3] =	stream.indirect.scatter.add.f32 [tilespmem:s0], [sflag:$0x9], $0x90, s7, s31, $0xb8;
	v63 =	vld [tilespmem:$0x0]  }
0x15e: {  	_ =	swait.ge [sflag:s12], $0x2D00  }
0x15f: {  	[sflag:s12] =	ssyncset.done $0x0  }
0x160: {  	s28 =	rddreg [dreg:$0xf];
	[sflag:s12] =	ssyncadd.s32 $0xFFFFD300  }
0x161: {  	[tilespmem:s1], [sflag:$0xA] =	stream.linear.gather [hbm4b:s28+s4], $0xA0, $0x38;
	v63 =	vld [tilespmem:$0x0]  }
0x162: {  	_ =	swait.ge [sflag:s30], $0xA0  }
0x163: {  	[sflag:s30] =	ssyncset.done $0x0  }
0x164: {  	[sflag:s30] =	ssyncadd.s32 $0xFFFFFF60  }
0x165: {  	[tilespmem:s0], [sflag:$0x3] =	stream.indirect.gather [hbm4b:s5+s31], $0x90, s1, s31, $0xb8;
	v63 =	vld [tilespmem:$0x0]  }
0x166: {  	s29 =	simm.s32 $0x92E0  }
0x167: {  	[tilespmem:s29], [sflag:$0x6] =	stream.indirect.gather [hbm4b:s6+s31], $0x10, s7, s31, $0xb8;
	v63 =	vld [tilespmem:$0x0]  }
0x168: {  	_ =	swait.ge [sflag:s10], $0x2D00  }
0x169: {  	[sflag:s10] =	ssyncset.done $0x0  }
0x16a: {  	[sflag:s10] =	ssyncadd.s32 $0xFFFFD300  }
0x16b: {  	_ =	swait.ge [sflag:s11], $0x500  }
0x16c: {  	[sflag:s11] =	ssyncset.done $0x0  }
0x16d: {  	s8 =	simm.s32 $0x5D00;
	[sflag:s11] =	ssyncadd.s32 $0xFFFFFB00  }
0x16e: {  	s26 =	simm.s32 $0x9300;
	v6 =	vld [tilespmem:s8+$0x110]  }
0x16f: {  	v7 =	vld [tilespmem:s26+$0x10]  }
0x170: {  	v8 =	vld [tilespmem:s26+$0xFFFFFFE0]  }
0x171: {  	v9 =	vld [tilespmem:s8+$0xFFFFFFF0]  }
0x172: {  	v10 =	vld [tilespmem:s26+$0xFFFFFFF0]  }
0x173: {  	v11 =	vld [tilespmem:s8+$0x80]  }
0x174: {  	v12 =	vld [tilespmem:s26+$0x0]  }
0x175: {  	v25 =	vld [tilespmem:s8+$0xFFFFFEE0];
	v6 =	vadd.f32 v7, v6  }
0x176: {  	v7 =	vld [tilespmem:s8+$0xFFFFFF60]  }
0x177: {  	v27 =	vld [tilespmem:s8+$0xFFFFFEF0];
	v13 =	vmul.f32 $2.000000030e-01, v6  }
0x178: {  	v28 =	vld [tilespmem:s8+$0xFFFFFF00];
	v9 =	vadd.f32 v10, v9;
	vm0 =	vgt.f32 v6, $0.0e+00  }
0x179: {  	v29 =	vld [tilespmem:s8+$0xFFFFFF10];
	v6 =	vsel vm0, v6, v13  }
0x17a: {  	v30 =	vld [tilespmem:s8+$0xFFFFFF20];
	v10 =	vadd.f32 v12, v11;
	v11 =	vmul.f32 $2.000000030e-01, v9;
	v6 =	vsub.f32 v6, v5  }
0x17b: {  	v56 =	vld [tilespmem:s8+$0xFFFFFF30];
	vm14 =	vgt.f32 v9, $0.0e+00;
	v7 =	vadd.f32 v8, v7  }
0x17c: {  	v57 =	vld [tilespmem:s8+$0xFFFFFF40];
	v9 =	vsel vm14, v9, v11;
	v8 =	vmul.f32 $2.000000030e-01, v10;
	v6 =	vmul.f32 $1.442695020e+00, v6  }
0x17d: {  	v58 =	vld [tilespmem:s8+$0xFFFFFF50];
	vm1 =	vgt.f32 v10, $0.0e+00;
	v9 =	vsub.f32 v9, v5;
	v12 =	vmul.f32 $2.000000030e-01, v7  }
0x17e: {  	v45 =	vld [tilespmem:s8+$0xFFFFFF70];
	vm15 =	vgt.f32 v7, $0.0e+00;
	v8 =	vsel vm1, v10, v8;
	(erf) = vpow2.f32 v6  }
0x17f: {  	v46 =	vld [tilespmem:s8+$0xFFFFFF80];
	v6 =	vsel vm15, v7, v12;
	v7 =	vsub.f32 v8, v5;
	v8 =	vmul.f32 $1.442695020e+00, v9  }
0x180: {  	v19 =	vld [tilespmem:s8+$0x100]  }
0x181: {  	v15 =	vld [tilespmem:s8+$0xFFFFFFD0];
	v6 =	vsub.f32 v6, v5;
	v7 =	vmul.f32 $1.442695020e+00, v7;
	(erf) = vpow2.f32 v8  }
0x182: {  	v14 =	vld [tilespmem:s8+$0x0]  }
0x183: {  	v16 =	vld [tilespmem:s8+$0x10];
	v6 =	vmul.f32 $1.442695020e+00, v6;
	(erf) = vpow2.f32 v7  }
0x184: {  	v17 =	vld [tilespmem:s8+$0x20]  }
0x185: {  	v18 =	vld [tilespmem:s8+$0x30];
	(erf) = vpow2.f32 v6  }
0x186: {  	v20 =	vld [tilespmem:s8+$0x50]  }
0x187: {  	v22 =	vld [tilespmem:s8+$0x60];
	v21 =	vpop (erf)  }
0x188: {  	v24 =	vld [tilespmem:s8+$0x90];
	v6 =	vperm.xlane v21, v4  }
0x189: {  	v32 =	vld [tilespmem:s8+$0xE0];
	v9 =	vperm.xlane v21, v1;
	v8 =	vperm.xlane v21, v2  }
0x18a: {  	v11 =	vld [tilespmem:s8+$0xFFFFFFB0];
	v7 =	vperm.xlane v21, v3;
	v59 =	vpop (erf);
	v23 =	vmul.f32 v19, v6  }
0x18b: {  	v13 =	vld [tilespmem:s8+$0xFFFFFFC0];
	v47 =	vperm.xlane v59, v1;
	v36 =	vperm.xlane v59, v2  }
0x18c: {  	v10 =	vld [tilespmem:s8+$0xFFFFFF90];
	v35 =	vperm.xlane v59, v3;
	v33 =	vperm.xlane v59, v4;
	v26 =	vpop (erf)  }
0x18d: {  	v12 =	vld [tilespmem:s8+$0xFFFFFFA0];
	v38 =	vperm.xlane v26, v1;
	v37 =	vperm.xlane v26, v2  }
0x18e: {  	[tilespmem:s8+$0x110] =	vst v21;
	v21 =	vld [tilespmem:s8+$0xFFFFFFE0];
	v60 =	vpop (erf);
	v34 =	vperm.xlane v26, v3;
	v31 =	vperm.xlane v26, v4  }
0x18f: {  	v19 =	vld [tilespmem:s8+$0x40];
	[tilespmem:s8+$0xFFFFFFF0] =	vst v59;
	v40 =	vmul.f32 v45, v47;
	v61 =	vperm.xlane v60, v1  }
0x190: {  	[tilespmem:s8+$0x100] =	vst v23;
	v23 =	vld [tilespmem:s8+$0x70];
	v62 =	vperm.xlane v60, v2;
	v48 =	vperm.xlane v60, v3  }
0x191: {  	[tilespmem:s8+$0x80] =	vst v26;
	v26 =	vld [tilespmem:s8+$0xA0];
	v49 =	vperm.xlane v60, v4;
	v25 =	vmul.f32 v25, v61  }
0x192: {  	[tilespmem:s8+$0xFFFFFF60] =	vst v60;
	v50 =	vmul.f32 v27, v61;
	v27 =	vld [tilespmem:s8+$0xB0];
	v51 =	vmul.f32 v28, v62  }
0x193: {  	v44 =	vmul.f32 v29, v62;
	v28 =	vld [tilespmem:s8+$0xC0];
	v43 =	vmul.f32 v30, v48;
	[tilespmem:s8+$0xFFFFFEE0] =	vst v25  }
0x194: {  	v41 =	vmul.f32 v56, v48;
	v29 =	vld [tilespmem:s8+$0xD0];
	v42 =	vmul.f32 v57, v49;
	[tilespmem:s8+$0xFFFFFEF0] =	vst v50  }
0x195: {  	s16 =	simm.s32 $0x0;
	s9 =	simm.s32 $0x5F40;
	v39 =	vmul.f32 v58, v49;
	v30 =	vld [tilespmem:s8+$0xF0];
	[tilespmem:s8+$0xFFFFFF00] =	vst v51;
	v25 =	vmul.f32 v46, v47  }
.LBB2_8:
0x196: {  	v45 =	vld [tilespmem:s9+$0x110];
	[tilespmem:s8+$0xFFFFFF10] =	vst v44;
	v10 =	vmul.f32 v10, v36;
	v12 =	vmul.f32 v12, v36;
	s26 =	sadd.s32 $0x40, s26  }
0x197: {  	s16 =	sadd.s32 $0x4, s16;
	v11 =	vmul.f32 v11, v35;
	v13 =	vmul.f32 v13, v35;
	v36 =	vld [tilespmem:s26+$0x10];
	[tilespmem:s8+$0xFFFFFF20] =	vst v43  }
0x198: {  	v15 =	vmul.f32 v15, v33;
	v21 =	vmul.f32 v21, v33;
	p0 =	slt.u32 s16, $0x4C;
	v35 =	vld [tilespmem:s26+$0xFFFFFFE0];
	[tilespmem:s8+$0xFFFFFF30] =	vst v41  }
0x199: {  	v14 =	vmul.f32 v14, v38;
	v16 =	vmul.f32 v16, v38;
	v33 =	vld [tilespmem:s9+$0xFFFFFFF0];
	[tilespmem:s8+$0xFFFFFF40] =	vst v42  }
0x19a: {  	v17 =	vmul.f32 v17, v37;
	v18 =	vmul.f32 v18, v37;
	v38 =	vld [tilespmem:s26+$0xFFFFFFF0];
	[tilespmem:s8+$0xFFFFFF50] =	vst v39  }
0x19b: {  	v19 =	vmul.f32 v19, v34;
	v20 =	vmul.f32 v20, v34;
	v37 =	vld [tilespmem:s9+$0x80];
	[tilespmem:s8+$0xFFFFFF70] =	vst v40  }
0x19c: {  	v22 =	vmul.f32 v22, v31;
	v23 =	vmul.f32 v23, v31;
	v34 =	vld [tilespmem:s26+$0x0];
	v36 =	vadd.f32 v36, v45;
	[tilespmem:s8+$0xFFFFFF80] =	vst v25  }
0x19d: {  	v24 =	vmul.f32 v24, v9;
	v9 =	vmul.f32 v26, v9;
	v31 =	vld [tilespmem:s9+$0xFFFFFF60];
	[tilespmem:s8+$0xFFFFFF90] =	vst v10  }
0x19e: {  	v26 =	vmul.f32 v27, v8;
	v25 =	vld [tilespmem:s9+$0xFFFFFEE0];
	v10 =	vmul.f32 $2.000000030e-01, v36;
	[tilespmem:s8+$0xFFFFFFA0] =	vst v12  }
0x19f: {  	v8 =	vmul.f32 v28, v8;
	vm0 =	vgt.f32 v36, $0.0e+00;
	v27 =	vld [tilespmem:s9+$0xFFFFFEF0];
	v12 =	vadd.f32 v38, v33;
	[tilespmem:s8+$0xFFFFFFB0] =	vst v11  }
0x1a0: {  	v29 =	vmul.f32 v29, v7;
	v32 =	vmul.f32 v32, v7;
	v28 =	vld [tilespmem:s9+$0xFFFFFF00];
	v10 =	vsel vm0, v36, v10;
	[tilespmem:s8+$0xFFFFFFC0] =	vst v13  }
0x1a1: {  	v39 =	vld [tilespmem:s9+$0xFFFFFF10];
	v7 =	vmul.f32 $2.000000030e-01, v12;
	v11 =	vadd.f32 v34, v37;
	v10 =	vsub.f32 v10, v5;
	[tilespmem:s8+$0xFFFFFFD0] =	vst v15  }
0x1a2: {  	v30 =	vmul.f32 v30, v6;
	vm0 =	vgt.f32 v12, $0.0e+00;
	v13 =	vadd.f32 v35, v31;
	v40 =	vld [tilespmem:s9+$0xFFFFFF20];
	[tilespmem:s8+$0xFFFFFFE0] =	vst v21  }
0x1a3: {  	v41 =	vld [tilespmem:s9+$0xFFFFFF30];
	vm1 =	vgt.f32 v11, $0.0e+00;
	v6 =	vmul.f32 $2.000000030e-01, v11;
	v10 =	vmul.f32 $1.442695020e+00, v10;
	[tilespmem:s8+$0x0] =	vst v14  }
0x1a4: {  	v7 =	vsel vm0, v12, v7;
	vm2 =	vgt.f32 v13, $0.0e+00;
	v14 =	vmul.f32 $2.000000030e-01, v13;
	v42 =	vld [tilespmem:s9+$0xFFFFFF40];
	[tilespmem:s8+$0x10] =	vst v16  }
0x1a5: {  	v7 =	vsub.f32 v7, v5;
	v45 =	vld [tilespmem:s9+$0xFFFFFF50];
	v6 =	vsel vm1, v11, v6;
	(erf) = vpow2.f32 v10;
	[tilespmem:s8+$0x20] =	vst v17  }
0x1a6: {  	v10 =	vsel vm2, v13, v14;
	v46 =	vld [tilespmem:s9+$0xFFFFFF70];
	v6 =	vsub.f32 v6, v5;
	[tilespmem:s8+$0x30] =	vst v18  }
0x1a7: {  	v7 =	vmul.f32 $1.442695020e+00, v7;
	v11 =	vsub.f32 v10, v5;
	v47 =	vld [tilespmem:s9+$0xFFFFFF80];
	[tilespmem:s8+$0x40] =	vst v19  }
0x1a8: {  	v10 =	vld [tilespmem:s9+$0xFFFFFF90];
	v6 =	vmul.f32 $1.442695020e+00, v6;
	[tilespmem:s8+$0x50] =	vst v20  }
0x1a9: {  	v14 =	vmul.f32 $1.442695020e+00, v11;
	v12 =	vld [tilespmem:s9+$0xFFFFFFA0];
	(erf) = vpow2.f32 v7;
	[tilespmem:s8+$0x60] =	vst v22  }
0x1aa: {  	v11 =	vld [tilespmem:s9+$0xFFFFFFB0];
	(erf) = vpow2.f32 v6;
	[tilespmem:s8+$0x70] =	vst v23  }
0x1ab: {  	v13 =	vld [tilespmem:s9+$0xFFFFFFC0];
	(erf) = vpow2.f32 v14;
	[tilespmem:s8+$0x90] =	vst v24  }
0x1ac: {  	v18 =	vld [tilespmem:s9+$0x100];
	[tilespmem:s8+$0xA0] =	vst v9  }
0x1ad: {  	v15 =	vld [tilespmem:s9+$0xFFFFFFD0];
	[tilespmem:s8+$0xB0] =	vst v26  }
0x1ae: {  	v21 =	vld [tilespmem:s9+$0xFFFFFFE0];
	v19 =	vpop (erf);
	[tilespmem:s8+$0xC0] =	vst v8  }
0x1af: {  	v14 =	vld [tilespmem:s9+$0x0];
	v9 =	vperm.xlane v19, v1;
	v6 =	vperm.xlane v19, v4;
	[tilespmem:s8+$0xD0] =	vst v29  }
0x1b0: {  	v8 =	vperm.xlane v19, v2;
	v7 =	vperm.xlane v19, v3;
	v16 =	vld [tilespmem:s9+$0x10];
	[tilespmem:s8+$0xE0] =	vst v32  }
0x1b1: {  	v17 =	vld [tilespmem:s9+$0x20];
	v20 =	vmul.f32 v18, v6;
	[tilespmem:s8+$0xF0] =	vst v30;
	s8 =	smov.u32 s9  }
0x1b2: {  	v18 =	vld [tilespmem:s9+$0x30];
	[tilespmem:s9+$0x110] =	vst v19;
	v22 =	vpop (erf)  }
0x1b3: {  	v30 =	vperm.xlane v22, v1;
	v36 =	vperm.xlane v22, v2;
	v19 =	vld [tilespmem:s9+$0x40];
	[tilespmem:s9+$0x100] =	vst v20;
	v26 =	vpop (erf)  }
0x1b4: {  	v35 =	vperm.xlane v22, v3;
	v33 =	vperm.xlane v22, v4;
	[tilespmem:s9+$0xFFFFFFF0] =	vst v22;
	v20 =	vld [tilespmem:s9+$0x50];
	v23 =	vpop (erf)  }
0x1b5: {  	[tilespmem:s9+$0xFFFFFF60] =	vst v23;
	v29 =	vperm.xlane v23, v1;
	v32 =	vperm.xlane v23, v2;
	v22 =	vld [tilespmem:s9+$0x60]  }
0x1b6: {  	v48 =	vperm.xlane v23, v3;
	v49 =	vperm.xlane v23, v4;
	[tilespmem:s9+$0x80] =	vst v26;
	v23 =	vld [tilespmem:s9+$0x70]  }
0x1b7: {  	v38 =	vperm.xlane v26, v1;
	v37 =	vperm.xlane v26, v2;
	v24 =	vld [tilespmem:s9+$0x90]  }
0x1b8: {  	v34 =	vperm.xlane v26, v3;
	v31 =	vperm.xlane v26, v4;
	v26 =	vld [tilespmem:s9+$0xA0]  }
.Ltmp5:
0x1b9: {  	v25 =	vmul.f32 v25, v29;
	v50 =	vmul.f32 v27, v29;
	v27 =	vld [tilespmem:s9+$0xB0];
	(pc) =	sbr.rel @p0 .LBB2_8-.Ltmp5, $4  }
0x1ba: {  	v51 =	vmul.f32 v28, v32;
	v44 =	vmul.f32 v39, v32;
	v28 =	vld [tilespmem:s9+$0xC0]  }
0x1bb: {  	v43 =	vmul.f32 v40, v48;
	v41 =	vmul.f32 v41, v48;
	[tilespmem:s9+$0xFFFFFEE0] =	vst v25;
	v29 =	vld [tilespmem:s9+$0xD0]  }
0x1bc: {  	v42 =	vmul.f32 v42, v49;
	v39 =	vmul.f32 v45, v49;
	[tilespmem:s9+$0xFFFFFEF0] =	vst v50;
	v32 =	vld [tilespmem:s9+$0xE0]  }
0x1bd: {  	v40 =	vmul.f32 v46, v30;
	v25 =	vmul.f32 v47, v30;
	s9 =	sadd.s32 $0x240, s9;
	[tilespmem:s8+$0xFFFFFF00] =	vst v51;
	v30 =	vld [tilespmem:s8+$0xF0]  }
0x1be: {  	[tilespmem:s8+$0xFFFFFF10] =	vst v44  }
0x1bf: {  	[tilespmem:s8+$0xFFFFFF20] =	vst v43  }
0x1c0: {  	[tilespmem:s8+$0xFFFFFF30] =	vst v41  }
0x1c1: {  	[tilespmem:s8+$0xFFFFFF40] =	vst v42  }
0x1c2: {  	[tilespmem:s8+$0xFFFFFF50] =	vst v39  }
0x1c3: {  	v10 =	vmul.f32 v10, v36;
	[tilespmem:s8+$0xFFFFFF70] =	vst v40  }
0x1c4: {  	v12 =	vmul.f32 v12, v36;
	[tilespmem:s8+$0xFFFFFF80] =	vst v25  }
0x1c5: {  	v11 =	vmul.f32 v11, v35;
	[tilespmem:s8+$0xFFFFFF90] =	vst v10  }
0x1c6: {  	v10 =	vmul.f32 v13, v35;
	[tilespmem:s8+$0xFFFFFFA0] =	vst v12  }
0x1c7: {  	v12 =	vmul.f32 v15, v33;
	[tilespmem:s8+$0xFFFFFFB0] =	vst v11  }
0x1c8: {  	v11 =	vmul.f32 v21, v33;
	[tilespmem:s8+$0xFFFFFFC0] =	vst v10  }
0x1c9: {  	v10 =	vmul.f32 v14, v38;
	[tilespmem:s8+$0xFFFFFFD0] =	vst v12  }
0x1ca: {  	v12 =	vmul.f32 v16, v38;
	[tilespmem:s8+$0xFFFFFFE0] =	vst v11  }
0x1cb: {  	v11 =	vmul.f32 v17, v37;
	[tilespmem:s8+$0x0] =	vst v10  }
0x1cc: {  	v6 =	vmul.f32 v30, v6;
	[tilespmem:s8+$0x10] =	vst v12  }
0x1cd: {  	v10 =	vmul.f32 v18, v37;
	[tilespmem:s8+$0x20] =	vst v11  }
0x1ce: {  	v12 =	vmul.f32 v19, v34;
	[tilespmem:s8+$0xF0] =	vst v6  }
0x1cf: {  	v11 =	vmul.f32 v20, v34;
	[tilespmem:s8+$0x30] =	vst v10  }
0x1d0: {  	v10 =	vmul.f32 v22, v31;
	[tilespmem:s8+$0x40] =	vst v12  }
0x1d1: {  	v12 =	vmul.f32 v23, v31;
	[tilespmem:s8+$0x50] =	vst v11  }
0x1d2: {  	v11 =	vmul.f32 v24, v9;
	[tilespmem:s8+$0x60] =	vst v10  }
0x1d3: {  	v9 =	vmul.f32 v26, v9;
	[tilespmem:s8+$0x70] =	vst v12  }
0x1d4: {  	v10 =	vmul.f32 v27, v8;
	[tilespmem:s8+$0x90] =	vst v11  }
0x1d5: {  	v8 =	vmul.f32 v28, v8;
	[tilespmem:s8+$0xA0] =	vst v9  }
0x1d6: {  	v9 =	vmul.f32 v29, v7;
	[tilespmem:s8+$0xB0] =	vst v10  }
0x1d7: {  	v7 =	vmul.f32 v32, v7;
	[tilespmem:s8+$0xC0] =	vst v8  }
0x1d8: {  	[tilespmem:s8+$0xD0] =	vst v9  }
0x1d9: {  	[tilespmem:s8+$0xE0] =	vst v7  }
0x1da: {  	[spmem:s3] =	stream.indirect.scatter.add.f32 [tilespmem:s0], [sflag:$0x9], $0x90, s7, s31, $0xb8;
	v63 =	vld [tilespmem:$0x0]  }
0x1db: {  	_ =	swait.ge [sflag:s12], $0x2D00  }
0x1dc: {  	[sflag:s12] =	ssyncset.done $0x0  }
0x1dd: {  	s28 =	rddreg [dreg:$0x10];
	[sflag:s12] =	ssyncadd.s32 $0xFFFFD300  }
0x1de: {  	[tilespmem:s1], [sflag:$0xA] =	stream.linear.gather [hbm4b:s28+s4], $0xA0, $0x38;
	v63 =	vld [tilespmem:$0x0]  }
0x1df: {  	_ =	swait.ge [sflag:s30], $0xA0  }
0x1e0: {  	[sflag:s30] =	ssyncset.done $0x0  }
0x1e1: {  	[sflag:s30] =	ssyncadd.s32 $0xFFFFFF60  }
0x1e2: {  	[tilespmem:s0], [sflag:$0x3] =	stream.indirect.gather [hbm4b:s5+s31], $0x90, s1, s31, $0xb8;
	v63 =	vld [tilespmem:$0x0]  }
0x1e3: {  	s29 =	simm.s32 $0x92E0  }
0x1e4: {  	[tilespmem:s29], [sflag:$0x6] =	stream.indirect.gather [hbm4b:s6+s31], $0x10, s7, s31, $0xb8;
	v63 =	vld [tilespmem:$0x0]  }
0x1e5: {  	_ =	swait.ge [sflag:s10], $0x2D00  }
0x1e6: {  	[sflag:s10] =	ssyncset.done $0x0  }
0x1e7: {  	[sflag:s10] =	ssyncadd.s32 $0xFFFFD300  }
0x1e8: {  	_ =	swait.ge [sflag:s11], $0x500  }
0x1e9: {  	[sflag:s11] =	ssyncset.done $0x0  }
0x1ea: {  	s8 =	simm.s32 $0x5D00;
	[sflag:s11] =	ssyncadd.s32 $0xFFFFFB00  }
0x1eb: {  	s26 =	simm.s32 $0x9300;
	v6 =	vld [tilespmem:s8+$0x110]  }
0x1ec: {  	v7 =	vld [tilespmem:s26+$0x10]  }
0x1ed: {  	v8 =	vld [tilespmem:s26+$0xFFFFFFE0]  }
0x1ee: {  	v9 =	vld [tilespmem:s8+$0xFFFFFFF0]  }
0x1ef: {  	v10 =	vld [tilespmem:s26+$0xFFFFFFF0]  }
0x1f0: {  	v11 =	vld [tilespmem:s8+$0x80]  }
0x1f1: {  	v12 =	vld [tilespmem:s26+$0x0]  }
0x1f2: {  	v25 =	vld [tilespmem:s8+$0xFFFFFEE0];
	v6 =	vadd.f32 v7, v6  }
0x1f3: {  	v7 =	vld [tilespmem:s8+$0xFFFFFF60]  }
0x1f4: {  	v27 =	vld [tilespmem:s8+$0xFFFFFEF0];
	v13 =	vmul.f32 $2.000000030e-01, v6  }
0x1f5: {  	v28 =	vld [tilespmem:s8+$0xFFFFFF00];
	v9 =	vadd.f32 v10, v9;
	vm0 =	vgt.f32 v6, $0.0e+00  }
0x1f6: {  	v29 =	vld [tilespmem:s8+$0xFFFFFF10];
	v6 =	vsel vm0, v6, v13  }
0x1f7: {  	v30 =	vld [tilespmem:s8+$0xFFFFFF20];
	v10 =	vadd.f32 v12, v11;
	v11 =	vmul.f32 $2.000000030e-01, v9;
	v6 =	vsub.f32 v6, v5  }
0x1f8: {  	v56 =	vld [tilespmem:s8+$0xFFFFFF30];
	vm14 =	vgt.f32 v9, $0.0e+00;
	v7 =	vadd.f32 v8, v7  }
0x1f9: {  	v57 =	vld [tilespmem:s8+$0xFFFFFF40];
	v9 =	vsel vm14, v9, v11;
	v8 =	vmul.f32 $2.000000030e-01, v10;
	v6 =	vmul.f32 $1.442695020e+00, v6  }
0x1fa: {  	v58 =	vld [tilespmem:s8+$0xFFFFFF50];
	vm1 =	vgt.f32 v10, $0.0e+00;
	v9 =	vsub.f32 v9, v5;
	v12 =	vmul.f32 $2.000000030e-01, v7  }
0x1fb: {  	v45 =	vld [tilespmem:s8+$0xFFFFFF70];
	vm15 =	vgt.f32 v7, $0.0e+00;
	v8 =	vsel vm1, v10, v8;
	(erf) = vpow2.f32 v6  }
0x1fc: {  	v46 =	vld [tilespmem:s8+$0xFFFFFF80];
	v6 =	vsel vm15, v7, v12;
	v7 =	vsub.f32 v8, v5;
	v8 =	vmul.f32 $1.442695020e+00, v9  }
0x1fd: {  	v19 =	vld [tilespmem:s8+$0x100]  }
0x1fe: {  	v15 =	vld [tilespmem:s8+$0xFFFFFFD0];
	v6 =	vsub.f32 v6, v5;
	v7 =	vmul.f32 $1.442695020e+00, v7;
	(erf) = vpow2.f32 v8  }
0x1ff: {  	v14 =	vld [tilespmem:s8+$0x0]  }
0x200: {  	v16 =	vld [tilespmem:s8+$0x10];
	v6 =	vmul.f32 $1.442695020e+00, v6;
	(erf) = vpow2.f32 v7  }
0x201: {  	v17 =	vld [tilespmem:s8+$0x20]  }
0x202: {  	v18 =	vld [tilespmem:s8+$0x30];
	(erf) = vpow2.f32 v6  }
0x203: {  	v20 =	vld [tilespmem:s8+$0x50]  }
0x204: {  	v22 =	vld [tilespmem:s8+$0x60];
	v21 =	vpop (erf)  }
0x205: {  	v24 =	vld [tilespmem:s8+$0x90];
	v6 =	vperm.xlane v21, v4  }
0x206: {  	v32 =	vld [tilespmem:s8+$0xE0];
	v9 =	vperm.xlane v21, v1;
	v8 =	vperm.xlane v21, v2  }
0x207: {  	v11 =	vld [tilespmem:s8+$0xFFFFFFB0];
	v7 =	vperm.xlane v21, v3;
	v59 =	vpop (erf);
	v23 =	vmul.f32 v19, v6  }
0x208: {  	v13 =	vld [tilespmem:s8+$0xFFFFFFC0];
	v47 =	vperm.xlane v59, v1;
	v36 =	vperm.xlane v59, v2  }
0x209: {  	v10 =	vld [tilespmem:s8+$0xFFFFFF90];
	v35 =	vperm.xlane v59, v3;
	v33 =	vperm.xlane v59, v4;
	v26 =	vpop (erf)  }
0x20a: {  	v12 =	vld [tilespmem:s8+$0xFFFFFFA0];
	v38 =	vperm.xlane v26, v1;
	v37 =	vperm.xlane v26, v2  }
0x20b: {  	[tilespmem:s8+$0x110] =	vst v21;
	v21 =	vld [tilespmem:s8+$0xFFFFFFE0];
	v60 =	vpop (erf);
	v34 =	vperm.xlane v26, v3;
	v31 =	vperm.xlane v26, v4  }
0x20c: {  	v19 =	vld [tilespmem:s8+$0x40];
	[tilespmem:s8+$0xFFFFFFF0] =	vst v59;
	v40 =	vmul.f32 v45, v47;
	v61 =	vperm.xlane v60, v1  }
0x20d: {  	[tilespmem:s8+$0x100] =	vst v23;
	v23 =	vld [tilespmem:s8+$0x70];
	v62 =	vperm.xlane v60, v2;
	v48 =	vperm.xlane v60, v3  }
0x20e: {  	[tilespmem:s8+$0x80] =	vst v26;
	v26 =	vld [tilespmem:s8+$0xA0];
	v49 =	vperm.xlane v60, v4;
	v25 =	vmul.f32 v25, v61  }
0x20f: {  	[tilespmem:s8+$0xFFFFFF60] =	vst v60;
	v50 =	vmul.f32 v27, v61;
	v27 =	vld [tilespmem:s8+$0xB0];
	v51 =	vmul.f32 v28, v62  }
0x210: {  	v44 =	vmul.f32 v29, v62;
	v28 =	vld [tilespmem:s8+$0xC0];
	v43 =	vmul.f32 v30, v48;
	[tilespmem:s8+$0xFFFFFEE0] =	vst v25  }
0x211: {  	v41 =	vmul.f32 v56, v48;
	v29 =	vld [tilespmem:s8+$0xD0];
	v42 =	vmul.f32 v57, v49;
	[tilespmem:s8+$0xFFFFFEF0] =	vst v50  }
0x212: {  	s16 =	simm.s32 $0x0;
	s9 =	simm.s32 $0x5F40;
	v39 =	vmul.f32 v58, v49;
	v30 =	vld [tilespmem:s8+$0xF0];
	[tilespmem:s8+$0xFFFFFF00] =	vst v51;
	v25 =	vmul.f32 v46, v47  }
.LBB2_10:
0x213: {  	v45 =	vld [tilespmem:s9+$0x110];
	[tilespmem:s8+$0xFFFFFF10] =	vst v44;
	v10 =	vmul.f32 v10, v36;
	v12 =	vmul.f32 v12, v36;
	s26 =	sadd.s32 $0x40, s26  }
0x214: {  	s16 =	sadd.s32 $0x4, s16;
	v11 =	vmul.f32 v11, v35;
	v13 =	vmul.f32 v13, v35;
	v36 =	vld [tilespmem:s26+$0x10];
	[tilespmem:s8+$0xFFFFFF20] =	vst v43  }
0x215: {  	v15 =	vmul.f32 v15, v33;
	v21 =	vmul.f32 v21, v33;
	p0 =	slt.u32 s16, $0x4C;
	v35 =	vld [tilespmem:s26+$0xFFFFFFE0];
	[tilespmem:s8+$0xFFFFFF30] =	vst v41  }
0x216: {  	v14 =	vmul.f32 v14, v38;
	v16 =	vmul.f32 v16, v38;
	v33 =	vld [tilespmem:s9+$0xFFFFFFF0];
	[tilespmem:s8+$0xFFFFFF40] =	vst v42  }
0x217: {  	v17 =	vmul.f32 v17, v37;
	v18 =	vmul.f32 v18, v37;
	v38 =	vld [tilespmem:s26+$0xFFFFFFF0];
	[tilespmem:s8+$0xFFFFFF50] =	vst v39  }
0x218: {  	v19 =	vmul.f32 v19, v34;
	v20 =	vmul.f32 v20, v34;
	v37 =	vld [tilespmem:s9+$0x80];
	[tilespmem:s8+$0xFFFFFF70] =	vst v40  }
0x219: {  	v22 =	vmul.f32 v22, v31;
	v23 =	vmul.f32 v23, v31;
	v34 =	vld [tilespmem:s26+$0x0];
	v36 =	vadd.f32 v36, v45;
	[tilespmem:s8+$0xFFFFFF80] =	vst v25  }
0x21a: {  	v24 =	vmul.f32 v24, v9;
	v9 =	vmul.f32 v26, v9;
	v31 =	vld [tilespmem:s9+$0xFFFFFF60];
	[tilespmem:s8+$0xFFFFFF90] =	vst v10  }
0x21b: {  	v26 =	vmul.f32 v27, v8;
	v25 =	vld [tilespmem:s9+$0xFFFFFEE0];
	v10 =	vmul.f32 $2.000000030e-01, v36;
	[tilespmem:s8+$0xFFFFFFA0] =	vst v12  }
0x21c: {  	v8 =	vmul.f32 v28, v8;
	vm0 =	vgt.f32 v36, $0.0e+00;
	v27 =	vld [tilespmem:s9+$0xFFFFFEF0];
	v12 =	vadd.f32 v38, v33;
	[tilespmem:s8+$0xFFFFFFB0] =	vst v11  }
0x21d: {  	v29 =	vmul.f32 v29, v7;
	v32 =	vmul.f32 v32, v7;
	v28 =	vld [tilespmem:s9+$0xFFFFFF00];
	v10 =	vsel vm0, v36, v10;
	[tilespmem:s8+$0xFFFFFFC0] =	vst v13  }
0x21e: {  	v39 =	vld [tilespmem:s9+$0xFFFFFF10];
	v7 =	vmul.f32 $2.000000030e-01, v12;
	v11 =	vadd.f32 v34, v37;
	v10 =	vsub.f32 v10, v5;
	[tilespmem:s8+$0xFFFFFFD0] =	vst v15  }
0x21f: {  	v30 =	vmul.f32 v30, v6;
	vm0 =	vgt.f32 v12, $0.0e+00;
	v13 =	vadd.f32 v35, v31;
	v40 =	vld [tilespmem:s9+$0xFFFFFF20];
	[tilespmem:s8+$0xFFFFFFE0] =	vst v21  }
0x220: {  	v41 =	vld [tilespmem:s9+$0xFFFFFF30];
	vm1 =	vgt.f32 v11, $0.0e+00;
	v6 =	vmul.f32 $2.000000030e-01, v11;
	v10 =	vmul.f32 $1.442695020e+00, v10;
	[tilespmem:s8+$0x0] =	vst v14  }
0x221: {  	v7 =	vsel vm0, v12, v7;
	vm2 =	vgt.f32 v13, $0.0e+00;
	v14 =	vmul.f32 $2.000000030e-01, v13;
	v42 =	vld [tilespmem:s9+$0xFFFFFF40];
	[tilespmem:s8+$0x10] =	vst v16  }
0x222: {  	v7 =	vsub.f32 v7, v5;
	v45 =	vld [tilespmem:s9+$0xFFFFFF50];
	v6 =	vsel vm1, v11, v6;
	(erf) = vpow2.f32 v10;
	[tilespmem:s8+$0x20] =	vst v17  }
0x223: {  	v10 =	vsel vm2, v13, v14;
	v46 =	vld [tilespmem:s9+$0xFFFFFF70];
	v6 =	vsub.f32 v6, v5;
	[tilespmem:s8+$0x30] =	vst v18  }
0x224: {  	v7 =	vmul.f32 $1.442695020e+00, v7;
	v11 =	vsub.f32 v10, v5;
	v47 =	vld [tilespmem:s9+$0xFFFFFF80];
	[tilespmem:s8+$0x40] =	vst v19  }
0x225: {  	v10 =	vld [tilespmem:s9+$0xFFFFFF90];
	v6 =	vmul.f32 $1.442695020e+00, v6;
	[tilespmem:s8+$0x50] =	vst v20  }
0x226: {  	v14 =	vmul.f32 $1.442695020e+00, v11;
	v12 =	vld [tilespmem:s9+$0xFFFFFFA0];
	(erf) = vpow2.f32 v7;
	[tilespmem:s8+$0x60] =	vst v22  }
0x227: {  	v11 =	vld [tilespmem:s9+$0xFFFFFFB0];
	(erf) = vpow2.f32 v6;
	[tilespmem:s8+$0x70] =	vst v23  }
0x228: {  	v13 =	vld [tilespmem:s9+$0xFFFFFFC0];
	(erf) = vpow2.f32 v14;
	[tilespmem:s8+$0x90] =	vst v24  }
0x229: {  	v18 =	vld [tilespmem:s9+$0x100];
	[tilespmem:s8+$0xA0] =	vst v9  }
0x22a: {  	v15 =	vld [tilespmem:s9+$0xFFFFFFD0];
	[tilespmem:s8+$0xB0] =	vst v26  }
0x22b: {  	v21 =	vld [tilespmem:s9+$0xFFFFFFE0];
	v19 =	vpop (erf);
	[tilespmem:s8+$0xC0] =	vst v8  }
0x22c: {  	v14 =	vld [tilespmem:s9+$0x0];
	v9 =	vperm.xlane v19, v1;
	v6 =	vperm.xlane v19, v4;
	[tilespmem:s8+$0xD0] =	vst v29  }
0x22d: {  	v8 =	vperm.xlane v19, v2;
	v7 =	vperm.xlane v19, v3;
	v16 =	vld [tilespmem:s9+$0x10];
	[tilespmem:s8+$0xE0] =	vst v32  }
0x22e: {  	v17 =	vld [tilespmem:s9+$0x20];
	v20 =	vmul.f32 v18, v6;
	[tilespmem:s8+$0xF0] =	vst v30;
	s8 =	smov.u32 s9  }
0x22f: {  	v18 =	vld [tilespmem:s9+$0x30];
	[tilespmem:s9+$0x110] =	vst v19;
	v22 =	vpop (erf)  }
0x230: {  	v30 =	vperm.xlane v22, v1;
	v36 =	vperm.xlane v22, v2;
	v19 =	vld [tilespmem:s9+$0x40];
	[tilespmem:s9+$0x100] =	vst v20;
	v26 =	vpop (erf)  }
0x231: {  	v35 =	vperm.xlane v22, v3;
	v33 =	vperm.xlane v22, v4;
	[tilespmem:s9+$0xFFFFFFF0] =	vst v22;
	v20 =	vld [tilespmem:s9+$0x50];
	v23 =	vpop (erf)  }
0x232: {  	[tilespmem:s9+$0xFFFFFF60] =	vst v23;
	v29 =	vperm.xlane v23, v1;
	v32 =	vperm.xlane v23, v2;
	v22 =	vld [tilespmem:s9+$0x60]  }
0x233: {  	v48 =	vperm.xlane v23, v3;
	v49 =	vperm.xlane v23, v4;
	[tilespmem:s9+$0x80] =	vst v26;
	v23 =	vld [tilespmem:s9+$0x70]  }
0x234: {  	v38 =	vperm.xlane v26, v1;
	v37 =	vperm.xlane v26, v2;
	v24 =	vld [tilespmem:s9+$0x90]  }
0x235: {  	v34 =	vperm.xlane v26, v3;
	v31 =	vperm.xlane v26, v4;
	v26 =	vld [tilespmem:s9+$0xA0]  }
.Ltmp6:
0x236: {  	v25 =	vmul.f32 v25, v29;
	v50 =	vmul.f32 v27, v29;
	v27 =	vld [tilespmem:s9+$0xB0];
	(pc) =	sbr.rel @p0 .LBB2_10-.Ltmp6, $4  }
0x237: {  	v51 =	vmul.f32 v28, v32;
	v44 =	vmul.f32 v39, v32;
	v28 =	vld [tilespmem:s9+$0xC0]  }
0x238: {  	v43 =	vmul.f32 v40, v48;
	v41 =	vmul.f32 v41, v48;
	[tilespmem:s9+$0xFFFFFEE0] =	vst v25;
	v29 =	vld [tilespmem:s9+$0xD0]  }
0x239: {  	v42 =	vmul.f32 v42, v49;
	v39 =	vmul.f32 v45, v49;
	[tilespmem:s9+$0xFFFFFEF0] =	vst v50;
	v32 =	vld [tilespmem:s9+$0xE0]  }
0x23a: {  	v40 =	vmul.f32 v46, v30;
	v25 =	vmul.f32 v47, v30;
	s9 =	sadd.s32 $0x240, s9;
	[tilespmem:s8+$0xFFFFFF00] =	vst v51;
	v30 =	vld [tilespmem:s8+$0xF0]  }
0x23b: {  	[tilespmem:s8+$0xFFFFFF10] =	vst v44  }
0x23c: {  	[tilespmem:s8+$0xFFFFFF20] =	vst v43  }
0x23d: {  	[tilespmem:s8+$0xFFFFFF30] =	vst v41  }
0x23e: {  	[tilespmem:s8+$0xFFFFFF40] =	vst v42  }
0x23f: {  	[tilespmem:s8+$0xFFFFFF50] =	vst v39  }
0x240: {  	v10 =	vmul.f32 v10, v36;
	[tilespmem:s8+$0xFFFFFF70] =	vst v40  }
0x241: {  	v12 =	vmul.f32 v12, v36;
	[tilespmem:s8+$0xFFFFFF80] =	vst v25  }
0x242: {  	v11 =	vmul.f32 v11, v35;
	[tilespmem:s8+$0xFFFFFF90] =	vst v10  }
0x243: {  	v10 =	vmul.f32 v13, v35;
	[tilespmem:s8+$0xFFFFFFA0] =	vst v12  }
0x244: {  	v12 =	vmul.f32 v15, v33;
	[tilespmem:s8+$0xFFFFFFB0] =	vst v11  }
0x245: {  	v11 =	vmul.f32 v21, v33;
	[tilespmem:s8+$0xFFFFFFC0] =	vst v10  }
0x246: {  	v10 =	vmul.f32 v14, v38;
	[tilespmem:s8+$0xFFFFFFD0] =	vst v12  }
0x247: {  	v12 =	vmul.f32 v16, v38;
	[tilespmem:s8+$0xFFFFFFE0] =	vst v11  }
0x248: {  	v11 =	vmul.f32 v17, v37;
	[tilespmem:s8+$0x0] =	vst v10  }
0x249: {  	v6 =	vmul.f32 v30, v6;
	[tilespmem:s8+$0x10] =	vst v12  }
0x24a: {  	v10 =	vmul.f32 v18, v37;
	[tilespmem:s8+$0x20] =	vst v11  }
0x24b: {  	v12 =	vmul.f32 v19, v34;
	[tilespmem:s8+$0xF0] =	vst v6  }
0x24c: {  	v11 =	vmul.f32 v20, v34;
	[tilespmem:s8+$0x30] =	vst v10  }
0x24d: {  	v10 =	vmul.f32 v22, v31;
	[tilespmem:s8+$0x40] =	vst v12  }
0x24e: {  	v12 =	vmul.f32 v23, v31;
	[tilespmem:s8+$0x50] =	vst v11  }
0x24f: {  	v11 =	vmul.f32 v24, v9;
	[tilespmem:s8+$0x60] =	vst v10  }
0x250: {  	v9 =	vmul.f32 v26, v9;
	[tilespmem:s8+$0x70] =	vst v12  }
0x251: {  	v10 =	vmul.f32 v27, v8;
	[tilespmem:s8+$0x90] =	vst v11  }
0x252: {  	v8 =	vmul.f32 v28, v8;
	[tilespmem:s8+$0xA0] =	vst v9  }
0x253: {  	v9 =	vmul.f32 v29, v7;
	[tilespmem:s8+$0xB0] =	vst v10  }
0x254: {  	v7 =	vmul.f32 v32, v7;
	[tilespmem:s8+$0xC0] =	vst v8  }
0x255: {  	[tilespmem:s8+$0xD0] =	vst v9  }
0x256: {  	[tilespmem:s8+$0xE0] =	vst v7  }
0x257: {  	[spmem:s3] =	stream.indirect.scatter.add.f32 [tilespmem:s0], [sflag:$0x9], $0x90, s7, s31, $0xb8;
	v63 =	vld [tilespmem:$0x0]  }
0x258: {  	_ =	swait.ge [sflag:s12], $0x2D00  }
0x259: {  	[sflag:s12] =	ssyncset.done $0x0  }
0x25a: {  	s28 =	rddreg [dreg:$0x11];
	[sflag:s12] =	ssyncadd.s32 $0xFFFFD300  }
0x25b: {  	[tilespmem:s1], [sflag:$0xA] =	stream.linear.gather [hbm4b:s28+s4], $0xA0, $0x38;
	v63 =	vld [tilespmem:$0x0]  }
0x25c: {  	_ =	swait.ge [sflag:s30], $0xA0  }
0x25d: {  	[sflag:s30] =	ssyncset.done $0x0  }
0x25e: {  	[sflag:s30] =	ssyncadd.s32 $0xFFFFFF60  }
0x25f: {  	[tilespmem:s0], [sflag:$0x3] =	stream.indirect.gather [hbm4b:s5+s31], $0x90, s1, s31, $0xb8;
	v63 =	vld [tilespmem:$0x0]  }
0x260: {  	s29 =	simm.s32 $0x92E0  }
0x261: {  	[tilespmem:s29], [sflag:$0x6] =	stream.indirect.gather [hbm4b:s6+s31], $0x10, s7, s31, $0xb8;
	v63 =	vld [tilespmem:$0x0]  }
0x262: {  	_ =	swait.ge [sflag:s10], $0x2D00  }
0x263: {  	[sflag:s10] =	ssyncset.done $0x0  }
0x264: {  	[sflag:s10] =	ssyncadd.s32 $0xFFFFD300  }
0x265: {  	_ =	swait.ge [sflag:s11], $0x500  }
0x266: {  	[sflag:s11] =	ssyncset.done $0x0  }
0x267: {  	s8 =	simm.s32 $0x5D00;
	[sflag:s11] =	ssyncadd.s32 $0xFFFFFB00  }
0x268: {  	s26 =	simm.s32 $0x9300;
	v6 =	vld [tilespmem:s8+$0x110]  }
0x269: {  	v7 =	vld [tilespmem:s26+$0x10]  }
0x26a: {  	v8 =	vld [tilespmem:s26+$0xFFFFFFE0]  }
0x26b: {  	v9 =	vld [tilespmem:s8+$0xFFFFFFF0]  }
0x26c: {  	v10 =	vld [tilespmem:s26+$0xFFFFFFF0]  }
0x26d: {  	v11 =	vld [tilespmem:s8+$0x80]  }
0x26e: {  	v12 =	vld [tilespmem:s26+$0x0]  }
0x26f: {  	v25 =	vld [tilespmem:s8+$0xFFFFFEE0];
	v6 =	vadd.f32 v7, v6  }
0x270: {  	v7 =	vld [tilespmem:s8+$0xFFFFFF60]  }
0x271: {  	v27 =	vld [tilespmem:s8+$0xFFFFFEF0];
	v13 =	vmul.f32 $2.000000030e-01, v6  }
0x272: {  	v28 =	vld [tilespmem:s8+$0xFFFFFF00];
	v9 =	vadd.f32 v10, v9;
	vm0 =	vgt.f32 v6, $0.0e+00  }
0x273: {  	v29 =	vld [tilespmem:s8+$0xFFFFFF10];
	v6 =	vsel vm0, v6, v13  }
0x274: {  	v30 =	vld [tilespmem:s8+$0xFFFFFF20];
	v10 =	vadd.f32 v12, v11;
	v11 =	vmul.f32 $2.000000030e-01, v9;
	v6 =	vsub.f32 v6, v5  }
0x275: {  	v56 =	vld [tilespmem:s8+$0xFFFFFF30];
	vm14 =	vgt.f32 v9, $0.0e+00;
	v7 =	vadd.f32 v8, v7  }
0x276: {  	v57 =	vld [tilespmem:s8+$0xFFFFFF40];
	v9 =	vsel vm14, v9, v11;
	v8 =	vmul.f32 $2.000000030e-01, v10;
	v6 =	vmul.f32 $1.442695020e+00, v6  }
0x277: {  	v58 =	vld [tilespmem:s8+$0xFFFFFF50];
	vm1 =	vgt.f32 v10, $0.0e+00;
	v9 =	vsub.f32 v9, v5;
	v12 =	vmul.f32 $2.000000030e-01, v7  }
0x278: {  	v45 =	vld [tilespmem:s8+$0xFFFFFF70];
	vm15 =	vgt.f32 v7, $0.0e+00;
	v8 =	vsel vm1, v10, v8;
	(erf) = vpow2.f32 v6  }
0x279: {  	v46 =	vld [tilespmem:s8+$0xFFFFFF80];
	v6 =	vsel vm15, v7, v12;
	v7 =	vsub.f32 v8, v5;
	v8 =	vmul.f32 $1.442695020e+00, v9  }
0x27a: {  	v19 =	vld [tilespmem:s8+$0x100]  }
0x27b: {  	v15 =	vld [tilespmem:s8+$0xFFFFFFD0];
	v6 =	vsub.f32 v6, v5;
	v7 =	vmul.f32 $1.442695020e+00, v7;
	(erf) = vpow2.f32 v8  }
0x27c: {  	v14 =	vld [tilespmem:s8+$0x0]  }
0x27d: {  	v16 =	vld [tilespmem:s8+$0x10];
	v6 =	vmul.f32 $1.442695020e+00, v6;
	(erf) = vpow2.f32 v7  }
0x27e: {  	v17 =	vld [tilespmem:s8+$0x20]  }
0x27f: {  	v18 =	vld [tilespmem:s8+$0x30];
	(erf) = vpow2.f32 v6  }
0x280: {  	v20 =	vld [tilespmem:s8+$0x50]  }
0x281: {  	v22 =	vld [tilespmem:s8+$0x60];
	v21 =	vpop (erf)  }
0x282: {  	v24 =	vld [tilespmem:s8+$0x90];
	v6 =	vperm.xlane v21, v4  }
0x283: {  	v32 =	vld [tilespmem:s8+$0xE0];
	v9 =	vperm.xlane v21, v1;
	v8 =	vperm.xlane v21, v2  }
0x284: {  	v11 =	vld [tilespmem:s8+$0xFFFFFFB0];
	v7 =	vperm.xlane v21, v3;
	v59 =	vpop (erf);
	v23 =	vmul.f32 v19, v6  }
0x285: {  	v13 =	vld [tilespmem:s8+$0xFFFFFFC0];
	v47 =	vperm.xlane v59, v1;
	v36 =	vperm.xlane v59, v2  }
0x286: {  	v10 =	vld [tilespmem:s8+$0xFFFFFF90];
	v35 =	vperm.xlane v59, v3;
	v33 =	vperm.xlane v59, v4;
	v26 =	vpop (erf)  }
0x287: {  	v12 =	vld [tilespmem:s8+$0xFFFFFFA0];
	v38 =	vperm.xlane v26, v1;
	v37 =	vperm.xlane v26, v2  }
0x288: {  	[tilespmem:s8+$0x110] =	vst v21;
	v21 =	vld [tilespmem:s8+$0xFFFFFFE0];
	v60 =	vpop (erf);
	v34 =	vperm.xlane v26, v3;
	v31 =	vperm.xlane v26, v4  }
0x289: {  	v19 =	vld [tilespmem:s8+$0x40];
	[tilespmem:s8+$0xFFFFFFF0] =	vst v59;
	v40 =	vmul.f32 v45, v47;
	v61 =	vperm.xlane v60, v1  }
0x28a: {  	[tilespmem:s8+$0x100] =	vst v23;
	v23 =	vld [tilespmem:s8+$0x70];
	v62 =	vperm.xlane v60, v2;
	v48 =	vperm.xlane v60, v3  }
0x28b: {  	[tilespmem:s8+$0x80] =	vst v26;
	v26 =	vld [tilespmem:s8+$0xA0];
	v49 =	vperm.xlane v60, v4;
	v25 =	vmul.f32 v25, v61  }
0x28c: {  	[tilespmem:s8+$0xFFFFFF60] =	vst v60;
	v50 =	vmul.f32 v27, v61;
	v27 =	vld [tilespmem:s8+$0xB0];
	v51 =	vmul.f32 v28, v62  }
0x28d: {  	v44 =	vmul.f32 v29, v62;
	v28 =	vld [tilespmem:s8+$0xC0];
	v43 =	vmul.f32 v30, v48;
	[tilespmem:s8+$0xFFFFFEE0] =	vst v25  }
0x28e: {  	v41 =	vmul.f32 v56, v48;
	v29 =	vld [tilespmem:s8+$0xD0];
	v42 =	vmul.f32 v57, v49;
	[tilespmem:s8+$0xFFFFFEF0] =	vst v50  }
0x28f: {  	s16 =	simm.s32 $0x0;
	s9 =	simm.s32 $0x5F40;
	v39 =	vmul.f32 v58, v49;
	v30 =	vld [tilespmem:s8+$0xF0];
	[tilespmem:s8+$0xFFFFFF00] =	vst v51;
	v25 =	vmul.f32 v46, v47  }
.LBB2_12:
0x290: {  	v45 =	vld [tilespmem:s9+$0x110];
	[tilespmem:s8+$0xFFFFFF10] =	vst v44;
	v10 =	vmul.f32 v10, v36;
	v12 =	vmul.f32 v12, v36;
	s26 =	sadd.s32 $0x40, s26  }
0x291: {  	s16 =	sadd.s32 $0x4, s16;
	v11 =	vmul.f32 v11, v35;
	v13 =	vmul.f32 v13, v35;
	v36 =	vld [tilespmem:s26+$0x10];
	[tilespmem:s8+$0xFFFFFF20] =	vst v43  }
0x292: {  	v15 =	vmul.f32 v15, v33;
	v21 =	vmul.f32 v21, v33;
	p0 =	slt.u32 s16, $0x4C;
	v35 =	vld [tilespmem:s26+$0xFFFFFFE0];
	[tilespmem:s8+$0xFFFFFF30] =	vst v41  }
0x293: {  	v14 =	vmul.f32 v14, v38;
	v16 =	vmul.f32 v16, v38;
	v33 =	vld [tilespmem:s9+$0xFFFFFFF0];
	[tilespmem:s8+$0xFFFFFF40] =	vst v42  }
0x294: {  	v17 =	vmul.f32 v17, v37;
	v18 =	vmul.f32 v18, v37;
	v38 =	vld [tilespmem:s26+$0xFFFFFFF0];
	[tilespmem:s8+$0xFFFFFF50] =	vst v39  }
0x295: {  	v19 =	vmul.f32 v19, v34;
	v20 =	vmul.f32 v20, v34;
	v37 =	vld [tilespmem:s9+$0x80];
	[tilespmem:s8+$0xFFFFFF70] =	vst v40  }
0x296: {  	v22 =	vmul.f32 v22, v31;
	v23 =	vmul.f32 v23, v31;
	v34 =	vld [tilespmem:s26+$0x0];
	v36 =	vadd.f32 v36, v45;
	[tilespmem:s8+$0xFFFFFF80] =	vst v25  }
0x297: {  	v24 =	vmul.f32 v24, v9;
	v9 =	vmul.f32 v26, v9;
	v31 =	vld [tilespmem:s9+$0xFFFFFF60];
	[tilespmem:s8+$0xFFFFFF90] =	vst v10  }
0x298: {  	v26 =	vmul.f32 v27, v8;
	v25 =	vld [tilespmem:s9+$0xFFFFFEE0];
	v10 =	vmul.f32 $2.000000030e-01, v36;
	[tilespmem:s8+$0xFFFFFFA0] =	vst v12  }
0x299: {  	v8 =	vmul.f32 v28, v8;
	vm0 =	vgt.f32 v36, $0.0e+00;
	v27 =	vld [tilespmem:s9+$0xFFFFFEF0];
	v12 =	vadd.f32 v38, v33;
	[tilespmem:s8+$0xFFFFFFB0] =	vst v11  }
0x29a: {  	v29 =	vmul.f32 v29, v7;
	v32 =	vmul.f32 v32, v7;
	v28 =	vld [tilespmem:s9+$0xFFFFFF00];
	v10 =	vsel vm0, v36, v10;
	[tilespmem:s8+$0xFFFFFFC0] =	vst v13  }
0x29b: {  	v39 =	vld [tilespmem:s9+$0xFFFFFF10];
	v7 =	vmul.f32 $2.000000030e-01, v12;
	v11 =	vadd.f32 v34, v37;
	v10 =	vsub.f32 v10, v5;
	[tilespmem:s8+$0xFFFFFFD0] =	vst v15  }
0x29c: {  	v30 =	vmul.f32 v30, v6;
	vm0 =	vgt.f32 v12, $0.0e+00;
	v13 =	vadd.f32 v35, v31;
	v40 =	vld [tilespmem:s9+$0xFFFFFF20];
	[tilespmem:s8+$0xFFFFFFE0] =	vst v21  }
0x29d: {  	v41 =	vld [tilespmem:s9+$0xFFFFFF30];
	vm1 =	vgt.f32 v11, $0.0e+00;
	v6 =	vmul.f32 $2.000000030e-01, v11;
	v10 =	vmul.f32 $1.442695020e+00, v10;
	[tilespmem:s8+$0x0] =	vst v14  }
0x29e: {  	v7 =	vsel vm0, v12, v7;
	vm2 =	vgt.f32 v13, $0.0e+00;
	v14 =	vmul.f32 $2.000000030e-01, v13;
	v42 =	vld [tilespmem:s9+$0xFFFFFF40];
	[tilespmem:s8+$0x10] =	vst v16  }
0x29f: {  	v7 =	vsub.f32 v7, v5;
	v45 =	vld [tilespmem:s9+$0xFFFFFF50];
	v6 =	vsel vm1, v11, v6;
	(erf) = vpow2.f32 v10;
	[tilespmem:s8+$0x20] =	vst v17  }
0x2a0: {  	v10 =	vsel vm2, v13, v14;
	v46 =	vld [tilespmem:s9+$0xFFFFFF70];
	v6 =	vsub.f32 v6, v5;
	[tilespmem:s8+$0x30] =	vst v18  }
0x2a1: {  	v7 =	vmul.f32 $1.442695020e+00, v7;
	v11 =	vsub.f32 v10, v5;
	v47 =	vld [tilespmem:s9+$0xFFFFFF80];
	[tilespmem:s8+$0x40] =	vst v19  }
0x2a2: {  	v10 =	vld [tilespmem:s9+$0xFFFFFF90];
	v6 =	vmul.f32 $1.442695020e+00, v6;
	[tilespmem:s8+$0x50] =	vst v20  }
0x2a3: {  	v14 =	vmul.f32 $1.442695020e+00, v11;
	v12 =	vld [tilespmem:s9+$0xFFFFFFA0];
	(erf) = vpow2.f32 v7;
	[tilespmem:s8+$0x60] =	vst v22  }
0x2a4: {  	v11 =	vld [tilespmem:s9+$0xFFFFFFB0];
	(erf) = vpow2.f32 v6;
	[tilespmem:s8+$0x70] =	vst v23  }
0x2a5: {  	v13 =	vld [tilespmem:s9+$0xFFFFFFC0];
	(erf) = vpow2.f32 v14;
	[tilespmem:s8+$0x90] =	vst v24  }
0x2a6: {  	v18 =	vld [tilespmem:s9+$0x100];
	[tilespmem:s8+$0xA0] =	vst v9  }
0x2a7: {  	v15 =	vld [tilespmem:s9+$0xFFFFFFD0];
	[tilespmem:s8+$0xB0] =	vst v26  }
0x2a8: {  	v21 =	vld [tilespmem:s9+$0xFFFFFFE0];
	v19 =	vpop (erf);
	[tilespmem:s8+$0xC0] =	vst v8  }
0x2a9: {  	v14 =	vld [tilespmem:s9+$0x0];
	v9 =	vperm.xlane v19, v1;
	v6 =	vperm.xlane v19, v4;
	[tilespmem:s8+$0xD0] =	vst v29  }
0x2aa: {  	v8 =	vperm.xlane v19, v2;
	v7 =	vperm.xlane v19, v3;
	v16 =	vld [tilespmem:s9+$0x10];
	[tilespmem:s8+$0xE0] =	vst v32  }
0x2ab: {  	v17 =	vld [tilespmem:s9+$0x20];
	v20 =	vmul.f32 v18, v6;
	[tilespmem:s8+$0xF0] =	vst v30;
	s8 =	smov.u32 s9  }
0x2ac: {  	v18 =	vld [tilespmem:s9+$0x30];
	[tilespmem:s9+$0x110] =	vst v19;
	v22 =	vpop (erf)  }
0x2ad: {  	v30 =	vperm.xlane v22, v1;
	v36 =	vperm.xlane v22, v2;
	v19 =	vld [tilespmem:s9+$0x40];
	[tilespmem:s9+$0x100] =	vst v20;
	v26 =	vpop (erf)  }
0x2ae: {  	v35 =	vperm.xlane v22, v3;
	v33 =	vperm.xlane v22, v4;
	[tilespmem:s9+$0xFFFFFFF0] =	vst v22;
	v20 =	vld [tilespmem:s9+$0x50];
	v23 =	vpop (erf)  }
0x2af: {  	[tilespmem:s9+$0xFFFFFF60] =	vst v23;
	v29 =	vperm.xlane v23, v1;
	v32 =	vperm.xlane v23, v2;
	v22 =	vld [tilespmem:s9+$0x60]  }
0x2b0: {  	v48 =	vperm.xlane v23, v3;
	v49 =	vperm.xlane v23, v4;
	[tilespmem:s9+$0x80] =	vst v26;
	v23 =	vld [tilespmem:s9+$0x70]  }
0x2b1: {  	v38 =	vperm.xlane v26, v1;
	v37 =	vperm.xlane v26, v2;
	v24 =	vld [tilespmem:s9+$0x90]  }
0x2b2: {  	v34 =	vperm.xlane v26, v3;
	v31 =	vperm.xlane v26, v4;
	v26 =	vld [tilespmem:s9+$0xA0]  }
.Ltmp7:
0x2b3: {  	v25 =	vmul.f32 v25, v29;
	v50 =	vmul.f32 v27, v29;
	v27 =	vld [tilespmem:s9+$0xB0];
	(pc) =	sbr.rel @p0 .LBB2_12-.Ltmp7, $4  }
0x2b4: {  	v51 =	vmul.f32 v28, v32;
	v44 =	vmul.f32 v39, v32;
	v28 =	vld [tilespmem:s9+$0xC0]  }
0x2b5: {  	v43 =	vmul.f32 v40, v48;
	v41 =	vmul.f32 v41, v48;
	[tilespmem:s9+$0xFFFFFEE0] =	vst v25;
	v29 =	vld [tilespmem:s9+$0xD0]  }
0x2b6: {  	v42 =	vmul.f32 v42, v49;
	v39 =	vmul.f32 v45, v49;
	[tilespmem:s9+$0xFFFFFEF0] =	vst v50;
	v32 =	vld [tilespmem:s9+$0xE0]  }
0x2b7: {  	v40 =	vmul.f32 v46, v30;
	v25 =	vmul.f32 v47, v30;
	s9 =	sadd.s32 $0x240, s9;
	[tilespmem:s8+$0xFFFFFF00] =	vst v51;
	v30 =	vld [tilespmem:s8+$0xF0]  }
0x2b8: {  	[tilespmem:s8+$0xFFFFFF10] =	vst v44  }
0x2b9: {  	[tilespmem:s8+$0xFFFFFF20] =	vst v43  }
0x2ba: {  	[tilespmem:s8+$0xFFFFFF30] =	vst v41  }
0x2bb: {  	[tilespmem:s8+$0xFFFFFF40] =	vst v42  }
0x2bc: {  	[tilespmem:s8+$0xFFFFFF50] =	vst v39  }
0x2bd: {  	v10 =	vmul.f32 v10, v36;
	[tilespmem:s8+$0xFFFFFF70] =	vst v40  }
0x2be: {  	v12 =	vmul.f32 v12, v36;
	[tilespmem:s8+$0xFFFFFF80] =	vst v25  }
0x2bf: {  	v11 =	vmul.f32 v11, v35;
	[tilespmem:s8+$0xFFFFFF90] =	vst v10  }
0x2c0: {  	v47 =	vmul.f32 v13, v35;
	[tilespmem:s8+$0xFFFFFFA0] =	vst v12  }
0x2c1: {  	v48 =	vmul.f32 v15, v33;
	[tilespmem:s8+$0xFFFFFFB0] =	vst v11  }
0x2c2: {  	v49 =	vmul.f32 v21, v33;
	[tilespmem:s8+$0xFFFFFFC0] =	vst v47  }
0x2c3: {  	v50 =	vmul.f32 v14, v38;
	[tilespmem:s8+$0xFFFFFFD0] =	vst v48  }
0x2c4: {  	v51 =	vmul.f32 v16, v38;
	[tilespmem:s8+$0xFFFFFFE0] =	vst v49  }
0x2c5: {  	v52 =	vmul.f32 v17, v37;
	[tilespmem:s8+$0x0] =	vst v50  }
0x2c6: {  	v53 =	vmul.f32 v18, v37;
	[tilespmem:s8+$0x10] =	vst v51  }
0x2c7: {  	v54 =	vmul.f32 v19, v34;
	[tilespmem:s8+$0x20] =	vst v52  }
0x2c8: {  	v55 =	vmul.f32 v20, v34;
	[tilespmem:s8+$0x30] =	vst v53  }
0x2c9: {  	v56 =	vmul.f32 v22, v31;
	[tilespmem:s8+$0x40] =	vst v54  }
0x2ca: {  	v57 =	vmul.f32 v23, v31;
	[tilespmem:s8+$0x50] =	vst v55  }
0x2cb: {  	v58 =	vmul.f32 v24, v9;
	[tilespmem:s8+$0x60] =	vst v56  }
0x2cc: {  	v59 =	vmul.f32 v26, v9;
	[tilespmem:s8+$0x70] =	vst v57  }
0x2cd: {  	v60 =	vmul.f32 v27, v8;
	[tilespmem:s8+$0x90] =	vst v58  }
0x2ce: {  	v61 =	vmul.f32 v28, v8;
	[tilespmem:s8+$0xA0] =	vst v59  }
0x2cf: {  	v62 =	vmul.f32 v29, v7;
	[tilespmem:s8+$0xB0] =	vst v60  }
0x2d0: {  	v7 =	vmul.f32 v32, v7;
	[tilespmem:s8+$0xC0] =	vst v61  }
0x2d1: {  	v6 =	vmul.f32 v30, v6;
	[tilespmem:s8+$0xD0] =	vst v62  }
0x2d2: {  	[tilespmem:s8+$0xE0] =	vst v7  }
0x2d3: {  	[tilespmem:s8+$0xF0] =	vst v6  }
0x2d4: {  	[spmem:s3] =	stream.indirect.scatter.add.f32 [tilespmem:s0], [sflag:$0x9], $0x90, s7, s31, $0xb8;
	v63 =	vld [tilespmem:$0x0]  }
0x2d5: {  	s28 =	simm.s32 $0x0;
	s8 =	rddreg [dreg:$0x12]  }
0x2d6: {  	[tilespmem:s28], [sflag:$0xA] =	stream.linear.gather [hbm4b:s8+s28], $0xA0, $0x38;
	v63 =	vld [tilespmem:$0x0]  }
0x2d7: {  	_ =	swait.ge [sflag:s30], $0xA0  }
0x2d8: {  	[sflag:s30] =	ssyncset.done $0x0  }
0x2d9: {  	s9 =	simm.s32 $0x1E0;
	[sflag:s30] =	ssyncadd.s32 $0xFFFFFF60  }
0x2da: {  	[tilespmem:s9], [sflag:$0x1] =	stream.indirect.gather [hbm4b:s5+s31], $0x90, s28, s31, $0xb8;
	v63 =	vld [tilespmem:$0x0]  }
0x2db: {  	s16 =	simm.s32 $0x88E0  }
0x2dc: {  	[tilespmem:s16], [sflag:$0x4] =	stream.indirect.gather [hbm4b:s6+s31], $0x10, s31, s31, $0xb8;
	v63 =	vld [tilespmem:$0x0]  }
0x2dd: {  	s26 =	rddreg [dreg:$0x13]  }
0x2de: {  	[tilespmem:s13], [sflag:$0xA] =	stream.linear.gather [hbm4b:s26+s28], $0xA0, $0x38;
	v63 =	vld [tilespmem:$0x0]  }
0x2df: {  	_ =	swait.ge [sflag:s30], $0xA0  }
0x2e0: {  	[sflag:s30] =	ssyncset.done $0x0  }
0x2e1: {  	[sflag:s30] =	ssyncadd.s32 $0xFFFFFF60  }
0x2e2: {  	[tilespmem:s14], [sflag:$0x2] =	stream.indirect.gather [hbm4b:s5+s31], $0x90, s13, s31, $0xb8;
	v63 =	vld [tilespmem:$0x0]  }
0x2e3: {  	s29 =	simm.s32 $0x8DE0  }
0x2e4: {  	[tilespmem:s29], [sflag:$0x5] =	stream.indirect.gather [hbm4b:s6+s31], $0x10, s15, s31, $0xb8;
	v63 =	vld [tilespmem:$0x0]  }
.LBB2_14:
0x2e5: {  	_ =	swait.ge [sflag:s17], $0x2D00  }
0x2e6: {  	[sflag:s17] =	ssyncset.done $0x0  }
0x2e7: {  	[sflag:s17] =	ssyncadd.s32 $0xFFFFD300  }
0x2e8: {  	_ =	swait.ge [sflag:s18], $0x500  }
0x2e9: {  	[sflag:s18] =	ssyncset.done $0x0  }
0x2ea: {  	s8 =	simm.s32 $0x300;
	[sflag:s18] =	ssyncadd.s32 $0xFFFFFB00  }
0x2eb: {  	s26 =	simm.s32 $0x8900;
	v6 =	vld [tilespmem:s8+$0x110]  }
0x2ec: {  	v7 =	vld [tilespmem:s26+$0x10]  }
0x2ed: {  	v8 =	vld [tilespmem:s26+$0xFFFFFFE0]  }
0x2ee: {  	v9 =	vld [tilespmem:s8+$0xFFFFFFF0]  }
0x2ef: {  	v10 =	vld [tilespmem:s26+$0xFFFFFFF0]  }
0x2f0: {  	v11 =	vld [tilespmem:s8+$0x80]  }
0x2f1: {  	v12 =	vld [tilespmem:s26+$0x0]  }
0x2f2: {  	v25 =	vld [tilespmem:s8+$0xFFFFFEE0];
	v6 =	vadd.f32 v7, v6  }
0x2f3: {  	v7 =	vld [tilespmem:s8+$0xFFFFFF60]  }
0x2f4: {  	v27 =	vld [tilespmem:s8+$0xFFFFFEF0];
	v13 =	vmul.f32 $2.000000030e-01, v6  }
0x2f5: {  	v28 =	vld [tilespmem:s8+$0xFFFFFF00];
	v9 =	vadd.f32 v10, v9;
	vm0 =	vgt.f32 v6, $0.0e+00  }
0x2f6: {  	v29 =	vld [tilespmem:s8+$0xFFFFFF10];
	v6 =	vsel vm0, v6, v13  }
0x2f7: {  	v30 =	vld [tilespmem:s8+$0xFFFFFF20];
	v10 =	vadd.f32 v12, v11;
	v11 =	vmul.f32 $2.000000030e-01, v9;
	v6 =	vsub.f32 v6, v5  }
0x2f8: {  	v32 =	vld [tilespmem:s8+$0xFFFFFF30];
	vm14 =	vgt.f32 v9, $0.0e+00;
	v7 =	vadd.f32 v8, v7  }
0x2f9: {  	v39 =	vld [tilespmem:s8+$0xFFFFFF40];
	v9 =	vsel vm14, v9, v11;
	v8 =	vmul.f32 $2.000000030e-01, v10;
	v6 =	vmul.f32 $1.442695020e+00, v6  }
0x2fa: {  	v40 =	vld [tilespmem:s8+$0xFFFFFF50];
	vm1 =	vgt.f32 v10, $0.0e+00;
	v9 =	vsub.f32 v9, v5;
	v12 =	vmul.f32 $2.000000030e-01, v7  }
0x2fb: {  	v45 =	vld [tilespmem:s8+$0xFFFFFF70];
	vm15 =	vgt.f32 v7, $0.0e+00;
	v8 =	vsel vm1, v10, v8;
	(erf) = vpow2.f32 v6  }
0x2fc: {  	v46 =	vld [tilespmem:s8+$0xFFFFFF80];
	v6 =	vsel vm15, v7, v12;
	v7 =	vsub.f32 v8, v5;
	v8 =	vmul.f32 $1.442695020e+00, v9  }
0x2fd: {  	v19 =	vld [tilespmem:s8+$0x100]  }
0x2fe: {  	v15 =	vld [tilespmem:s8+$0xFFFFFFD0];
	v6 =	vsub.f32 v6, v5;
	v7 =	vmul.f32 $1.442695020e+00, v7;
	(erf) = vpow2.f32 v8  }
0x2ff: {  	v14 =	vld [tilespmem:s8+$0x0]  }
0x300: {  	v16 =	vld [tilespmem:s8+$0x10];
	v6 =	vmul.f32 $1.442695020e+00, v6;
	(erf) = vpow2.f32 v7  }
0x301: {  	v17 =	vld [tilespmem:s8+$0x20]  }
0x302: {  	v18 =	vld [tilespmem:s8+$0x30];
	(erf) = vpow2.f32 v6  }
0x303: {  	v20 =	vld [tilespmem:s8+$0x50]  }
0x304: {  	v22 =	vld [tilespmem:s8+$0x60];
	v21 =	vpop (erf)  }
0x305: {  	v24 =	vld [tilespmem:s8+$0x90];
	v6 =	vperm.xlane v21, v4  }
0x306: {  	v11 =	vld [tilespmem:s8+$0xFFFFFFB0];
	v9 =	vperm.xlane v21, v1;
	v8 =	vperm.xlane v21, v2  }
0x307: {  	v13 =	vld [tilespmem:s8+$0xFFFFFFC0];
	v7 =	vperm.xlane v21, v3;
	v41 =	vpop (erf);
	v23 =	vmul.f32 v19, v6  }
0x308: {  	v10 =	vld [tilespmem:s8+$0xFFFFFF90];
	v47 =	vperm.xlane v41, v1;
	v36 =	vperm.xlane v41, v2  }
0x309: {  	v12 =	vld [tilespmem:s8+$0xFFFFFFA0];
	v35 =	vperm.xlane v41, v3;
	v33 =	vperm.xlane v41, v4;
	v26 =	vpop (erf)  }
0x30a: {  	[tilespmem:s8+$0x110] =	vst v21;
	v21 =	vld [tilespmem:s8+$0xFFFFFFE0];
	v38 =	vperm.xlane v26, v1;
	v37 =	vperm.xlane v26, v2  }
0x30b: {  	v19 =	vld [tilespmem:s8+$0x40];
	v42 =	vpop (erf);
	v34 =	vperm.xlane v26, v3;
	v31 =	vperm.xlane v26, v4  }
0x30c: {  	[tilespmem:s8+$0x100] =	vst v23;
	v23 =	vld [tilespmem:s8+$0x70];
	v43 =	vperm.xlane v42, v1;
	v44 =	vperm.xlane v42, v2  }
0x30d: {  	[tilespmem:s8+$0x80] =	vst v26;
	v26 =	vld [tilespmem:s8+$0xA0];
	v48 =	vperm.xlane v42, v3;
	v49 =	vperm.xlane v42, v4  }
0x30e: {  	[tilespmem:s8+$0xFFFFFFF0] =	vst v41;
	v25 =	vmul.f32 v25, v43;
	v50 =	vmul.f32 v27, v43;
	v27 =	vld [tilespmem:s8+$0xB0]  }
0x30f: {  	[tilespmem:s8+$0xFFFFFF60] =	vst v42;
	v51 =	vmul.f32 v28, v44;
	v44 =	vmul.f32 v29, v44;
	v28 =	vld [tilespmem:s8+$0xC0]  }
0x310: {  	v43 =	vmul.f32 v30, v48;
	v41 =	vmul.f32 v32, v48;
	v29 =	vld [tilespmem:s8+$0xD0];
	[tilespmem:s8+$0xFFFFFEE0] =	vst v25  }
0x311: {  	v42 =	vmul.f32 v39, v49;
	v39 =	vmul.f32 v40, v49;
	v32 =	vld [tilespmem:s8+$0xE0];
	[tilespmem:s8+$0xFFFFFEF0] =	vst v50  }
0x312: {  	s16 =	simm.s32 $0x0;
	s9 =	simm.s32 $0x540;
	v40 =	vmul.f32 v45, v47;
	v30 =	vld [tilespmem:s8+$0xF0];
	[tilespmem:s8+$0xFFFFFF00] =	vst v51;
	v25 =	vmul.f32 v46, v47  }
.LBB2_15:
0x313: {  	v45 =	vld [tilespmem:s9+$0x110];
	[tilespmem:s8+$0xFFFFFF10] =	vst v44;
	v10 =	vmul.f32 v10, v36;
	v12 =	vmul.f32 v12, v36;
	s26 =	sadd.s32 $0x40, s26  }
0x314: {  	s16 =	sadd.s32 $0x4, s16;
	v11 =	vmul.f32 v11, v35;
	v13 =	vmul.f32 v13, v35;
	v36 =	vld [tilespmem:s26+$0x10];
	[tilespmem:s8+$0xFFFFFF20] =	vst v43  }
0x315: {  	v15 =	vmul.f32 v15, v33;
	v21 =	vmul.f32 v21, v33;
	p0 =	slt.u32 s16, $0x4C;
	v35 =	vld [tilespmem:s26+$0xFFFFFFE0];
	[tilespmem:s8+$0xFFFFFF30] =	vst v41  }
0x316: {  	v14 =	vmul.f32 v14, v38;
	v16 =	vmul.f32 v16, v38;
	v33 =	vld [tilespmem:s9+$0xFFFFFFF0];
	[tilespmem:s8+$0xFFFFFF40] =	vst v42  }
0x317: {  	v17 =	vmul.f32 v17, v37;
	v18 =	vmul.f32 v18, v37;
	v38 =	vld [tilespmem:s26+$0xFFFFFFF0];
	[tilespmem:s8+$0xFFFFFF50] =	vst v39  }
0x318: {  	v19 =	vmul.f32 v19, v34;
	v20 =	vmul.f32 v20, v34;
	v37 =	vld [tilespmem:s9+$0x80];
	[tilespmem:s8+$0xFFFFFF70] =	vst v40  }
0x319: {  	v22 =	vmul.f32 v22, v31;
	v23 =	vmul.f32 v23, v31;
	v34 =	vld [tilespmem:s26+$0x0];
	v36 =	vadd.f32 v36, v45;
	[tilespmem:s8+$0xFFFFFF80] =	vst v25  }
0x31a: {  	v24 =	vmul.f32 v24, v9;
	v9 =	vmul.f32 v26, v9;
	v31 =	vld [tilespmem:s9+$0xFFFFFF60];
	[tilespmem:s8+$0xFFFFFF90] =	vst v10  }
0x31b: {  	v26 =	vmul.f32 v27, v8;
	v25 =	vld [tilespmem:s9+$0xFFFFFEE0];
	v10 =	vmul.f32 $2.000000030e-01, v36;
	[tilespmem:s8+$0xFFFFFFA0] =	vst v12  }
0x31c: {  	v8 =	vmul.f32 v28, v8;
	vm0 =	vgt.f32 v36, $0.0e+00;
	v27 =	vld [tilespmem:s9+$0xFFFFFEF0];
	v12 =	vadd.f32 v38, v33;
	[tilespmem:s8+$0xFFFFFFB0] =	vst v11  }
0x31d: {  	v29 =	vmul.f32 v29, v7;
	v32 =	vmul.f32 v32, v7;
	v28 =	vld [tilespmem:s9+$0xFFFFFF00];
	v10 =	vsel vm0, v36, v10;
	[tilespmem:s8+$0xFFFFFFC0] =	vst v13  }
0x31e: {  	v39 =	vld [tilespmem:s9+$0xFFFFFF10];
	v7 =	vmul.f32 $2.000000030e-01, v12;
	v11 =	vadd.f32 v34, v37;
	v10 =	vsub.f32 v10, v5;
	[tilespmem:s8+$0xFFFFFFD0] =	vst v15  }
0x31f: {  	v30 =	vmul.f32 v30, v6;
	vm0 =	vgt.f32 v12, $0.0e+00;
	v13 =	vadd.f32 v35, v31;
	v40 =	vld [tilespmem:s9+$0xFFFFFF20];
	[tilespmem:s8+$0xFFFFFFE0] =	vst v21  }
0x320: {  	v41 =	vld [tilespmem:s9+$0xFFFFFF30];
	vm1 =	vgt.f32 v11, $0.0e+00;
	v6 =	vmul.f32 $2.000000030e-01, v11;
	v10 =	vmul.f32 $1.442695020e+00, v10;
	[tilespmem:s8+$0x0] =	vst v14  }
0x321: {  	v7 =	vsel vm0, v12, v7;
	vm2 =	vgt.f32 v13, $0.0e+00;
	v14 =	vmul.f32 $2.000000030e-01, v13;
	v42 =	vld [tilespmem:s9+$0xFFFFFF40];
	[tilespmem:s8+$0x10] =	vst v16  }
0x322: {  	v7 =	vsub.f32 v7, v5;
	v45 =	vld [tilespmem:s9+$0xFFFFFF50];
	v6 =	vsel vm1, v11, v6;
	(erf) = vpow2.f32 v10;
	[tilespmem:s8+$0x20] =	vst v17  }
0x323: {  	v10 =	vsel vm2, v13, v14;
	v46 =	vld [tilespmem:s9+$0xFFFFFF70];
	v6 =	vsub.f32 v6, v5;
	[tilespmem:s8+$0x30] =	vst v18  }
0x324: {  	v7 =	vmul.f32 $1.442695020e+00, v7;
	v11 =	vsub.f32 v10, v5;
	v47 =	vld [tilespmem:s9+$0xFFFFFF80];
	[tilespmem:s8+$0x40] =	vst v19  }
0x325: {  	v10 =	vld [tilespmem:s9+$0xFFFFFF90];
	v6 =	vmul.f32 $1.442695020e+00, v6;
	[tilespmem:s8+$0x50] =	vst v20  }
0x326: {  	v14 =	vmul.f32 $1.442695020e+00, v11;
	v12 =	vld [tilespmem:s9+$0xFFFFFFA0];
	(erf) = vpow2.f32 v7;
	[tilespmem:s8+$0x60] =	vst v22  }
0x327: {  	v11 =	vld [tilespmem:s9+$0xFFFFFFB0];
	(erf) = vpow2.f32 v6;
	[tilespmem:s8+$0x70] =	vst v23  }
0x328: {  	v13 =	vld [tilespmem:s9+$0xFFFFFFC0];
	(erf) = vpow2.f32 v14;
	[tilespmem:s8+$0x90] =	vst v24  }
0x329: {  	v18 =	vld [tilespmem:s9+$0x100];
	[tilespmem:s8+$0xA0] =	vst v9  }
0x32a: {  	v15 =	vld [tilespmem:s9+$0xFFFFFFD0];
	[tilespmem:s8+$0xB0] =	vst v26  }
0x32b: {  	v21 =	vld [tilespmem:s9+$0xFFFFFFE0];
	v19 =	vpop (erf);
	[tilespmem:s8+$0xC0] =	vst v8  }
0x32c: {  	v14 =	vld [tilespmem:s9+$0x0];
	v9 =	vperm.xlane v19, v1;
	v6 =	vperm.xlane v19, v4;
	[tilespmem:s8+$0xD0] =	vst v29  }
0x32d: {  	v8 =	vperm.xlane v19, v2;
	v7 =	vperm.xlane v19, v3;
	v16 =	vld [tilespmem:s9+$0x10];
	[tilespmem:s8+$0xE0] =	vst v32  }
0x32e: {  	v17 =	vld [tilespmem:s9+$0x20];
	v20 =	vmul.f32 v18, v6;
	[tilespmem:s8+$0xF0] =	vst v30;
	s8 =	smov.u32 s9  }
0x32f: {  	v18 =	vld [tilespmem:s9+$0x30];
	[tilespmem:s9+$0x110] =	vst v19;
	v22 =	vpop (erf)  }
0x330: {  	v30 =	vperm.xlane v22, v1;
	v36 =	vperm.xlane v22, v2;
	v19 =	vld [tilespmem:s9+$0x40];
	[tilespmem:s9+$0x100] =	vst v20;
	v26 =	vpop (erf)  }
0x331: {  	v35 =	vperm.xlane v22, v3;
	v33 =	vperm.xlane v22, v4;
	[tilespmem:s9+$0xFFFFFFF0] =	vst v22;
	v20 =	vld [tilespmem:s9+$0x50];
	v23 =	vpop (erf)  }
0x332: {  	[tilespmem:s9+$0xFFFFFF60] =	vst v23;
	v29 =	vperm.xlane v23, v1;
	v32 =	vperm.xlane v23, v2;
	v22 =	vld [tilespmem:s9+$0x60]  }
0x333: {  	v48 =	vperm.xlane v23, v3;
	v49 =	vperm.xlane v23, v4;
	[tilespmem:s9+$0x80] =	vst v26;
	v23 =	vld [tilespmem:s9+$0x70]  }
0x334: {  	v38 =	vperm.xlane v26, v1;
	v37 =	vperm.xlane v26, v2;
	v24 =	vld [tilespmem:s9+$0x90]  }
0x335: {  	v34 =	vperm.xlane v26, v3;
	v31 =	vperm.xlane v26, v4;
	v26 =	vld [tilespmem:s9+$0xA0]  }
.Ltmp8:
0x336: {  	v25 =	vmul.f32 v25, v29;
	v50 =	vmul.f32 v27, v29;
	v27 =	vld [tilespmem:s9+$0xB0];
	(pc) =	sbr.rel @p0 .LBB2_15-.Ltmp8, $4  }
0x337: {  	v51 =	vmul.f32 v28, v32;
	v44 =	vmul.f32 v39, v32;
	v28 =	vld [tilespmem:s9+$0xC0]  }
0x338: {  	v43 =	vmul.f32 v40, v48;
	v41 =	vmul.f32 v41, v48;
	[tilespmem:s9+$0xFFFFFEE0] =	vst v25;
	v29 =	vld [tilespmem:s9+$0xD0]  }
0x339: {  	v42 =	vmul.f32 v42, v49;
	v39 =	vmul.f32 v45, v49;
	[tilespmem:s9+$0xFFFFFEF0] =	vst v50;
	v32 =	vld [tilespmem:s9+$0xE0]  }
0x33a: {  	v40 =	vmul.f32 v46, v30;
	v25 =	vmul.f32 v47, v30;
	s9 =	sadd.s32 $0x240, s9;
	[tilespmem:s8+$0xFFFFFF00] =	vst v51;
	v30 =	vld [tilespmem:s8+$0xF0]  }
0x33b: {  	[tilespmem:s8+$0xFFFFFF10] =	vst v44  }
0x33c: {  	[tilespmem:s8+$0xFFFFFF20] =	vst v43  }
0x33d: {  	[tilespmem:s8+$0xFFFFFF30] =	vst v41  }
0x33e: {  	[tilespmem:s8+$0xFFFFFF40] =	vst v42  }
0x33f: {  	[tilespmem:s8+$0xFFFFFF50] =	vst v39  }
0x340: {  	v10 =	vmul.f32 v10, v36;
	[tilespmem:s8+$0xFFFFFF70] =	vst v40  }
0x341: {  	v12 =	vmul.f32 v12, v36;
	[tilespmem:s8+$0xFFFFFF80] =	vst v25  }
0x342: {  	v11 =	vmul.f32 v11, v35;
	[tilespmem:s8+$0xFFFFFF90] =	vst v10  }
0x343: {  	v10 =	vmul.f32 v13, v35;
	[tilespmem:s8+$0xFFFFFFA0] =	vst v12  }
0x344: {  	v12 =	vmul.f32 v15, v33;
	[tilespmem:s8+$0xFFFFFFB0] =	vst v11  }
0x345: {  	v11 =	vmul.f32 v21, v33;
	[tilespmem:s8+$0xFFFFFFC0] =	vst v10  }
0x346: {  	v10 =	vmul.f32 v14, v38;
	[tilespmem:s8+$0xFFFFFFD0] =	vst v12  }
0x347: {  	v12 =	vmul.f32 v16, v38;
	[tilespmem:s8+$0xFFFFFFE0] =	vst v11  }
0x348: {  	v11 =	vmul.f32 v17, v37;
	[tilespmem:s8+$0x0] =	vst v10  }
0x349: {  	v6 =	vmul.f32 v30, v6;
	[tilespmem:s8+$0x10] =	vst v12  }
0x34a: {  	v10 =	vmul.f32 v18, v37;
	[tilespmem:s8+$0x20] =	vst v11  }
0x34b: {  	v12 =	vmul.f32 v19, v34;
	[tilespmem:s8+$0xF0] =	vst v6  }
0x34c: {  	v11 =	vmul.f32 v20, v34;
	[tilespmem:s8+$0x30] =	vst v10  }
0x34d: {  	v10 =	vmul.f32 v22, v31;
	[tilespmem:s8+$0x40] =	vst v12  }
0x34e: {  	v12 =	vmul.f32 v23, v31;
	[tilespmem:s8+$0x50] =	vst v11  }
0x34f: {  	v11 =	vmul.f32 v24, v9;
	[tilespmem:s8+$0x60] =	vst v10  }
0x350: {  	v9 =	vmul.f32 v26, v9;
	[tilespmem:s8+$0x70] =	vst v12  }
0x351: {  	v10 =	vmul.f32 v27, v8;
	[tilespmem:s8+$0x90] =	vst v11  }
0x352: {  	v8 =	vmul.f32 v28, v8;
	[tilespmem:s8+$0xA0] =	vst v9  }
0x353: {  	v9 =	vmul.f32 v29, v7;
	[tilespmem:s8+$0xB0] =	vst v10  }
0x354: {  	v7 =	vmul.f32 v32, v7;
	[tilespmem:s8+$0xC0] =	vst v8  }
0x355: {  	[tilespmem:s8+$0xD0] =	vst v9  }
0x356: {  	s9 =	simm.s32 $0x1E0;
	[tilespmem:s8+$0xE0] =	vst v7;
	s8 =	smul.u32 $0x3, s28  }
0x357: {  	[spmem:s3] =	stream.indirect.scatter.add.f32 [tilespmem:s9], [sflag:$0x7], $0x90, s31, s31, $0xb8;
	v63 =	vld [tilespmem:$0x0]  }
0x358: {  	s16 =	sadd.s32 s8, s23  }
0x359: {  	_ =	swait.ge [sflag:s12], $0x2D00;
	s9 =	smul.u32 $0x14, s16  }
0x35a: {  	[sflag:s12] =	ssyncset.done $0x0  }
0x35b: {  	[sflag:s12] =	ssyncadd.s32 $0xFFFFD300;
	s9 =	sadd.s32 s2, s9  }
0x35c: {  	[tilespmem:s1], [sflag:$0xA] =	stream.linear.gather [hbm4b:s9+s4], $0xA0, $0x38;
	v63 =	vld [tilespmem:$0x0]  }
0x35d: {  	_ =	swait.ge [sflag:s30], $0xA0  }
0x35e: {  	[sflag:s30] =	ssyncset.done $0x0  }
0x35f: {  	[sflag:s30] =	ssyncadd.s32 $0xFFFFFF60  }
0x360: {  	[tilespmem:s0], [sflag:$0x3] =	stream.indirect.gather [hbm4b:s5+s31], $0x90, s1, s31, $0xb8;
	v63 =	vld [tilespmem:$0x0]  }
0x361: {  	s26 =	simm.s32 $0x92E0  }
0x362: {  	[tilespmem:s26], [sflag:$0x6] =	stream.indirect.gather [hbm4b:s6+s31], $0x10, s7, s31, $0xb8;
	v63 =	vld [tilespmem:$0x0]  }
0x363: {  	_ =	swait.ge [sflag:s19], $0x2D00  }
0x364: {  	[sflag:s19] =	ssyncset.done $0x0  }
0x365: {  	[sflag:s19] =	ssyncadd.s32 $0xFFFFD300  }
0x366: {  	_ =	swait.ge [sflag:s20], $0x500  }
0x367: {  	[sflag:s20] =	ssyncset.done $0x0  }
0x368: {  	s26 =	simm.s32 $0x3000;
	[sflag:s20] =	ssyncadd.s32 $0xFFFFFB00  }
0x369: {  	s16 =	simm.s32 $0x8E00;
	v6 =	vld [tilespmem:s26+$0x110]  }
0x36a: {  	v7 =	vld [tilespmem:s16+$0x10]  }
0x36b: {  	v8 =	vld [tilespmem:s16+$0xFFFFFFE0]  }
0x36c: {  	v9 =	vld [tilespmem:s26+$0xFFFFFFF0]  }
0x36d: {  	v10 =	vld [tilespmem:s16+$0xFFFFFFF0]  }
0x36e: {  	v11 =	vld [tilespmem:s26+$0x80]  }
0x36f: {  	v12 =	vld [tilespmem:s16+$0x0]  }
0x370: {  	v25 =	vld [tilespmem:s26+$0xFFFFFEE0];
	v6 =	vadd.f32 v7, v6  }
0x371: {  	v7 =	vld [tilespmem:s26+$0xFFFFFF60]  }
0x372: {  	v27 =	vld [tilespmem:s26+$0xFFFFFEF0];
	v13 =	vmul.f32 $2.000000030e-01, v6  }
0x373: {  	v28 =	vld [tilespmem:s26+$0xFFFFFF00];
	v9 =	vadd.f32 v10, v9;
	vm0 =	vgt.f32 v6, $0.0e+00  }
0x374: {  	v29 =	vld [tilespmem:s26+$0xFFFFFF10];
	v6 =	vsel vm0, v6, v13  }
0x375: {  	v30 =	vld [tilespmem:s26+$0xFFFFFF20];
	v10 =	vadd.f32 v12, v11;
	v11 =	vmul.f32 $2.000000030e-01, v9;
	v6 =	vsub.f32 v6, v5  }
0x376: {  	v56 =	vld [tilespmem:s26+$0xFFFFFF30];
	vm14 =	vgt.f32 v9, $0.0e+00;
	v7 =	vadd.f32 v8, v7  }
0x377: {  	v57 =	vld [tilespmem:s26+$0xFFFFFF40];
	v9 =	vsel vm14, v9, v11;
	v8 =	vmul.f32 $2.000000030e-01, v10;
	v6 =	vmul.f32 $1.442695020e+00, v6  }
0x378: {  	v58 =	vld [tilespmem:s26+$0xFFFFFF50];
	vm1 =	vgt.f32 v10, $0.0e+00;
	v9 =	vsub.f32 v9, v5;
	v12 =	vmul.f32 $2.000000030e-01, v7  }
0x379: {  	v45 =	vld [tilespmem:s26+$0xFFFFFF70];
	vm15 =	vgt.f32 v7, $0.0e+00;
	v8 =	vsel vm1, v10, v8;
	(erf) = vpow2.f32 v6  }
0x37a: {  	v46 =	vld [tilespmem:s26+$0xFFFFFF80];
	v6 =	vsel vm15, v7, v12;
	v7 =	vsub.f32 v8, v5;
	v8 =	vmul.f32 $1.442695020e+00, v9  }
0x37b: {  	v19 =	vld [tilespmem:s26+$0x100]  }
0x37c: {  	v15 =	vld [tilespmem:s26+$0xFFFFFFD0];
	v6 =	vsub.f32 v6, v5;
	v7 =	vmul.f32 $1.442695020e+00, v7;
	(erf) = vpow2.f32 v8  }
0x37d: {  	v14 =	vld [tilespmem:s26+$0x0]  }
0x37e: {  	v16 =	vld [tilespmem:s26+$0x10];
	v6 =	vmul.f32 $1.442695020e+00, v6;
	(erf) = vpow2.f32 v7  }
0x37f: {  	v17 =	vld [tilespmem:s26+$0x20]  }
0x380: {  	v18 =	vld [tilespmem:s26+$0x30];
	(erf) = vpow2.f32 v6  }
0x381: {  	v20 =	vld [tilespmem:s26+$0x50]  }
0x382: {  	v22 =	vld [tilespmem:s26+$0x60];
	v21 =	vpop (erf)  }
0x383: {  	v24 =	vld [tilespmem:s26+$0x90];
	v6 =	vperm.xlane v21, v4  }
0x384: {  	v32 =	vld [tilespmem:s26+$0xE0];
	v9 =	vperm.xlane v21, v1;
	v8 =	vperm.xlane v21, v2  }
0x385: {  	v11 =	vld [tilespmem:s26+$0xFFFFFFB0];
	v7 =	vperm.xlane v21, v3;
	v59 =	vpop (erf);
	v23 =	vmul.f32 v19, v6  }
0x386: {  	v13 =	vld [tilespmem:s26+$0xFFFFFFC0];
	v47 =	vperm.xlane v59, v1;
	v36 =	vperm.xlane v59, v2  }
0x387: {  	v10 =	vld [tilespmem:s26+$0xFFFFFF90];
	v35 =	vperm.xlane v59, v3;
	v33 =	vperm.xlane v59, v4;
	v26 =	vpop (erf)  }
0x388: {  	v12 =	vld [tilespmem:s26+$0xFFFFFFA0];
	v38 =	vperm.xlane v26, v1;
	v37 =	vperm.xlane v26, v2  }
0x389: {  	[tilespmem:s26+$0x110] =	vst v21;
	v21 =	vld [tilespmem:s26+$0xFFFFFFE0];
	v60 =	vpop (erf);
	v34 =	vperm.xlane v26, v3;
	v31 =	vperm.xlane v26, v4  }
0x38a: {  	v19 =	vld [tilespmem:s26+$0x40];
	[tilespmem:s26+$0xFFFFFFF0] =	vst v59;
	v40 =	vmul.f32 v45, v47;
	v61 =	vperm.xlane v60, v1  }
0x38b: {  	[tilespmem:s26+$0x100] =	vst v23;
	v23 =	vld [tilespmem:s26+$0x70];
	v62 =	vperm.xlane v60, v2;
	v48 =	vperm.xlane v60, v3  }
0x38c: {  	[tilespmem:s26+$0x80] =	vst v26;
	v26 =	vld [tilespmem:s26+$0xA0];
	v49 =	vperm.xlane v60, v4;
	v25 =	vmul.f32 v25, v61  }
0x38d: {  	[tilespmem:s26+$0xFFFFFF60] =	vst v60;
	v50 =	vmul.f32 v27, v61;
	v27 =	vld [tilespmem:s26+$0xB0];
	v51 =	vmul.f32 v28, v62  }
0x38e: {  	v44 =	vmul.f32 v29, v62;
	v28 =	vld [tilespmem:s26+$0xC0];
	v43 =	vmul.f32 v30, v48;
	[tilespmem:s26+$0xFFFFFEE0] =	vst v25  }
0x38f: {  	v41 =	vmul.f32 v56, v48;
	v29 =	vld [tilespmem:s26+$0xD0];
	v42 =	vmul.f32 v57, v49;
	[tilespmem:s26+$0xFFFFFEF0] =	vst v50  }
0x390: {  	s29 =	simm.s32 $0x3240;
	s9 =	simm.s32 $0x0;
	v39 =	vmul.f32 v58, v49;
	v30 =	vld [tilespmem:s26+$0xF0];
	[tilespmem:s26+$0xFFFFFF00] =	vst v51;
	v25 =	vmul.f32 v46, v47  }
.LBB2_17:
0x391: {  	v45 =	vld [tilespmem:s29+$0x110];
	[tilespmem:s26+$0xFFFFFF10] =	vst v44;
	v10 =	vmul.f32 v10, v36;
	v12 =	vmul.f32 v12, v36;
	s16 =	sadd.s32 $0x40, s16  }
0x392: {  	s9 =	sadd.s32 $0x4, s9;
	v11 =	vmul.f32 v11, v35;
	v13 =	vmul.f32 v13, v35;
	v36 =	vld [tilespmem:s16+$0x10];
	[tilespmem:s26+$0xFFFFFF20] =	vst v43  }
0x393: {  	v15 =	vmul.f32 v15, v33;
	v21 =	vmul.f32 v21, v33;
	p0 =	slt.u32 s9, $0x4C;
	v35 =	vld [tilespmem:s16+$0xFFFFFFE0];
	[tilespmem:s26+$0xFFFFFF30] =	vst v41  }
0x394: {  	v14 =	vmul.f32 v14, v38;
	v16 =	vmul.f32 v16, v38;
	v33 =	vld [tilespmem:s29+$0xFFFFFFF0];
	[tilespmem:s26+$0xFFFFFF40] =	vst v42  }
0x395: {  	v17 =	vmul.f32 v17, v37;
	v18 =	vmul.f32 v18, v37;
	v38 =	vld [tilespmem:s16+$0xFFFFFFF0];
	[tilespmem:s26+$0xFFFFFF50] =	vst v39  }
0x396: {  	v19 =	vmul.f32 v19, v34;
	v20 =	vmul.f32 v20, v34;
	v37 =	vld [tilespmem:s29+$0x80];
	[tilespmem:s26+$0xFFFFFF70] =	vst v40  }
0x397: {  	v22 =	vmul.f32 v22, v31;
	v23 =	vmul.f32 v23, v31;
	v34 =	vld [tilespmem:s16+$0x0];
	v36 =	vadd.f32 v36, v45;
	[tilespmem:s26+$0xFFFFFF80] =	vst v25  }
0x398: {  	v24 =	vmul.f32 v24, v9;
	v9 =	vmul.f32 v26, v9;
	v31 =	vld [tilespmem:s29+$0xFFFFFF60];
	[tilespmem:s26+$0xFFFFFF90] =	vst v10  }
0x399: {  	v26 =	vmul.f32 v27, v8;
	v25 =	vld [tilespmem:s29+$0xFFFFFEE0];
	v10 =	vmul.f32 $2.000000030e-01, v36;
	[tilespmem:s26+$0xFFFFFFA0] =	vst v12  }
0x39a: {  	v8 =	vmul.f32 v28, v8;
	vm0 =	vgt.f32 v36, $0.0e+00;
	v27 =	vld [tilespmem:s29+$0xFFFFFEF0];
	v12 =	vadd.f32 v38, v33;
	[tilespmem:s26+$0xFFFFFFB0] =	vst v11  }
0x39b: {  	v29 =	vmul.f32 v29, v7;
	v32 =	vmul.f32 v32, v7;
	v28 =	vld [tilespmem:s29+$0xFFFFFF00];
	v10 =	vsel vm0, v36, v10;
	[tilespmem:s26+$0xFFFFFFC0] =	vst v13  }
0x39c: {  	v39 =	vld [tilespmem:s29+$0xFFFFFF10];
	v7 =	vmul.f32 $2.000000030e-01, v12;
	v11 =	vadd.f32 v34, v37;
	v10 =	vsub.f32 v10, v5;
	[tilespmem:s26+$0xFFFFFFD0] =	vst v15  }
0x39d: {  	v30 =	vmul.f32 v30, v6;
	vm0 =	vgt.f32 v12, $0.0e+00;
	v13 =	vadd.f32 v35, v31;
	v40 =	vld [tilespmem:s29+$0xFFFFFF20];
	[tilespmem:s26+$0xFFFFFFE0] =	vst v21  }
0x39e: {  	v41 =	vld [tilespmem:s29+$0xFFFFFF30];
	vm1 =	vgt.f32 v11, $0.0e+00;
	v6 =	vmul.f32 $2.000000030e-01, v11;
	v10 =	vmul.f32 $1.442695020e+00, v10;
	[tilespmem:s26+$0x0] =	vst v14  }
0x39f: {  	v7 =	vsel vm0, v12, v7;
	vm2 =	vgt.f32 v13, $0.0e+00;
	v14 =	vmul.f32 $2.000000030e-01, v13;
	v42 =	vld [tilespmem:s29+$0xFFFFFF40];
	[tilespmem:s26+$0x10] =	vst v16  }
0x3a0: {  	v7 =	vsub.f32 v7, v5;
	v45 =	vld [tilespmem:s29+$0xFFFFFF50];
	v6 =	vsel vm1, v11, v6;
	(erf) = vpow2.f32 v10;
	[tilespmem:s26+$0x20] =	vst v17  }
0x3a1: {  	v10 =	vsel vm2, v13, v14;
	v46 =	vld [tilespmem:s29+$0xFFFFFF70];
	v6 =	vsub.f32 v6, v5;
	[tilespmem:s26+$0x30] =	vst v18  }
0x3a2: {  	v7 =	vmul.f32 $1.442695020e+00, v7;
	v11 =	vsub.f32 v10, v5;
	v47 =	vld [tilespmem:s29+$0xFFFFFF80];
	[tilespmem:s26+$0x40] =	vst v19  }
0x3a3: {  	v10 =	vld [tilespmem:s29+$0xFFFFFF90];
	v6 =	vmul.f32 $1.442695020e+00, v6;
	[tilespmem:s26+$0x50] =	vst v20  }
0x3a4: {  	v14 =	vmul.f32 $1.442695020e+00, v11;
	v12 =	vld [tilespmem:s29+$0xFFFFFFA0];
	(erf) = vpow2.f32 v7;
	[tilespmem:s26+$0x60] =	vst v22  }
0x3a5: {  	v11 =	vld [tilespmem:s29+$0xFFFFFFB0];
	(erf) = vpow2.f32 v6;
	[tilespmem:s26+$0x70] =	vst v23  }
0x3a6: {  	v13 =	vld [tilespmem:s29+$0xFFFFFFC0];
	(erf) = vpow2.f32 v14;
	[tilespmem:s26+$0x90] =	vst v24  }
0x3a7: {  	v18 =	vld [tilespmem:s29+$0x100];
	[tilespmem:s26+$0xA0] =	vst v9  }
0x3a8: {  	v15 =	vld [tilespmem:s29+$0xFFFFFFD0];
	[tilespmem:s26+$0xB0] =	vst v26  }
0x3a9: {  	v21 =	vld [tilespmem:s29+$0xFFFFFFE0];
	v19 =	vpop (erf);
	[tilespmem:s26+$0xC0] =	vst v8  }
0x3aa: {  	v14 =	vld [tilespmem:s29+$0x0];
	v9 =	vperm.xlane v19, v1;
	v6 =	vperm.xlane v19, v4;
	[tilespmem:s26+$0xD0] =	vst v29  }
0x3ab: {  	v8 =	vperm.xlane v19, v2;
	v7 =	vperm.xlane v19, v3;
	v16 =	vld [tilespmem:s29+$0x10];
	[tilespmem:s26+$0xE0] =	vst v32  }
0x3ac: {  	v17 =	vld [tilespmem:s29+$0x20];
	v20 =	vmul.f32 v18, v6;
	[tilespmem:s26+$0xF0] =	vst v30;
	s26 =	smov.u32 s29  }
0x3ad: {  	v18 =	vld [tilespmem:s29+$0x30];
	[tilespmem:s29+$0x110] =	vst v19;
	v22 =	vpop (erf)  }
0x3ae: {  	v30 =	vperm.xlane v22, v1;
	v36 =	vperm.xlane v22, v2;
	v19 =	vld [tilespmem:s29+$0x40];
	[tilespmem:s29+$0x100] =	vst v20;
	v26 =	vpop (erf)  }
0x3af: {  	v35 =	vperm.xlane v22, v3;
	v33 =	vperm.xlane v22, v4;
	[tilespmem:s29+$0xFFFFFFF0] =	vst v22;
	v20 =	vld [tilespmem:s29+$0x50];
	v23 =	vpop (erf)  }
0x3b0: {  	[tilespmem:s29+$0xFFFFFF60] =	vst v23;
	v29 =	vperm.xlane v23, v1;
	v32 =	vperm.xlane v23, v2;
	v22 =	vld [tilespmem:s29+$0x60]  }
0x3b1: {  	v48 =	vperm.xlane v23, v3;
	v49 =	vperm.xlane v23, v4;
	[tilespmem:s29+$0x80] =	vst v26;
	v23 =	vld [tilespmem:s29+$0x70]  }
0x3b2: {  	v38 =	vperm.xlane v26, v1;
	v37 =	vperm.xlane v26, v2;
	v24 =	vld [tilespmem:s29+$0x90]  }
0x3b3: {  	v34 =	vperm.xlane v26, v3;
	v31 =	vperm.xlane v26, v4;
	v26 =	vld [tilespmem:s29+$0xA0]  }
.Ltmp9:
0x3b4: {  	v25 =	vmul.f32 v25, v29;
	v50 =	vmul.f32 v27, v29;
	v27 =	vld [tilespmem:s29+$0xB0];
	(pc) =	sbr.rel @p0 .LBB2_17-.Ltmp9, $4  }
0x3b5: {  	v51 =	vmul.f32 v28, v32;
	v44 =	vmul.f32 v39, v32;
	v28 =	vld [tilespmem:s29+$0xC0]  }
0x3b6: {  	v43 =	vmul.f32 v40, v48;
	v41 =	vmul.f32 v41, v48;
	[tilespmem:s29+$0xFFFFFEE0] =	vst v25;
	v29 =	vld [tilespmem:s29+$0xD0]  }
0x3b7: {  	v42 =	vmul.f32 v42, v49;
	v39 =	vmul.f32 v45, v49;
	[tilespmem:s29+$0xFFFFFEF0] =	vst v50;
	v32 =	vld [tilespmem:s29+$0xE0]  }
0x3b8: {  	v40 =	vmul.f32 v46, v30;
	v25 =	vmul.f32 v47, v30;
	s29 =	sadd.s32 $0x240, s29;
	[tilespmem:s26+$0xFFFFFF00] =	vst v51;
	v30 =	vld [tilespmem:s26+$0xF0]  }
0x3b9: {  	[tilespmem:s26+$0xFFFFFF10] =	vst v44  }
0x3ba: {  	[tilespmem:s26+$0xFFFFFF20] =	vst v43  }
0x3bb: {  	[tilespmem:s26+$0xFFFFFF30] =	vst v41  }
0x3bc: {  	[tilespmem:s26+$0xFFFFFF40] =	vst v42  }
0x3bd: {  	[tilespmem:s26+$0xFFFFFF50] =	vst v39  }
0x3be: {  	v10 =	vmul.f32 v10, v36;
	[tilespmem:s26+$0xFFFFFF70] =	vst v40  }
0x3bf: {  	v12 =	vmul.f32 v12, v36;
	[tilespmem:s26+$0xFFFFFF80] =	vst v25  }
0x3c0: {  	v11 =	vmul.f32 v11, v35;
	[tilespmem:s26+$0xFFFFFF90] =	vst v10  }
0x3c1: {  	v10 =	vmul.f32 v13, v35;
	[tilespmem:s26+$0xFFFFFFA0] =	vst v12  }
0x3c2: {  	v12 =	vmul.f32 v15, v33;
	[tilespmem:s26+$0xFFFFFFB0] =	vst v11  }
0x3c3: {  	v11 =	vmul.f32 v21, v33;
	[tilespmem:s26+$0xFFFFFFC0] =	vst v10  }
0x3c4: {  	v10 =	vmul.f32 v14, v38;
	[tilespmem:s26+$0xFFFFFFD0] =	vst v12  }
0x3c5: {  	v12 =	vmul.f32 v16, v38;
	[tilespmem:s26+$0xFFFFFFE0] =	vst v11  }
0x3c6: {  	v11 =	vmul.f32 v17, v37;
	[tilespmem:s26+$0x0] =	vst v10  }
0x3c7: {  	v6 =	vmul.f32 v30, v6;
	[tilespmem:s26+$0x10] =	vst v12  }
0x3c8: {  	v10 =	vmul.f32 v18, v37;
	[tilespmem:s26+$0x20] =	vst v11  }
0x3c9: {  	v12 =	vmul.f32 v19, v34;
	[tilespmem:s26+$0xF0] =	vst v6  }
0x3ca: {  	v11 =	vmul.f32 v20, v34;
	[tilespmem:s26+$0x30] =	vst v10  }
0x3cb: {  	v10 =	vmul.f32 v22, v31;
	[tilespmem:s26+$0x40] =	vst v12  }
0x3cc: {  	v12 =	vmul.f32 v23, v31;
	[tilespmem:s26+$0x50] =	vst v11  }
0x3cd: {  	v11 =	vmul.f32 v24, v9;
	[tilespmem:s26+$0x60] =	vst v10  }
0x3ce: {  	v9 =	vmul.f32 v26, v9;
	[tilespmem:s26+$0x70] =	vst v12  }
0x3cf: {  	v10 =	vmul.f32 v27, v8;
	[tilespmem:s26+$0x90] =	vst v11  }
0x3d0: {  	v8 =	vmul.f32 v28, v8;
	[tilespmem:s26+$0xA0] =	vst v9  }
0x3d1: {  	v9 =	vmul.f32 v29, v7;
	[tilespmem:s26+$0xB0] =	vst v10  }
0x3d2: {  	v7 =	vmul.f32 v32, v7;
	[tilespmem:s26+$0xC0] =	vst v8  }
0x3d3: {  	p0 =	seq.s32 s28, $0x27;
	[tilespmem:s26+$0xD0] =	vst v9  }
0x3d4: {  	s9 =	sadd.s32 @!p0 s8, s24;
	[tilespmem:s26+$0xE0] =	vst v7  }
0x3d5: {  	[spmem:s3] =	stream.indirect.scatter.add.f32 [tilespmem:s14], [sflag:$0x8], $0x90, s15, s31, $0xb8;
	v63 =	vld [tilespmem:$0x0]  }
0x3d6: {  	s9 =	smul.u32 @!p0 $0x14, s9;
	_ =	swait.ge [sflag:s21], $0x2D00  }
0x3d7: {  	[sflag:s21] =	ssyncset.done $0x0  }
0x3d8: {  	s16 =	simm.s32 @!p0 $0x0;
	s9 =	sadd.s32 @!p0 s2, s9;
	[sflag:s21] =	ssyncadd.s32 $0xFFFFD300  }
0x3d9: {  	[tilespmem:s16], [sflag:$0xA] =	stream.linear.gather @!p0 [hbm4b:s9+s16], $0xA0, $0x38;
	v63 =	vld [tilespmem:$0x0]  }
0x3da: {  	s9 =	simm.s32 @!p0 $0xA  }
0x3db: {  	_ =	swait.ge @!p0 [sflag:s9], $0xA0  }
0x3dc: {  	[sflag:s9] =	ssyncset.done @!p0 $0x0  }
0x3dd: {  	s26 =	simm.s32 @!p0 $0x1E0;
	[sflag:s9] =	ssyncadd.s32 @!p0 $0xFFFFFF60;
	s9 =	simm.s32 @!p0 $0x50  }
0x3de: {  	[tilespmem:s26], [sflag:$0x1] =	stream.indirect.gather @!p0 [hbm4b:s5+s9], $0x90, s16, s9, $0xb8;
	v63 =	vld [tilespmem:$0x0]  }
0x3df: {  	s16 =	simm.s32 @!p0 $0x88E0  }
0x3e0: {  	[tilespmem:s16], [sflag:$0x4] =	stream.indirect.gather @!p0 [hbm4b:s6+s9], $0x10, s9, s9, $0xb8;
	v63 =	vld [tilespmem:$0x0]  }
0x3e1: {  	_ =	swait.ge [sflag:s10], $0x2D00  }
0x3e2: {  	[sflag:s10] =	ssyncset.done $0x0  }
0x3e3: {  	[sflag:s10] =	ssyncadd.s32 $0xFFFFD300  }
0x3e4: {  	_ =	swait.ge [sflag:s11], $0x500  }
0x3e5: {  	[sflag:s11] =	ssyncset.done $0x0  }
0x3e6: {  	s26 =	simm.s32 $0x5D00;
	[sflag:s11] =	ssyncadd.s32 $0xFFFFFB00  }
0x3e7: {  	s16 =	simm.s32 $0x9300;
	v6 =	vld [tilespmem:s26+$0x110]  }
0x3e8: {  	v7 =	vld [tilespmem:s16+$0x10]  }
0x3e9: {  	v8 =	vld [tilespmem:s16+$0xFFFFFFE0]  }
0x3ea: {  	v9 =	vld [tilespmem:s26+$0xFFFFFFF0]  }
0x3eb: {  	v10 =	vld [tilespmem:s16+$0xFFFFFFF0]  }
0x3ec: {  	v11 =	vld [tilespmem:s26+$0x80]  }
0x3ed: {  	v12 =	vld [tilespmem:s16+$0x0]  }
0x3ee: {  	v25 =	vld [tilespmem:s26+$0xFFFFFEE0];
	v6 =	vadd.f32 v7, v6  }
0x3ef: {  	v7 =	vld [tilespmem:s26+$0xFFFFFF60]  }
0x3f0: {  	v27 =	vld [tilespmem:s26+$0xFFFFFEF0];
	v13 =	vmul.f32 $2.000000030e-01, v6  }
0x3f1: {  	v28 =	vld [tilespmem:s26+$0xFFFFFF00];
	v9 =	vadd.f32 v10, v9;
	vm0 =	vgt.f32 v6, $0.0e+00  }
0x3f2: {  	v29 =	vld [tilespmem:s26+$0xFFFFFF10];
	v6 =	vsel vm0, v6, v13  }
0x3f3: {  	v30 =	vld [tilespmem:s26+$0xFFFFFF20];
	v10 =	vadd.f32 v12, v11;
	v11 =	vmul.f32 $2.000000030e-01, v9;
	v6 =	vsub.f32 v6, v5  }
0x3f4: {  	v56 =	vld [tilespmem:s26+$0xFFFFFF30];
	vm14 =	vgt.f32 v9, $0.0e+00;
	v7 =	vadd.f32 v8, v7  }
0x3f5: {  	v57 =	vld [tilespmem:s26+$0xFFFFFF40];
	v9 =	vsel vm14, v9, v11;
	v8 =	vmul.f32 $2.000000030e-01, v10;
	v6 =	vmul.f32 $1.442695020e+00, v6  }
0x3f6: {  	v58 =	vld [tilespmem:s26+$0xFFFFFF50];
	vm1 =	vgt.f32 v10, $0.0e+00;
	v9 =	vsub.f32 v9, v5;
	v12 =	vmul.f32 $2.000000030e-01, v7  }
0x3f7: {  	v45 =	vld [tilespmem:s26+$0xFFFFFF70];
	vm15 =	vgt.f32 v7, $0.0e+00;
	v8 =	vsel vm1, v10, v8;
	(erf) = vpow2.f32 v6  }
0x3f8: {  	v46 =	vld [tilespmem:s26+$0xFFFFFF80];
	v6 =	vsel vm15, v7, v12;
	v7 =	vsub.f32 v8, v5;
	v8 =	vmul.f32 $1.442695020e+00, v9  }
0x3f9: {  	v19 =	vld [tilespmem:s26+$0x100]  }
0x3fa: {  	v15 =	vld [tilespmem:s26+$0xFFFFFFD0];
	v6 =	vsub.f32 v6, v5;
	v7 =	vmul.f32 $1.442695020e+00, v7;
	(erf) = vpow2.f32 v8  }
0x3fb: {  	v14 =	vld [tilespmem:s26+$0x0]  }
0x3fc: {  	v16 =	vld [tilespmem:s26+$0x10];
	v6 =	vmul.f32 $1.442695020e+00, v6;
	(erf) = vpow2.f32 v7  }
0x3fd: {  	v17 =	vld [tilespmem:s26+$0x20]  }
0x3fe: {  	v18 =	vld [tilespmem:s26+$0x30];
	(erf) = vpow2.f32 v6  }
0x3ff: {  	v20 =	vld [tilespmem:s26+$0x50]  }
0x400: {  	v22 =	vld [tilespmem:s26+$0x60];
	v21 =	vpop (erf)  }
0x401: {  	v24 =	vld [tilespmem:s26+$0x90];
	v6 =	vperm.xlane v21, v4  }
0x402: {  	v32 =	vld [tilespmem:s26+$0xE0];
	v9 =	vperm.xlane v21, v1;
	v8 =	vperm.xlane v21, v2  }
0x403: {  	v11 =	vld [tilespmem:s26+$0xFFFFFFB0];
	v7 =	vperm.xlane v21, v3;
	v59 =	vpop (erf);
	v23 =	vmul.f32 v19, v6  }
0x404: {  	v13 =	vld [tilespmem:s26+$0xFFFFFFC0];
	v47 =	vperm.xlane v59, v1;
	v36 =	vperm.xlane v59, v2  }
0x405: {  	v10 =	vld [tilespmem:s26+$0xFFFFFF90];
	v35 =	vperm.xlane v59, v3;
	v33 =	vperm.xlane v59, v4;
	v26 =	vpop (erf)  }
0x406: {  	v12 =	vld [tilespmem:s26+$0xFFFFFFA0];
	v38 =	vperm.xlane v26, v1;
	v37 =	vperm.xlane v26, v2  }
0x407: {  	[tilespmem:s26+$0x110] =	vst v21;
	v21 =	vld [tilespmem:s26+$0xFFFFFFE0];
	v60 =	vpop (erf);
	v34 =	vperm.xlane v26, v3;
	v31 =	vperm.xlane v26, v4  }
0x408: {  	v19 =	vld [tilespmem:s26+$0x40];
	[tilespmem:s26+$0xFFFFFFF0] =	vst v59;
	v40 =	vmul.f32 v45, v47;
	v61 =	vperm.xlane v60, v1  }
0x409: {  	[tilespmem:s26+$0x100] =	vst v23;
	v23 =	vld [tilespmem:s26+$0x70];
	v62 =	vperm.xlane v60, v2;
	v48 =	vperm.xlane v60, v3  }
0x40a: {  	[tilespmem:s26+$0x80] =	vst v26;
	v26 =	vld [tilespmem:s26+$0xA0];
	v49 =	vperm.xlane v60, v4;
	v25 =	vmul.f32 v25, v61  }
0x40b: {  	[tilespmem:s26+$0xFFFFFF60] =	vst v60;
	v50 =	vmul.f32 v27, v61;
	v27 =	vld [tilespmem:s26+$0xB0];
	v51 =	vmul.f32 v28, v62  }
0x40c: {  	v44 =	vmul.f32 v29, v62;
	v28 =	vld [tilespmem:s26+$0xC0];
	v43 =	vmul.f32 v30, v48;
	[tilespmem:s26+$0xFFFFFEE0] =	vst v25  }
0x40d: {  	v41 =	vmul.f32 v56, v48;
	v29 =	vld [tilespmem:s26+$0xD0];
	v42 =	vmul.f32 v57, v49;
	[tilespmem:s26+$0xFFFFFEF0] =	vst v50  }
0x40e: {  	s29 =	simm.s32 $0x5F40;
	s9 =	simm.s32 $0x0;
	v39 =	vmul.f32 v58, v49;
	v30 =	vld [tilespmem:s26+$0xF0];
	[tilespmem:s26+$0xFFFFFF00] =	vst v51;
	v25 =	vmul.f32 v46, v47  }
.LBB2_19:
0x40f: {  	v45 =	vld [tilespmem:s29+$0x110];
	[tilespmem:s26+$0xFFFFFF10] =	vst v44;
	v10 =	vmul.f32 v10, v36;
	v12 =	vmul.f32 v12, v36;
	s16 =	sadd.s32 $0x40, s16  }
0x410: {  	s9 =	sadd.s32 $0x4, s9;
	v11 =	vmul.f32 v11, v35;
	v13 =	vmul.f32 v13, v35;
	v36 =	vld [tilespmem:s16+$0x10];
	[tilespmem:s26+$0xFFFFFF20] =	vst v43  }
0x411: {  	v15 =	vmul.f32 v15, v33;
	v21 =	vmul.f32 v21, v33;
	p1 =	slt.u32 s9, $0x4C;
	v35 =	vld [tilespmem:s16+$0xFFFFFFE0];
	[tilespmem:s26+$0xFFFFFF30] =	vst v41  }
0x412: {  	v14 =	vmul.f32 v14, v38;
	v16 =	vmul.f32 v16, v38;
	v33 =	vld [tilespmem:s29+$0xFFFFFFF0];
	[tilespmem:s26+$0xFFFFFF40] =	vst v42  }
0x413: {  	v17 =	vmul.f32 v17, v37;
	v18 =	vmul.f32 v18, v37;
	v38 =	vld [tilespmem:s16+$0xFFFFFFF0];
	[tilespmem:s26+$0xFFFFFF50] =	vst v39  }
0x414: {  	v19 =	vmul.f32 v19, v34;
	v20 =	vmul.f32 v20, v34;
	v37 =	vld [tilespmem:s29+$0x80];
	[tilespmem:s26+$0xFFFFFF70] =	vst v40  }
0x415: {  	v22 =	vmul.f32 v22, v31;
	v23 =	vmul.f32 v23, v31;
	v34 =	vld [tilespmem:s16+$0x0];
	v36 =	vadd.f32 v36, v45;
	[tilespmem:s26+$0xFFFFFF80] =	vst v25  }
0x416: {  	v24 =	vmul.f32 v24, v9;
	v9 =	vmul.f32 v26, v9;
	v31 =	vld [tilespmem:s29+$0xFFFFFF60];
	[tilespmem:s26+$0xFFFFFF90] =	vst v10  }
0x417: {  	v26 =	vmul.f32 v27, v8;
	v25 =	vld [tilespmem:s29+$0xFFFFFEE0];
	v10 =	vmul.f32 $2.000000030e-01, v36;
	[tilespmem:s26+$0xFFFFFFA0] =	vst v12  }
0x418: {  	v8 =	vmul.f32 v28, v8;
	vm0 =	vgt.f32 v36, $0.0e+00;
	v27 =	vld [tilespmem:s29+$0xFFFFFEF0];
	v12 =	vadd.f32 v38, v33;
	[tilespmem:s26+$0xFFFFFFB0] =	vst v11  }
0x419: {  	v29 =	vmul.f32 v29, v7;
	v32 =	vmul.f32 v32, v7;
	v28 =	vld [tilespmem:s29+$0xFFFFFF00];
	v10 =	vsel vm0, v36, v10;
	[tilespmem:s26+$0xFFFFFFC0] =	vst v13  }
0x41a: {  	v39 =	vld [tilespmem:s29+$0xFFFFFF10];
	v7 =	vmul.f32 $2.000000030e-01, v12;
	v11 =	vadd.f32 v34, v37;
	v10 =	vsub.f32 v10, v5;
	[tilespmem:s26+$0xFFFFFFD0] =	vst v15  }
0x41b: {  	v30 =	vmul.f32 v30, v6;
	vm0 =	vgt.f32 v12, $0.0e+00;
	v13 =	vadd.f32 v35, v31;
	v40 =	vld [tilespmem:s29+$0xFFFFFF20];
	[tilespmem:s26+$0xFFFFFFE0] =	vst v21  }
0x41c: {  	v41 =	vld [tilespmem:s29+$0xFFFFFF30];
	vm1 =	vgt.f32 v11, $0.0e+00;
	v6 =	vmul.f32 $2.000000030e-01, v11;
	v10 =	vmul.f32 $1.442695020e+00, v10;
	[tilespmem:s26+$0x0] =	vst v14  }
0x41d: {  	v7 =	vsel vm0, v12, v7;
	vm2 =	vgt.f32 v13, $0.0e+00;
	v14 =	vmul.f32 $2.000000030e-01, v13;
	v42 =	vld [tilespmem:s29+$0xFFFFFF40];
	[tilespmem:s26+$0x10] =	vst v16  }
0x41e: {  	v7 =	vsub.f32 v7, v5;
	v45 =	vld [tilespmem:s29+$0xFFFFFF50];
	v6 =	vsel vm1, v11, v6;
	(erf) = vpow2.f32 v10;
	[tilespmem:s26+$0x20] =	vst v17  }
0x41f: {  	v10 =	vsel vm2, v13, v14;
	v46 =	vld [tilespmem:s29+$0xFFFFFF70];
	v6 =	vsub.f32 v6, v5;
	[tilespmem:s26+$0x30] =	vst v18  }
0x420: {  	v7 =	vmul.f32 $1.442695020e+00, v7;
	v11 =	vsub.f32 v10, v5;
	v47 =	vld [tilespmem:s29+$0xFFFFFF80];
	[tilespmem:s26+$0x40] =	vst v19  }
0x421: {  	v10 =	vld [tilespmem:s29+$0xFFFFFF90];
	v6 =	vmul.f32 $1.442695020e+00, v6;
	[tilespmem:s26+$0x50] =	vst v20  }
0x422: {  	v14 =	vmul.f32 $1.442695020e+00, v11;
	v12 =	vld [tilespmem:s29+$0xFFFFFFA0];
	(erf) = vpow2.f32 v7;
	[tilespmem:s26+$0x60] =	vst v22  }
0x423: {  	v11 =	vld [tilespmem:s29+$0xFFFFFFB0];
	(erf) = vpow2.f32 v6;
	[tilespmem:s26+$0x70] =	vst v23  }
0x424: {  	v13 =	vld [tilespmem:s29+$0xFFFFFFC0];
	(erf) = vpow2.f32 v14;
	[tilespmem:s26+$0x90] =	vst v24  }
0x425: {  	v18 =	vld [tilespmem:s29+$0x100];
	[tilespmem:s26+$0xA0] =	vst v9  }
0x426: {  	v15 =	vld [tilespmem:s29+$0xFFFFFFD0];
	[tilespmem:s26+$0xB0] =	vst v26  }
0x427: {  	v21 =	vld [tilespmem:s29+$0xFFFFFFE0];
	v19 =	vpop (erf);
	[tilespmem:s26+$0xC0] =	vst v8  }
0x428: {  	v14 =	vld [tilespmem:s29+$0x0];
	v9 =	vperm.xlane v19, v1;
	v6 =	vperm.xlane v19, v4;
	[tilespmem:s26+$0xD0] =	vst v29  }
0x429: {  	v8 =	vperm.xlane v19, v2;
	v7 =	vperm.xlane v19, v3;
	v16 =	vld [tilespmem:s29+$0x10];
	[tilespmem:s26+$0xE0] =	vst v32  }
0x42a: {  	v17 =	vld [tilespmem:s29+$0x20];
	v20 =	vmul.f32 v18, v6;
	[tilespmem:s26+$0xF0] =	vst v30;
	s26 =	smov.u32 s29  }
0x42b: {  	v18 =	vld [tilespmem:s29+$0x30];
	[tilespmem:s29+$0x110] =	vst v19;
	v22 =	vpop (erf)  }
0x42c: {  	v30 =	vperm.xlane v22, v1;
	v36 =	vperm.xlane v22, v2;
	v19 =	vld [tilespmem:s29+$0x40];
	[tilespmem:s29+$0x100] =	vst v20;
	v26 =	vpop (erf)  }
0x42d: {  	v35 =	vperm.xlane v22, v3;
	v33 =	vperm.xlane v22, v4;
	[tilespmem:s29+$0xFFFFFFF0] =	vst v22;
	v20 =	vld [tilespmem:s29+$0x50];
	v23 =	vpop (erf)  }
0x42e: {  	[tilespmem:s29+$0xFFFFFF60] =	vst v23;
	v29 =	vperm.xlane v23, v1;
	v32 =	vperm.xlane v23, v2;
	v22 =	vld [tilespmem:s29+$0x60]  }
0x42f: {  	v48 =	vperm.xlane v23, v3;
	v49 =	vperm.xlane v23, v4;
	[tilespmem:s29+$0x80] =	vst v26;
	v23 =	vld [tilespmem:s29+$0x70]  }
0x430: {  	v38 =	vperm.xlane v26, v1;
	v37 =	vperm.xlane v26, v2;
	v24 =	vld [tilespmem:s29+$0x90]  }
0x431: {  	v34 =	vperm.xlane v26, v3;
	v31 =	vperm.xlane v26, v4;
	v26 =	vld [tilespmem:s29+$0xA0]  }
.Ltmp10:
0x432: {  	v25 =	vmul.f32 v25, v29;
	v50 =	vmul.f32 v27, v29;
	v27 =	vld [tilespmem:s29+$0xB0];
	(pc) =	sbr.rel @p1 .LBB2_19-.Ltmp10, $4  }
0x433: {  	v51 =	vmul.f32 v28, v32;
	v44 =	vmul.f32 v39, v32;
	v28 =	vld [tilespmem:s29+$0xC0]  }
0x434: {  	v43 =	vmul.f32 v40, v48;
	v41 =	vmul.f32 v41, v48;
	[tilespmem:s29+$0xFFFFFEE0] =	vst v25;
	v29 =	vld [tilespmem:s29+$0xD0]  }
0x435: {  	v42 =	vmul.f32 v42, v49;
	v39 =	vmul.f32 v45, v49;
	[tilespmem:s29+$0xFFFFFEF0] =	vst v50;
	v32 =	vld [tilespmem:s29+$0xE0]  }
0x436: {  	v40 =	vmul.f32 v46, v30;
	v25 =	vmul.f32 v47, v30;
	s29 =	sadd.s32 $0x240, s29;
	[tilespmem:s26+$0xFFFFFF00] =	vst v51;
	v30 =	vld [tilespmem:s26+$0xF0]  }
0x437: {  	[tilespmem:s26+$0xFFFFFF10] =	vst v44  }
0x438: {  	[tilespmem:s26+$0xFFFFFF20] =	vst v43  }
0x439: {  	[tilespmem:s26+$0xFFFFFF30] =	vst v41  }
0x43a: {  	[tilespmem:s26+$0xFFFFFF40] =	vst v42  }
0x43b: {  	[tilespmem:s26+$0xFFFFFF50] =	vst v39  }
0x43c: {  	v10 =	vmul.f32 v10, v36;
	[tilespmem:s26+$0xFFFFFF70] =	vst v40  }
0x43d: {  	v12 =	vmul.f32 v12, v36;
	[tilespmem:s26+$0xFFFFFF80] =	vst v25  }
0x43e: {  	v11 =	vmul.f32 v11, v35;
	[tilespmem:s26+$0xFFFFFF90] =	vst v10  }
0x43f: {  	v47 =	vmul.f32 v13, v35;
	[tilespmem:s26+$0xFFFFFFA0] =	vst v12  }
0x440: {  	v48 =	vmul.f32 v15, v33;
	[tilespmem:s26+$0xFFFFFFB0] =	vst v11  }
0x441: {  	v49 =	vmul.f32 v21, v33;
	[tilespmem:s26+$0xFFFFFFC0] =	vst v47  }
0x442: {  	v50 =	vmul.f32 v14, v38;
	[tilespmem:s26+$0xFFFFFFD0] =	vst v48  }
0x443: {  	v51 =	vmul.f32 v16, v38;
	[tilespmem:s26+$0xFFFFFFE0] =	vst v49  }
0x444: {  	v52 =	vmul.f32 v17, v37;
	[tilespmem:s26+$0x0] =	vst v50  }
0x445: {  	v53 =	vmul.f32 v18, v37;
	[tilespmem:s26+$0x10] =	vst v51  }
0x446: {  	v54 =	vmul.f32 v19, v34;
	[tilespmem:s26+$0x20] =	vst v52  }
0x447: {  	v55 =	vmul.f32 v20, v34;
	[tilespmem:s26+$0x30] =	vst v53  }
0x448: {  	v56 =	vmul.f32 v22, v31;
	[tilespmem:s26+$0x40] =	vst v54  }
0x449: {  	v57 =	vmul.f32 v23, v31;
	[tilespmem:s26+$0x50] =	vst v55  }
0x44a: {  	v58 =	vmul.f32 v24, v9;
	[tilespmem:s26+$0x60] =	vst v56  }
0x44b: {  	v59 =	vmul.f32 v26, v9;
	[tilespmem:s26+$0x70] =	vst v57  }
0x44c: {  	v60 =	vmul.f32 v27, v8;
	[tilespmem:s26+$0x90] =	vst v58  }
0x44d: {  	v61 =	vmul.f32 v28, v8;
	[tilespmem:s26+$0xA0] =	vst v59  }
0x44e: {  	v62 =	vmul.f32 v29, v7;
	[tilespmem:s26+$0xB0] =	vst v60  }
0x44f: {  	v7 =	vmul.f32 v32, v7;
	[tilespmem:s26+$0xC0] =	vst v61  }
0x450: {  	v6 =	vmul.f32 v30, v6;
	[tilespmem:s26+$0xD0] =	vst v62  }
0x451: {  	[tilespmem:s26+$0xE0] =	vst v7  }
.Ltmp11:
0x452: {  	[tilespmem:s26+$0xF0] =	vst v6;
	(pc) =	sbr.rel @p0 .LBB2_22-.Ltmp11, $4  }
0x453: {  	[spmem:s3] =	stream.indirect.scatter.add.f32 [tilespmem:s0], [sflag:$0x9], $0x90, s7, s31, $0xb8;
	v63 =	vld [tilespmem:$0x0]  }
0x454: {  	_ =	swait.ge [sflag:s22], $0x2D00  }
0x455: {  	[sflag:s22] =	ssyncset.done $0x0  }
0x456: {  	[sflag:s22] =	ssyncadd.s32 $0xFFFFD300  }
0x457: {  	s8 =	sadd.s32 s8, s25  }
0x458: {  	s8 =	smul.u32 $0x14, s8;
	_ =	sdelay $0x1  }
0x459: {  	s8 =	sadd.s32 s2, s8  }
0x45a: {  	[tilespmem:s13], [sflag:$0xA] =	stream.linear.gather [hbm4b:s8+s4], $0xA0, $0x38;
	v63 =	vld [tilespmem:$0x0]  }
0x45b: {  	_ =	swait.ge [sflag:s30], $0xA0  }
.Ltmp12:
0x45c: {  	[sflag:s30] =	ssyncset.done $0x0;
	(pc) =	sbr.rel .LBB2_14-.Ltmp12, $4  }
0x45d: {  	[sflag:s30] =	ssyncadd.s32 $0xFFFFFF60  }
0x45e: {  	[tilespmem:s14], [sflag:$0x2] =	stream.indirect.gather [hbm4b:s5+s31], $0x90, s13, s31, $0xb8;
	v63 =	vld [tilespmem:$0x0]  }
0x45f: {  	s29 =	simm.s32 $0x8DE0;
	s28 =	sadd.s32 $0x1, s28  }
0x460: {  	[tilespmem:s29], [sflag:$0x5] =	stream.indirect.gather [hbm4b:s6+s31], $0x10, s15, s31, $0xb8;
	v63 =	vld [tilespmem:$0x0]  }
.LBB2_23:
0x461: {  	_ =	sfence.sel $0x180000  }
0x462: {  	[bflag:$0x0] =	sbarrier.arrive $0xFFFF  }
0x463: {  	_ =	strace $0x90000047  }
0x464: {  	s0 =	stileid.u32;
	[bflag:$0x2] =	sbarrier.arrive $0xFFFF  }
0x465: {  	p0 =	sne.s32 s0, $0x0;
	s0 =	rddreg [dreg:$0x3]  }
0x466: {  	s0 =	sadd.s32 @!p0 $0x100000, s0  }
0x467: {  	[sflag:s0] =	ssyncadd.tile.s32 @!p0 $0x1;
	_ =	shalt  }
.Lfunc_end2:
_tile_overlayer_lowered:
.L_overlay_start_2:
0x468: {  	(tag) =	ssettag $0x2  }
0x469: {  	s0 =	rddreg [dreg:$0x0];
	s2 =	stileid.u32  }
0x46a: {  	s1 =	rddreg [dreg:$0x1];
	p0 =	sne.s32 s2, $0x0  }
0x46b: {  	s3 =	rddreg [dreg:$0x2];
	[bflag:$0x3] =	sbarrier.arrive $0xFFFF;
	s2 =	simm.s32 @!p0 $0x1C0A  }
0x46c: {  	[timem:s3], [sflag:s2] =	dma.local @!p0 [hbm:s0], s1  }
0x46d: {  	s0 =	simm.s32 @!p0 $0xA  }
0x46e: {  	_ =	swait.ge @!p0 [sflag:s0], s1  }
0x46f: {  	s1 =	ssub.s32 @!p0 $0x0, s1;
	[sflag:s0] =	ssyncset.done @!p0 $0x0  }
0x470: {  	[sflag:s0] =	ssyncadd.s32 @!p0 s1  }
0x471: {  	[bflag:$0x3] =	sbarrier.arrive $0xFFFF  }
0x472: {  	_ =	shalt  }

</sc_bundles>
